<compile_context>
chip_gen: v7x
topology: tpu7x:2x2x1
jax: 0.10.2.dev20260603
libtpu: 0.0.44.dev20260713+nightly
codegen_flags: <defaults>
</compile_context>

<pallas_src>
import dataclasses

import jax
import jax.numpy as jnp
from jax import lax
from jax.experimental import pallas as pl
from jax.experimental.pallas import tpu as pltpu
from jax.experimental.pallas import tpu_sc as plsc

B = 16384
F = 16
NC = 2
NS = 16
NW = NC * NS
BPW = B // NW
GROUPS = BPW // F
NU = 1000000
NM0 = 1000
NM1 = 100000
W = 128


def _fm_body(user, item, mt, ue, ie, ae, be, lu, li, la0, lb1, out,
             uiv, iiv, aiv, biv, ubv, ibv, bbv, urm, irm, brm,
             uwin, iwin, bwin, luw, liw, lbw,
             m0v, lm0v, ov, sem):
    cid = lax.axis_index("c")
    sid = lax.axis_index("s")
    wid = sid * NC + cid
    base = pl.multiple_of(wid * BPW, BPW)

    idx_copies = [
        pltpu.async_copy(user.at[pl.ds(base, BPW)], uiv, sem),
        pltpu.async_copy(item.at[pl.ds(base, BPW)], iiv, sem),
        pltpu.async_copy(mt.at[0, pl.ds(base, BPW)], aiv, sem),
        pltpu.async_copy(mt.at[1, pl.ds(base, BPW)], biv, sem),
        pltpu.async_copy(ae, m0v, sem),
        pltpu.async_copy(la0, lm0v, sem),
    ]
    for c in idx_copies[:4]:
        c.wait()

    @pl.loop(0, BPW, step=F)
    def _(k):
        sl = pl.ds(k, F)
        ubv[sl] = uiv[sl] & -W
        ibv[sl] = iiv[sl] & -W
        bbv[sl] = biv[sl] & -W
        urm[sl] = uiv[sl] & (W - 1)
        irm[sl] = iiv[sl] & (W - 1)
        brm[sl] = biv[sl] & (W - 1)

    for c in idx_copies[4:]:
        c.wait()

    lane = lax.broadcasted_iota(jnp.int32, (F,), 0)

    @pl.loop(0, GROUPS)
    def _(g):
        row0 = g * F
        ubs = ubv[pl.ds(row0, F)]
        ibs = ibv[pl.ds(row0, F)]
        bbs = bbv[pl.ds(row0, F)]
        def _fire(r0):
            chunk = []
            for r in range(r0, r0 + 4):
                ub = pl.multiple_of(ubs[r], W)
                ib = pl.multiple_of(ibs[r], W)
                bb = pl.multiple_of(bbs[r], W)
                chunk.append(pltpu.async_copy(ue.at[:, pl.ds(ub, W)], uwin.at[r], sem))
                chunk.append(pltpu.async_copy(ie.at[:, pl.ds(ib, W)], iwin.at[r], sem))
                chunk.append(pltpu.async_copy(be.at[:, pl.ds(bb, W)], bwin.at[r], sem))
                chunk.append(pltpu.async_copy(lu.at[pl.ds(ub, W)], luw.at[r], sem))
                chunk.append(pltpu.async_copy(li.at[pl.ds(ib, W)], liw.at[r], sem))
                chunk.append(pltpu.async_copy(lb1.at[pl.ds(bb, W)], lbw.at[r], sem))
            return chunk

        chunks = [_fire(0), _fire(4)]
        for r0 in range(8, F, 4):
            chunks.append(_fire(r0))
            for c in chunks.pop(0):
                c.wait()
        for ch in chunks:
            for c in ch:
                c.wait()

        urm16 = urm[pl.ds(row0, F)]
        irm16 = irm[pl.ds(row0, F)]
        brm16 = brm[pl.ds(row0, F)]
        aidx16 = aiv[pl.ds(row0, F)]
        acc = (plsc.load_gather(luw, [lane, urm16])
               + plsc.load_gather(liw, [lane, irm16])
               + plsc.load_gather(lbw, [lane, brm16])
               + plsc.load_gather(lm0v, [aidx16]))
        pw = jnp.zeros((F,), jnp.float32)
        for f in range(F):
            fv = jnp.full((F,), f, jnp.int32)
            uf = plsc.load_gather(uwin, [lane, fv, urm16])
            if_ = plsc.load_gather(iwin, [lane, fv, irm16])
            af = plsc.load_gather(m0v, [fv, aidx16])
            bf = plsc.load_gather(bwin, [lane, fv, brm16])
            s = uf + if_ + af + bf
            pw = pw + (s * s - uf * uf - if_ * if_ - af * af - bf * bf)
        tot = acc + 0.5 * pw
        ov[pl.ds(row0, F)] = 1.0 / (1.0 + jnp.exp(-tot))

    pltpu.sync_copy(ov, out.at[pl.ds(base, BPW)])


def kernel(user, item, metadata, user_emb, item_emb, meta_emb0, meta_emb1,
           lin_user, lin_item, lin_meta0, lin_meta1):
    mesh = plsc.VectorSubcoreMesh(core_axis_name="c", subcore_axis_name="s")
    cp = pltpu.CompilerParams()
    fields = pltpu.CompilerParams.__dataclass_fields__
    if "needs_layout_passes" in fields:
        cp = dataclasses.replace(cp, needs_layout_passes=False)
    fm = pl.kernel(
        _fm_body,
        out_type=jax.ShapeDtypeStruct((B,), jnp.float32),
        mesh=mesh,
        compiler_params=cp,
        scratch_types=[
            pltpu.VMEM((BPW,), jnp.int32),
            pltpu.VMEM((BPW,), jnp.int32),
            pltpu.VMEM((BPW,), jnp.int32),
            pltpu.VMEM((BPW,), jnp.int32),
            pltpu.VMEM((BPW,), jnp.int32),
            pltpu.VMEM((BPW,), jnp.int32),
            pltpu.VMEM((BPW,), jnp.int32),
            pltpu.VMEM((BPW,), jnp.int32),
            pltpu.VMEM((BPW,), jnp.int32),
            pltpu.VMEM((BPW,), jnp.int32),
            pltpu.VMEM((F, F, W), jnp.float32),
            pltpu.VMEM((F, F, W), jnp.float32),
            pltpu.VMEM((F, F, W), jnp.float32),
            pltpu.VMEM((F, W), jnp.float32),
            pltpu.VMEM((F, W), jnp.float32),
            pltpu.VMEM((F, W), jnp.float32),
            pltpu.VMEM((F, NM0), jnp.float32),
            pltpu.VMEM((NM0,), jnp.float32),
            pltpu.VMEM((BPW,), jnp.float32),
            pltpu.SemaphoreType.DMA,
        ],
    )
    return fm(user.astype(jnp.int32), item.astype(jnp.int32),
              metadata.T.astype(jnp.int32),
              user_emb.T, item_emb.T, meta_emb0.T, meta_emb1.T,
              lin_user.reshape(-1), lin_item.reshape(-1),
              lin_meta0.reshape(-1), lin_meta1.reshape(-1))

# --- scband reference (transcript-rebuilt; emitter-appended) ---
"""Pipeline reference for scband-fm-70471823393431 (READ-ONLY COPY).

The authoritative reference and input builder live on the scoring server;
editing this copy changes nothing except your own understanding.
"""

import jax, jax.numpy as jnp
import numpy as np

B = 16384
N_USERS = 1000000
N_ITEMS = 1000000
F = 16
META_SIZES = [1000, 100000]


def setup_inputs(seed: int = 0) -> dict:
    key = jax.random.key(seed)
    ks = jax.random.split(key, 12)
    user = jax.random.randint(ks[0], (B,), 0, N_USERS, dtype=jnp.int64 if jax.config.jax_enable_x64 else jnp.int32)
    item = jax.random.randint(ks[1], (B,), 0, N_ITEMS, dtype=jnp.int64 if jax.config.jax_enable_x64 else jnp.int32)
    m0 = jax.random.randint(ks[2], (B,), 0, META_SIZES[0])
    m1 = jax.random.randint(ks[3], (B,), 0, META_SIZES[1])
    metadata = jnp.stack([m0, m1], axis=1)
    scale = 1.0 / F  # ScaledEmbedding init scaling
    user_emb = jax.random.normal(ks[4], (N_USERS, F), dtype=jnp.float32) * scale
    item_emb = jax.random.normal(ks[5], (N_ITEMS, F), dtype=jnp.float32) * scale
    meta_emb0 = jax.random.normal(ks[6], (META_SIZES[0], F), dtype=jnp.float32) * scale
    meta_emb1 = jax.random.normal(ks[7], (META_SIZES[1], F), dtype=jnp.float32) * scale
    lin_user = jax.random.normal(ks[8], (N_USERS, 1), dtype=jnp.float32) * scale
    lin_item = jax.random.normal(ks[9], (N_ITEMS, 1), dtype=jnp.float32) * scale
    lin_meta0 = jax.random.normal(ks[10], (META_SIZES[0], 1), dtype=jnp.float32) * scale
    lin_meta1 = jax.random.normal(ks[11], (META_SIZES[1], 1), dtype=jnp.float32) * scale
    return {
        'user': user, 'item': item, 'metadata': metadata,
        'user_emb': user_emb, 'item_emb': item_emb,
        'meta_emb0': meta_emb0, 'meta_emb1': meta_emb1,
        'lin_user': lin_user, 'lin_item': lin_item,
        'lin_meta0': lin_meta0, 'lin_meta1': lin_meta1,
    }


def reference(user, item, metadata, user_emb, item_emb, meta_emb0, meta_emb1,
              lin_user, lin_item, lin_meta0, lin_meta1):
    b = user.shape[0]
    user_embedding = jnp.take(user_emb, user, axis=0).reshape(b, 1, F)
    item_embedding = jnp.take(item_emb, item, axis=0).reshape(b, 1, F)
    # metadata embeddings concatenated onto item embedding (as in torch loop)
    me0 = jnp.take(meta_emb0, metadata[:, 0], axis=0).reshape(b, 1, F)
    item_embedding = jnp.concatenate([item_embedding, me0], axis=1)
    me1 = jnp.take(meta_emb1, metadata[:, 1], axis=0).reshape(b, 1, F)
    item_embedding = jnp.concatenate([item_embedding, me1], axis=1)
    embedding = jnp.concatenate([user_embedding, item_embedding], axis=1)  # [B, 4, F]
    power_of_sum = jnp.power(jnp.sum(embedding, axis=1), 2)
    sum_of_power = jnp.sum(jnp.power(embedding, 2), axis=1)
    pairwise = jnp.sum(power_of_sum - sum_of_power, axis=1) * 0.5
    user_linear = jnp.take(lin_user, user, axis=0).reshape(b, 1, 1)
    item_linear = jnp.take(lin_item, item, axis=0).reshape(b, 1, 1)
    l0 = jnp.take(lin_meta0, metadata[:, 0], axis=0).reshape(b, 1, 1)
    item_linear = jnp.concatenate([item_linear, l0], axis=1)
    l1 = jnp.take(lin_meta1, metadata[:, 1], axis=0).reshape(b, 1, 1)
    item_linear = jnp.concatenate([item_linear, l1], axis=1)
    linear = jnp.sum(jnp.concatenate([user_linear, item_linear], axis=1), axis=1).reshape(b)
    net = jax.nn.sigmoid(linear + pairwise)
    return net

if __name__ == "__main__":
    import jax
    _d = setup_inputs()
    print(jax.jit(kernel)(*tuple(_d.values())))

</pallas_src>

<mosaic_0001>
#map = affine_map<(d0, d1) -> (0)>
#map1 = affine_map<(d0, d1) -> (0, 0)>
module attributes {stable_mosaic.version = 14 : i64} {
  func.func @_fm_body(%arg0: i32, %arg1: i32, %arg2: memref<16384xi32, #tpu.memory_space<hbm>>, %arg3: memref<16384xi32, #tpu.memory_space<hbm>>, %arg4: memref<2x16384xi32, #tpu.memory_space<hbm>>, %arg5: memref<16x1000000xf32, #tpu.memory_space<hbm>>, %arg6: memref<16x1000000xf32, #tpu.memory_space<hbm>>, %arg7: memref<16x1000xf32, #tpu.memory_space<hbm>>, %arg8: memref<16x100000xf32, #tpu.memory_space<hbm>>, %arg9: memref<1000000xf32, #tpu.memory_space<hbm>>, %arg10: memref<1000000xf32, #tpu.memory_space<hbm>>, %arg11: memref<1000xf32, #tpu.memory_space<hbm>>, %arg12: memref<100000xf32, #tpu.memory_space<hbm>>, %arg13: memref<16384xf32, #tpu.memory_space<hbm>>, %arg14: memref<512xi32, #tpu.memory_space<vmem>>, %arg15: memref<512xi32, #tpu.memory_space<vmem>>, %arg16: memref<512xi32, #tpu.memory_space<vmem>>, %arg17: memref<512xi32, #tpu.memory_space<vmem>>, %arg18: memref<512xi32, #tpu.memory_space<vmem>>, %arg19: memref<512xi32, #tpu.memory_space<vmem>>, %arg20: memref<512xi32, #tpu.memory_space<vmem>>, %arg21: memref<512xi32, #tpu.memory_space<vmem>>, %arg22: memref<512xi32, #tpu.memory_space<vmem>>, %arg23: memref<512xi32, #tpu.memory_space<vmem>>, %arg24: memref<16x16x128xf32, #tpu.memory_space<vmem>>, %arg25: memref<16x16x128xf32, #tpu.memory_space<vmem>>, %arg26: memref<16x16x128xf32, #tpu.memory_space<vmem>>, %arg27: memref<16x128xf32, #tpu.memory_space<vmem>>, %arg28: memref<16x128xf32, #tpu.memory_space<vmem>>, %arg29: memref<16x128xf32, #tpu.memory_space<vmem>>, %arg30: memref<16x1000xf32, #tpu.memory_space<vmem>>, %arg31: memref<1000xf32, #tpu.memory_space<vmem>>, %arg32: memref<512xf32, #tpu.memory_space<vmem>>, %arg33: memref<!tpu.dma_semaphore, #tpu.memory_space<semaphore_mem>>) attributes {dimension_semantics = [#tpu.dimension_semantics<core_parallel>, #tpu.dimension_semantics<subcore_parallel>], iteration_bounds = array<i64: 2, 16>, scalar_prefetch = 0 : i64, scratch_operands = 20 : i64, tpu.core_type = #tpu.core_type<sc_vector_subcore>, window_params = [{transform_indices = #map}, {transform_indices = #map}, {transform_indices = #map1}, {transform_indices = #map1}, {transform_indices = #map1}, {transform_indices = #map1}, {transform_indices = #map1}, {transform_indices = #map}, {transform_indices = #map}, {transform_indices = #map}, {transform_indices = #map}, {transform_indices = #map}]} {
    %mul3A = arith.constant 2 : i32
    %mul3A_0 = arith.muli %arg1, %mul3A : i32
    %add3A = arith.addi %mul3A_0, %arg0 : i32
    %mul3A_1 = arith.constant 512 : i32
    %mul3A_2 = arith.muli %add3A, %mul3A_1 : i32
    %multiple_of3A = tpu.assume_multiple %mul3A_2, 512 : i32
    %dma_start3A = tpu.memref_slice %arg2[%multiple_of3A] : memref<16384xi32, #tpu.memory_space<hbm>> -> memref<512xi32, #tpu.memory_space<hbm>>
    %dma_start3A_3 = tpu.memref_slice %arg2[%multiple_of3A] : memref<16384xi32, #tpu.memory_space<hbm>> -> memref<512xi32, #tpu.memory_space<hbm>>
    tpu.enqueue_dma source(%dma_start3A_3 : memref<512xi32, #tpu.memory_space<hbm>>) target(%arg14 : memref<512xi32, #tpu.memory_space<vmem>>) target_semaphore(%arg33 : memref<!tpu.dma_semaphore, #tpu.memory_space<semaphore_mem>>)
    %dma_start3A_4 = tpu.memref_slice %arg3[%multiple_of3A] : memref<16384xi32, #tpu.memory_space<hbm>> -> memref<512xi32, #tpu.memory_space<hbm>>
    %dma_start3A_5 = tpu.memref_slice %arg3[%multiple_of3A] : memref<16384xi32, #tpu.memory_space<hbm>> -> memref<512xi32, #tpu.memory_space<hbm>>
    tpu.enqueue_dma source(%dma_start3A_5 : memref<512xi32, #tpu.memory_space<hbm>>) target(%arg15 : memref<512xi32, #tpu.memory_space<vmem>>) target_semaphore(%arg33 : memref<!tpu.dma_semaphore, #tpu.memory_space<semaphore_mem>>)
    %dma_start3A_6 = arith.constant 0 : i32
    %dma_start3A_7 = tpu.memref_slice %arg4[%dma_start3A_6, %multiple_of3A] : memref<2x16384xi32, #tpu.memory_space<hbm>> -> memref<1x512xi32, #tpu.memory_space<hbm>>
    %dma_start3A_8 = tpu.memref_squeeze %dma_start3A_7 : memref<1x512xi32, #tpu.memory_space<hbm>> -> memref<512xi32, #tpu.memory_space<hbm>>
    %dma_start3A_9 = tpu.memref_slice %arg4[%dma_start3A_6, %multiple_of3A] : memref<2x16384xi32, #tpu.memory_space<hbm>> -> memref<1x512xi32, #tpu.memory_space<hbm>>
    %dma_start3A_10 = tpu.memref_squeeze %dma_start3A_9 : memref<1x512xi32, #tpu.memory_space<hbm>> -> memref<512xi32, #tpu.memory_space<hbm>>
    tpu.enqueue_dma source(%dma_start3A_10 : memref<512xi32, #tpu.memory_space<hbm>>) target(%arg16 : memref<512xi32, #tpu.memory_space<vmem>>) target_semaphore(%arg33 : memref<!tpu.dma_semaphore, #tpu.memory_space<semaphore_mem>>)
    %dma_start3A_11 = arith.constant 1 : i32
    %dma_start3A_12 = tpu.memref_slice %arg4[%dma_start3A_11, %multiple_of3A] : memref<2x16384xi32, #tpu.memory_space<hbm>> -> memref<1x512xi32, #tpu.memory_space<hbm>>
    %dma_start3A_13 = tpu.memref_squeeze %dma_start3A_12 : memref<1x512xi32, #tpu.memory_space<hbm>> -> memref<512xi32, #tpu.memory_space<hbm>>
    %dma_start3A_14 = tpu.memref_slice %arg4[%dma_start3A_11, %multiple_of3A] : memref<2x16384xi32, #tpu.memory_space<hbm>> -> memref<1x512xi32, #tpu.memory_space<hbm>>
    %dma_start3A_15 = tpu.memref_squeeze %dma_start3A_14 : memref<1x512xi32, #tpu.memory_space<hbm>> -> memref<512xi32, #tpu.memory_space<hbm>>
    tpu.enqueue_dma source(%dma_start3A_15 : memref<512xi32, #tpu.memory_space<hbm>>) target(%arg17 : memref<512xi32, #tpu.memory_space<vmem>>) target_semaphore(%arg33 : memref<!tpu.dma_semaphore, #tpu.memory_space<semaphore_mem>>)
    tpu.enqueue_dma source(%arg7 : memref<16x1000xf32, #tpu.memory_space<hbm>>) target(%arg30 : memref<16x1000xf32, #tpu.memory_space<vmem>>) target_semaphore(%arg33 : memref<!tpu.dma_semaphore, #tpu.memory_space<semaphore_mem>>)
    tpu.enqueue_dma source(%arg11 : memref<1000xf32, #tpu.memory_space<hbm>>) target(%arg31 : memref<1000xf32, #tpu.memory_space<vmem>>) target_semaphore(%arg33 : memref<!tpu.dma_semaphore, #tpu.memory_space<semaphore_mem>>)
    %dma_wait3A = tpu.memref_slice %arg2[%multiple_of3A] : memref<16384xi32, #tpu.memory_space<hbm>> -> memref<512xi32, #tpu.memory_space<hbm>>
    %dma_wait3A_16 = tpu.memref_slice %arg2[%multiple_of3A] : memref<16384xi32, #tpu.memory_space<hbm>> -> memref<512xi32, #tpu.memory_space<hbm>>
    tpu.wait_dma2 semaphore(%arg33 : memref<!tpu.dma_semaphore, #tpu.memory_space<semaphore_mem>>) src(%dma_wait3A_16 : memref<512xi32, #tpu.memory_space<hbm>>) dst(%arg14 : memref<512xi32, #tpu.memory_space<vmem>>)
    %dma_wait3A_17 = tpu.memref_slice %arg3[%multiple_of3A] : memref<16384xi32, #tpu.memory_space<hbm>> -> memref<512xi32, #tpu.memory_space<hbm>>
    %dma_wait3A_18 = tpu.memref_slice %arg3[%multiple_of3A] : memref<16384xi32, #tpu.memory_space<hbm>> -> memref<512xi32, #tpu.memory_space<hbm>>
    tpu.wait_dma2 semaphore(%arg33 : memref<!tpu.dma_semaphore, #tpu.memory_space<semaphore_mem>>) src(%dma_wait3A_18 : memref<512xi32, #tpu.memory_space<hbm>>) dst(%arg15 : memref<512xi32, #tpu.memory_space<vmem>>)
    %dma_wait3A_19 = arith.constant 0 : i32
    %dma_wait3A_20 = tpu.memref_slice %arg4[%dma_wait3A_19, %multiple_of3A] : memref<2x16384xi32, #tpu.memory_space<hbm>> -> memref<1x512xi32, #tpu.memory_space<hbm>>
    %dma_wait3A_21 = tpu.memref_squeeze %dma_wait3A_20 : memref<1x512xi32, #tpu.memory_space<hbm>> -> memref<512xi32, #tpu.memory_space<hbm>>
    %dma_wait3A_22 = tpu.memref_slice %arg4[%dma_wait3A_19, %multiple_of3A] : memref<2x16384xi32, #tpu.memory_space<hbm>> -> memref<1x512xi32, #tpu.memory_space<hbm>>
    %dma_wait3A_23 = tpu.memref_squeeze %dma_wait3A_22 : memref<1x512xi32, #tpu.memory_space<hbm>> -> memref<512xi32, #tpu.memory_space<hbm>>
    tpu.wait_dma2 semaphore(%arg33 : memref<!tpu.dma_semaphore, #tpu.memory_space<semaphore_mem>>) src(%dma_wait3A_23 : memref<512xi32, #tpu.memory_space<hbm>>) dst(%arg16 : memref<512xi32, #tpu.memory_space<vmem>>)
    %dma_wait3A_24 = arith.constant 1 : i32
    %dma_wait3A_25 = tpu.memref_slice %arg4[%dma_wait3A_24, %multiple_of3A] : memref<2x16384xi32, #tpu.memory_space<hbm>> -> memref<1x512xi32, #tpu.memory_space<hbm>>
    %dma_wait3A_26 = tpu.memref_squeeze %dma_wait3A_25 : memref<1x512xi32, #tpu.memory_space<hbm>> -> memref<512xi32, #tpu.memory_space<hbm>>
    %dma_wait3A_27 = tpu.memref_slice %arg4[%dma_wait3A_24, %multiple_of3A] : memref<2x16384xi32, #tpu.memory_space<hbm>> -> memref<1x512xi32, #tpu.memory_space<hbm>>
    %dma_wait3A_28 = tpu.memref_squeeze %dma_wait3A_27 : memref<1x512xi32, #tpu.memory_space<hbm>> -> memref<512xi32, #tpu.memory_space<hbm>>
    tpu.wait_dma2 semaphore(%arg33 : memref<!tpu.dma_semaphore, #tpu.memory_space<semaphore_mem>>) src(%dma_wait3A_28 : memref<512xi32, #tpu.memory_space<hbm>>) dst(%arg17 : memref<512xi32, #tpu.memory_space<vmem>>)
    %scan3A = arith.constant 0 : i32
    %scan3A_29 = arith.constant 32 : i32
    %scan3A_30 = arith.addi %scan3A, %scan3A_29 : i32
    %scan3A_31 = arith.constant 1 : i32
    scf.for %scan3A_38 = %scan3A to %scan3A_30 step %scan3A_31  : i32 {
      %mul3A_39 = arith.constant 16 : i32
      %mul3A_40 = arith.muli %scan3A_38, %mul3A_39 : i32
      %add3A_41 = arith.constant 0 : i32
      %add3A_42 = arith.addi %add3A_41, %mul3A_40 : i32
      %get3A = arith.index_cast %add3A_42 : i32 to index
      %get3A_43 = tpu.vector_load %arg14[%get3A] {strides = array<i32>} : memref<512xi32, #tpu.memory_space<vmem>>, vector<16xi32>,
      %and3A = arith.constant -128 : i32
      %and3A_44 = vector.broadcast %and3A : i32 to vector<16xi32>
      %and3A_45 = arith.andi %get3A_43, %and3A_44 : vector<16xi32>
      %swap3A = arith.index_cast %add3A_42 : i32 to index
      %swap3A_46 = tpu.vector_load %arg18[%swap3A] {strides = array<i32>} : memref<512xi32, #tpu.memory_space<vmem>>, vector<16xi32>,
      tpu.vector_store %arg18[%swap3A], %and3A_45 {strides = array<i32>} : memref<512xi32, #tpu.memory_space<vmem>>, vector<16xi32>,
      %get3A_47 = arith.index_cast %add3A_42 : i32 to index
      %get3A_48 = tpu.vector_load %arg15[%get3A_47] {strides = array<i32>} : memref<512xi32, #tpu.memory_space<vmem>>, vector<16xi32>,
      %and3A_49 = arith.constant -128 : i32
      %and3A_50 = vector.broadcast %and3A_49 : i32 to vector<16xi32>
      %and3A_51 = arith.andi %get3A_48, %and3A_50 : vector<16xi32>
      %swap3A_52 = arith.index_cast %add3A_42 : i32 to index
      %swap3A_53 = tpu.vector_load %arg19[%swap3A_52] {strides = array<i32>} : memref<512xi32, #tpu.memory_space<vmem>>, vector<16xi32>,
      tpu.vector_store %arg19[%swap3A_52], %and3A_51 {strides = array<i32>} : memref<512xi32, #tpu.memory_space<vmem>>, vector<16xi32>,
      %get3A_54 = arith.index_cast %add3A_42 : i32 to index
      %get3A_55 = tpu.vector_load %arg17[%get3A_54] {strides = array<i32>} : memref<512xi32, #tpu.memory_space<vmem>>, vector<16xi32>,
      %and3A_56 = arith.constant -128 : i32
      %and3A_57 = vector.broadcast %and3A_56 : i32 to vector<16xi32>
      %and3A_58 = arith.andi %get3A_55, %and3A_57 : vector<16xi32>
      %swap3A_59 = arith.index_cast %add3A_42 : i32 to index
      %swap3A_60 = tpu.vector_load %arg20[%swap3A_59] {strides = array<i32>} : memref<512xi32, #tpu.memory_space<vmem>>, vector<16xi32>,
      tpu.vector_store %arg20[%swap3A_59], %and3A_58 {strides = array<i32>} : memref<512xi32, #tpu.memory_space<vmem>>, vector<16xi32>,
      %get3A_61 = arith.index_cast %add3A_42 : i32 to index
      %get3A_62 = tpu.vector_load %arg14[%get3A_61] {strides = array<i32>} : memref<512xi32, #tpu.memory_space<vmem>>, vector<16xi32>,
      %and3A_63 = arith.constant 127 : i32
      %and3A_64 = vector.broadcast %and3A_63 : i32 to vector<16xi32>
      %and3A_65 = arith.andi %get3A_62, %and3A_64 : vector<16xi32>
      %swap3A_66 = arith.index_cast %add3A_42 : i32 to index
      %swap3A_67 = tpu.vector_load %arg21[%swap3A_66] {strides = array<i32>} : memref<512xi32, #tpu.memory_space<vmem>>, vector<16xi32>,
      tpu.vector_store %arg21[%swap3A_66], %and3A_65 {strides = array<i32>} : memref<512xi32, #tpu.memory_space<vmem>>, vector<16xi32>,
      %get3A_68 = arith.index_cast %add3A_42 : i32 to index
      %get3A_69 = tpu.vector_load %arg15[%get3A_68] {strides = array<i32>} : memref<512xi32, #tpu.memory_space<vmem>>, vector<16xi32>,
      %and3A_70 = arith.constant 127 : i32
      %and3A_71 = vector.broadcast %and3A_70 : i32 to vector<16xi32>
      %and3A_72 = arith.andi %get3A_69, %and3A_71 : vector<16xi32>
      %swap3A_73 = arith.index_cast %add3A_42 : i32 to index
      %swap3A_74 = tpu.vector_load %arg22[%swap3A_73] {strides = array<i32>} : memref<512xi32, #tpu.memory_space<vmem>>, vector<16xi32>,
      tpu.vector_store %arg22[%swap3A_73], %and3A_72 {strides = array<i32>} : memref<512xi32, #tpu.memory_space<vmem>>, vector<16xi32>,
      %get3A_75 = arith.index_cast %add3A_42 : i32 to index
      %get3A_76 = tpu.vector_load %arg17[%get3A_75] {strides = array<i32>} : memref<512xi32, #tpu.memory_space<vmem>>, vector<16xi32>,
      %and3A_77 = arith.constant 127 : i32
      %and3A_78 = vector.broadcast %and3A_77 : i32 to vector<16xi32>
      %and3A_79 = arith.andi %get3A_76, %and3A_78 : vector<16xi32>
      %swap3A_80 = arith.index_cast %add3A_42 : i32 to index
      %swap3A_81 = tpu.vector_load %arg23[%swap3A_80] {strides = array<i32>} : memref<512xi32, #tpu.memory_space<vmem>>, vector<16xi32>,
      tpu.vector_store %arg23[%swap3A_80], %and3A_79 {strides = array<i32>} : memref<512xi32, #tpu.memory_space<vmem>>, vector<16xi32>,
    }
    %scan3A_32 = arith.constant 32 : i32
    tpu.wait_dma2 semaphore(%arg33 : memref<!tpu.dma_semaphore, #tpu.memory_space<semaphore_mem>>) src(%arg7 : memref<16x1000xf32, #tpu.memory_space<hbm>>) dst(%arg30 : memref<16x1000xf32, #tpu.memory_space<vmem>>)
    tpu.wait_dma2 semaphore(%arg33 : memref<!tpu.dma_semaphore, #tpu.memory_space<semaphore_mem>>) src(%arg11 : memref<1000xf32, #tpu.memory_space<hbm>>) dst(%arg31 : memref<1000xf32, #tpu.memory_space<vmem>>)
    %iota3A = tpu.iota {dimensions = array<i32: 0>} : vector<16xi32>
    %scan3A_33 = arith.constant 0 : i32
    %scan3A_34 = arith.constant 32 : i32
    %scan3A_35 = arith.addi %scan3A_33, %scan3A_34 : i32
    %scan3A_36 = arith.constant 1 : i32
    scf.for %scan3A_38 = %scan3A_33 to %scan3A_35 step %scan3A_36  : i32 {
      %mul3A_39 = arith.constant 1 : i32
      %mul3A_40 = arith.muli %scan3A_38, %mul3A_39 : i32
      %add3A_41 = arith.constant 0 : i32
      %add3A_42 = arith.addi %add3A_41, %mul3A_40 : i32
      %mul3A_43 = arith.constant 16 : i32
      %mul3A_44 = arith.muli %add3A_42, %mul3A_43 : i32
      %get3A = arith.index_cast %mul3A_44 : i32 to index
      %get3A_45 = tpu.vector_load %arg18[%get3A] {strides = array<i32>} : memref<512xi32, #tpu.memory_space<vmem>>, vector<16xi32>,
      %get3A_46 = arith.index_cast %mul3A_44 : i32 to index
      %get3A_47 = tpu.vector_load %arg19[%get3A_46] {strides = array<i32>} : memref<512xi32, #tpu.memory_space<vmem>>, vector<16xi32>,
      %get3A_48 = arith.index_cast %mul3A_44 : i32 to index
      %get3A_49 = tpu.vector_load %arg20[%get3A_48] {strides = array<i32>} : memref<512xi32, #tpu.memory_space<vmem>>, vector<16xi32>,
      %slice3A = vector.extract_strided_slice %get3A_45 {offsets = [0], sizes = [1], strides = [1]} : vector<16xi32> to vector<1xi32>
      %squeeze3A = vector.extract %slice3A[0] : i32 from vector<1xi32>
      %multiple_of3A_50 = tpu.assume_multiple %squeeze3A, 128 : i32
      %slice3A_51 = vector.extract_strided_slice %get3A_47 {offsets = [0], sizes = [1], strides = [1]} : vector<16xi32> to vector<1xi32>
      %squeeze3A_52 = vector.extract %slice3A_51[0] : i32 from vector<1xi32>
      %multiple_of3A_53 = tpu.assume_multiple %squeeze3A_52, 128 : i32
      %slice3A_54 = vector.extract_strided_slice %get3A_49 {offsets = [0], sizes = [1], strides = [1]} : vector<16xi32> to vector<1xi32>
      %squeeze3A_55 = vector.extract %slice3A_54[0] : i32 from vector<1xi32>
      %multiple_of3A_56 = tpu.assume_multiple %squeeze3A_55, 128 : i32
      %dma_start3A_57 = arith.constant 0 : i32
      %dma_start3A_58 = arith.constant 0 : i32
      %dma_start3A_59 = arith.constant 0 : i32
      %dma_start3A_60 = tpu.memref_slice %arg24[%dma_start3A_57, %dma_start3A_58, %dma_start3A_59] : memref<16x16x128xf32, #tpu.memory_space<vmem>> -> memref<1x16x128xf32, #tpu.memory_space<vmem>>
      %dma_start3A_61 = tpu.memref_squeeze %dma_start3A_60 : memref<1x16x128xf32, #tpu.memory_space<vmem>> -> memref<16x128xf32, #tpu.memory_space<vmem>>
      %dma_start3A_62 = arith.constant 0 : i32
      %dma_start3A_63 = tpu.memref_slice %arg5[%dma_start3A_62, %multiple_of3A_50] : memref<16x1000000xf32, #tpu.memory_space<hbm>> -> memref<16x128xf32, #tpu.memory_space<hbm>>
      %dma_start3A_64 = arith.constant 0 : i32
      %dma_start3A_65 = arith.constant 0 : i32
      %dma_start3A_66 = tpu.memref_slice %arg24[%dma_start3A_57, %dma_start3A_64, %dma_start3A_65] : memref<16x16x128xf32, #tpu.memory_space<vmem>> -> memref<1x16x128xf32, #tpu.memory_space<vmem>>
      %dma_start3A_67 = tpu.memref_squeeze %dma_start3A_66 : memref<1x16x128xf32, #tpu.memory_space<vmem>> -> memref<16x128xf32, #tpu.memory_space<vmem>>
      %dma_start3A_68 = arith.constant 0 : i32
      %dma_start3A_69 = tpu.memref_slice %arg5[%dma_start3A_68, %multiple_of3A_50] : memref<16x1000000xf32, #tpu.memory_space<hbm>> -> memref<16x128xf32, #tpu.memory_space<hbm>>
      tpu.enqueue_dma source(%dma_start3A_69 : memref<16x128xf32, #tpu.memory_space<hbm>>) target(%dma_start3A_67 : memref<16x128xf32, #tpu.memory_space<vmem>>) target_semaphore(%arg33 : memref<!tpu.dma_semaphore, #tpu.memory_space<semaphore_mem>>)
      %dma_start3A_70 = arith.constant 0 : i32
      %dma_start3A_71 = arith.constant 0 : i32
      %dma_start3A_72 = arith.constant 0 : i32
      %dma_start3A_73 = tpu.memref_slice %arg25[%dma_start3A_70, %dma_start3A_71, %dma_start3A_72] : memref<16x16x128xf32, #tpu.memory_space<vmem>> -> memref<1x16x128xf32, #tpu.memory_space<vmem>>
      %dma_start3A_74 = tpu.memref_squeeze %dma_start3A_73 : memref<1x16x128xf32, #tpu.memory_space<vmem>> -> memref<16x128xf32, #tpu.memory_space<vmem>>
      %dma_start3A_75 = arith.constant 0 : i32
      %dma_start3A_76 = tpu.memref_slice %arg6[%dma_start3A_75, %multiple_of3A_53] : memref<16x1000000xf32, #tpu.memory_space<hbm>> -> memref<16x128xf32, #tpu.memory_space<hbm>>
      %dma_start3A_77 = arith.constant 0 : i32
      %dma_start3A_78 = arith.constant 0 : i32
      %dma_start3A_79 = tpu.memref_slice %arg25[%dma_start3A_70, %dma_start3A_77, %dma_start3A_78] : memref<16x16x128xf32, #tpu.memory_space<vmem>> -> memref<1x16x128xf32, #tpu.memory_space<vmem>>
      %dma_start3A_80 = tpu.memref_squeeze %dma_start3A_79 : memref<1x16x128xf32, #tpu.memory_space<vmem>> -> memref<16x128xf32, #tpu.memory_space<vmem>>
      %dma_start3A_81 = arith.constant 0 : i32
      %dma_start3A_82 = tpu.memref_slice %arg6[%dma_start3A_81, %multiple_of3A_53] : memref<16x1000000xf32, #tpu.memory_space<hbm>> -> memref<16x128xf32, #tpu.memory_space<hbm>>
      tpu.enqueue_dma source(%dma_start3A_82 : memref<16x128xf32, #tpu.memory_space<hbm>>) target(%dma_start3A_80 : memref<16x128xf32, #tpu.memory_space<vmem>>) target_semaphore(%arg33 : memref<!tpu.dma_semaphore, #tpu.memory_space<semaphore_mem>>)
      %dma_start3A_83 = arith.constant 0 : i32
      %dma_start3A_84 = arith.constant 0 : i32
      %dma_start3A_85 = arith.constant 0 : i32
      %dma_start3A_86 = tpu.memref_slice %arg26[%dma_start3A_83, %dma_start3A_84, %dma_start3A_85] : memref<16x16x128xf32, #tpu.memory_space<vmem>> -> memref<1x16x128xf32, #tpu.memory_space<vmem>>
      %dma_start3A_87 = tpu.memref_squeeze %dma_start3A_86 : memref<1x16x128xf32, #tpu.memory_space<vmem>> -> memref<16x128xf32, #tpu.memory_space<vmem>>
      %dma_start3A_88 = arith.constant 0 : i32
      %dma_start3A_89 = tpu.memref_slice %arg8[%dma_start3A_88, %multiple_of3A_56] : memref<16x100000xf32, #tpu.memory_space<hbm>> -> memref<16x128xf32, #tpu.memory_space<hbm>>
      %dma_start3A_90 = arith.constant 0 : i32
      %dma_start3A_91 = arith.constant 0 : i32
      %dma_start3A_92 = tpu.memref_slice %arg26[%dma_start3A_83, %dma_start3A_90, %dma_start3A_91] : memref<16x16x128xf32, #tpu.memory_space<vmem>> -> memref<1x16x128xf32, #tpu.memory_space<vmem>>
      %dma_start3A_93 = tpu.memref_squeeze %dma_start3A_92 : memref<1x16x128xf32, #tpu.memory_space<vmem>> -> memref<16x128xf32, #tpu.memory_space<vmem>>
      %dma_start3A_94 = arith.constant 0 : i32
      %dma_start3A_95 = tpu.memref_slice %arg8[%dma_start3A_94, %multiple_of3A_56] : memref<16x100000xf32, #tpu.memory_space<hbm>> -> memref<16x128xf32, #tpu.memory_space<hbm>>
      tpu.enqueue_dma source(%dma_start3A_95 : memref<16x128xf32, #tpu.memory_space<hbm>>) target(%dma_start3A_93 : memref<16x128xf32, #tpu.memory_space<vmem>>) target_semaphore(%arg33 : memref<!tpu.dma_semaphore, #tpu.memory_space<semaphore_mem>>)
      %dma_start3A_96 = arith.constant 0 : i32
      %dma_start3A_97 = arith.constant 0 : i32
      %dma_start3A_98 = tpu.memref_slice %arg27[%dma_start3A_96, %dma_start3A_97] : memref<16x128xf32, #tpu.memory_space<vmem>> -> memref<1x128xf32, #tpu.memory_space<vmem>>
      %dma_start3A_99 = tpu.memref_squeeze %dma_start3A_98 : memref<1x128xf32, #tpu.memory_space<vmem>> -> memref<128xf32, #tpu.memory_space<vmem>>
      %dma_start3A_100 = tpu.memref_slice %arg9[%multiple_of3A_50] : memref<1000000xf32, #tpu.memory_space<hbm>> -> memref<128xf32, #tpu.memory_space<hbm>>
      %dma_start3A_101 = arith.constant 0 : i32
      %dma_start3A_102 = tpu.memref_slice %arg27[%dma_start3A_96, %dma_start3A_101] : memref<16x128xf32, #tpu.memory_space<vmem>> -> memref<1x128xf32, #tpu.memory_space<vmem>>
      %dma_start3A_103 = tpu.memref_squeeze %dma_start3A_102 : memref<1x128xf32, #tpu.memory_space<vmem>> -> memref<128xf32, #tpu.memory_space<vmem>>
      %dma_start3A_104 = tpu.memref_slice %arg9[%multiple_of3A_50] : memref<1000000xf32, #tpu.memory_space<hbm>> -> memref<128xf32, #tpu.memory_space<hbm>>
      tpu.enqueue_dma source(%dma_start3A_104 : memref<128xf32, #tpu.memory_space<hbm>>) target(%dma_start3A_103 : memref<128xf32, #tpu.memory_space<vmem>>) target_semaphore(%arg33 : memref<!tpu.dma_semaphore, #tpu.memory_space<semaphore_mem>>)
      %dma_start3A_105 = arith.constant 0 : i32
      %dma_start3A_106 = arith.constant 0 : i32
      %dma_start3A_107 = tpu.memref_slice %arg28[%dma_start3A_105, %dma_start3A_106] : memref<16x128xf32, #tpu.memory_space<vmem>> -> memref<1x128xf32, #tpu.memory_space<vmem>>
      %dma_start3A_108 = tpu.memref_squeeze %dma_start3A_107 : memref<1x128xf32, #tpu.memory_space<vmem>> -> memref<128xf32, #tpu.memory_space<vmem>>
      %dma_start3A_109 = tpu.memref_slice %arg10[%multiple_of3A_53] : memref<1000000xf32, #tpu.memory_space<hbm>> -> memref<128xf32, #tpu.memory_space<hbm>>
      %dma_start3A_110 = arith.constant 0 : i32
      %dma_start3A_111 = tpu.memref_slice %arg28[%dma_start3A_105, %dma_start3A_110] : memref<16x128xf32, #tpu.memory_space<vmem>> -> memref<1x128xf32, #tpu.memory_space<vmem>>
      %dma_start3A_112 = tpu.memref_squeeze %dma_start3A_111 : memref<1x128xf32, #tpu.memory_space<vmem>> -> memref<128xf32, #tpu.memory_space<vmem>>
      %dma_start3A_113 = tpu.memref_slice %arg10[%multiple_of3A_53] : memref<1000000xf32, #tpu.memory_space<hbm>> -> memref<128xf32, #tpu.memory_space<hbm>>
      tpu.enqueue_dma source(%dma_start3A_113 : memref<128xf32, #tpu.memory_space<hbm>>) target(%dma_start3A_112 : memref<128xf32, #tpu.memory_space<vmem>>) target_semaphore(%arg33 : memref<!tpu.dma_semaphore, #tpu.memory_space<semaphore_mem>>)
      %dma_start3A_114 = arith.constant 0 : i32
      %dma_start3A_115 = arith.constant 0 : i32
      %dma_start3A_116 = tpu.memref_slice %arg29[%dma_start3A_114, %dma_start3A_115] : memref<16x128xf32, #tpu.memory_space<vmem>> -> memref<1x128xf32, #tpu.memory_space<vmem>>
      %dma_start3A_117 = tpu.memref_squeeze %dma_start3A_116 : memref<1x128xf32, #tpu.memory_space<vmem>> -> memref<128xf32, #tpu.memory_space<vmem>>
      %dma_start3A_118 = tpu.memref_slice %arg12[%multiple_of3A_56] : memref<100000xf32, #tpu.memory_space<hbm>> -> memref<128xf32, #tpu.memory_space<hbm>>
      %dma_start3A_119 = arith.constant 0 : i32
      %dma_start3A_120 = tpu.memref_slice %arg29[%dma_start3A_114, %dma_start3A_119] : memref<16x128xf32, #tpu.memory_space<vmem>> -> memref<1x128xf32, #tpu.memory_space<vmem>>
      %dma_start3A_121 = tpu.memref_squeeze %dma_start3A_120 : memref<1x128xf32, #tpu.memory_space<vmem>> -> memref<128xf32, #tpu.memory_space<vmem>>
      %dma_start3A_122 = tpu.memref_slice %arg12[%multiple_of3A_56] : memref<100000xf32, #tpu.memory_space<hbm>> -> memref<128xf32, #tpu.memory_space<hbm>>
      tpu.enqueue_dma source(%dma_start3A_122 : memref<128xf32, #tpu.memory_space<hbm>>) target(%dma_start3A_121 : memref<128xf32, #tpu.memory_space<vmem>>) target_semaphore(%arg33 : memref<!tpu.dma_semaphore, #tpu.memory_space<semaphore_mem>>)
      %slice3A_123 = vector.extract_strided_slice %get3A_45 {offsets = [1], sizes = [1], strides = [1]} : vector<16xi32> to vector<1xi32>
      %squeeze3A_124 = vector.extract %slice3A_123[0] : i32 from vector<1xi32>
      %multiple_of3A_125 = tpu.assume_multiple %squeeze3A_124, 128 : i32
      %slice3A_126 = vector.extract_strided_slice %get3A_47 {offsets = [1], sizes = [1], strides = [1]} : vector<16xi32> to vector<1xi32>
      %squeeze3A_127 = vector.extract %slice3A_126[0] : i32 from vector<1xi32>
      %multiple_of3A_128 = tpu.assume_multiple %squeeze3A_127, 128 : i32
      %slice3A_129 = vector.extract_strided_slice %get3A_49 {offsets = [1], sizes = [1], strides = [1]} : vector<16xi32> to vector<1xi32>
      %squeeze3A_130 = vector.extract %slice3A_129[0] : i32 from vector<1xi32>
      %multiple_of3A_131 = tpu.assume_multiple %squeeze3A_130, 128 : i32
      %dma_start3A_132 = arith.constant 1 : i32
      %dma_start3A_133 = arith.constant 0 : i32
      %dma_start3A_134 = arith.constant 0 : i32
      %dma_start3A_135 = tpu.memref_slice %arg24[%dma_start3A_132, %dma_start3A_133, %dma_start3A_134] : memref<16x16x128xf32, #tpu.memory_space<vmem>> -> memref<1x16x128xf32, #tpu.memory_space<vmem>>
      %dma_start3A_136 = tpu.memref_squeeze %dma_start3A_135 : memref<1x16x128xf32, #tpu.memory_space<vmem>> -> memref<16x128xf32, #tpu.memory_space<vmem>>
      %dma_start3A_137 = arith.constant 0 : i32
      %dma_start3A_138 = tpu.memref_slice %arg5[%dma_start3A_137, %multiple_of3A_125] : memref<16x1000000xf32, #tpu.memory_space<hbm>> -> memref<16x128xf32, #tpu.memory_space<hbm>>
      %dma_start3A_139 = arith.constant 0 : i32
      %dma_start3A_140 = arith.constant 0 : i32
      %dma_start3A_141 = tpu.memref_slice %arg24[%dma_start3A_132, %dma_start3A_139, %dma_start3A_140] : memref<16x16x128xf32, #tpu.memory_space<vmem>> -> memref<1x16x128xf32, #tpu.memory_space<vmem>>
      %dma_start3A_142 = tpu.memref_squeeze %dma_start3A_141 : memref<1x16x128xf32, #tpu.memory_space<vmem>> -> memref<16x128xf32, #tpu.memory_space<vmem>>
      %dma_start3A_143 = arith.constant 0 : i32
      %dma_start3A_144 = tpu.memref_slice %arg5[%dma_start3A_143, %multiple_of3A_125] : memref<16x1000000xf32, #tpu.memory_space<hbm>> -> memref<16x128xf32, #tpu.memory_space<hbm>>
      tpu.enqueue_dma source(%dma_start3A_144 : memref<16x128xf32, #tpu.memory_space<hbm>>) target(%dma_start3A_142 : memref<16x128xf32, #tpu.memory_space<vmem>>) target_semaphore(%arg33 : memref<!tpu.dma_semaphore, #tpu.memory_space<semaphore_mem>>)
      %dma_start3A_145 = arith.constant 1 : i32
      %dma_start3A_146 = arith.constant 0 : i32
      %dma_start3A_147 = arith.constant 0 : i32
      %dma_start3A_148 = tpu.memref_slice %arg25[%dma_start3A_145, %dma_start3A_146, %dma_start3A_147] : memref<16x16x128xf32, #tpu.memory_space<vmem>> -> memref<1x16x128xf32, #tpu.memory_space<vmem>>
      %dma_start3A_149 = tpu.memref_squeeze %dma_start3A_148 : memref<1x16x128xf32, #tpu.memory_space<vmem>> -> memref<16x128xf32, #tpu.memory_space<vmem>>
      %dma_start3A_150 = arith.constant 0 : i32
      %dma_start3A_151 = tpu.memref_slice %arg6[%dma_start3A_150, %multiple_of3A_128] : memref<16x1000000xf32, #tpu.memory_space<hbm>> -> memref<16x128xf32, #tpu.memory_space<hbm>>
      %dma_start3A_152 = arith.constant 0 : i32
      %dma_start3A_153 = arith.constant 0 : i32
      %dma_start3A_154 = tpu.memref_slice %arg25[%dma_start3A_145, %dma_start3A_152, %dma_start3A_153] : memref<16x16x128xf32, #tpu.memory_space<vmem>> -> memref<1x16x128xf32, #tpu.memory_space<vmem>>
      %dma_start3A_155 = tpu.memref_squeeze %dma_start3A_154 : memref<1x16x128xf32, #tpu.memory_space<vmem>> -> memref<16x128xf32, #tpu.memory_space<vmem>>
      %dma_start3A_156 = arith.constant 0 : i32
      %dma_start3A_157 = tpu.memref_slice %arg6[%dma_start3A_156, %multiple_of3A_128] : memref<16x1000000xf32, #tpu.memory_space<hbm>> -> memref<16x128xf32, #tpu.memory_space<hbm>>
      tpu.enqueue_dma source(%dma_start3A_157 : memref<16x128xf32, #tpu.memory_space<hbm>>) target(%dma_start3A_155 : memref<16x128xf32, #tpu.memory_space<vmem>>) target_semaphore(%arg33 : memref<!tpu.dma_semaphore, #tpu.memory_space<semaphore_mem>>)
      %dma_start3A_158 = arith.constant 1 : i32
      %dma_start3A_159 = arith.constant 0 : i32
      %dma_start3A_160 = arith.constant 0 : i32
      %dma_start3A_161 = tpu.memref_slice %arg26[%dma_start3A_158, %dma_start3A_159, %dma_start3A_160] : memref<16x16x128xf32, #tpu.memory_space<vmem>> -> memref<1x16x128xf32, #tpu.memory_space<vmem>>
      %dma_start3A_162 = tpu.memref_squeeze %dma_start3A_161 : memref<1x16x128xf32, #tpu.memory_space<vmem>> -> memref<16x128xf32, #tpu.memory_space<vmem>>
      %dma_start3A_163 = arith.constant 0 : i32
      %dma_start3A_164 = tpu.memref_slice %arg8[%dma_start3A_163, %multiple_of3A_131] : memref<16x100000xf32, #tpu.memory_space<hbm>> -> memref<16x128xf32, #tpu.memory_space<hbm>>
      %dma_start3A_165 = arith.constant 0 : i32
      %dma_start3A_166 = arith.constant 0 : i32
      %dma_start3A_167 = tpu.memref_slice %arg26[%dma_start3A_158, %dma_start3A_165, %dma_start3A_166] : memref<16x16x128xf32, #tpu.memory_space<vmem>> -> memref<1x16x128xf32, #tpu.memory_space<vmem>>
      %dma_start3A_168 = tpu.memref_squeeze %dma_start3A_167 : memref<1x16x128xf32, #tpu.memory_space<vmem>> -> memref<16x128xf32, #tpu.memory_space<vmem>>
      %dma_start3A_169 = arith.constant 0 : i32
      %dma_start3A_170 = tpu.memref_slice %arg8[%dma_start3A_169, %multiple_of3A_131] : memref<16x100000xf32, #tpu.memory_space<hbm>> -> memref<16x128xf32, #tpu.memory_space<hbm>>
      tpu.enqueue_dma source(%dma_start3A_170 : memref<16x128xf32, #tpu.memory_space<hbm>>) target(%dma_start3A_168 : memref<16x128xf32, #tpu.memory_space<vmem>>) target_semaphore(%arg33 : memref<!tpu.dma_semaphore, #tpu.memory_space<semaphore_mem>>)
      %dma_start3A_171 = arith.constant 1 : i32
      %dma_start3A_172 = arith.constant 0 : i32
      %dma_start3A_173 = tpu.memref_slice %arg27[%dma_start3A_171, %dma_start3A_172] : memref<16x128xf32, #tpu.memory_space<vmem>> -> memref<1x128xf32, #tpu.memory_space<vmem>>
      %dma_start3A_174 = tpu.memref_squeeze %dma_start3A_173 : memref<1x128xf32, #tpu.memory_space<vmem>> -> memref<128xf32, #tpu.memory_space<vmem>>
      %dma_start3A_175 = tpu.memref_slice %arg9[%multiple_of3A_125] : memref<1000000xf32, #tpu.memory_space<hbm>> -> memref<128xf32, #tpu.memory_space<hbm>>
      %dma_start3A_176 = arith.constant 0 : i32
      %dma_start3A_177 = tpu.memref_slice %arg27[%dma_start3A_171, %dma_start3A_176] : memref<16x128xf32, #tpu.memory_space<vmem>> -> memref<1x128xf32, #tpu.memory_space<vmem>>
      %dma_start3A_178 = tpu.memref_squeeze %dma_start3A_177 : memref<1x128xf32, #tpu.memory_space<vmem>> -> memref<128xf32, #tpu.memory_space<vmem>>
      %dma_start3A_179 = tpu.memref_slice %arg9[%multiple_of3A_125] : memref<1000000xf32, #tpu.memory_space<hbm>> -> memref<128xf32, #tpu.memory_space<hbm>>
      tpu.enqueue_dma source(%dma_start3A_179 : memref<128xf32, #tpu.memory_space<hbm>>) target(%dma_start3A_178 : memref<128xf32, #tpu.memory_space<vmem>>) target_semaphore(%arg33 : memref<!tpu.dma_semaphore, #tpu.memory_space<semaphore_mem>>)
      %dma_start3A_180 = arith.constant 1 : i32
      %dma_start3A_181 = arith.constant 0 : i32
      %dma_start3A_182 = tpu.memref_slice %arg28[%dma_start3A_180, %dma_start3A_181] : memref<16x128xf32, #tpu.memory_space<vmem>> -> memref<1x128xf32, #tpu.memory_space<vmem>>
      %dma_start3A_183 = tpu.memref_squeeze %dma_start3A_182 : memref<1x128xf32, #tpu.memory_space<vmem>> -> memref<128xf32, #tpu.memory_space<vmem>>
      %dma_start3A_184 = tpu.memref_slice %arg10[%multiple_of3A_128] : memref<1000000xf32, #tpu.memory_space<hbm>> -> memref<128xf32, #tpu.memory_space<hbm>>
      %dma_start3A_185 = arith.constant 0 : i32
      %dma_start3A_186 = tpu.memref_slice %arg28[%dma_start3A_180, %dma_start3A_185] : memref<16x128xf32, #tpu.memory_space<vmem>> -> memref<1x128xf32, #tpu.memory_space<vmem>>
      %dma_start3A_187 = tpu.memref_squeeze %dma_start3A_186 : memref<1x128xf32, #tpu.memory_space<vmem>> -> memref<128xf32, #tpu.memory_space<vmem>>
      %dma_start3A_188 = tpu.memref_slice %arg10[%multiple_of3A_128] : memref<1000000xf32, #tpu.memory_space<hbm>> -> memref<128xf32, #tpu.memory_space<hbm>>
      tpu.enqueue_dma source(%dma_start3A_188 : memref<128xf32, #tpu.memory_space<hbm>>) target(%dma_start3A_187 : memref<128xf32, #tpu.memory_space<vmem>>) target_semaphore(%arg33 : memref<!tpu.dma_semaphore, #tpu.memory_space<semaphore_mem>>)
      %dma_start3A_189 = arith.constant 1 : i32
      %dma_start3A_190 = arith.constant 0 : i32
      %dma_start3A_191 = tpu.memref_slice %arg29[%dma_start3A_189, %dma_start3A_190] : memref<16x128xf32, #tpu.memory_space<vmem>> -> memref<1x128xf32, #tpu.memory_space<vmem>>
      %dma_start3A_192 = tpu.memref_squeeze %dma_start3A_191 : memref<1x128xf32, #tpu.memory_space<vmem>> -> memref<128xf32, #tpu.memory_space<vmem>>
      %dma_start3A_193 = tpu.memref_slice %arg12[%multiple_of3A_131] : memref<100000xf32, #tpu.memory_space<hbm>> -> memref<128xf32, #tpu.memory_space<hbm>>
      %dma_start3A_194 = arith.constant 0 : i32
      %dma_start3A_195 = tpu.memref_slice %arg29[%dma_start3A_189, %dma_start3A_194] : memref<16x128xf32, #tpu.memory_space<vmem>> -> memref<1x128xf32, #tpu.memory_space<vmem>>
      %dma_start3A_196 = tpu.memref_squeeze %dma_start3A_195 : memref<1x128xf32, #tpu.memory_space<vmem>> -> memref<128xf32, #tpu.memory_space<vmem>>
      %dma_start3A_197 = tpu.memref_slice %arg12[%multiple_of3A_131] : memref<100000xf32, #tpu.memory_space<hbm>> -> memref<128xf32, #tpu.memory_space<hbm>>
      tpu.enqueue_dma source(%dma_start3A_197 : memref<128xf32, #tpu.memory_space<hbm>>) target(%dma_start3A_196 : memref<128xf32, #tpu.memory_space<vmem>>) target_semaphore(%arg33 : memref<!tpu.dma_semaphore, #tpu.memory_space<semaphore_mem>>)
      %slice3A_198 = vector.extract_strided_slice %get3A_45 {offsets = [2], sizes = [1], strides = [1]} : vector<16xi32> to vector<1xi32>
      %squeeze3A_199 = vector.extract %slice3A_198[0] : i32 from vector<1xi32>
      %multiple_of3A_200 = tpu.assume_multiple %squeeze3A_199, 128 : i32
      %slice3A_201 = vector.extract_strided_slice %get3A_47 {offsets = [2], sizes = [1], strides = [1]} : vector<16xi32> to vector<1xi32>
      %squeeze3A_202 = vector.extract %slice3A_201[0] : i32 from vector<1xi32>
      %multiple_of3A_203 = tpu.assume_multiple %squeeze3A_202, 128 : i32
      %slice3A_204 = vector.extract_strided_slice %get3A_49 {offsets = [2], sizes = [1], strides = [1]} : vector<16xi32> to vector<1xi32>
      %squeeze3A_205 = vector.extract %slice3A_204[0] : i32 from vector<1xi32>
      %multiple_of3A_206 = tpu.assume_multiple %squeeze3A_205, 128 : i32
      %dma_start3A_207 = arith.constant 2 : i32
      %dma_start3A_208 = arith.constant 0 : i32
      %dma_start3A_209 = arith.constant 0 : i32
      %dma_start3A_210 = tpu.memref_slice %arg24[%dma_start3A_207, %dma_start3A_208, %dma_start3A_209] : memref<16x16x128xf32, #tpu.memory_space<vmem>> -> memref<1x16x128xf32, #tpu.memory_space<vmem>>
      %dma_start3A_211 = tpu.memref_squeeze %dma_start3A_210 : memref<1x16x128xf32, #tpu.memory_space<vmem>> -> memref<16x128xf32, #tpu.memory_space<vmem>>
      %dma_start3A_212 = arith.constant 0 : i32
      %dma_start3A_213 = tpu.memref_slice %arg5[%dma_start3A_212, %multiple_of3A_200] : memref<16x1000000xf32, #tpu.memory_space<hbm>> -> memref<16x128xf32, #tpu.memory_space<hbm>>
      %dma_start3A_214 = arith.constant 0 : i32
      %dma_start3A_215 = arith.constant 0 : i32
      %dma_start3A_216 = tpu.memref_slice %arg24[%dma_start3A_207, %dma_start3A_214, %dma_start3A_215] : memref<16x16x128xf32, #tpu.memory_space<vmem>> -> memref<1x16x128xf32, #tpu.memory_space<vmem>>
      %dma_start3A_217 = tpu.memref_squeeze %dma_start3A_216 : memref<1x16x128xf32, #tpu.memory_space<vmem>> -> memref<16x128xf32, #tpu.memory_space<vmem>>
      %dma_start3A_218 = arith.constant 0 : i32
      %dma_start3A_219 = tpu.memref_slice %arg5[%dma_start3A_218, %multiple_of3A_200] : memref<16x1000000xf32, #tpu.memory_space<hbm>> -> memref<16x128xf32, #tpu.memory_space<hbm>>
      tpu.enqueue_dma source(%dma_start3A_219 : memref<16x128xf32, #tpu.memory_space<hbm>>) target(%dma_start3A_217 : memref<16x128xf32, #tpu.memory_space<vmem>>) target_semaphore(%arg33 : memref<!tpu.dma_semaphore, #tpu.memory_space<semaphore_mem>>)
      %dma_start3A_220 = arith.constant 2 : i32
      %dma_start3A_221 = arith.constant 0 : i32
      %dma_start3A_222 = arith.constant 0 : i32
      %dma_start3A_223 = tpu.memref_slice %arg25[%dma_start3A_220, %dma_start3A_221, %dma_start3A_222] : memref<16x16x128xf32, #tpu.memory_space<vmem>> -> memref<1x16x128xf32, #tpu.memory_space<vmem>>
      %dma_start3A_224 = tpu.memref_squeeze %dma_start3A_223 : memref<1x16x128xf32, #tpu.memory_space<vmem>> -> memref<16x128xf32, #tpu.memory_space<vmem>>
      %dma_start3A_225 = arith.constant 0 : i32
      %dma_start3A_226 = tpu.memref_slice %arg6[%dma_start3A_225, %multiple_of3A_203] : memref<16x1000000xf32, #tpu.memory_space<hbm>> -> memref<16x128xf32, #tpu.memory_space<hbm>>
      %dma_start3A_227 = arith.constant 0 : i32
      %dma_start3A_228 = arith.constant 0 : i32
      %dma_start3A_229 = tpu.memref_slice %arg25[%dma_start3A_220, %dma_start3A_227, %dma_start3A_228] : memref<16x16x128xf32, #tpu.memory_space<vmem>> -> memref<1x16x128xf32, #tpu.memory_space<vmem>>
      %dma_start3A_230 = tpu.memref_squeeze %dma_start3A_229 : memref<1x16x128xf32, #tpu.memory_space<vmem>> -> memref<16x128xf32, #tpu.memory_space<vmem>>
      %dma_start3A_231 = arith.constant 0 : i32
      %dma_start3A_232 = tpu.memref_slice %arg6[%dma_start3A_231, %multiple_of3A_203] : memref<16x1000000xf32, #tpu.memory_space<hbm>> -> memref<16x128xf32, #tpu.memory_space<hbm>>
      tpu.enqueue_dma source(%dma_start3A_232 : memref<16x128xf32, #tpu.memory_space<hbm>>) target(%dma_start3A_230 : memref<16x128xf32, #tpu.memory_space<vmem>>) target_semaphore(%arg33 : memref<!tpu.dma_semaphore, #tpu.memory_space<semaphore_mem>>)
      %dma_start3A_233 = arith.constant 2 : i32
      %dma_start3A_234 = arith.constant 0 : i32
      %dma_start3A_235 = arith.constant 0 : i32
      %dma_start3A_236 = tpu.memref_slice %arg26[%dma_start3A_233, %dma_start3A_234, %dma_start3A_235] : memref<16x16x128xf32, #tpu.memory_space<vmem>> -> memref<1x16x128xf32, #tpu.memory_space<vmem>>
      %dma_start3A_237 = tpu.memref_squeeze %dma_start3A_236 : memref<1x16x128xf32, #tpu.memory_space<vmem>> -> memref<16x128xf32, #tpu.memory_space<vmem>>
      %dma_start3A_238 = arith.constant 0 : i32
      %dma_start3A_239 = tpu.memref_slice %arg8[%dma_start3A_238, %multiple_of3A_206] : memref<16x100000xf32, #tpu.memory_space<hbm>> -> memref<16x128xf32, #tpu.memory_space<hbm>>
      %dma_start3A_240 = arith.constant 0 : i32
      %dma_start3A_241 = arith.constant 0 : i32
      %dma_start3A_242 = tpu.memref_slice %arg26[%dma_start3A_233, %dma_start3A_240, %dma_start3A_241] : memref<16x16x128xf32, #tpu.memory_space<vmem>> -> memref<1x16x128xf32, #tpu.memory_space<vmem>>
      %dma_start3A_243 = tpu.memref_squeeze %dma_start3A_242 : memref<1x16x128xf32, #tpu.memory_space<vmem>> -> memref<16x128xf32, #tpu.memory_space<vmem>>
      %dma_start3A_244 = arith.constant 0 : i32
      %dma_start3A_245 = tpu.memref_slice %arg8[%dma_start3A_244, %multiple_of3A_206] : memref<16x100000xf32, #tpu.memory_space<hbm>> -> memref<16x128xf32, #tpu.memory_space<hbm>>
      tpu.enqueue_dma source(%dma_start3A_245 : memref<16x128xf32, #tpu.memory_space<hbm>>) target(%dma_start3A_243 : memref<16x128xf32, #tpu.memory_space<vmem>>) target_semaphore(%arg33 : memref<!tpu.dma_semaphore, #tpu.memory_space<semaphore_mem>>)
      %dma_start3A_246 = arith.constant 2 : i32
      %dma_start3A_247 = arith.constant 0 : i32
      %dma_start3A_248 = tpu.memref_slice %arg27[%dma_start3A_246, %dma_start3A_247] : memref<16x128xf32, #tpu.memory_space<vmem>> -> memref<1x128xf32, #tpu.memory_space<vmem>>
      %dma_start3A_249 = tpu.memref_squeeze %dma_start3A_248 : memref<1x128xf32, #tpu.memory_space<vmem>> -> memref<128xf32, #tpu.memory_space<vmem>>
      %dma_start3A_250 = tpu.memref_slice %arg9[%multiple_of3A_200] : memref<1000000xf32, #tpu.memory_space<hbm>> -> memref<128xf32, #tpu.memory_space<hbm>>
      %dma_start3A_251 = arith.constant 0 : i32
      %dma_start3A_252 = tpu.memref_slice %arg27[%dma_start3A_246, %dma_start3A_251] : memref<16x128xf32, #tpu.memory_space<vmem>> -> memref<1x128xf32, #tpu.memory_space<vmem>>
      %dma_start3A_253 = tpu.memref_squeeze %dma_start3A_252 : memref<1x128xf32, #tpu.memory_space<vmem>> -> memref<128xf32, #tpu.memory_space<vmem>>
      %dma_start3A_254 = tpu.memref_slice %arg9[%multiple_of3A_200] : memref<1000000xf32, #tpu.memory_space<hbm>> -> memref<128xf32, #tpu.memory_space<hbm>>
      tpu.enqueue_dma source(%dma_start3A_254 : memref<128xf32, #tpu.memory_space<hbm>>) target(%dma_start3A_253 : memref<128xf32, #tpu.memory_space<vmem>>) target_semaphore(%arg33 : memref<!tpu.dma_semaphore, #tpu.memory_space<semaphore_mem>>)
      %dma_start3A_255 = arith.constant 2 : i32
      %dma_start3A_256 = arith.constant 0 : i32
      %dma_start3A_257 = tpu.memref_slice %arg28[%dma_start3A_255, %dma_start3A_256] : memref<16x128xf32, #tpu.memory_space<vmem>> -> memref<1x128xf32, #tpu.memory_space<vmem>>
      %dma_start3A_258 = tpu.memref_squeeze %dma_start3A_257 : memref<1x128xf32, #tpu.memory_space<vmem>> -> memref<128xf32, #tpu.memory_space<vmem>>
      %dma_start3A_259 = tpu.memref_slice %arg10[%multiple_of3A_203] : memref<1000000xf32, #tpu.memory_space<hbm>> -> memref<128xf32, #tpu.memory_space<hbm>>
      %dma_start3A_260 = arith.constant 0 : i32
      %dma_start3A_261 = tpu.memref_slice %arg28[%dma_start3A_255, %dma_start3A_260] : memref<16x128xf32, #tpu.memory_space<vmem>> -> memref<1x128xf32, #tpu.memory_space<vmem>>
      %dma_start3A_262 = tpu.memref_squeeze %dma_start3A_261 : memref<1x128xf32, #tpu.memory_space<vmem>> -> memref<128xf32, #tpu.memory_space<vmem>>
      %dma_start3A_263 = tpu.memref_slice %arg10[%multiple_of3A_203] : memref<1000000xf32, #tpu.memory_space<hbm>> -> memref<128xf32, #tpu.memory_space<hbm>>
      tpu.enqueue_dma source(%dma_start3A_263 : memref<128xf32, #tpu.memory_space<hbm>>) target(%dma_start3A_262 : memref<128xf32, #tpu.memory_space<vmem>>) target_semaphore(%arg33 : memref<!tpu.dma_semaphore, #tpu.memory_space<semaphore_mem>>)
      %dma_start3A_264 = arith.constant 2 : i32
      %dma_start3A_265 = arith.constant 0 : i32
      %dma_start3A_266 = tpu.memref_slice %arg29[%dma_start3A_264, %dma_start3A_265] : memref<16x128xf32, #tpu.memory_space<vmem>> -> memref<1x128xf32, #tpu.memory_space<vmem>>
      %dma_start3A_267 = tpu.memref_squeeze %dma_start3A_266 : memref<1x128xf32, #tpu.memory_space<vmem>> -> memref<128xf32, #tpu.memory_space<vmem>>
      %dma_start3A_268 = tpu.memref_slice %arg12[%multiple_of3A_206] : memref<100000xf32, #tpu.memory_space<hbm>> -> memref<128xf32, #tpu.memory_space<hbm>>
      %dma_start3A_269 = arith.constant 0 : i32
      %dma_start3A_270 = tpu.memref_slice %arg29[%dma_start3A_264, %dma_start3A_269] : memref<16x128xf32, #tpu.memory_space<vmem>> -> memref<1x128xf32, #tpu.memory_space<vmem>>
      %dma_start3A_271 = tpu.memref_squeeze %dma_start3A_270 : memref<1x128xf32, #tpu.memory_space<vmem>> -> memref<128xf32, #tpu.memory_space<vmem>>
      %dma_start3A_272 = tpu.memref_slice %arg12[%multiple_of3A_206] : memref<100000xf32, #tpu.memory_space<hbm>> -> memref<128xf32, #tpu.memory_space<hbm>>
      tpu.enqueue_dma source(%dma_start3A_272 : memref<128xf32, #tpu.memory_space<hbm>>) target(%dma_start3A_271 : memref<128xf32, #tpu.memory_space<vmem>>) target_semaphore(%arg33 : memref<!tpu.dma_semaphore, #tpu.memory_space<semaphore_mem>>)
      %slice3A_273 = vector.extract_strided_slice %get3A_45 {offsets = [3], sizes = [1], strides = [1]} : vector<16xi32> to vector<1xi32>
      %squeeze3A_274 = vector.extract %slice3A_273[0] : i32 from vector<1xi32>
      %multiple_of3A_275 = tpu.assume_multiple %squeeze3A_274, 128 : i32
      %slice3A_276 = vector.extract_strided_slice %get3A_47 {offsets = [3], sizes = [1], strides = [1]} : vector<16xi32> to vector<1xi32>
      %squeeze3A_277 = vector.extract %slice3A_276[0] : i32 from vector<1xi32>
      %multiple_of3A_278 = tpu.assume_multiple %squeeze3A_277, 128 : i32
      %slice3A_279 = vector.extract_strided_slice %get3A_49 {offsets = [3], sizes = [1], strides = [1]} : vector<16xi32> to vector<1xi32>
      %squeeze3A_280 = vector.extract %slice3A_279[0] : i32 from vector<1xi32>
      %multiple_of3A_281 = tpu.assume_multiple %squeeze3A_280, 128 : i32
      %dma_start3A_282 = arith.constant 3 : i32
      %dma_start3A_283 = arith.constant 0 : i32
      %dma_start3A_284 = arith.constant 0 : i32
      %dma_start3A_285 = tpu.memref_slice %arg24[%dma_start3A_282, %dma_start3A_283, %dma_start3A_284] : memref<16x16x128xf32, #tpu.memory_space<vmem>> -> memref<1x16x128xf32, #tpu.memory_space<vmem>>
      %dma_start3A_286 = tpu.memref_squeeze %dma_start3A_285 : memref<1x16x128xf32, #tpu.memory_space<vmem>> -> memref<16x128xf32, #tpu.memory_space<vmem>>
      %dma_start3A_287 = arith.constant 0 : i32
      %dma_start3A_288 = tpu.memref_slice %arg5[%dma_start3A_287, %multiple_of3A_275] : memref<16x1000000xf32, #tpu.memory_space<hbm>> -> memref<16x128xf32, #tpu.memory_space<hbm>>
      %dma_start3A_289 = arith.constant 0 : i32
      %dma_start3A_290 = arith.constant 0 : i32
      %dma_start3A_291 = tpu.memref_slice %arg24[%dma_start3A_282, %dma_start3A_289, %dma_start3A_290] : memref<16x16x128xf32, #tpu.memory_space<vmem>> -> memref<1x16x128xf32, #tpu.memory_space<vmem>>
      %dma_start3A_292 = tpu.memref_squeeze %dma_start3A_291 : memref<1x16x128xf32, #tpu.memory_space<vmem>> -> memref<16x128xf32, #tpu.memory_space<vmem>>
      %dma_start3A_293 = arith.constant 0 : i32
      %dma_start3A_294 = tpu.memref_slice %arg5[%dma_start3A_293, %multiple_of3A_275] : memref<16x1000000xf32, #tpu.memory_space<hbm>> -> memref<16x128xf32, #tpu.memory_space<hbm>>
      tpu.enqueue_dma source(%dma_start3A_294 : memref<16x128xf32, #tpu.memory_space<hbm>>) target(%dma_start3A_292 : memref<16x128xf32, #tpu.memory_space<vmem>>) target_semaphore(%arg33 : memref<!tpu.dma_semaphore, #tpu.memory_space<semaphore_mem>>)
      %dma_start3A_295 = arith.constant 3 : i32
      %dma_start3A_296 = arith.constant 0 : i32
      %dma_start3A_297 = arith.constant 0 : i32
      %dma_start3A_298 = tpu.memref_slice %arg25[%dma_start3A_295, %dma_start3A_296, %dma_start3A_297] : memref<16x16x128xf32, #tpu.memory_space<vmem>> -> memref<1x16x128xf32, #tpu.memory_space<vmem>>
      %dma_start3A_299 = tpu.memref_squeeze %dma_start3A_298 : memref<1x16x128xf32, #tpu.memory_space<vmem>> -> memref<16x128xf32, #tpu.memory_space<vmem>>
      %dma_start3A_300 = arith.constant 0 : i32
      %dma_start3A_301 = tpu.memref_slice %arg6[%dma_start3A_300, %multiple_of3A_278] : memref<16x1000000xf32, #tpu.memory_space<hbm>> -> memref<16x128xf32, #tpu.memory_space<hbm>>
      %dma_start3A_302 = arith.constant 0 : i32
      %dma_start3A_303 = arith.constant 0 : i32
      %dma_start3A_304 = tpu.memref_slice %arg25[%dma_start3A_295, %dma_start3A_302, %dma_start3A_303] : memref<16x16x128xf32, #tpu.memory_space<vmem>> -> memref<1x16x128xf32, #tpu.memory_space<vmem>>
      %dma_start3A_305 = tpu.memref_squeeze %dma_start3A_304 : memref<1x16x128xf32, #tpu.memory_space<vmem>> -> memref<16x128xf32, #tpu.memory_space<vmem>>
      %dma_start3A_306 = arith.constant 0 : i32
      %dma_start3A_307 = tpu.memref_slice %arg6[%dma_start3A_306, %multiple_of3A_278] : memref<16x1000000xf32, #tpu.memory_space<hbm>> -> memref<16x128xf32, #tpu.memory_space<hbm>>
      tpu.enqueue_dma source(%dma_start3A_307 : memref<16x128xf32, #tpu.memory_space<hbm>>) target(%dma_start3A_305 : memref<16x128xf32, #tpu.memory_space<vmem>>) target_semaphore(%arg33 : memref<!tpu.dma_semaphore, #tpu.memory_space<semaphore_mem>>)
      %dma_start3A_308 = arith.constant 3 : i32
      %dma_start3A_309 = arith.constant 0 : i32
      %dma_start3A_310 = arith.constant 0 : i32
      %dma_start3A_311 = tpu.memref_slice %arg26[%dma_start3A_308, %dma_start3A_309, %dma_start3A_310] : memref<16x16x128xf32, #tpu.memory_space<vmem>> -> memref<1x16x128xf32, #tpu.memory_space<vmem>>
      %dma_start3A_312 = tpu.memref_squeeze %dma_start3A_311 : memref<1x16x128xf32, #tpu.memory_space<vmem>> -> memref<16x128xf32, #tpu.memory_space<vmem>>
      %dma_start3A_313 = arith.constant 0 : i32
      %dma_start3A_314 = tpu.memref_slice %arg8[%dma_start3A_313, %multiple_of3A_281] : memref<16x100000xf32, #tpu.memory_space<hbm>> -> memref<16x128xf32, #tpu.memory_space<hbm>>
      %dma_start3A_315 = arith.constant 0 : i32
      %dma_start3A_316 = arith.constant 0 : i32
      %dma_start3A_317 = tpu.memref_slice %arg26[%dma_start3A_308, %dma_start3A_315, %dma_start3A_316] : memref<16x16x128xf32, #tpu.memory_space<vmem>> -> memref<1x16x128xf32, #tpu.memory_space<vmem>>
      %dma_start3A_318 = tpu.memref_squeeze %dma_start3A_317 : memref<1x16x128xf32, #tpu.memory_space<vmem>> -> memref<16x128xf32, #tpu.memory_space<vmem>>
      %dma_start3A_319 = arith.constant 0 : i32
      %dma_start3A_320 = tpu.memref_slice %arg8[%dma_start3A_319, %multiple_of3A_281] : memref<16x100000xf32, #tpu.memory_space<hbm>> -> memref<16x128xf32, #tpu.memory_space<hbm>>
      tpu.enqueue_dma source(%dma_start3A_320 : memref<16x128xf32, #tpu.memory_space<hbm>>) target(%dma_start3A_318 : memref<16x128xf32, #tpu.memory_space<vmem>>) target_semaphore(%arg33 : memref<!tpu.dma_semaphore, #tpu.memory_space<semaphore_mem>>)
      %dma_start3A_321 = arith.constant 3 : i32
      %dma_start3A_322 = arith.constant 0 : i32
      %dma_start3A_323 = tpu.memref_slice %arg27[%dma_start3A_321, %dma_start3A_322] : memref<16x128xf32, #tpu.memory_space<vmem>> -> memref<1x128xf32, #tpu.memory_space<vmem>>
      %dma_start3A_324 = tpu.memref_squeeze %dma_start3A_323 : memref<1x128xf32, #tpu.memory_space<vmem>> -> memref<128xf32, #tpu.memory_space<vmem>>
      %dma_start3A_325 = tpu.memref_slice %arg9[%multiple_of3A_275] : memref<1000000xf32, #tpu.memory_space<hbm>> -> memref<128xf32, #tpu.memory_space<hbm>>
      %dma_start3A_326 = arith.constant 0 : i32
      %dma_start3A_327 = tpu.memref_slice %arg27[%dma_start3A_321, %dma_start3A_326] : memref<16x128xf32, #tpu.memory_space<vmem>> -> memref<1x128xf32, #tpu.memory_space<vmem>>
      %dma_start3A_328 = tpu.memref_squeeze %dma_start3A_327 : memref<1x128xf32, #tpu.memory_space<vmem>> -> memref<128xf32, #tpu.memory_space<vmem>>
      %dma_start3A_329 = tpu.memref_slice %arg9[%multiple_of3A_275] : memref<1000000xf32, #tpu.memory_space<hbm>> -> memref<128xf32, #tpu.memory_space<hbm>>
      tpu.enqueue_dma source(%dma_start3A_329 : memref<128xf32, #tpu.memory_space<hbm>>) target(%dma_start3A_328 : memref<128xf32, #tpu.memory_space<vmem>>) target_semaphore(%arg33 : memref<!tpu.dma_semaphore, #tpu.memory_space<semaphore_mem>>)
      %dma_start3A_330 = arith.constant 3 : i32
      %dma_start3A_331 = arith.constant 0 : i32
      %dma_start3A_332 = tpu.memref_slice %arg28[%dma_start3A_330, %dma_start3A_331] : memref<16x128xf32, #tpu.memory_space<vmem>> -> memref<1x128xf32, #tpu.memory_space<vmem>>
      %dma_start3A_333 = tpu.memref_squeeze %dma_start3A_332 : memref<1x128xf32, #tpu.memory_space<vmem>> -> memref<128xf32, #tpu.memory_space<vmem>>
      %dma_start3A_334 = tpu.memref_slice %arg10[%multiple_of3A_278] : memref<1000000xf32, #tpu.memory_space<hbm>> -> memref<128xf32, #tpu.memory_space<hbm>>
      %dma_start3A_335 = arith.constant 0 : i32
      %dma_start3A_336 = tpu.memref_slice %arg28[%dma_start3A_330, %dma_start3A_335] : memref<16x128xf32, #tpu.memory_space<vmem>> -> memref<1x128xf32, #tpu.memory_space<vmem>>
      %dma_start3A_337 = tpu.memref_squeeze %dma_start3A_336 : memref<1x128xf32, #tpu.memory_space<vmem>> -> memref<128xf32, #tpu.memory_space<vmem>>
      %dma_start3A_338 = tpu.memref_slice %arg10[%multiple_of3A_278] : memref<1000000xf32, #tpu.memory_space<hbm>> -> memref<128xf32, #tpu.memory_space<hbm>>
      tpu.enqueue_dma source(%dma_start3A_338 : memref<128xf32, #tpu.memory_space<hbm>>) target(%dma_start3A_337 : memref<128xf32, #tpu.memory_space<vmem>>) target_semaphore(%arg33 : memref<!tpu.dma_semaphore, #tpu.memory_space<semaphore_mem>>)
      %dma_start3A_339 = arith.constant 3 : i32
      %dma_start3A_340 = arith.constant 0 : i32
      %dma_start3A_341 = tpu.memref_slice %arg29[%dma_start3A_339, %dma_start3A_340] : memref<16x128xf32, #tpu.memory_space<vmem>> -> memref<1x128xf32, #tpu.memory_space<vmem>>
      %dma_start3A_342 = tpu.memref_squeeze %dma_start3A_341 : memref<1x128xf32, #tpu.memory_space<vmem>> -> memref<128xf32, #tpu.memory_space<vmem>>
      %dma_start3A_343 = tpu.memref_slice %arg12[%multiple_of3A_281] : memref<100000xf32, #tpu.memory_space<hbm>> -> memref<128xf32, #tpu.memory_space<hbm>>
      %dma_start3A_344 = arith.constant 0 : i32
      %dma_start3A_345 = tpu.memref_slice %arg29[%dma_start3A_339, %dma_start3A_344] : memref<16x128xf32, #tpu.memory_space<vmem>> -> memref<1x128xf32, #tpu.memory_space<vmem>>
      %dma_start3A_346 = tpu.memref_squeeze %dma_start3A_345 : memref<1x128xf32, #tpu.memory_space<vmem>> -> memref<128xf32, #tpu.memory_space<vmem>>
      %dma_start3A_347 = tpu.memref_slice %arg12[%multiple_of3A_281] : memref<100000xf32, #tpu.memory_space<hbm>> -> memref<128xf32, #tpu.memory_space<hbm>>
      tpu.enqueue_dma source(%dma_start3A_347 : memref<128xf32, #tpu.memory_space<hbm>>) target(%dma_start3A_346 : memref<128xf32, #tpu.memory_space<vmem>>) target_semaphore(%arg33 : memref<!tpu.dma_semaphore, #tpu.memory_space<semaphore_mem>>)
      %slice3A_348 = vector.extract_strided_slice %get3A_45 {offsets = [4], sizes = [1], strides = [1]} : vector<16xi32> to vector<1xi32>
      %squeeze3A_349 = vector.extract %slice3A_348[0] : i32 from vector<1xi32>
      %multiple_of3A_350 = tpu.assume_multiple %squeeze3A_349, 128 : i32
      %slice3A_351 = vector.extract_strided_slice %get3A_47 {offsets = [4], sizes = [1], strides = [1]} : vector<16xi32> to vector<1xi32>
      %squeeze3A_352 = vector.extract %slice3A_351[0] : i32 from vector<1xi32>
      %multiple_of3A_353 = tpu.assume_multiple %squeeze3A_352, 128 : i32
      %slice3A_354 = vector.extract_strided_slice %get3A_49 {offsets = [4], sizes = [1], strides = [1]} : vector<16xi32> to vector<1xi32>
      %squeeze3A_355 = vector.extract %slice3A_354[0] : i32 from vector<1xi32>
      %multiple_of3A_356 = tpu.assume_multiple %squeeze3A_355, 128 : i32
      %dma_start3A_357 = arith.constant 4 : i32
      %dma_start3A_358 = arith.constant 0 : i32
      %dma_start3A_359 = arith.constant 0 : i32
      %dma_start3A_360 = tpu.memref_slice %arg24[%dma_start3A_357, %dma_start3A_358, %dma_start3A_359] : memref<16x16x128xf32, #tpu.memory_space<vmem>> -> memref<1x16x128xf32, #tpu.memory_space<vmem>>
      %dma_start3A_361 = tpu.memref_squeeze %dma_start3A_360 : memref<1x16x128xf32, #tpu.memory_space<vmem>> -> memref<16x128xf32, #tpu.memory_space<vmem>>
      %dma_start3A_362 = arith.constant 0 : i32
      %dma_start3A_363 = tpu.memref_slice %arg5[%dma_start3A_362, %multiple_of3A_350] : memref<16x1000000xf32, #tpu.memory_space<hbm>> -> memref<16x128xf32, #tpu.memory_space<hbm>>
      %dma_start3A_364 = arith.constant 0 : i32
      %dma_start3A_365 = arith.constant 0 : i32
      %dma_start3A_366 = tpu.memref_slice %arg24[%dma_start3A_357, %dma_start3A_364, %dma_start3A_365] : memref<16x16x128xf32, #tpu.memory_space<vmem>> -> memref<1x16x128xf32, #tpu.memory_space<vmem>>
      %dma_start3A_367 = tpu.memref_squeeze %dma_start3A_366 : memref<1x16x128xf32, #tpu.memory_space<vmem>> -> memref<16x128xf32, #tpu.memory_space<vmem>>
      %dma_start3A_368 = arith.constant 0 : i32
      %dma_start3A_369 = tpu.memref_slice %arg5[%dma_start3A_368, %multiple_of3A_350] : memref<16x1000000xf32, #tpu.memory_space<hbm>> -> memref<16x128xf32, #tpu.memory_space<hbm>>
      tpu.enqueue_dma source(%dma_start3A_369 : memref<16x128xf32, #tpu.memory_space<hbm>>) target(%dma_start3A_367 : memref<16x128xf32, #tpu.memory_space<vmem>>) target_semaphore(%arg33 : memref<!tpu.dma_semaphore, #tpu.memory_space<semaphore_mem>>)
      %dma_start3A_370 = arith.constant 4 : i32
      %dma_start3A_371 = arith.constant 0 : i32
      %dma_start3A_372 = arith.constant 0 : i32
      %dma_start3A_373 = tpu.memref_slice %arg25[%dma_start3A_370, %dma_start3A_371, %dma_start3A_372] : memref<16x16x128xf32, #tpu.memory_space<vmem>> -> memref<1x16x128xf32, #tpu.memory_space<vmem>>
      %dma_start3A_374 = tpu.memref_squeeze %dma_start3A_373 : memref<1x16x128xf32, #tpu.memory_space<vmem>> -> memref<16x128xf32, #tpu.memory_space<vmem>>
      %dma_start3A_375 = arith.constant 0 : i32
      %dma_start3A_376 = tpu.memref_slice %arg6[%dma_start3A_375, %multiple_of3A_353] : memref<16x1000000xf32, #tpu.memory_space<hbm>> -> memref<16x128xf32, #tpu.memory_space<hbm>>
      %dma_start3A_377 = arith.constant 0 : i32
      %dma_start3A_378 = arith.constant 0 : i32
      %dma_start3A_379 = tpu.memref_slice %arg25[%dma_start3A_370, %dma_start3A_377, %dma_start3A_378] : memref<16x16x128xf32, #tpu.memory_space<vmem>> -> memref<1x16x128xf32, #tpu.memory_space<vmem>>
      %dma_start3A_380 = tpu.memref_squeeze %dma_start3A_379 : memref<1x16x128xf32, #tpu.memory_space<vmem>> -> memref<16x128xf32, #tpu.memory_space<vmem>>
      %dma_start3A_381 = arith.constant 0 : i32
      %dma_start3A_382 = tpu.memref_slice %arg6[%dma_start3A_381, %multiple_of3A_353] : memref<16x1000000xf32, #tpu.memory_space<hbm>> -> memref<16x128xf32, #tpu.memory_space<hbm>>
      tpu.enqueue_dma source(%dma_start3A_382 : memref<16x128xf32, #tpu.memory_space<hbm>>) target(%dma_start3A_380 : memref<16x128xf32, #tpu.memory_space<vmem>>) target_semaphore(%arg33 : memref<!tpu.dma_semaphore, #tpu.memory_space<semaphore_mem>>)
      %dma_start3A_383 = arith.constant 4 : i32
      %dma_start3A_384 = arith.constant 0 : i32
      %dma_start3A_385 = arith.constant 0 : i32
      %dma_start3A_386 = tpu.memref_slice %arg26[%dma_start3A_383, %dma_start3A_384, %dma_start3A_385] : memref<16x16x128xf32, #tpu.memory_space<vmem>> -> memref<1x16x128xf32, #tpu.memory_space<vmem>>
      %dma_start3A_387 = tpu.memref_squeeze %dma_start3A_386 : memref<1x16x128xf32, #tpu.memory_space<vmem>> -> memref<16x128xf32, #tpu.memory_space<vmem>>
      %dma_start3A_388 = arith.constant 0 : i32
      %dma_start3A_389 = tpu.memref_slice %arg8[%dma_start3A_388, %multiple_of3A_356] : memref<16x100000xf32, #tpu.memory_space<hbm>> -> memref<16x128xf32, #tpu.memory_space<hbm>>
      %dma_start3A_390 = arith.constant 0 : i32
      %dma_start3A_391 = arith.constant 0 : i32
      %dma_start3A_392 = tpu.memref_slice %arg26[%dma_start3A_383, %dma_start3A_390, %dma_start3A_391] : memref<16x16x128xf32, #tpu.memory_space<vmem>> -> memref<1x16x128xf32, #tpu.memory_space<vmem>>
      %dma_start3A_393 = tpu.memref_squeeze %dma_start3A_392 : memref<1x16x128xf32, #tpu.memory_space<vmem>> -> memref<16x128xf32, #tpu.memory_space<vmem>>
      %dma_start3A_394 = arith.constant 0 : i32
      %dma_start3A_395 = tpu.memref_slice %arg8[%dma_start3A_394, %multiple_of3A_356] : memref<16x100000xf32, #tpu.memory_space<hbm>> -> memref<16x128xf32, #tpu.memory_space<hbm>>
      tpu.enqueue_dma source(%dma_start3A_395 : memref<16x128xf32, #tpu.memory_space<hbm>>) target(%dma_start3A_393 : memref<16x128xf32, #tpu.memory_space<vmem>>) target_semaphore(%arg33 : memref<!tpu.dma_semaphore, #tpu.memory_space<semaphore_mem>>)
      %dma_start3A_396 = arith.constant 4 : i32
      %dma_start3A_397 = arith.constant 0 : i32
      %dma_start3A_398 = tpu.memref_slice %arg27[%dma_start3A_396, %dma_start3A_397] : memref<16x128xf32, #tpu.memory_space<vmem>> -> memref<1x128xf32, #tpu.memory_space<vmem>>
      %dma_start3A_399 = tpu.memref_squeeze %dma_start3A_398 : memref<1x128xf32, #tpu.memory_space<vmem>> -> memref<128xf32, #tpu.memory_space<vmem>>
      %dma_start3A_400 = tpu.memref_slice %arg9[%multiple_of3A_350] : memref<1000000xf32, #tpu.memory_space<hbm>> -> memref<128xf32, #tpu.memory_space<hbm>>
      %dma_start3A_401 = arith.constant 0 : i32
      %dma_start3A_402 = tpu.memref_slice %arg27[%dma_start3A_396, %dma_start3A_401] : memref<16x128xf32, #tpu.memory_space<vmem>> -> memref<1x128xf32, #tpu.memory_space<vmem>>
      %dma_start3A_403 = tpu.memref_squeeze %dma_start3A_402 : memref<1x128xf32, #tpu.memory_space<vmem>> -> memref<128xf32, #tpu.memory_space<vmem>>
      %dma_start3A_404 = tpu.memref_slice %arg9[%multiple_of3A_350] : memref<1000000xf32, #tpu.memory_space<hbm>> -> memref<128xf32, #tpu.memory_space<hbm>>
      tpu.enqueue_dma source(%dma_start3A_404 : memref<128xf32, #tpu.memory_space<hbm>>) target(%dma_start3A_403 : memref<128xf32, #tpu.memory_space<vmem>>) target_semaphore(%arg33 : memref<!tpu.dma_semaphore, #tpu.memory_space<semaphore_mem>>)
      %dma_start3A_405 = arith.constant 4 : i32
      %dma_start3A_406 = arith.constant 0 : i32
      %dma_start3A_407 = tpu.memref_slice %arg28[%dma_start3A_405, %dma_start3A_406] : memref<16x128xf32, #tpu.memory_space<vmem>> -> memref<1x128xf32, #tpu.memory_space<vmem>>
      %dma_start3A_408 = tpu.memref_squeeze %dma_start3A_407 : memref<1x128xf32, #tpu.memory_space<vmem>> -> memref<128xf32, #tpu.memory_space<vmem>>
      %dma_start3A_409 = tpu.memref_slice %arg10[%multiple_of3A_353] : memref<1000000xf32, #tpu.memory_space<hbm>> -> memref<128xf32, #tpu.memory_space<hbm>>
      %dma_start3A_410 = arith.constant 0 : i32
      %dma_start3A_411 = tpu.memref_slice %arg28[%dma_start3A_405, %dma_start3A_410] : memref<16x128xf32, #tpu.memory_space<vmem>> -> memref<1x128xf32, #tpu.memory_space<vmem>>
      %dma_start3A_412 = tpu.memref_squeeze %dma_start3A_411 : memref<1x128xf32, #tpu.memory_space<vmem>> -> memref<128xf32, #tpu.memory_space<vmem>>
      %dma_start3A_413 = tpu.memref_slice %arg10[%multiple_of3A_353] : memref<1000000xf32, #tpu.memory_space<hbm>> -> memref<128xf32, #tpu.memory_space<hbm>>
      tpu.enqueue_dma source(%dma_start3A_413 : memref<128xf32, #tpu.memory_space<hbm>>) target(%dma_start3A_412 : memref<128xf32, #tpu.memory_space<vmem>>) target_semaphore(%arg33 : memref<!tpu.dma_semaphore, #tpu.memory_space<semaphore_mem>>)
      %dma_start3A_414 = arith.constant 4 : i32
      %dma_start3A_415 = arith.constant 0 : i32
      %dma_start3A_416 = tpu.memref_slice %arg29[%dma_start3A_414, %dma_start3A_415] : memref<16x128xf32, #tpu.memory_space<vmem>> -> memref<1x128xf32, #tpu.memory_space<vmem>>
      %dma_start3A_417 = tpu.memref_squeeze %dma_start3A_416 : memref<1x128xf32, #tpu.memory_space<vmem>> -> memref<128xf32, #tpu.memory_space<vmem>>
      %dma_start3A_418 = tpu.memref_slice %arg12[%multiple_of3A_356] : memref<100000xf32, #tpu.memory_space<hbm>> -> memref<128xf32, #tpu.memory_space<hbm>>
      %dma_start3A_419 = arith.constant 0 : i32
      %dma_start3A_420 = tpu.memref_slice %arg29[%dma_start3A_414, %dma_start3A_419] : memref<16x128xf32, #tpu.memory_space<vmem>> -> memref<1x128xf32, #tpu.memory_space<vmem>>
      %dma_start3A_421 = tpu.memref_squeeze %dma_start3A_420 : memref<1x128xf32, #tpu.memory_space<vmem>> -> memref<128xf32, #tpu.memory_space<vmem>>
      %dma_start3A_422 = tpu.memref_slice %arg12[%multiple_of3A_356] : memref<100000xf32, #tpu.memory_space<hbm>> -> memref<128xf32, #tpu.memory_space<hbm>>
      tpu.enqueue_dma source(%dma_start3A_422 : memref<128xf32, #tpu.memory_space<hbm>>) target(%dma_start3A_421 : memref<128xf32, #tpu.memory_space<vmem>>) target_semaphore(%arg33 : memref<!tpu.dma_semaphore, #tpu.memory_space<semaphore_mem>>)
      %slice3A_423 = vector.extract_strided_slice %get3A_45 {offsets = [5], sizes = [1], strides = [1]} : vector<16xi32> to vector<1xi32>
      %squeeze3A_424 = vector.extract %slice3A_423[0] : i32 from vector<1xi32>
      %multiple_of3A_425 = tpu.assume_multiple %squeeze3A_424, 128 : i32
      %slice3A_426 = vector.extract_strided_slice %get3A_47 {offsets = [5], sizes = [1], strides = [1]} : vector<16xi32> to vector<1xi32>
      %squeeze3A_427 = vector.extract %slice3A_426[0] : i32 from vector<1xi32>
      %multiple_of3A_428 = tpu.assume_multiple %squeeze3A_427, 128 : i32
      %slice3A_429 = vector.extract_strided_slice %get3A_49 {offsets = [5], sizes = [1], strides = [1]} : vector<16xi32> to vector<1xi32>
      %squeeze3A_430 = vector.extract %slice3A_429[0] : i32 from vector<1xi32>
      %multiple_of3A_431 = tpu.assume_multiple %squeeze3A_430, 128 : i32
      %dma_start3A_432 = arith.constant 5 : i32
      %dma_start3A_433 = arith.constant 0 : i32
      %dma_start3A_434 = arith.constant 0 : i32
      %dma_start3A_435 = tpu.memref_slice %arg24[%dma_start3A_432, %dma_start3A_433, %dma_start3A_434] : memref<16x16x128xf32, #tpu.memory_space<vmem>> -> memref<1x16x128xf32, #tpu.memory_space<vmem>>
      %dma_start3A_436 = tpu.memref_squeeze %dma_start3A_435 : memref<1x16x128xf32, #tpu.memory_space<vmem>> -> memref<16x128xf32, #tpu.memory_space<vmem>>
      %dma_start3A_437 = arith.constant 0 : i32
      %dma_start3A_438 = tpu.memref_slice %arg5[%dma_start3A_437, %multiple_of3A_425] : memref<16x1000000xf32, #tpu.memory_space<hbm>> -> memref<16x128xf32, #tpu.memory_space<hbm>>
      %dma_start3A_439 = arith.constant 0 : i32
      %dma_start3A_440 = arith.constant 0 : i32
      %dma_start3A_441 = tpu.memref_slice %arg24[%dma_start3A_432, %dma_start3A_439, %dma_start3A_440] : memref<16x16x128xf32, #tpu.memory_space<vmem>> -> memref<1x16x128xf32, #tpu.memory_space<vmem>>
      %dma_start3A_442 = tpu.memref_squeeze %dma_start3A_441 : memref<1x16x128xf32, #tpu.memory_space<vmem>> -> memref<16x128xf32, #tpu.memory_space<vmem>>
      %dma_start3A_443 = arith.constant 0 : i32
      %dma_start3A_444 = tpu.memref_slice %arg5[%dma_start3A_443, %multiple_of3A_425] : memref<16x1000000xf32, #tpu.memory_space<hbm>> -> memref<16x128xf32, #tpu.memory_space<hbm>>
      tpu.enqueue_dma source(%dma_start3A_444 : memref<16x128xf32, #tpu.memory_space<hbm>>) target(%dma_start3A_442 : memref<16x128xf32, #tpu.memory_space<vmem>>) target_semaphore(%arg33 : memref<!tpu.dma_semaphore, #tpu.memory_space<semaphore_mem>>)
      %dma_start3A_445 = arith.constant 5 : i32
      %dma_start3A_446 = arith.constant 0 : i32
      %dma_start3A_447 = arith.constant 0 : i32
      %dma_start3A_448 = tpu.memref_slice %arg25[%dma_start3A_445, %dma_start3A_446, %dma_start3A_447] : memref<16x16x128xf32, #tpu.memory_space<vmem>> -> memref<1x16x128xf32, #tpu.memory_space<vmem>>
      %dma_start3A_449 = tpu.memref_squeeze %dma_start3A_448 : memref<1x16x128xf32, #tpu.memory_space<vmem>> -> memref<16x128xf32, #tpu.memory_space<vmem>>
      %dma_start3A_450 = arith.constant 0 : i32
      %dma_start3A_451 = tpu.memref_slice %arg6[%dma_start3A_450, %multiple_of3A_428] : memref<16x1000000xf32, #tpu.memory_space<hbm>> -> memref<16x128xf32, #tpu.memory_space<hbm>>
      %dma_start3A_452 = arith.constant 0 : i32
      %dma_start3A_453 = arith.constant 0 : i32
      %dma_start3A_454 = tpu.memref_slice %arg25[%dma_start3A_445, %dma_start3A_452, %dma_start3A_453] : memref<16x16x128xf32, #tpu.memory_space<vmem>> -> memref<1x16x128xf32, #tpu.memory_space<vmem>>
      %dma_start3A_455 = tpu.memref_squeeze %dma_start3A_454 : memref<1x16x128xf32, #tpu.memory_space<vmem>> -> memref<16x128xf32, #tpu.memory_space<vmem>>
      %dma_start3A_456 = arith.constant 0 : i32
      %dma_start3A_457 = tpu.memref_slice %arg6[%dma_start3A_456, %multiple_of3A_428] : memref<16x1000000xf32, #tpu.memory_space<hbm>> -> memref<16x128xf32, #tpu.memory_space<hbm>>
      tpu.enqueue_dma source(%dma_start3A_457 : memref<16x128xf32, #tpu.memory_space<hbm>>) target(%dma_start3A_455 : memref<16x128xf32, #tpu.memory_space<vmem>>) target_semaphore(%arg33 : memref<!tpu.dma_semaphore, #tpu.memory_space<semaphore_mem>>)
      %dma_start3A_458 = arith.constant 5 : i32
      %dma_start3A_459 = arith.constant 0 : i32
      %dma_start3A_460 = arith.constant 0 : i32
      %dma_start3A_461 = tpu.memref_slice %arg26[%dma_start3A_458, %dma_start3A_459, %dma_start3A_460] : memref<16x16x128xf32, #tpu.memory_space<vmem>> -> memref<1x16x128xf32, #tpu.memory_space<vmem>>
      %dma_start3A_462 = tpu.memref_squeeze %dma_start3A_461 : memref<1x16x128xf32, #tpu.memory_space<vmem>> -> memref<16x128xf32, #tpu.memory_space<vmem>>
      %dma_start3A_463 = arith.constant 0 : i32
      %dma_start3A_464 = tpu.memref_slice %arg8[%dma_start3A_463, %multiple_of3A_431] : memref<16x100000xf32, #tpu.memory_space<hbm>> -> memref<16x128xf32, #tpu.memory_space<hbm>>
      %dma_start3A_465 = arith.constant 0 : i32
      %dma_start3A_466 = arith.constant 0 : i32
      %dma_start3A_467 = tpu.memref_slice %arg26[%dma_start3A_458, %dma_start3A_465, %dma_start3A_466] : memref<16x16x128xf32, #tpu.memory_space<vmem>> -> memref<1x16x128xf32, #tpu.memory_space<vmem>>
      %dma_start3A_468 = tpu.memref_squeeze %dma_start3A_467 : memref<1x16x128xf32, #tpu.memory_space<vmem>> -> memref<16x128xf32, #tpu.memory_space<vmem>>
      %dma_start3A_469 = arith.constant 0 : i32
      %dma_start3A_470 = tpu.memref_slice %arg8[%dma_start3A_469, %multiple_of3A_431] : memref<16x100000xf32, #tpu.memory_space<hbm>> -> memref<16x128xf32, #tpu.memory_space<hbm>>
      tpu.enqueue_dma source(%dma_start3A_470 : memref<16x128xf32, #tpu.memory_space<hbm>>) target(%dma_start3A_468 : memref<16x128xf32, #tpu.memory_space<vmem>>) target_semaphore(%arg33 : memref<!tpu.dma_semaphore, #tpu.memory_space<semaphore_mem>>)
      %dma_start3A_471 = arith.constant 5 : i32
      %dma_start3A_472 = arith.constant 0 : i32
      %dma_start3A_473 = tpu.memref_slice %arg27[%dma_start3A_471, %dma_start3A_472] : memref<16x128xf32, #tpu.memory_space<vmem>> -> memref<1x128xf32, #tpu.memory_space<vmem>>
      %dma_start3A_474 = tpu.memref_squeeze %dma_start3A_473 : memref<1x128xf32, #tpu.memory_space<vmem>> -> memref<128xf32, #tpu.memory_space<vmem>>
      %dma_start3A_475 = tpu.memref_slice %arg9[%multiple_of3A_425] : memref<1000000xf32, #tpu.memory_space<hbm>> -> memref<128xf32, #tpu.memory_space<hbm>>
      %dma_start3A_476 = arith.constant 0 : i32
      %dma_start3A_477 = tpu.memref_slice %arg27[%dma_start3A_471, %dma_start3A_476] : memref<16x128xf32, #tpu.memory_space<vmem>> -> memref<1x128xf32, #tpu.memory_space<vmem>>
      %dma_start3A_478 = tpu.memref_squeeze %dma_start3A_477 : memref<1x128xf32, #tpu.memory_space<vmem>> -> memref<128xf32, #tpu.memory_space<vmem>>
      %dma_start3A_479 = tpu.memref_slice %arg9[%multiple_of3A_425] : memref<1000000xf32, #tpu.memory_space<hbm>> -> memref<128xf32, #tpu.memory_space<hbm>>
      tpu.enqueue_dma source(%dma_start3A_479 : memref<128xf32, #tpu.memory_space<hbm>>) target(%dma_start3A_478 : memref<128xf32, #tpu.memory_space<vmem>>) target_semaphore(%arg33 : memref<!tpu.dma_semaphore, #tpu.memory_space<semaphore_mem>>)
      %dma_start3A_480 = arith.constant 5 : i32
      %dma_start3A_481 = arith.constant 0 : i32
      %dma_start3A_482 = tpu.memref_slice %arg28[%dma_start3A_480, %dma_start3A_481] : memref<16x128xf32, #tpu.memory_space<vmem>> -> memref<1x128xf32, #tpu.memory_space<vmem>>
      %dma_start3A_483 = tpu.memref_squeeze %dma_start3A_482 : memref<1x128xf32, #tpu.memory_space<vmem>> -> memref<128xf32, #tpu.memory_space<vmem>>
      %dma_start3A_484 = tpu.memref_slice %arg10[%multiple_of3A_428] : memref<1000000xf32, #tpu.memory_space<hbm>> -> memref<128xf32, #tpu.memory_space<hbm>>
      %dma_start3A_485 = arith.constant 0 : i32
      %dma_start3A_486 = tpu.memref_slice %arg28[%dma_start3A_480, %dma_start3A_485] : memref<16x128xf32, #tpu.memory_space<vmem>> -> memref<1x128xf32, #tpu.memory_space<vmem>>
      %dma_start3A_487 = tpu.memref_squeeze %dma_start3A_486 : memref<1x128xf32, #tpu.memory_space<vmem>> -> memref<128xf32, #tpu.memory_space<vmem>>
      %dma_start3A_488 = tpu.memref_slice %arg10[%multiple_of3A_428] : memref<1000000xf32, #tpu.memory_space<hbm>> -> memref<128xf32, #tpu.memory_space<hbm>>
      tpu.enqueue_dma source(%dma_start3A_488 : memref<128xf32, #tpu.memory_space<hbm>>) target(%dma_start3A_487 : memref<128xf32, #tpu.memory_space<vmem>>) target_semaphore(%arg33 : memref<!tpu.dma_semaphore, #tpu.memory_space<semaphore_mem>>)
      %dma_start3A_489 = arith.constant 5 : i32
      %dma_start3A_490 = arith.constant 0 : i32
      %dma_start3A_491 = tpu.memref_slice %arg29[%dma_start3A_489, %dma_start3A_490] : memref<16x128xf32, #tpu.memory_space<vmem>> -> memref<1x128xf32, #tpu.memory_space<vmem>>
      %dma_start3A_492 = tpu.memref_squeeze %dma_start3A_491 : memref<1x128xf32, #tpu.memory_space<vmem>> -> memref<128xf32, #tpu.memory_space<vmem>>
      %dma_start3A_493 = tpu.memref_slice %arg12[%multiple_of3A_431] : memref<100000xf32, #tpu.memory_space<hbm>> -> memref<128xf32, #tpu.memory_space<hbm>>
      %dma_start3A_494 = arith.constant 0 : i32
      %dma_start3A_495 = tpu.memref_slice %arg29[%dma_start3A_489, %dma_start3A_494] : memref<16x128xf32, #tpu.memory_space<vmem>> -> memref<1x128xf32, #tpu.memory_space<vmem>>
      %dma_start3A_496 = tpu.memref_squeeze %dma_start3A_495 : memref<1x128xf32, #tpu.memory_space<vmem>> -> memref<128xf32, #tpu.memory_space<vmem>>
      %dma_start3A_497 = tpu.memref_slice %arg12[%multiple_of3A_431] : memref<100000xf32, #tpu.memory_space<hbm>> -> memref<128xf32, #tpu.memory_space<hbm>>
      tpu.enqueue_dma source(%dma_start3A_497 : memref<128xf32, #tpu.memory_space<hbm>>) target(%dma_start3A_496 : memref<128xf32, #tpu.memory_space<vmem>>) target_semaphore(%arg33 : memref<!tpu.dma_semaphore, #tpu.memory_space<semaphore_mem>>)
      %slice3A_498 = vector.extract_strided_slice %get3A_45 {offsets = [6], sizes = [1], strides = [1]} : vector<16xi32> to vector<1xi32>
      %squeeze3A_499 = vector.extract %slice3A_498[0] : i32 from vector<1xi32>
      %multiple_of3A_500 = tpu.assume_multiple %squeeze3A_499, 128 : i32
      %slice3A_501 = vector.extract_strided_slice %get3A_47 {offsets = [6], sizes = [1], strides = [1]} : vector<16xi32> to vector<1xi32>
      %squeeze3A_502 = vector.extract %slice3A_501[0] : i32 from vector<1xi32>
      %multiple_of3A_503 = tpu.assume_multiple %squeeze3A_502, 128 : i32
      %slice3A_504 = vector.extract_strided_slice %get3A_49 {offsets = [6], sizes = [1], strides = [1]} : vector<16xi32> to vector<1xi32>
      %squeeze3A_505 = vector.extract %slice3A_504[0] : i32 from vector<1xi32>
      %multiple_of3A_506 = tpu.assume_multiple %squeeze3A_505, 128 : i32
      %dma_start3A_507 = arith.constant 6 : i32
      %dma_start3A_508 = arith.constant 0 : i32
      %dma_start3A_509 = arith.constant 0 : i32
      %dma_start3A_510 = tpu.memref_slice %arg24[%dma_start3A_507, %dma_start3A_508, %dma_start3A_509] : memref<16x16x128xf32, #tpu.memory_space<vmem>> -> memref<1x16x128xf32, #tpu.memory_space<vmem>>
      %dma_start3A_511 = tpu.memref_squeeze %dma_start3A_510 : memref<1x16x128xf32, #tpu.memory_space<vmem>> -> memref<16x128xf32, #tpu.memory_space<vmem>>
      %dma_start3A_512 = arith.constant 0 : i32
      %dma_start3A_513 = tpu.memref_slice %arg5[%dma_start3A_512, %multiple_of3A_500] : memref<16x1000000xf32, #tpu.memory_space<hbm>> -> memref<16x128xf32, #tpu.memory_space<hbm>>
      %dma_start3A_514 = arith.constant 0 : i32
      %dma_start3A_515 = arith.constant 0 : i32
      %dma_start3A_516 = tpu.memref_slice %arg24[%dma_start3A_507, %dma_start3A_514, %dma_start3A_515] : memref<16x16x128xf32, #tpu.memory_space<vmem>> -> memref<1x16x128xf32, #tpu.memory_space<vmem>>
      %dma_start3A_517 = tpu.memref_squeeze %dma_start3A_516 : memref<1x16x128xf32, #tpu.memory_space<vmem>> -> memref<16x128xf32, #tpu.memory_space<vmem>>
      %dma_start3A_518 = arith.constant 0 : i32
      %dma_start3A_519 = tpu.memref_slice %arg5[%dma_start3A_518, %multiple_of3A_500] : memref<16x1000000xf32, #tpu.memory_space<hbm>> -> memref<16x128xf32, #tpu.memory_space<hbm>>
      tpu.enqueue_dma source(%dma_start3A_519 : memref<16x128xf32, #tpu.memory_space<hbm>>) target(%dma_start3A_517 : memref<16x128xf32, #tpu.memory_space<vmem>>) target_semaphore(%arg33 : memref<!tpu.dma_semaphore, #tpu.memory_space<semaphore_mem>>)
      %dma_start3A_520 = arith.constant 6 : i32
      %dma_start3A_521 = arith.constant 0 : i32
      %dma_start3A_522 = arith.constant 0 : i32
      %dma_start3A_523 = tpu.memref_slice %arg25[%dma_start3A_520, %dma_start3A_521, %dma_start3A_522] : memref<16x16x128xf32, #tpu.memory_space<vmem>> -> memref<1x16x128xf32, #tpu.memory_space<vmem>>
      %dma_start3A_524 = tpu.memref_squeeze %dma_start3A_523 : memref<1x16x128xf32, #tpu.memory_space<vmem>> -> memref<16x128xf32, #tpu.memory_space<vmem>>
      %dma_start3A_525 = arith.constant 0 : i32
      %dma_start3A_526 = tpu.memref_slice %arg6[%dma_start3A_525, %multiple_of3A_503] : memref<16x1000000xf32, #tpu.memory_space<hbm>> -> memref<16x128xf32, #tpu.memory_space<hbm>>
      %dma_start3A_527 = arith.constant 0 : i32
      %dma_start3A_528 = arith.constant 0 : i32
      %dma_start3A_529 = tpu.memref_slice %arg25[%dma_start3A_520, %dma_start3A_527, %dma_start3A_528] : memref<16x16x128xf32, #tpu.memory_space<vmem>> -> memref<1x16x128xf32, #tpu.memory_space<vmem>>
      %dma_start3A_530 = tpu.memref_squeeze %dma_start3A_529 : memref<1x16x128xf32, #tpu.memory_space<vmem>> -> memref<16x128xf32, #tpu.memory_space<vmem>>
      %dma_start3A_531 = arith.constant 0 : i32
      %dma_start3A_532 = tpu.memref_slice %arg6[%dma_start3A_531, %multiple_of3A_503] : memref<16x1000000xf32, #tpu.memory_space<hbm>> -> memref<16x128xf32, #tpu.memory_space<hbm>>
      tpu.enqueue_dma source(%dma_start3A_532 : memref<16x128xf32, #tpu.memory_space<hbm>>) target(%dma_start3A_530 : memref<16x128xf32, #tpu.memory_space<vmem>>) target_semaphore(%arg33 : memref<!tpu.dma_semaphore, #tpu.memory_space<semaphore_mem>>)
      %dma_start3A_533 = arith.constant 6 : i32
      %dma_start3A_534 = arith.constant 0 : i32
      %dma_start3A_535 = arith.constant 0 : i32
      %dma_start3A_536 = tpu.memref_slice %arg26[%dma_start3A_533, %dma_start3A_534, %dma_start3A_535] : memref<16x16x128xf32, #tpu.memory_space<vmem>> -> memref<1x16x128xf32, #tpu.memory_space<vmem>>
      %dma_start3A_537 = tpu.memref_squeeze %dma_start3A_536 : memref<1x16x128xf32, #tpu.memory_space<vmem>> -> memref<16x128xf32, #tpu.memory_space<vmem>>
      %dma_start3A_538 = arith.constant 0 : i32
      %dma_start3A_539 = tpu.memref_slice %arg8[%dma_start3A_538, %multiple_of3A_506] : memref<16x100000xf32, #tpu.memory_space<hbm>> -> memref<16x128xf32, #tpu.memory_space<hbm>>
      %dma_start3A_540 = arith.constant 0 : i32
      %dma_start3A_541 = arith.constant 0 : i32
      %dma_start3A_542 = tpu.memref_slice %arg26[%dma_start3A_533, %dma_start3A_540, %dma_start3A_541] : memref<16x16x128xf32, #tpu.memory_space<vmem>> -> memref<1x16x128xf32, #tpu.memory_space<vmem>>
      %dma_start3A_543 = tpu.memref_squeeze %dma_start3A_542 : memref<1x16x128xf32, #tpu.memory_space<vmem>> -> memref<16x128xf32, #tpu.memory_space<vmem>>
      %dma_start3A_544 = arith.constant 0 : i32
      %dma_start3A_545 = tpu.memref_slice %arg8[%dma_start3A_544, %multiple_of3A_506] : memref<16x100000xf32, #tpu.memory_space<hbm>> -> memref<16x128xf32, #tpu.memory_space<hbm>>
      tpu.enqueue_dma source(%dma_start3A_545 : memref<16x128xf32, #tpu.memory_space<hbm>>) target(%dma_start3A_543 : memref<16x128xf32, #tpu.memory_space<vmem>>) target_semaphore(%arg33 : memref<!tpu.dma_semaphore, #tpu.memory_space<semaphore_mem>>)
      %dma_start3A_546 = arith.constant 6 : i32
      %dma_start3A_547 = arith.constant 0 : i32
      %dma_start3A_548 = tpu.memref_slice %arg27[%dma_start3A_546, %dma_start3A_547] : memref<16x128xf32, #tpu.memory_space<vmem>> -> memref<1x128xf32, #tpu.memory_space<vmem>>
      %dma_start3A_549 = tpu.memref_squeeze %dma_start3A_548 : memref<1x128xf32, #tpu.memory_space<vmem>> -> memref<128xf32, #tpu.memory_space<vmem>>
      %dma_start3A_550 = tpu.memref_slice %arg9[%multiple_of3A_500] : memref<1000000xf32, #tpu.memory_space<hbm>> -> memref<128xf32, #tpu.memory_space<hbm>>
      %dma_start3A_551 = arith.constant 0 : i32
      %dma_start3A_552 = tpu.memref_slice %arg27[%dma_start3A_546, %dma_start3A_551] : memref<16x128xf32, #tpu.memory_space<vmem>> -> memref<1x128xf32, #tpu.memory_space<vmem>>
      %dma_start3A_553 = tpu.memref_squeeze %dma_start3A_552 : memref<1x128xf32, #tpu.memory_space<vmem>> -> memref<128xf32, #tpu.memory_space<vmem>>
      %dma_start3A_554 = tpu.memref_slice %arg9[%multiple_of3A_500] : memref<1000000xf32, #tpu.memory_space<hbm>> -> memref<128xf32, #tpu.memory_space<hbm>>
      tpu.enqueue_dma source(%dma_start3A_554 : memref<128xf32, #tpu.memory_space<hbm>>) target(%dma_start3A_553 : memref<128xf32, #tpu.memory_space<vmem>>) target_semaphore(%arg33 : memref<!tpu.dma_semaphore, #tpu.memory_space<semaphore_mem>>)
      %dma_start3A_555 = arith.constant 6 : i32
      %dma_start3A_556 = arith.constant 0 : i32
      %dma_start3A_557 = tpu.memref_slice %arg28[%dma_start3A_555, %dma_start3A_556] : memref<16x128xf32, #tpu.memory_space<vmem>> -> memref<1x128xf32, #tpu.memory_space<vmem>>
      %dma_start3A_558 = tpu.memref_squeeze %dma_start3A_557 : memref<1x128xf32, #tpu.memory_space<vmem>> -> memref<128xf32, #tpu.memory_space<vmem>>
      %dma_start3A_559 = tpu.memref_slice %arg10[%multiple_of3A_503] : memref<1000000xf32, #tpu.memory_space<hbm>> -> memref<128xf32, #tpu.memory_space<hbm>>
      %dma_start3A_560 = arith.constant 0 : i32
      %dma_start3A_561 = tpu.memref_slice %arg28[%dma_start3A_555, %dma_start3A_560] : memref<16x128xf32, #tpu.memory_space<vmem>> -> memref<1x128xf32, #tpu.memory_space<vmem>>
      %dma_start3A_562 = tpu.memref_squeeze %dma_start3A_561 : memref<1x128xf32, #tpu.memory_space<vmem>> -> memref<128xf32, #tpu.memory_space<vmem>>
      %dma_start3A_563 = tpu.memref_slice %arg10[%multiple_of3A_503] : memref<1000000xf32, #tpu.memory_space<hbm>> -> memref<128xf32, #tpu.memory_space<hbm>>
      tpu.enqueue_dma source(%dma_start3A_563 : memref<128xf32, #tpu.memory_space<hbm>>) target(%dma_start3A_562 : memref<128xf32, #tpu.memory_space<vmem>>) target_semaphore(%arg33 : memref<!tpu.dma_semaphore, #tpu.memory_space<semaphore_mem>>)
      %dma_start3A_564 = arith.constant 6 : i32
      %dma_start3A_565 = arith.constant 0 : i32
      %dma_start3A_566 = tpu.memref_slice %arg29[%dma_start3A_564, %dma_start3A_565] : memref<16x128xf32, #tpu.memory_space<vmem>> -> memref<1x128xf32, #tpu.memory_space<vmem>>
      %dma_start3A_567 = tpu.memref_squeeze %dma_start3A_566 : memref<1x128xf32, #tpu.memory_space<vmem>> -> memref<128xf32, #tpu.memory_space<vmem>>
      %dma_start3A_568 = tpu.memref_slice %arg12[%multiple_of3A_506] : memref<100000xf32, #tpu.memory_space<hbm>> -> memref<128xf32, #tpu.memory_space<hbm>>
      %dma_start3A_569 = arith.constant 0 : i32
      %dma_start3A_570 = tpu.memref_slice %arg29[%dma_start3A_564, %dma_start3A_569] : memref<16x128xf32, #tpu.memory_space<vmem>> -> memref<1x128xf32, #tpu.memory_space<vmem>>
      %dma_start3A_571 = tpu.memref_squeeze %dma_start3A_570 : memref<1x128xf32, #tpu.memory_space<vmem>> -> memref<128xf32, #tpu.memory_space<vmem>>
      %dma_start3A_572 = tpu.memref_slice %arg12[%multiple_of3A_506] : memref<100000xf32, #tpu.memory_space<hbm>> -> memref<128xf32, #tpu.memory_space<hbm>>
      tpu.enqueue_dma source(%dma_start3A_572 : memref<128xf32, #tpu.memory_space<hbm>>) target(%dma_start3A_571 : memref<128xf32, #tpu.memory_space<vmem>>) target_semaphore(%arg33 : memref<!tpu.dma_semaphore, #tpu.memory_space<semaphore_mem>>)
      %slice3A_573 = vector.extract_strided_slice %get3A_45 {offsets = [7], sizes = [1], strides = [1]} : vector<16xi32> to vector<1xi32>
      %squeeze3A_574 = vector.extract %slice3A_573[0] : i32 from vector<1xi32>
      %multiple_of3A_575 = tpu.assume_multiple %squeeze3A_574, 128 : i32
      %slice3A_576 = vector.extract_strided_slice %get3A_47 {offsets = [7], sizes = [1], strides = [1]} : vector<16xi32> to vector<1xi32>
      %squeeze3A_577 = vector.extract %slice3A_576[0] : i32 from vector<1xi32>
      %multiple_of3A_578 = tpu.assume_multiple %squeeze3A_577, 128 : i32
      %slice3A_579 = vector.extract_strided_slice %get3A_49 {offsets = [7], sizes = [1], strides = [1]} : vector<16xi32> to vector<1xi32>
      %squeeze3A_580 = vector.extract %slice3A_579[0] : i32 from vector<1xi32>
      %multiple_of3A_581 = tpu.assume_multiple %squeeze3A_580, 128 : i32
      %dma_start3A_582 = arith.constant 7 : i32
      %dma_start3A_583 = arith.constant 0 : i32
      %dma_start3A_584 = arith.constant 0 : i32
      %dma_start3A_585 = tpu.memref_slice %arg24[%dma_start3A_582, %dma_start3A_583, %dma_start3A_584] : memref<16x16x128xf32, #tpu.memory_space<vmem>> -> memref<1x16x128xf32, #tpu.memory_space<vmem>>
      %dma_start3A_586 = tpu.memref_squeeze %dma_start3A_585 : memref<1x16x128xf32, #tpu.memory_space<vmem>> -> memref<16x128xf32, #tpu.memory_space<vmem>>
      %dma_start3A_587 = arith.constant 0 : i32
      %dma_start3A_588 = tpu.memref_slice %arg5[%dma_start3A_587, %multiple_of3A_575] : memref<16x1000000xf32, #tpu.memory_space<hbm>> -> memref<16x128xf32, #tpu.memory_space<hbm>>
      %dma_start3A_589 = arith.constant 0 : i32
      %dma_start3A_590 = arith.constant 0 : i32
      %dma_start3A_591 = tpu.memref_slice %arg24[%dma_start3A_582, %dma_start3A_589, %dma_start3A_590] : memref<16x16x128xf32, #tpu.memory_space<vmem>> -> memref<1x16x128xf32, #tpu.memory_space<vmem>>
      %dma_start3A_592 = tpu.memref_squeeze %dma_start3A_591 : memref<1x16x128xf32, #tpu.memory_space<vmem>> -> memref<16x128xf32, #tpu.memory_space<vmem>>
      %dma_start3A_593 = arith.constant 0 : i32
      %dma_start3A_594 = tpu.memref_slice %arg5[%dma_start3A_593, %multiple_of3A_575] : memref<16x1000000xf32, #tpu.memory_space<hbm>> -> memref<16x128xf32, #tpu.memory_space<hbm>>
      tpu.enqueue_dma source(%dma_start3A_594 : memref<16x128xf32, #tpu.memory_space<hbm>>) target(%dma_start3A_592 : memref<16x128xf32, #tpu.memory_space<vmem>>) target_semaphore(%arg33 : memref<!tpu.dma_semaphore, #tpu.memory_space<semaphore_mem>>)
      %dma_start3A_595 = arith.constant 7 : i32
      %dma_start3A_596 = arith.constant 0 : i32
      %dma_start3A_597 = arith.constant 0 : i32
      %dma_start3A_598 = tpu.memref_slice %arg25[%dma_start3A_595, %dma_start3A_596, %dma_start3A_597] : memref<16x16x128xf32, #tpu.memory_space<vmem>> -> memref<1x16x128xf32, #tpu.memory_space<vmem>>
      %dma_start3A_599 = tpu.memref_squeeze %dma_start3A_598 : memref<1x16x128xf32, #tpu.memory_space<vmem>> -> memref<16x128xf32, #tpu.memory_space<vmem>>
      %dma_start3A_600 = arith.constant 0 : i32
      %dma_start3A_601 = tpu.memref_slice %arg6[%dma_start3A_600, %multiple_of3A_578] : memref<16x1000000xf32, #tpu.memory_space<hbm>> -> memref<16x128xf32, #tpu.memory_space<hbm>>
      %dma_start3A_602 = arith.constant 0 : i32
      %dma_start3A_603 = arith.constant 0 : i32
      %dma_start3A_604 = tpu.memref_slice %arg25[%dma_start3A_595, %dma_start3A_602, %dma_start3A_603] : memref<16x16x128xf32, #tpu.memory_space<vmem>> -> memref<1x16x128xf32, #tpu.memory_space<vmem>>
      %dma_start3A_605 = tpu.memref_squeeze %dma_start3A_604 : memref<1x16x128xf32, #tpu.memory_space<vmem>> -> memref<16x128xf32, #tpu.memory_space<vmem>>
      %dma_start3A_606 = arith.constant 0 : i32
      %dma_start3A_607 = tpu.memref_slice %arg6[%dma_start3A_606, %multiple_of3A_578] : memref<16x1000000xf32, #tpu.memory_space<hbm>> -> memref<16x128xf32, #tpu.memory_space<hbm>>
      tpu.enqueue_dma source(%dma_start3A_607 : memref<16x128xf32, #tpu.memory_space<hbm>>) target(%dma_start3A_605 : memref<16x128xf32, #tpu.memory_space<vmem>>) target_semaphore(%arg33 : memref<!tpu.dma_semaphore, #tpu.memory_space<semaphore_mem>>)
      %dma_start3A_608 = arith.constant 7 : i32
      %dma_start3A_609 = arith.constant 0 : i32
      %dma_start3A_610 = arith.constant 0 : i32
      %dma_start3A_611 = tpu.memref_slice %arg26[%dma_start3A_608, %dma_start3A_609, %dma_start3A_610] : memref<16x16x128xf32, #tpu.memory_space<vmem>> -> memref<1x16x128xf32, #tpu.memory_space<vmem>>
      %dma_start3A_612 = tpu.memref_squeeze %dma_start3A_611 : memref<1x16x128xf32, #tpu.memory_space<vmem>> -> memref<16x128xf32, #tpu.memory_space<vmem>>
      %dma_start3A_613 = arith.constant 0 : i32
      %dma_start3A_614 = tpu.memref_slice %arg8[%dma_start3A_613, %multiple_of3A_581] : memref<16x100000xf32, #tpu.memory_space<hbm>> -> memref<16x128xf32, #tpu.memory_space<hbm>>
      %dma_start3A_615 = arith.constant 0 : i32
      %dma_start3A_616 = arith.constant 0 : i32
      %dma_start3A_617 = tpu.memref_slice %arg26[%dma_start3A_608, %dma_start3A_615, %dma_start3A_616] : memref<16x16x128xf32, #tpu.memory_space<vmem>> -> memref<1x16x128xf32, #tpu.memory_space<vmem>>
      %dma_start3A_618 = tpu.memref_squeeze %dma_start3A_617 : memref<1x16x128xf32, #tpu.memory_space<vmem>> -> memref<16x128xf32, #tpu.memory_space<vmem>>
      %dma_start3A_619 = arith.constant 0 : i32
      %dma_start3A_620 = tpu.memref_slice %arg8[%dma_start3A_619, %multiple_of3A_581] : memref<16x100000xf32, #tpu.memory_space<hbm>> -> memref<16x128xf32, #tpu.memory_space<hbm>>
      tpu.enqueue_dma source(%dma_start3A_620 : memref<16x128xf32, #tpu.memory_space<hbm>>) target(%dma_start3A_618 : memref<16x128xf32, #tpu.memory_space<vmem>>) target_semaphore(%arg33 : memref<!tpu.dma_semaphore, #tpu.memory_space<semaphore_mem>>)
      %dma_start3A_621 = arith.constant 7 : i32
      %dma_start3A_622 = arith.constant 0 : i32
      %dma_start3A_623 = tpu.memref_slice %arg27[%dma_start3A_621, %dma_start3A_622] : memref<16x128xf32, #tpu.memory_space<vmem>> -> memref<1x128xf32, #tpu.memory_space<vmem>>
      %dma_start3A_624 = tpu.memref_squeeze %dma_start3A_623 : memref<1x128xf32, #tpu.memory_space<vmem>> -> memref<128xf32, #tpu.memory_space<vmem>>
      %dma_start3A_625 = tpu.memref_slice %arg9[%multiple_of3A_575] : memref<1000000xf32, #tpu.memory_space<hbm>> -> memref<128xf32, #tpu.memory_space<hbm>>
      %dma_start3A_626 = arith.constant 0 : i32
      %dma_start3A_627 = tpu.memref_slice %arg27[%dma_start3A_621, %dma_start3A_626] : memref<16x128xf32, #tpu.memory_space<vmem>> -> memref<1x128xf32, #tpu.memory_space<vmem>>
      %dma_start3A_628 = tpu.memref_squeeze %dma_start3A_627 : memref<1x128xf32, #tpu.memory_space<vmem>> -> memref<128xf32, #tpu.memory_space<vmem>>
      %dma_start3A_629 = tpu.memref_slice %arg9[%multiple_of3A_575] : memref<1000000xf32, #tpu.memory_space<hbm>> -> memref<128xf32, #tpu.memory_space<hbm>>
      tpu.enqueue_dma source(%dma_start3A_629 : memref<128xf32, #tpu.memory_space<hbm>>) target(%dma_start3A_628 : memref<128xf32, #tpu.memory_space<vmem>>) target_semaphore(%arg33 : memref<!tpu.dma_semaphore, #tpu.memory_space<semaphore_mem>>)
      %dma_start3A_630 = arith.constant 7 : i32
      %dma_start3A_631 = arith.constant 0 : i32
      %dma_start3A_632 = tpu.memref_slice %arg28[%dma_start3A_630, %dma_start3A_631] : memref<16x128xf32, #tpu.memory_space<vmem>> -> memref<1x128xf32, #tpu.memory_space<vmem>>
      %dma_start3A_633 = tpu.memref_squeeze %dma_start3A_632 : memref<1x128xf32, #tpu.memory_space<vmem>> -> memref<128xf32, #tpu.memory_space<vmem>>
      %dma_start3A_634 = tpu.memref_slice %arg10[%multiple_of3A_578] : memref<1000000xf32, #tpu.memory_space<hbm>> -> memref<128xf32, #tpu.memory_space<hbm>>
      %dma_start3A_635 = arith.constant 0 : i32
      %dma_start3A_636 = tpu.memref_slice %arg28[%dma_start3A_630, %dma_start3A_635] : memref<16x128xf32, #tpu.memory_space<vmem>> -> memref<1x128xf32, #tpu.memory_space<vmem>>
      %dma_start3A_637 = tpu.memref_squeeze %dma_start3A_636 : memref<1x128xf32, #tpu.memory_space<vmem>> -> memref<128xf32, #tpu.memory_space<vmem>>
      %dma_start3A_638 = tpu.memref_slice %arg10[%multiple_of3A_578] : memref<1000000xf32, #tpu.memory_space<hbm>> -> memref<128xf32, #tpu.memory_space<hbm>>
      tpu.enqueue_dma source(%dma_start3A_638 : memref<128xf32, #tpu.memory_space<hbm>>) target(%dma_start3A_637 : memref<128xf32, #tpu.memory_space<vmem>>) target_semaphore(%arg33 : memref<!tpu.dma_semaphore, #tpu.memory_space<semaphore_mem>>)
      %dma_start3A_639 = arith.constant 7 : i32
      %dma_start3A_640 = arith.constant 0 : i32
      %dma_start3A_641 = tpu.memref_slice %arg29[%dma_start3A_639, %dma_start3A_640] : memref<16x128xf32, #tpu.memory_space<vmem>> -> memref<1x128xf32, #tpu.memory_space<vmem>>
      %dma_start3A_642 = tpu.memref_squeeze %dma_start3A_641 : memref<1x128xf32, #tpu.memory_space<vmem>> -> memref<128xf32, #tpu.memory_space<vmem>>
      %dma_start3A_643 = tpu.memref_slice %arg12[%multiple_of3A_581] : memref<100000xf32, #tpu.memory_space<hbm>> -> memref<128xf32, #tpu.memory_space<hbm>>
      %dma_start3A_644 = arith.constant 0 : i32
      %dma_start3A_645 = tpu.memref_slice %arg29[%dma_start3A_639, %dma_start3A_644] : memref<16x128xf32, #tpu.memory_space<vmem>> -> memref<1x128xf32, #tpu.memory_space<vmem>>
      %dma_start3A_646 = tpu.memref_squeeze %dma_start3A_645 : memref<1x128xf32, #tpu.memory_space<vmem>> -> memref<128xf32, #tpu.memory_space<vmem>>
      %dma_start3A_647 = tpu.memref_slice %arg12[%multiple_of3A_581] : memref<100000xf32, #tpu.memory_space<hbm>> -> memref<128xf32, #tpu.memory_space<hbm>>
      tpu.enqueue_dma source(%dma_start3A_647 : memref<128xf32, #tpu.memory_space<hbm>>) target(%dma_start3A_646 : memref<128xf32, #tpu.memory_space<vmem>>) target_semaphore(%arg33 : memref<!tpu.dma_semaphore, #tpu.memory_space<semaphore_mem>>)
      %slice3A_648 = vector.extract_strided_slice %get3A_45 {offsets = [8], sizes = [1], strides = [1]} : vector<16xi32> to vector<1xi32>
      %squeeze3A_649 = vector.extract %slice3A_648[0] : i32 from vector<1xi32>
      %multiple_of3A_650 = tpu.assume_multiple %squeeze3A_649, 128 : i32
      %slice3A_651 = vector.extract_strided_slice %get3A_47 {offsets = [8], sizes = [1], strides = [1]} : vector<16xi32> to vector<1xi32>
      %squeeze3A_652 = vector.extract %slice3A_651[0] : i32 from vector<1xi32>
      %multiple_of3A_653 = tpu.assume_multiple %squeeze3A_652, 128 : i32
      %slice3A_654 = vector.extract_strided_slice %get3A_49 {offsets = [8], sizes = [1], strides = [1]} : vector<16xi32> to vector<1xi32>
      %squeeze3A_655 = vector.extract %slice3A_654[0] : i32 from vector<1xi32>
      %multiple_of3A_656 = tpu.assume_multiple %squeeze3A_655, 128 : i32
      %dma_start3A_657 = arith.constant 8 : i32
      %dma_start3A_658 = arith.constant 0 : i32
      %dma_start3A_659 = arith.constant 0 : i32
      %dma_start3A_660 = tpu.memref_slice %arg24[%dma_start3A_657, %dma_start3A_658, %dma_start3A_659] : memref<16x16x128xf32, #tpu.memory_space<vmem>> -> memref<1x16x128xf32, #tpu.memory_space<vmem>>
      %dma_start3A_661 = tpu.memref_squeeze %dma_start3A_660 : memref<1x16x128xf32, #tpu.memory_space<vmem>> -> memref<16x128xf32, #tpu.memory_space<vmem>>
      %dma_start3A_662 = arith.constant 0 : i32
      %dma_start3A_663 = tpu.memref_slice %arg5[%dma_start3A_662, %multiple_of3A_650] : memref<16x1000000xf32, #tpu.memory_space<hbm>> -> memref<16x128xf32, #tpu.memory_space<hbm>>
      %dma_start3A_664 = arith.constant 0 : i32
      %dma_start3A_665 = arith.constant 0 : i32
      %dma_start3A_666 = tpu.memref_slice %arg24[%dma_start3A_657, %dma_start3A_664, %dma_start3A_665] : memref<16x16x128xf32, #tpu.memory_space<vmem>> -> memref<1x16x128xf32, #tpu.memory_space<vmem>>
      %dma_start3A_667 = tpu.memref_squeeze %dma_start3A_666 : memref<1x16x128xf32, #tpu.memory_space<vmem>> -> memref<16x128xf32, #tpu.memory_space<vmem>>
      %dma_start3A_668 = arith.constant 0 : i32
      %dma_start3A_669 = tpu.memref_slice %arg5[%dma_start3A_668, %multiple_of3A_650] : memref<16x1000000xf32, #tpu.memory_space<hbm>> -> memref<16x128xf32, #tpu.memory_space<hbm>>
      tpu.enqueue_dma source(%dma_start3A_669 : memref<16x128xf32, #tpu.memory_space<hbm>>) target(%dma_start3A_667 : memref<16x128xf32, #tpu.memory_space<vmem>>) target_semaphore(%arg33 : memref<!tpu.dma_semaphore, #tpu.memory_space<semaphore_mem>>)
      %dma_start3A_670 = arith.constant 8 : i32
      %dma_start3A_671 = arith.constant 0 : i32
      %dma_start3A_672 = arith.constant 0 : i32
      %dma_start3A_673 = tpu.memref_slice %arg25[%dma_start3A_670, %dma_start3A_671, %dma_start3A_672] : memref<16x16x128xf32, #tpu.memory_space<vmem>> -> memref<1x16x128xf32, #tpu.memory_space<vmem>>
      %dma_start3A_674 = tpu.memref_squeeze %dma_start3A_673 : memref<1x16x128xf32, #tpu.memory_space<vmem>> -> memref<16x128xf32, #tpu.memory_space<vmem>>
      %dma_start3A_675 = arith.constant 0 : i32
      %dma_start3A_676 = tpu.memref_slice %arg6[%dma_start3A_675, %multiple_of3A_653] : memref<16x1000000xf32, #tpu.memory_space<hbm>> -> memref<16x128xf32, #tpu.memory_space<hbm>>
      %dma_start3A_677 = arith.constant 0 : i32
      %dma_start3A_678 = arith.constant 0 : i32
      %dma_start3A_679 = tpu.memref_slice %arg25[%dma_start3A_670, %dma_start3A_677, %dma_start3A_678] : memref<16x16x128xf32, #tpu.memory_space<vmem>> -> memref<1x16x128xf32, #tpu.memory_space<vmem>>
      %dma_start3A_680 = tpu.memref_squeeze %dma_start3A_679 : memref<1x16x128xf32, #tpu.memory_space<vmem>> -> memref<16x128xf32, #tpu.memory_space<vmem>>
      %dma_start3A_681 = arith.constant 0 : i32
      %dma_start3A_682 = tpu.memref_slice %arg6[%dma_start3A_681, %multiple_of3A_653] : memref<16x1000000xf32, #tpu.memory_space<hbm>> -> memref<16x128xf32, #tpu.memory_space<hbm>>
      tpu.enqueue_dma source(%dma_start3A_682 : memref<16x128xf32, #tpu.memory_space<hbm>>) target(%dma_start3A_680 : memref<16x128xf32, #tpu.memory_space<vmem>>) target_semaphore(%arg33 : memref<!tpu.dma_semaphore, #tpu.memory_space<semaphore_mem>>)
      %dma_start3A_683 = arith.constant 8 : i32
      %dma_start3A_684 = arith.constant 0 : i32
      %dma_start3A_685 = arith.constant 0 : i32
      %dma_start3A_686 = tpu.memref_slice %arg26[%dma_start3A_683, %dma_start3A_684, %dma_start3A_685] : memref<16x16x128xf32, #tpu.memory_space<vmem>> -> memref<1x16x128xf32, #tpu.memory_space<vmem>>
      %dma_start3A_687 = tpu.memref_squeeze %dma_start3A_686 : memref<1x16x128xf32, #tpu.memory_space<vmem>> -> memref<16x128xf32, #tpu.memory_space<vmem>>
      %dma_start3A_688 = arith.constant 0 : i32
      %dma_start3A_689 = tpu.memref_slice %arg8[%dma_start3A_688, %multiple_of3A_656] : memref<16x100000xf32, #tpu.memory_space<hbm>> -> memref<16x128xf32, #tpu.memory_space<hbm>>
      %dma_start3A_690 = arith.constant 0 : i32
      %dma_start3A_691 = arith.constant 0 : i32
      %dma_start3A_692 = tpu.memref_slice %arg26[%dma_start3A_683, %dma_start3A_690, %dma_start3A_691] : memref<16x16x128xf32, #tpu.memory_space<vmem>> -> memref<1x16x128xf32, #tpu.memory_space<vmem>>
      %dma_start3A_693 = tpu.memref_squeeze %dma_start3A_692 : memref<1x16x128xf32, #tpu.memory_space<vmem>> -> memref<16x128xf32, #tpu.memory_space<vmem>>
      %dma_start3A_694 = arith.constant 0 : i32
      %dma_start3A_695 = tpu.memref_slice %arg8[%dma_start3A_694, %multiple_of3A_656] : memref<16x100000xf32, #tpu.memory_space<hbm>> -> memref<16x128xf32, #tpu.memory_space<hbm>>
      tpu.enqueue_dma source(%dma_start3A_695 : memref<16x128xf32, #tpu.memory_space<hbm>>) target(%dma_start3A_693 : memref<16x128xf32, #tpu.memory_space<vmem>>) target_semaphore(%arg33 : memref<!tpu.dma_semaphore, #tpu.memory_space<semaphore_mem>>)
      %dma_start3A_696 = arith.constant 8 : i32
      %dma_start3A_697 = arith.constant 0 : i32
      %dma_start3A_698 = tpu.memref_slice %arg27[%dma_start3A_696, %dma_start3A_697] : memref<16x128xf32, #tpu.memory_space<vmem>> -> memref<1x128xf32, #tpu.memory_space<vmem>>
      %dma_start3A_699 = tpu.memref_squeeze %dma_start3A_698 : memref<1x128xf32, #tpu.memory_space<vmem>> -> memref<128xf32, #tpu.memory_space<vmem>>
      %dma_start3A_700 = tpu.memref_slice %arg9[%multiple_of3A_650] : memref<1000000xf32, #tpu.memory_space<hbm>> -> memref<128xf32, #tpu.memory_space<hbm>>
      %dma_start3A_701 = arith.constant 0 : i32
      %dma_start3A_702 = tpu.memref_slice %arg27[%dma_start3A_696, %dma_start3A_701] : memref<16x128xf32, #tpu.memory_space<vmem>> -> memref<1x128xf32, #tpu.memory_space<vmem>>
      %dma_start3A_703 = tpu.memref_squeeze %dma_start3A_702 : memref<1x128xf32, #tpu.memory_space<vmem>> -> memref<128xf32, #tpu.memory_space<vmem>>
      %dma_start3A_704 = tpu.memref_slice %arg9[%multiple_of3A_650] : memref<1000000xf32, #tpu.memory_space<hbm>> -> memref<128xf32, #tpu.memory_space<hbm>>
      tpu.enqueue_dma source(%dma_start3A_704 : memref<128xf32, #tpu.memory_space<hbm>>) target(%dma_start3A_703 : memref<128xf32, #tpu.memory_space<vmem>>) target_semaphore(%arg33 : memref<!tpu.dma_semaphore, #tpu.memory_space<semaphore_mem>>)
      %dma_start3A_705 = arith.constant 8 : i32
      %dma_start3A_706 = arith.constant 0 : i32
      %dma_start3A_707 = tpu.memref_slice %arg28[%dma_start3A_705, %dma_start3A_706] : memref<16x128xf32, #tpu.memory_space<vmem>> -> memref<1x128xf32, #tpu.memory_space<vmem>>
      %dma_start3A_708 = tpu.memref_squeeze %dma_start3A_707 : memref<1x128xf32, #tpu.memory_space<vmem>> -> memref<128xf32, #tpu.memory_space<vmem>>
      %dma_start3A_709 = tpu.memref_slice %arg10[%multiple_of3A_653] : memref<1000000xf32, #tpu.memory_space<hbm>> -> memref<128xf32, #tpu.memory_space<hbm>>
      %dma_start3A_710 = arith.constant 0 : i32
      %dma_start3A_711 = tpu.memref_slice %arg28[%dma_start3A_705, %dma_start3A_710] : memref<16x128xf32, #tpu.memory_space<vmem>> -> memref<1x128xf32, #tpu.memory_space<vmem>>
      %dma_start3A_712 = tpu.memref_squeeze %dma_start3A_711 : memref<1x128xf32, #tpu.memory_space<vmem>> -> memref<128xf32, #tpu.memory_space<vmem>>
      %dma_start3A_713 = tpu.memref_slice %arg10[%multiple_of3A_653] : memref<1000000xf32, #tpu.memory_space<hbm>> -> memref<128xf32, #tpu.memory_space<hbm>>
      tpu.enqueue_dma source(%dma_start3A_713 : memref<128xf32, #tpu.memory_space<hbm>>) target(%dma_start3A_712 : memref<128xf32, #tpu.memory_space<vmem>>) target_semaphore(%arg33 : memref<!tpu.dma_semaphore, #tpu.memory_space<semaphore_mem>>)
      %dma_start3A_714 = arith.constant 8 : i32
      %dma_start3A_715 = arith.constant 0 : i32
      %dma_start3A_716 = tpu.memref_slice %arg29[%dma_start3A_714, %dma_start3A_715] : memref<16x128xf32, #tpu.memory_space<vmem>> -> memref<1x128xf32, #tpu.memory_space<vmem>>
      %dma_start3A_717 = tpu.memref_squeeze %dma_start3A_716 : memref<1x128xf32, #tpu.memory_space<vmem>> -> memref<128xf32, #tpu.memory_space<vmem>>
      %dma_start3A_718 = tpu.memref_slice %arg12[%multiple_of3A_656] : memref<100000xf32, #tpu.memory_space<hbm>> -> memref<128xf32, #tpu.memory_space<hbm>>
      %dma_start3A_719 = arith.constant 0 : i32
      %dma_start3A_720 = tpu.memref_slice %arg29[%dma_start3A_714, %dma_start3A_719] : memref<16x128xf32, #tpu.memory_space<vmem>> -> memref<1x128xf32, #tpu.memory_space<vmem>>
      %dma_start3A_721 = tpu.memref_squeeze %dma_start3A_720 : memref<1x128xf32, #tpu.memory_space<vmem>> -> memref<128xf32, #tpu.memory_space<vmem>>
      %dma_start3A_722 = tpu.memref_slice %arg12[%multiple_of3A_656] : memref<100000xf32, #tpu.memory_space<hbm>> -> memref<128xf32, #tpu.memory_space<hbm>>
      tpu.enqueue_dma source(%dma_start3A_722 : memref<128xf32, #tpu.memory_space<hbm>>) target(%dma_start3A_721 : memref<128xf32, #tpu.memory_space<vmem>>) target_semaphore(%arg33 : memref<!tpu.dma_semaphore, #tpu.memory_space<semaphore_mem>>)
      %slice3A_723 = vector.extract_strided_slice %get3A_45 {offsets = [9], sizes = [1], strides = [1]} : vector<16xi32> to vector<1xi32>
      %squeeze3A_724 = vector.extract %slice3A_723[0] : i32 from vector<1xi32>
      %multiple_of3A_725 = tpu.assume_multiple %squeeze3A_724, 128 : i32
      %slice3A_726 = vector.extract_strided_slice %get3A_47 {offsets = [9], sizes = [1], strides = [1]} : vector<16xi32> to vector<1xi32>
      %squeeze3A_727 = vector.extract %slice3A_726[0] : i32 from vector<1xi32>
      %multiple_of3A_728 = tpu.assume_multiple %squeeze3A_727, 128 : i32
      %slice3A_729 = vector.extract_strided_slice %get3A_49 {offsets = [9], sizes = [1], strides = [1]} : vector<16xi32> to vector<1xi32>
      %squeeze3A_730 = vector.extract %slice3A_729[0] : i32 from vector<1xi32>
      %multiple_of3A_731 = tpu.assume_multiple %squeeze3A_730, 128 : i32
      %dma_start3A_732 = arith.constant 9 : i32
      %dma_start3A_733 = arith.constant 0 : i32
      %dma_start3A_734 = arith.constant 0 : i32
      %dma_start3A_735 = tpu.memref_slice %arg24[%dma_start3A_732, %dma_start3A_733, %dma_start3A_734] : memref<16x16x128xf32, #tpu.memory_space<vmem>> -> memref<1x16x128xf32, #tpu.memory_space<vmem>>
      %dma_start3A_736 = tpu.memref_squeeze %dma_start3A_735 : memref<1x16x128xf32, #tpu.memory_space<vmem>> -> memref<16x128xf32, #tpu.memory_space<vmem>>
      %dma_start3A_737 = arith.constant 0 : i32
      %dma_start3A_738 = tpu.memref_slice %arg5[%dma_start3A_737, %multiple_of3A_725] : memref<16x1000000xf32, #tpu.memory_space<hbm>> -> memref<16x128xf32, #tpu.memory_space<hbm>>
      %dma_start3A_739 = arith.constant 0 : i32
      %dma_start3A_740 = arith.constant 0 : i32
      %dma_start3A_741 = tpu.memref_slice %arg24[%dma_start3A_732, %dma_start3A_739, %dma_start3A_740] : memref<16x16x128xf32, #tpu.memory_space<vmem>> -> memref<1x16x128xf32, #tpu.memory_space<vmem>>
      %dma_start3A_742 = tpu.memref_squeeze %dma_start3A_741 : memref<1x16x128xf32, #tpu.memory_space<vmem>> -> memref<16x128xf32, #tpu.memory_space<vmem>>
      %dma_start3A_743 = arith.constant 0 : i32
      %dma_start3A_744 = tpu.memref_slice %arg5[%dma_start3A_743, %multiple_of3A_725] : memref<16x1000000xf32, #tpu.memory_space<hbm>> -> memref<16x128xf32, #tpu.memory_space<hbm>>
      tpu.enqueue_dma source(%dma_start3A_744 : memref<16x128xf32, #tpu.memory_space<hbm>>) target(%dma_start3A_742 : memref<16x128xf32, #tpu.memory_space<vmem>>) target_semaphore(%arg33 : memref<!tpu.dma_semaphore, #tpu.memory_space<semaphore_mem>>)
      %dma_start3A_745 = arith.constant 9 : i32
      %dma_start3A_746 = arith.constant 0 : i32
      %dma_start3A_747 = arith.constant 0 : i32
      %dma_start3A_748 = tpu.memref_slice %arg25[%dma_start3A_745, %dma_start3A_746, %dma_start3A_747] : memref<16x16x128xf32, #tpu.memory_space<vmem>> -> memref<1x16x128xf32, #tpu.memory_space<vmem>>
      %dma_start3A_749 = tpu.memref_squeeze %dma_start3A_748 : memref<1x16x128xf32, #tpu.memory_space<vmem>> -> memref<16x128xf32, #tpu.memory_space<vmem>>
      %dma_start3A_750 = arith.constant 0 : i32
      %dma_start3A_751 = tpu.memref_slice %arg6[%dma_start3A_750, %multiple_of3A_728] : memref<16x1000000xf32, #tpu.memory_space<hbm>> -> memref<16x128xf32, #tpu.memory_space<hbm>>
      %dma_start3A_752 = arith.constant 0 : i32
      %dma_start3A_753 = arith.constant 0 : i32
      %dma_start3A_754 = tpu.memref_slice %arg25[%dma_start3A_745, %dma_start3A_752, %dma_start3A_753] : memref<16x16x128xf32, #tpu.memory_space<vmem>> -> memref<1x16x128xf32, #tpu.memory_space<vmem>>
      %dma_start3A_755 = tpu.memref_squeeze %dma_start3A_754 : memref<1x16x128xf32, #tpu.memory_space<vmem>> -> memref<16x128xf32, #tpu.memory_space<vmem>>
      %dma_start3A_756 = arith.constant 0 : i32
      %dma_start3A_757 = tpu.memref_slice %arg6[%dma_start3A_756, %multiple_of3A_728] : memref<16x1000000xf32, #tpu.memory_space<hbm>> -> memref<16x128xf32, #tpu.memory_space<hbm>>
      tpu.enqueue_dma source(%dma_start3A_757 : memref<16x128xf32, #tpu.memory_space<hbm>>) target(%dma_start3A_755 : memref<16x128xf32, #tpu.memory_space<vmem>>) target_semaphore(%arg33 : memref<!tpu.dma_semaphore, #tpu.memory_space<semaphore_mem>>)
      %dma_start3A_758 = arith.constant 9 : i32
      %dma_start3A_759 = arith.constant 0 : i32
      %dma_start3A_760 = arith.constant 0 : i32
      %dma_start3A_761 = tpu.memref_slice %arg26[%dma_start3A_758, %dma_start3A_759, %dma_start3A_760] : memref<16x16x128xf32, #tpu.memory_space<vmem>> -> memref<1x16x128xf32, #tpu.memory_space<vmem>>
      %dma_start3A_762 = tpu.memref_squeeze %dma_start3A_761 : memref<1x16x128xf32, #tpu.memory_space<vmem>> -> memref<16x128xf32, #tpu.memory_space<vmem>>
      %dma_start3A_763 = arith.constant 0 : i32
      %dma_start3A_764 = tpu.memref_slice %arg8[%dma_start3A_763, %multiple_of3A_731] : memref<16x100000xf32, #tpu.memory_space<hbm>> -> memref<16x128xf32, #tpu.memory_space<hbm>>
      %dma_start3A_765 = arith.constant 0 : i32
      %dma_start3A_766 = arith.constant 0 : i32
      %dma_start3A_767 = tpu.memref_slice %arg26[%dma_start3A_758, %dma_start3A_765, %dma_start3A_766] : memref<16x16x128xf32, #tpu.memory_space<vmem>> -> memref<1x16x128xf32, #tpu.memory_space<vmem>>
      %dma_start3A_768 = tpu.memref_squeeze %dma_start3A_767 : memref<1x16x128xf32, #tpu.memory_space<vmem>> -> memref<16x128xf32, #tpu.memory_space<vmem>>
      %dma_start3A_769 = arith.constant 0 : i32
      %dma_start3A_770 = tpu.memref_slice %arg8[%dma_start3A_769, %multiple_of3A_731] : memref<16x100000xf32, #tpu.memory_space<hbm>> -> memref<16x128xf32, #tpu.memory_space<hbm>>
      tpu.enqueue_dma source(%dma_start3A_770 : memref<16x128xf32, #tpu.memory_space<hbm>>) target(%dma_start3A_768 : memref<16x128xf32, #tpu.memory_space<vmem>>) target_semaphore(%arg33 : memref<!tpu.dma_semaphore, #tpu.memory_space<semaphore_mem>>)
      %dma_start3A_771 = arith.constant 9 : i32
      %dma_start3A_772 = arith.constant 0 : i32
      %dma_start3A_773 = tpu.memref_slice %arg27[%dma_start3A_771, %dma_start3A_772] : memref<16x128xf32, #tpu.memory_space<vmem>> -> memref<1x128xf32, #tpu.memory_space<vmem>>
      %dma_start3A_774 = tpu.memref_squeeze %dma_start3A_773 : memref<1x128xf32, #tpu.memory_space<vmem>> -> memref<128xf32, #tpu.memory_space<vmem>>
      %dma_start3A_775 = tpu.memref_slice %arg9[%multiple_of3A_725] : memref<1000000xf32, #tpu.memory_space<hbm>> -> memref<128xf32, #tpu.memory_space<hbm>>
      %dma_start3A_776 = arith.constant 0 : i32
      %dma_start3A_777 = tpu.memref_slice %arg27[%dma_start3A_771, %dma_start3A_776] : memref<16x128xf32, #tpu.memory_space<vmem>> -> memref<1x128xf32, #tpu.memory_space<vmem>>
      %dma_start3A_778 = tpu.memref_squeeze %dma_start3A_777 : memref<1x128xf32, #tpu.memory_space<vmem>> -> memref<128xf32, #tpu.memory_space<vmem>>
      %dma_start3A_779 = tpu.memref_slice %arg9[%multiple_of3A_725] : memref<1000000xf32, #tpu.memory_space<hbm>> -> memref<128xf32, #tpu.memory_space<hbm>>
      tpu.enqueue_dma source(%dma_start3A_779 : memref<128xf32, #tpu.memory_space<hbm>>) target(%dma_start3A_778 : memref<128xf32, #tpu.memory_space<vmem>>) target_semaphore(%arg33 : memref<!tpu.dma_semaphore, #tpu.memory_space<semaphore_mem>>)
      %dma_start3A_780 = arith.constant 9 : i32
      %dma_start3A_781 = arith.constant 0 : i32
      %dma_start3A_782 = tpu.memref_slice %arg28[%dma_start3A_780, %dma_start3A_781] : memref<16x128xf32, #tpu.memory_space<vmem>> -> memref<1x128xf32, #tpu.memory_space<vmem>>
      %dma_start3A_783 = tpu.memref_squeeze %dma_start3A_782 : memref<1x128xf32, #tpu.memory_space<vmem>> -> memref<128xf32, #tpu.memory_space<vmem>>
      %dma_start3A_784 = tpu.memref_slice %arg10[%multiple_of3A_728] : memref<1000000xf32, #tpu.memory_space<hbm>> -> memref<128xf32, #tpu.memory_space<hbm>>
      %dma_start3A_785 = arith.constant 0 : i32
      %dma_start3A_786 = tpu.memref_slice %arg28[%dma_start3A_780, %dma_start3A_785] : memref<16x128xf32, #tpu.memory_space<vmem>> -> memref<1x128xf32, #tpu.memory_space<vmem>>
      %dma_start3A_787 = tpu.memref_squeeze %dma_start3A_786 : memref<1x128xf32, #tpu.memory_space<vmem>> -> memref<128xf32, #tpu.memory_space<vmem>>
      %dma_start3A_788 = tpu.memref_slice %arg10[%multiple_of3A_728] : memref<1000000xf32, #tpu.memory_space<hbm>> -> memref<128xf32, #tpu.memory_space<hbm>>
      tpu.enqueue_dma source(%dma_start3A_788 : memref<128xf32, #tpu.memory_space<hbm>>) target(%dma_start3A_787 : memref<128xf32, #tpu.memory_space<vmem>>) target_semaphore(%arg33 : memref<!tpu.dma_semaphore, #tpu.memory_space<semaphore_mem>>)
      %dma_start3A_789 = arith.constant 9 : i32
      %dma_start3A_790 = arith.constant 0 : i32
      %dma_start3A_791 = tpu.memref_slice %arg29[%dma_start3A_789, %dma_start3A_790] : memref<16x128xf32, #tpu.memory_space<vmem>> -> memref<1x128xf32, #tpu.memory_space<vmem>>
      %dma_start3A_792 = tpu.memref_squeeze %dma_start3A_791 : memref<1x128xf32, #tpu.memory_space<vmem>> -> memref<128xf32, #tpu.memory_space<vmem>>
      %dma_start3A_793 = tpu.memref_slice %arg12[%multiple_of3A_731] : memref<100000xf32, #tpu.memory_space<hbm>> -> memref<128xf32, #tpu.memory_space<hbm>>
      %dma_start3A_794 = arith.constant 0 : i32
      %dma_start3A_795 = tpu.memref_slice %arg29[%dma_start3A_789, %dma_start3A_794] : memref<16x128xf32, #tpu.memory_space<vmem>> -> memref<1x128xf32, #tpu.memory_space<vmem>>
      %dma_start3A_796 = tpu.memref_squeeze %dma_start3A_795 : memref<1x128xf32, #tpu.memory_space<vmem>> -> memref<128xf32, #tpu.memory_space<vmem>>
      %dma_start3A_797 = tpu.memref_slice %arg12[%multiple_of3A_731] : memref<100000xf32, #tpu.memory_space<hbm>> -> memref<128xf32, #tpu.memory_space<hbm>>
      tpu.enqueue_dma source(%dma_start3A_797 : memref<128xf32, #tpu.memory_space<hbm>>) target(%dma_start3A_796 : memref<128xf32, #tpu.memory_space<vmem>>) target_semaphore(%arg33 : memref<!tpu.dma_semaphore, #tpu.memory_space<semaphore_mem>>)
      %slice3A_798 = vector.extract_strided_slice %get3A_45 {offsets = [10], sizes = [1], strides = [1]} : vector<16xi32> to vector<1xi32>
      %squeeze3A_799 = vector.extract %slice3A_798[0] : i32 from vector<1xi32>
      %multiple_of3A_800 = tpu.assume_multiple %squeeze3A_799, 128 : i32
      %slice3A_801 = vector.extract_strided_slice %get3A_47 {offsets = [10], sizes = [1], strides = [1]} : vector<16xi32> to vector<1xi32>
      %squeeze3A_802 = vector.extract %slice3A_801[0] : i32 from vector<1xi32>
      %multiple_of3A_803 = tpu.assume_multiple %squeeze3A_802, 128 : i32
      %slice3A_804 = vector.extract_strided_slice %get3A_49 {offsets = [10], sizes = [1], strides = [1]} : vector<16xi32> to vector<1xi32>
      %squeeze3A_805 = vector.extract %slice3A_804[0] : i32 from vector<1xi32>
      %multiple_of3A_806 = tpu.assume_multiple %squeeze3A_805, 128 : i32
      %dma_start3A_807 = arith.constant 10 : i32
      %dma_start3A_808 = arith.constant 0 : i32
      %dma_start3A_809 = arith.constant 0 : i32
      %dma_start3A_810 = tpu.memref_slice %arg24[%dma_start3A_807, %dma_start3A_808, %dma_start3A_809] : memref<16x16x128xf32, #tpu.memory_space<vmem>> -> memref<1x16x128xf32, #tpu.memory_space<vmem>>
      %dma_start3A_811 = tpu.memref_squeeze %dma_start3A_810 : memref<1x16x128xf32, #tpu.memory_space<vmem>> -> memref<16x128xf32, #tpu.memory_space<vmem>>
      %dma_start3A_812 = arith.constant 0 : i32
      %dma_start3A_813 = tpu.memref_slice %arg5[%dma_start3A_812, %multiple_of3A_800] : memref<16x1000000xf32, #tpu.memory_space<hbm>> -> memref<16x128xf32, #tpu.memory_space<hbm>>
      %dma_start3A_814 = arith.constant 0 : i32
      %dma_start3A_815 = arith.constant 0 : i32
      %dma_start3A_816 = tpu.memref_slice %arg24[%dma_start3A_807, %dma_start3A_814, %dma_start3A_815] : memref<16x16x128xf32, #tpu.memory_space<vmem>> -> memref<1x16x128xf32, #tpu.memory_space<vmem>>
      %dma_start3A_817 = tpu.memref_squeeze %dma_start3A_816 : memref<1x16x128xf32, #tpu.memory_space<vmem>> -> memref<16x128xf32, #tpu.memory_space<vmem>>
      %dma_start3A_818 = arith.constant 0 : i32
      %dma_start3A_819 = tpu.memref_slice %arg5[%dma_start3A_818, %multiple_of3A_800] : memref<16x1000000xf32, #tpu.memory_space<hbm>> -> memref<16x128xf32, #tpu.memory_space<hbm>>
      tpu.enqueue_dma source(%dma_start3A_819 : memref<16x128xf32, #tpu.memory_space<hbm>>) target(%dma_start3A_817 : memref<16x128xf32, #tpu.memory_space<vmem>>) target_semaphore(%arg33 : memref<!tpu.dma_semaphore, #tpu.memory_space<semaphore_mem>>)
      %dma_start3A_820 = arith.constant 10 : i32
      %dma_start3A_821 = arith.constant 0 : i32
      %dma_start3A_822 = arith.constant 0 : i32
      %dma_start3A_823 = tpu.memref_slice %arg25[%dma_start3A_820, %dma_start3A_821, %dma_start3A_822] : memref<16x16x128xf32, #tpu.memory_space<vmem>> -> memref<1x16x128xf32, #tpu.memory_space<vmem>>
      %dma_start3A_824 = tpu.memref_squeeze %dma_start3A_823 : memref<1x16x128xf32, #tpu.memory_space<vmem>> -> memref<16x128xf32, #tpu.memory_space<vmem>>
      %dma_start3A_825 = arith.constant 0 : i32
      %dma_start3A_826 = tpu.memref_slice %arg6[%dma_start3A_825, %multiple_of3A_803] : memref<16x1000000xf32, #tpu.memory_space<hbm>> -> memref<16x128xf32, #tpu.memory_space<hbm>>
      %dma_start3A_827 = arith.constant 0 : i32
      %dma_start3A_828 = arith.constant 0 : i32
      %dma_start3A_829 = tpu.memref_slice %arg25[%dma_start3A_820, %dma_start3A_827, %dma_start3A_828] : memref<16x16x128xf32, #tpu.memory_space<vmem>> -> memref<1x16x128xf32, #tpu.memory_space<vmem>>
      %dma_start3A_830 = tpu.memref_squeeze %dma_start3A_829 : memref<1x16x128xf32, #tpu.memory_space<vmem>> -> memref<16x128xf32, #tpu.memory_space<vmem>>
      %dma_start3A_831 = arith.constant 0 : i32
      %dma_start3A_832 = tpu.memref_slice %arg6[%dma_start3A_831, %multiple_of3A_803] : memref<16x1000000xf32, #tpu.memory_space<hbm>> -> memref<16x128xf32, #tpu.memory_space<hbm>>
      tpu.enqueue_dma source(%dma_start3A_832 : memref<16x128xf32, #tpu.memory_space<hbm>>) target(%dma_start3A_830 : memref<16x128xf32, #tpu.memory_space<vmem>>) target_semaphore(%arg33 : memref<!tpu.dma_semaphore, #tpu.memory_space<semaphore_mem>>)
      %dma_start3A_833 = arith.constant 10 : i32
      %dma_start3A_834 = arith.constant 0 : i32
      %dma_start3A_835 = arith.constant 0 : i32
      %dma_start3A_836 = tpu.memref_slice %arg26[%dma_start3A_833, %dma_start3A_834, %dma_start3A_835] : memref<16x16x128xf32, #tpu.memory_space<vmem>> -> memref<1x16x128xf32, #tpu.memory_space<vmem>>
      %dma_start3A_837 = tpu.memref_squeeze %dma_start3A_836 : memref<1x16x128xf32, #tpu.memory_space<vmem>> -> memref<16x128xf32, #tpu.memory_space<vmem>>
      %dma_start3A_838 = arith.constant 0 : i32
      %dma_start3A_839 = tpu.memref_slice %arg8[%dma_start3A_838, %multiple_of3A_806] : memref<16x100000xf32, #tpu.memory_space<hbm>> -> memref<16x128xf32, #tpu.memory_space<hbm>>
      %dma_start3A_840 = arith.constant 0 : i32
      %dma_start3A_841 = arith.constant 0 : i32
      %dma_start3A_842 = tpu.memref_slice %arg26[%dma_start3A_833, %dma_start3A_840, %dma_start3A_841] : memref<16x16x128xf32, #tpu.memory_space<vmem>> -> memref<1x16x128xf32, #tpu.memory_space<vmem>>
      %dma_start3A_843 = tpu.memref_squeeze %dma_start3A_842 : memref<1x16x128xf32, #tpu.memory_space<vmem>> -> memref<16x128xf32, #tpu.memory_space<vmem>>
      %dma_start3A_844 = arith.constant 0 : i32
      %dma_start3A_845 = tpu.memref_slice %arg8[%dma_start3A_844, %multiple_of3A_806] : memref<16x100000xf32, #tpu.memory_space<hbm>> -> memref<16x128xf32, #tpu.memory_space<hbm>>
      tpu.enqueue_dma source(%dma_start3A_845 : memref<16x128xf32, #tpu.memory_space<hbm>>) target(%dma_start3A_843 : memref<16x128xf32, #tpu.memory_space<vmem>>) target_semaphore(%arg33 : memref<!tpu.dma_semaphore, #tpu.memory_space<semaphore_mem>>)
      %dma_start3A_846 = arith.constant 10 : i32
      %dma_start3A_847 = arith.constant 0 : i32
      %dma_start3A_848 = tpu.memref_slice %arg27[%dma_start3A_846, %dma_start3A_847] : memref<16x128xf32, #tpu.memory_space<vmem>> -> memref<1x128xf32, #tpu.memory_space<vmem>>
      %dma_start3A_849 = tpu.memref_squeeze %dma_start3A_848 : memref<1x128xf32, #tpu.memory_space<vmem>> -> memref<128xf32, #tpu.memory_space<vmem>>
      %dma_start3A_850 = tpu.memref_slice %arg9[%multiple_of3A_800] : memref<1000000xf32, #tpu.memory_space<hbm>> -> memref<128xf32, #tpu.memory_space<hbm>>
      %dma_start3A_851 = arith.constant 0 : i32
      %dma_start3A_852 = tpu.memref_slice %arg27[%dma_start3A_846, %dma_start3A_851] : memref<16x128xf32, #tpu.memory_space<vmem>> -> memref<1x128xf32, #tpu.memory_space<vmem>>
      %dma_start3A_853 = tpu.memref_squeeze %dma_start3A_852 : memref<1x128xf32, #tpu.memory_space<vmem>> -> memref<128xf32, #tpu.memory_space<vmem>>
      %dma_start3A_854 = tpu.memref_slice %arg9[%multiple_of3A_800] : memref<1000000xf32, #tpu.memory_space<hbm>> -> memref<128xf32, #tpu.memory_space<hbm>>
      tpu.enqueue_dma source(%dma_start3A_854 : memref<128xf32, #tpu.memory_space<hbm>>) target(%dma_start3A_853 : memref<128xf32, #tpu.memory_space<vmem>>) target_semaphore(%arg33 : memref<!tpu.dma_semaphore, #tpu.memory_space<semaphore_mem>>)
      %dma_start3A_855 = arith.constant 10 : i32
      %dma_start3A_856 = arith.constant 0 : i32
      %dma_start3A_857 = tpu.memref_slice %arg28[%dma_start3A_855, %dma_start3A_856] : memref<16x128xf32, #tpu.memory_space<vmem>> -> memref<1x128xf32, #tpu.memory_space<vmem>>
      %dma_start3A_858 = tpu.memref_squeeze %dma_start3A_857 : memref<1x128xf32, #tpu.memory_space<vmem>> -> memref<128xf32, #tpu.memory_space<vmem>>
      %dma_start3A_859 = tpu.memref_slice %arg10[%multiple_of3A_803] : memref<1000000xf32, #tpu.memory_space<hbm>> -> memref<128xf32, #tpu.memory_space<hbm>>
      %dma_start3A_860 = arith.constant 0 : i32
      %dma_start3A_861 = tpu.memref_slice %arg28[%dma_start3A_855, %dma_start3A_860] : memref<16x128xf32, #tpu.memory_space<vmem>> -> memref<1x128xf32, #tpu.memory_space<vmem>>
      %dma_start3A_862 = tpu.memref_squeeze %dma_start3A_861 : memref<1x128xf32, #tpu.memory_space<vmem>> -> memref<128xf32, #tpu.memory_space<vmem>>
      %dma_start3A_863 = tpu.memref_slice %arg10[%multiple_of3A_803] : memref<1000000xf32, #tpu.memory_space<hbm>> -> memref<128xf32, #tpu.memory_space<hbm>>
      tpu.enqueue_dma source(%dma_start3A_863 : memref<128xf32, #tpu.memory_space<hbm>>) target(%dma_start3A_862 : memref<128xf32, #tpu.memory_space<vmem>>) target_semaphore(%arg33 : memref<!tpu.dma_semaphore, #tpu.memory_space<semaphore_mem>>)
      %dma_start3A_864 = arith.constant 10 : i32
      %dma_start3A_865 = arith.constant 0 : i32
      %dma_start3A_866 = tpu.memref_slice %arg29[%dma_start3A_864, %dma_start3A_865] : memref<16x128xf32, #tpu.memory_space<vmem>> -> memref<1x128xf32, #tpu.memory_space<vmem>>
      %dma_start3A_867 = tpu.memref_squeeze %dma_start3A_866 : memref<1x128xf32, #tpu.memory_space<vmem>> -> memref<128xf32, #tpu.memory_space<vmem>>
      %dma_start3A_868 = tpu.memref_slice %arg12[%multiple_of3A_806] : memref<100000xf32, #tpu.memory_space<hbm>> -> memref<128xf32, #tpu.memory_space<hbm>>
      %dma_start3A_869 = arith.constant 0 : i32
      %dma_start3A_870 = tpu.memref_slice %arg29[%dma_start3A_864, %dma_start3A_869] : memref<16x128xf32, #tpu.memory_space<vmem>> -> memref<1x128xf32, #tpu.memory_space<vmem>>
      %dma_start3A_871 = tpu.memref_squeeze %dma_start3A_870 : memref<1x128xf32, #tpu.memory_space<vmem>> -> memref<128xf32, #tpu.memory_space<vmem>>
      %dma_start3A_872 = tpu.memref_slice %arg12[%multiple_of3A_806] : memref<100000xf32, #tpu.memory_space<hbm>> -> memref<128xf32, #tpu.memory_space<hbm>>
      tpu.enqueue_dma source(%dma_start3A_872 : memref<128xf32, #tpu.memory_space<hbm>>) target(%dma_start3A_871 : memref<128xf32, #tpu.memory_space<vmem>>) target_semaphore(%arg33 : memref<!tpu.dma_semaphore, #tpu.memory_space<semaphore_mem>>)
      %slice3A_873 = vector.extract_strided_slice %get3A_45 {offsets = [11], sizes = [1], strides = [1]} : vector<16xi32> to vector<1xi32>
      %squeeze3A_874 = vector.extract %slice3A_873[0] : i32 from vector<1xi32>
      %multiple_of3A_875 = tpu.assume_multiple %squeeze3A_874, 128 : i32
      %slice3A_876 = vector.extract_strided_slice %get3A_47 {offsets = [11], sizes = [1], strides = [1]} : vector<16xi32> to vector<1xi32>
      %squeeze3A_877 = vector.extract %slice3A_876[0] : i32 from vector<1xi32>
      %multiple_of3A_878 = tpu.assume_multiple %squeeze3A_877, 128 : i32
      %slice3A_879 = vector.extract_strided_slice %get3A_49 {offsets = [11], sizes = [1], strides = [1]} : vector<16xi32> to vector<1xi32>
      %squeeze3A_880 = vector.extract %slice3A_879[0] : i32 from vector<1xi32>
      %multiple_of3A_881 = tpu.assume_multiple %squeeze3A_880, 128 : i32
      %dma_start3A_882 = arith.constant 11 : i32
      %dma_start3A_883 = arith.constant 0 : i32
      %dma_start3A_884 = arith.constant 0 : i32
      %dma_start3A_885 = tpu.memref_slice %arg24[%dma_start3A_882, %dma_start3A_883, %dma_start3A_884] : memref<16x16x128xf32, #tpu.memory_space<vmem>> -> memref<1x16x128xf32, #tpu.memory_space<vmem>>
      %dma_start3A_886 = tpu.memref_squeeze %dma_start3A_885 : memref<1x16x128xf32, #tpu.memory_space<vmem>> -> memref<16x128xf32, #tpu.memory_space<vmem>>
      %dma_start3A_887 = arith.constant 0 : i32
      %dma_start3A_888 = tpu.memref_slice %arg5[%dma_start3A_887, %multiple_of3A_875] : memref<16x1000000xf32, #tpu.memory_space<hbm>> -> memref<16x128xf32, #tpu.memory_space<hbm>>
      %dma_start3A_889 = arith.constant 0 : i32
      %dma_start3A_890 = arith.constant 0 : i32
      %dma_start3A_891 = tpu.memref_slice %arg24[%dma_start3A_882, %dma_start3A_889, %dma_start3A_890] : memref<16x16x128xf32, #tpu.memory_space<vmem>> -> memref<1x16x128xf32, #tpu.memory_space<vmem>>
      %dma_start3A_892 = tpu.memref_squeeze %dma_start3A_891 : memref<1x16x128xf32, #tpu.memory_space<vmem>> -> memref<16x128xf32, #tpu.memory_space<vmem>>
      %dma_start3A_893 = arith.constant 0 : i32
      %dma_start3A_894 = tpu.memref_slice %arg5[%dma_start3A_893, %multiple_of3A_875] : memref<16x1000000xf32, #tpu.memory_space<hbm>> -> memref<16x128xf32, #tpu.memory_space<hbm>>
      tpu.enqueue_dma source(%dma_start3A_894 : memref<16x128xf32, #tpu.memory_space<hbm>>) target(%dma_start3A_892 : memref<16x128xf32, #tpu.memory_space<vmem>>) target_semaphore(%arg33 : memref<!tpu.dma_semaphore, #tpu.memory_space<semaphore_mem>>)
      %dma_start3A_895 = arith.constant 11 : i32
      %dma_start3A_896 = arith.constant 0 : i32
      %dma_start3A_897 = arith.constant 0 : i32
      %dma_start3A_898 = tpu.memref_slice %arg25[%dma_start3A_895, %dma_start3A_896, %dma_start3A_897] : memref<16x16x128xf32, #tpu.memory_space<vmem>> -> memref<1x16x128xf32, #tpu.memory_space<vmem>>
      %dma_start3A_899 = tpu.memref_squeeze %dma_start3A_898 : memref<1x16x128xf32, #tpu.memory_space<vmem>> -> memref<16x128xf32, #tpu.memory_space<vmem>>
      %dma_start3A_900 = arith.constant 0 : i32
      %dma_start3A_901 = tpu.memref_slice %arg6[%dma_start3A_900, %multiple_of3A_878] : memref<16x1000000xf32, #tpu.memory_space<hbm>> -> memref<16x128xf32, #tpu.memory_space<hbm>>
      %dma_start3A_902 = arith.constant 0 : i32
      %dma_start3A_903 = arith.constant 0 : i32
      %dma_start3A_904 = tpu.memref_slice %arg25[%dma_start3A_895, %dma_start3A_902, %dma_start3A_903] : memref<16x16x128xf32, #tpu.memory_space<vmem>> -> memref<1x16x128xf32, #tpu.memory_space<vmem>>
      %dma_start3A_905 = tpu.memref_squeeze %dma_start3A_904 : memref<1x16x128xf32, #tpu.memory_space<vmem>> -> memref<16x128xf32, #tpu.memory_space<vmem>>
      %dma_start3A_906 = arith.constant 0 : i32
      %dma_start3A_907 = tpu.memref_slice %arg6[%dma_start3A_906, %multiple_of3A_878] : memref<16x1000000xf32, #tpu.memory_space<hbm>> -> memref<16x128xf32, #tpu.memory_space<hbm>>
      tpu.enqueue_dma source(%dma_start3A_907 : memref<16x128xf32, #tpu.memory_space<hbm>>) target(%dma_start3A_905 : memref<16x128xf32, #tpu.memory_space<vmem>>) target_semaphore(%arg33 : memref<!tpu.dma_semaphore, #tpu.memory_space<semaphore_mem>>)
      %dma_start3A_908 = arith.constant 11 : i32
      %dma_start3A_909 = arith.constant 0 : i32
      %dma_start3A_910 = arith.constant 0 : i32
      %dma_start3A_911 = tpu.memref_slice %arg26[%dma_start3A_908, %dma_start3A_909, %dma_start3A_910] : memref<16x16x128xf32, #tpu.memory_space<vmem>> -> memref<1x16x128xf32, #tpu.memory_space<vmem>>
      %dma_start3A_912 = tpu.memref_squeeze %dma_start3A_911 : memref<1x16x128xf32, #tpu.memory_space<vmem>> -> memref<16x128xf32, #tpu.memory_space<vmem>>
      %dma_start3A_913 = arith.constant 0 : i32
      %dma_start3A_914 = tpu.memref_slice %arg8[%dma_start3A_913, %multiple_of3A_881] : memref<16x100000xf32, #tpu.memory_space<hbm>> -> memref<16x128xf32, #tpu.memory_space<hbm>>
      %dma_start3A_915 = arith.constant 0 : i32
      %dma_start3A_916 = arith.constant 0 : i32
      %dma_start3A_917 = tpu.memref_slice %arg26[%dma_start3A_908, %dma_start3A_915, %dma_start3A_916] : memref<16x16x128xf32, #tpu.memory_space<vmem>> -> memref<1x16x128xf32, #tpu.memory_space<vmem>>
      %dma_start3A_918 = tpu.memref_squeeze %dma_start3A_917 : memref<1x16x128xf32, #tpu.memory_space<vmem>> -> memref<16x128xf32, #tpu.memory_space<vmem>>
      %dma_start3A_919 = arith.constant 0 : i32
      %dma_start3A_920 = tpu.memref_slice %arg8[%dma_start3A_919, %multiple_of3A_881] : memref<16x100000xf32, #tpu.memory_space<hbm>> -> memref<16x128xf32, #tpu.memory_space<hbm>>
      tpu.enqueue_dma source(%dma_start3A_920 : memref<16x128xf32, #tpu.memory_space<hbm>>) target(%dma_start3A_918 : memref<16x128xf32, #tpu.memory_space<vmem>>) target_semaphore(%arg33 : memref<!tpu.dma_semaphore, #tpu.memory_space<semaphore_mem>>)
      %dma_start3A_921 = arith.constant 11 : i32
      %dma_start3A_922 = arith.constant 0 : i32
      %dma_start3A_923 = tpu.memref_slice %arg27[%dma_start3A_921, %dma_start3A_922] : memref<16x128xf32, #tpu.memory_space<vmem>> -> memref<1x128xf32, #tpu.memory_space<vmem>>
      %dma_start3A_924 = tpu.memref_squeeze %dma_start3A_923 : memref<1x128xf32, #tpu.memory_space<vmem>> -> memref<128xf32, #tpu.memory_space<vmem>>
      %dma_start3A_925 = tpu.memref_slice %arg9[%multiple_of3A_875] : memref<1000000xf32, #tpu.memory_space<hbm>> -> memref<128xf32, #tpu.memory_space<hbm>>
      %dma_start3A_926 = arith.constant 0 : i32
      %dma_start3A_927 = tpu.memref_slice %arg27[%dma_start3A_921, %dma_start3A_926] : memref<16x128xf32, #tpu.memory_space<vmem>> -> memref<1x128xf32, #tpu.memory_space<vmem>>
      %dma_start3A_928 = tpu.memref_squeeze %dma_start3A_927 : memref<1x128xf32, #tpu.memory_space<vmem>> -> memref<128xf32, #tpu.memory_space<vmem>>
      %dma_start3A_929 = tpu.memref_slice %arg9[%multiple_of3A_875] : memref<1000000xf32, #tpu.memory_space<hbm>> -> memref<128xf32, #tpu.memory_space<hbm>>
      tpu.enqueue_dma source(%dma_start3A_929 : memref<128xf32, #tpu.memory_space<hbm>>) target(%dma_start3A_928 : memref<128xf32, #tpu.memory_space<vmem>>) target_semaphore(%arg33 : memref<!tpu.dma_semaphore, #tpu.memory_space<semaphore_mem>>)
      %dma_start3A_930 = arith.constant 11 : i32
      %dma_start3A_931 = arith.constant 0 : i32
      %dma_start3A_932 = tpu.memref_slice %arg28[%dma_start3A_930, %dma_start3A_931] : memref<16x128xf32, #tpu.memory_space<vmem>> -> memref<1x128xf32, #tpu.memory_space<vmem>>
      %dma_start3A_933 = tpu.memref_squeeze %dma_start3A_932 : memref<1x128xf32, #tpu.memory_space<vmem>> -> memref<128xf32, #tpu.memory_space<vmem>>
      %dma_start3A_934 = tpu.memref_slice %arg10[%multiple_of3A_878] : memref<1000000xf32, #tpu.memory_space<hbm>> -> memref<128xf32, #tpu.memory_space<hbm>>
      %dma_start3A_935 = arith.constant 0 : i32
      %dma_start3A_936 = tpu.memref_slice %arg28[%dma_start3A_930, %dma_start3A_935] : memref<16x128xf32, #tpu.memory_space<vmem>> -> memref<1x128xf32, #tpu.memory_space<vmem>>
      %dma_start3A_937 = tpu.memref_squeeze %dma_start3A_936 : memref<1x128xf32, #tpu.memory_space<vmem>> -> memref<128xf32, #tpu.memory_space<vmem>>
      %dma_start3A_938 = tpu.memref_slice %arg10[%multiple_of3A_878] : memref<1000000xf32, #tpu.memory_space<hbm>> -> memref<128xf32, #tpu.memory_space<hbm>>
      tpu.enqueue_dma source(%dma_start3A_938 : memref<128xf32, #tpu.memory_space<hbm>>) target(%dma_start3A_937 : memref<128xf32, #tpu.memory_space<vmem>>) target_semaphore(%arg33 : memref<!tpu.dma_semaphore, #tpu.memory_space<semaphore_mem>>)
      %dma_start3A_939 = arith.constant 11 : i32
      %dma_start3A_940 = arith.constant 0 : i32
      %dma_start3A_941 = tpu.memref_slice %arg29[%dma_start3A_939, %dma_start3A_940] : memref<16x128xf32, #tpu.memory_space<vmem>> -> memref<1x128xf32, #tpu.memory_space<vmem>>
      %dma_start3A_942 = tpu.memref_squeeze %dma_start3A_941 : memref<1x128xf32, #tpu.memory_space<vmem>> -> memref<128xf32, #tpu.memory_space<vmem>>
      %dma_start3A_943 = tpu.memref_slice %arg12[%multiple_of3A_881] : memref<100000xf32, #tpu.memory_space<hbm>> -> memref<128xf32, #tpu.memory_space<hbm>>
      %dma_start3A_944 = arith.constant 0 : i32
      %dma_start3A_945 = tpu.memref_slice %arg29[%dma_start3A_939, %dma_start3A_944] : memref<16x128xf32, #tpu.memory_space<vmem>> -> memref<1x128xf32, #tpu.memory_space<vmem>>
      %dma_start3A_946 = tpu.memref_squeeze %dma_start3A_945 : memref<1x128xf32, #tpu.memory_space<vmem>> -> memref<128xf32, #tpu.memory_space<vmem>>
      %dma_start3A_947 = tpu.memref_slice %arg12[%multiple_of3A_881] : memref<100000xf32, #tpu.memory_space<hbm>> -> memref<128xf32, #tpu.memory_space<hbm>>
      tpu.enqueue_dma source(%dma_start3A_947 : memref<128xf32, #tpu.memory_space<hbm>>) target(%dma_start3A_946 : memref<128xf32, #tpu.memory_space<vmem>>) target_semaphore(%arg33 : memref<!tpu.dma_semaphore, #tpu.memory_space<semaphore_mem>>)
      %dma_wait3A_948 = arith.constant 0 : i32
      %dma_wait3A_949 = arith.constant 0 : i32
      %dma_wait3A_950 = arith.constant 0 : i32
      %dma_wait3A_951 = tpu.memref_slice %arg24[%dma_wait3A_948, %dma_wait3A_949, %dma_wait3A_950] : memref<16x16x128xf32, #tpu.memory_space<vmem>> -> memref<1x16x128xf32, #tpu.memory_space<vmem>>
      %dma_wait3A_952 = tpu.memref_squeeze %dma_wait3A_951 : memref<1x16x128xf32, #tpu.memory_space<vmem>> -> memref<16x128xf32, #tpu.memory_space<vmem>>
      %dma_wait3A_953 = arith.constant 0 : i32
      %dma_wait3A_954 = tpu.memref_slice %arg5[%dma_wait3A_953, %multiple_of3A_50] : memref<16x1000000xf32, #tpu.memory_space<hbm>> -> memref<16x128xf32, #tpu.memory_space<hbm>>
      %dma_wait3A_955 = arith.constant 0 : i32
      %dma_wait3A_956 = arith.constant 0 : i32
      %dma_wait3A_957 = tpu.memref_slice %arg24[%dma_wait3A_948, %dma_wait3A_955, %dma_wait3A_956] : memref<16x16x128xf32, #tpu.memory_space<vmem>> -> memref<1x16x128xf32, #tpu.memory_space<vmem>>
      %dma_wait3A_958 = tpu.memref_squeeze %dma_wait3A_957 : memref<1x16x128xf32, #tpu.memory_space<vmem>> -> memref<16x128xf32, #tpu.memory_space<vmem>>
      %dma_wait3A_959 = arith.constant 0 : i32
      %dma_wait3A_960 = tpu.memref_slice %arg5[%dma_wait3A_959, %multiple_of3A_50] : memref<16x1000000xf32, #tpu.memory_space<hbm>> -> memref<16x128xf32, #tpu.memory_space<hbm>>
      tpu.wait_dma2 semaphore(%arg33 : memref<!tpu.dma_semaphore, #tpu.memory_space<semaphore_mem>>) src(%dma_wait3A_960 : memref<16x128xf32, #tpu.memory_space<hbm>>) dst(%dma_wait3A_958 : memref<16x128xf32, #tpu.memory_space<vmem>>)
      %dma_wait3A_961 = arith.constant 0 : i32
      %dma_wait3A_962 = arith.constant 0 : i32
      %dma_wait3A_963 = arith.constant 0 : i32
      %dma_wait3A_964 = tpu.memref_slice %arg25[%dma_wait3A_961, %dma_wait3A_962, %dma_wait3A_963] : memref<16x16x128xf32, #tpu.memory_space<vmem>> -> memref<1x16x128xf32, #tpu.memory_space<vmem>>
      %dma_wait3A_965 = tpu.memref_squeeze %dma_wait3A_964 : memref<1x16x128xf32, #tpu.memory_space<vmem>> -> memref<16x128xf32, #tpu.memory_space<vmem>>
      %dma_wait3A_966 = arith.constant 0 : i32
      %dma_wait3A_967 = tpu.memref_slice %arg6[%dma_wait3A_966, %multiple_of3A_53] : memref<16x1000000xf32, #tpu.memory_space<hbm>> -> memref<16x128xf32, #tpu.memory_space<hbm>>
      %dma_wait3A_968 = arith.constant 0 : i32
      %dma_wait3A_969 = arith.constant 0 : i32
      %dma_wait3A_970 = tpu.memref_slice %arg25[%dma_wait3A_961, %dma_wait3A_968, %dma_wait3A_969] : memref<16x16x128xf32, #tpu.memory_space<vmem>> -> memref<1x16x128xf32, #tpu.memory_space<vmem>>
      %dma_wait3A_971 = tpu.memref_squeeze %dma_wait3A_970 : memref<1x16x128xf32, #tpu.memory_space<vmem>> -> memref<16x128xf32, #tpu.memory_space<vmem>>
      %dma_wait3A_972 = arith.constant 0 : i32
      %dma_wait3A_973 = tpu.memref_slice %arg6[%dma_wait3A_972, %multiple_of3A_53] : memref<16x1000000xf32, #tpu.memory_space<hbm>> -> memref<16x128xf32, #tpu.memory_space<hbm>>
      tpu.wait_dma2 semaphore(%arg33 : memref<!tpu.dma_semaphore, #tpu.memory_space<semaphore_mem>>) src(%dma_wait3A_973 : memref<16x128xf32, #tpu.memory_space<hbm>>) dst(%dma_wait3A_971 : memref<16x128xf32, #tpu.memory_space<vmem>>)
      %dma_wait3A_974 = arith.constant 0 : i32
      %dma_wait3A_975 = arith.constant 0 : i32
      %dma_wait3A_976 = arith.constant 0 : i32
      %dma_wait3A_977 = tpu.memref_slice %arg26[%dma_wait3A_974, %dma_wait3A_975, %dma_wait3A_976] : memref<16x16x128xf32, #tpu.memory_space<vmem>> -> memref<1x16x128xf32, #tpu.memory_space<vmem>>
      %dma_wait3A_978 = tpu.memref_squeeze %dma_wait3A_977 : memref<1x16x128xf32, #tpu.memory_space<vmem>> -> memref<16x128xf32, #tpu.memory_space<vmem>>
      %dma_wait3A_979 = arith.constant 0 : i32
      %dma_wait3A_980 = tpu.memref_slice %arg8[%dma_wait3A_979, %multiple_of3A_56] : memref<16x100000xf32, #tpu.memory_space<hbm>> -> memref<16x128xf32, #tpu.memory_space<hbm>>
      %dma_wait3A_981 = arith.constant 0 : i32
      %dma_wait3A_982 = arith.constant 0 : i32
      %dma_wait3A_983 = tpu.memref_slice %arg26[%dma_wait3A_974, %dma_wait3A_981, %dma_wait3A_982] : memref<16x16x128xf32, #tpu.memory_space<vmem>> -> memref<1x16x128xf32, #tpu.memory_space<vmem>>
      %dma_wait3A_984 = tpu.memref_squeeze %dma_wait3A_983 : memref<1x16x128xf32, #tpu.memory_space<vmem>> -> memref<16x128xf32, #tpu.memory_space<vmem>>
      %dma_wait3A_985 = arith.constant 0 : i32
      %dma_wait3A_986 = tpu.memref_slice %arg8[%dma_wait3A_985, %multiple_of3A_56] : memref<16x100000xf32, #tpu.memory_space<hbm>> -> memref<16x128xf32, #tpu.memory_space<hbm>>
      tpu.wait_dma2 semaphore(%arg33 : memref<!tpu.dma_semaphore, #tpu.memory_space<semaphore_mem>>) src(%dma_wait3A_986 : memref<16x128xf32, #tpu.memory_space<hbm>>) dst(%dma_wait3A_984 : memref<16x128xf32, #tpu.memory_space<vmem>>)
      %dma_wait3A_987 = arith.constant 0 : i32
      %dma_wait3A_988 = arith.constant 0 : i32
      %dma_wait3A_989 = tpu.memref_slice %arg27[%dma_wait3A_987, %dma_wait3A_988] : memref<16x128xf32, #tpu.memory_space<vmem>> -> memref<1x128xf32, #tpu.memory_space<vmem>>
      %dma_wait3A_990 = tpu.memref_squeeze %dma_wait3A_989 : memref<1x128xf32, #tpu.memory_space<vmem>> -> memref<128xf32, #tpu.memory_space<vmem>>
      %dma_wait3A_991 = tpu.memref_slice %arg9[%multiple_of3A_50] : memref<1000000xf32, #tpu.memory_space<hbm>> -> memref<128xf32, #tpu.memory_space<hbm>>
      %dma_wait3A_992 = arith.constant 0 : i32
      %dma_wait3A_993 = tpu.memref_slice %arg27[%dma_wait3A_987, %dma_wait3A_992] : memref<16x128xf32, #tpu.memory_space<vmem>> -> memref<1x128xf32, #tpu.memory_space<vmem>>
      %dma_wait3A_994 = tpu.memref_squeeze %dma_wait3A_993 : memref<1x128xf32, #tpu.memory_space<vmem>> -> memref<128xf32, #tpu.memory_space<vmem>>
      %dma_wait3A_995 = tpu.memref_slice %arg9[%multiple_of3A_50] : memref<1000000xf32, #tpu.memory_space<hbm>> -> memref<128xf32, #tpu.memory_space<hbm>>
      tpu.wait_dma2 semaphore(%arg33 : memref<!tpu.dma_semaphore, #tpu.memory_space<semaphore_mem>>) src(%dma_wait3A_995 : memref<128xf32, #tpu.memory_space<hbm>>) dst(%dma_wait3A_994 : memref<128xf32, #tpu.memory_space<vmem>>)
      %dma_wait3A_996 = arith.constant 0 : i32
      %dma_wait3A_997 = arith.constant 0 : i32
      %dma_wait3A_998 = tpu.memref_slice %arg28[%dma_wait3A_996, %dma_wait3A_997] : memref<16x128xf32, #tpu.memory_space<vmem>> -> memref<1x128xf32, #tpu.memory_space<vmem>>
      %dma_wait3A_999 = tpu.memref_squeeze %dma_wait3A_998 : memref<1x128xf32, #tpu.memory_space<vmem>> -> memref<128xf32, #tpu.memory_space<vmem>>
      %dma_wait3A_1000 = tpu.memref_slice %arg10[%multiple_of3A_53] : memref<1000000xf32, #tpu.memory_space<hbm>> -> memref<128xf32, #tpu.memory_space<hbm>>
      %dma_wait3A_1001 = arith.constant 0 : i32
      %dma_wait3A_1002 = tpu.memref_slice %arg28[%dma_wait3A_996, %dma_wait3A_1001] : memref<16x128xf32, #tpu.memory_space<vmem>> -> memref<1x128xf32, #tpu.memory_space<vmem>>
      %dma_wait3A_1003 = tpu.memref_squeeze %dma_wait3A_1002 : memref<1x128xf32, #tpu.memory_space<vmem>> -> memref<128xf32, #tpu.memory_space<vmem>>
      %dma_wait3A_1004 = tpu.memref_slice %arg10[%multiple_of3A_53] : memref<1000000xf32, #tpu.memory_space<hbm>> -> memref<128xf32, #tpu.memory_space<hbm>>
      tpu.wait_dma2 semaphore(%arg33 : memref<!tpu.dma_semaphore, #tpu.memory_space<semaphore_mem>>) src(%dma_wait3A_1004 : memref<128xf32, #tpu.memory_space<hbm>>) dst(%dma_wait3A_1003 : memref<128xf32, #tpu.memory_space<vmem>>)
      %dma_wait3A_1005 = arith.constant 0 : i32
      %dma_wait3A_1006 = arith.constant 0 : i32
      %dma_wait3A_1007 = tpu.memref_slice %arg29[%dma_wait3A_1005, %dma_wait3A_1006] : memref<16x128xf32, #tpu.memory_space<vmem>> -> memref<1x128xf32, #tpu.memory_space<vmem>>
      %dma_wait3A_1008 = tpu.memref_squeeze %dma_wait3A_1007 : memref<1x128xf32, #tpu.memory_space<vmem>> -> memref<128xf32, #tpu.memory_space<vmem>>
      %dma_wait3A_1009 = tpu.memref_slice %arg12[%multiple_of3A_56] : memref<100000xf32, #tpu.memory_space<hbm>> -> memref<128xf32, #tpu.memory_space<hbm>>
      %dma_wait3A_1010 = arith.constant 0 : i32
      %dma_wait3A_1011 = tpu.memref_slice %arg29[%dma_wait3A_1005, %dma_wait3A_1010] : memref<16x128xf32, #tpu.memory_space<vmem>> -> memref<1x128xf32, #tpu.memory_space<vmem>>
      %dma_wait3A_1012 = tpu.memref_squeeze %dma_wait3A_1011 : memref<1x128xf32, #tpu.memory_space<vmem>> -> memref<128xf32, #tpu.memory_space<vmem>>
      %dma_wait3A_1013 = tpu.memref_slice %arg12[%multiple_of3A_56] : memref<100000xf32, #tpu.memory_space<hbm>> -> memref<128xf32, #tpu.memory_space<hbm>>
      tpu.wait_dma2 semaphore(%arg33 : memref<!tpu.dma_semaphore, #tpu.memory_space<semaphore_mem>>) src(%dma_wait3A_1013 : memref<128xf32, #tpu.memory_space<hbm>>) dst(%dma_wait3A_1012 : memref<128xf32, #tpu.memory_space<vmem>>)
      %dma_wait3A_1014 = arith.constant 1 : i32
      %dma_wait3A_1015 = arith.constant 0 : i32
      %dma_wait3A_1016 = arith.constant 0 : i32
      %dma_wait3A_1017 = tpu.memref_slice %arg24[%dma_wait3A_1014, %dma_wait3A_1015, %dma_wait3A_1016] : memref<16x16x128xf32, #tpu.memory_space<vmem>> -> memref<1x16x128xf32, #tpu.memory_space<vmem>>
      %dma_wait3A_1018 = tpu.memref_squeeze %dma_wait3A_1017 : memref<1x16x128xf32, #tpu.memory_space<vmem>> -> memref<16x128xf32, #tpu.memory_space<vmem>>
      %dma_wait3A_1019 = arith.constant 0 : i32
      %dma_wait3A_1020 = tpu.memref_slice %arg5[%dma_wait3A_1019, %multiple_of3A_125] : memref<16x1000000xf32, #tpu.memory_space<hbm>> -> memref<16x128xf32, #tpu.memory_space<hbm>>
      %dma_wait3A_1021 = arith.constant 0 : i32
      %dma_wait3A_1022 = arith.constant 0 : i32
      %dma_wait3A_1023 = tpu.memref_slice %arg24[%dma_wait3A_1014, %dma_wait3A_1021, %dma_wait3A_1022] : memref<16x16x128xf32, #tpu.memory_space<vmem>> -> memref<1x16x128xf32, #tpu.memory_space<vmem>>
      %dma_wait3A_1024 = tpu.memref_squeeze %dma_wait3A_1023 : memref<1x16x128xf32, #tpu.memory_space<vmem>> -> memref<16x128xf32, #tpu.memory_space<vmem>>
      %dma_wait3A_1025 = arith.constant 0 : i32
      %dma_wait3A_1026 = tpu.memref_slice %arg5[%dma_wait3A_1025, %multiple_of3A_125] : memref<16x1000000xf32, #tpu.memory_space<hbm>> -> memref<16x128xf32, #tpu.memory_space<hbm>>
      tpu.wait_dma2 semaphore(%arg33 : memref<!tpu.dma_semaphore, #tpu.memory_space<semaphore_mem>>) src(%dma_wait3A_1026 : memref<16x128xf32, #tpu.memory_space<hbm>>) dst(%dma_wait3A_1024 : memref<16x128xf32, #tpu.memory_space<vmem>>)
      %dma_wait3A_1027 = arith.constant 1 : i32
      %dma_wait3A_1028 = arith.constant 0 : i32
      %dma_wait3A_1029 = arith.constant 0 : i32
      %dma_wait3A_1030 = tpu.memref_slice %arg25[%dma_wait3A_1027, %dma_wait3A_1028, %dma_wait3A_1029] : memref<16x16x128xf32, #tpu.memory_space<vmem>> -> memref<1x16x128xf32, #tpu.memory_space<vmem>>
      %dma_wait3A_1031 = tpu.memref_squeeze %dma_wait3A_1030 : memref<1x16x128xf32, #tpu.memory_space<vmem>> -> memref<16x128xf32, #tpu.memory_space<vmem>>
      %dma_wait3A_1032 = arith.constant 0 : i32
      %dma_wait3A_1033 = tpu.memref_slice %arg6[%dma_wait3A_1032, %multiple_of3A_128] : memref<16x1000000xf32, #tpu.memory_space<hbm>> -> memref<16x128xf32, #tpu.memory_space<hbm>>
      %dma_wait3A_1034 = arith.constant 0 : i32
      %dma_wait3A_1035 = arith.constant 0 : i32
      %dma_wait3A_1036 = tpu.memref_slice %arg25[%dma_wait3A_1027, %dma_wait3A_1034, %dma_wait3A_1035] : memref<16x16x128xf32, #tpu.memory_space<vmem>> -> memref<1x16x128xf32, #tpu.memory_space<vmem>>
      %dma_wait3A_1037 = tpu.memref_squeeze %dma_wait3A_1036 : memref<1x16x128xf32, #tpu.memory_space<vmem>> -> memref<16x128xf32, #tpu.memory_space<vmem>>
      %dma_wait3A_1038 = arith.constant 0 : i32
      %dma_wait3A_1039 = tpu.memref_slice %arg6[%dma_wait3A_1038, %multiple_of3A_128] : memref<16x1000000xf32, #tpu.memory_space<hbm>> -> memref<16x128xf32, #tpu.memory_space<hbm>>
      tpu.wait_dma2 semaphore(%arg33 : memref<!tpu.dma_semaphore, #tpu.memory_space<semaphore_mem>>) src(%dma_wait3A_1039 : memref<16x128xf32, #tpu.memory_space<hbm>>) dst(%dma_wait3A_1037 : memref<16x128xf32, #tpu.memory_space<vmem>>)
      %dma_wait3A_1040 = arith.constant 1 : i32
      %dma_wait3A_1041 = arith.constant 0 : i32
      %dma_wait3A_1042 = arith.constant 0 : i32
      %dma_wait3A_1043 = tpu.memref_slice %arg26[%dma_wait3A_1040, %dma_wait3A_1041, %dma_wait3A_1042] : memref<16x16x128xf32, #tpu.memory_space<vmem>> -> memref<1x16x128xf32, #tpu.memory_space<vmem>>
      %dma_wait3A_1044 = tpu.memref_squeeze %dma_wait3A_1043 : memref<1x16x128xf32, #tpu.memory_space<vmem>> -> memref<16x128xf32, #tpu.memory_space<vmem>>
      %dma_wait3A_1045 = arith.constant 0 : i32
      %dma_wait3A_1046 = tpu.memref_slice %arg8[%dma_wait3A_1045, %multiple_of3A_131] : memref<16x100000xf32, #tpu.memory_space<hbm>> -> memref<16x128xf32, #tpu.memory_space<hbm>>
      %dma_wait3A_1047 = arith.constant 0 : i32
      %dma_wait3A_1048 = arith.constant 0 : i32
      %dma_wait3A_1049 = tpu.memref_slice %arg26[%dma_wait3A_1040, %dma_wait3A_1047, %dma_wait3A_1048] : memref<16x16x128xf32, #tpu.memory_space<vmem>> -> memref<1x16x128xf32, #tpu.memory_space<vmem>>
      %dma_wait3A_1050 = tpu.memref_squeeze %dma_wait3A_1049 : memref<1x16x128xf32, #tpu.memory_space<vmem>> -> memref<16x128xf32, #tpu.memory_space<vmem>>
      %dma_wait3A_1051 = arith.constant 0 : i32
      %dma_wait3A_1052 = tpu.memref_slice %arg8[%dma_wait3A_1051, %multiple_of3A_131] : memref<16x100000xf32, #tpu.memory_space<hbm>> -> memref<16x128xf32, #tpu.memory_space<hbm>>
      tpu.wait_dma2 semaphore(%arg33 : memref<!tpu.dma_semaphore, #tpu.memory_space<semaphore_mem>>) src(%dma_wait3A_1052 : memref<16x128xf32, #tpu.memory_space<hbm>>) dst(%dma_wait3A_1050 : memref<16x128xf32, #tpu.memory_space<vmem>>)
      %dma_wait3A_1053 = arith.constant 1 : i32
      %dma_wait3A_1054 = arith.constant 0 : i32
      %dma_wait3A_1055 = tpu.memref_slice %arg27[%dma_wait3A_1053, %dma_wait3A_1054] : memref<16x128xf32, #tpu.memory_space<vmem>> -> memref<1x128xf32, #tpu.memory_space<vmem>>
      %dma_wait3A_1056 = tpu.memref_squeeze %dma_wait3A_1055 : memref<1x128xf32, #tpu.memory_space<vmem>> -> memref<128xf32, #tpu.memory_space<vmem>>
      %dma_wait3A_1057 = tpu.memref_slice %arg9[%multiple_of3A_125] : memref<1000000xf32, #tpu.memory_space<hbm>> -> memref<128xf32, #tpu.memory_space<hbm>>
      %dma_wait3A_1058 = arith.constant 0 : i32
      %dma_wait3A_1059 = tpu.memref_slice %arg27[%dma_wait3A_1053, %dma_wait3A_1058] : memref<16x128xf32, #tpu.memory_space<vmem>> -> memref<1x128xf32, #tpu.memory_space<vmem>>
      %dma_wait3A_1060 = tpu.memref_squeeze %dma_wait3A_1059 : memref<1x128xf32, #tpu.memory_space<vmem>> -> memref<128xf32, #tpu.memory_space<vmem>>
      %dma_wait3A_1061 = tpu.memref_slice %arg9[%multiple_of3A_125] : memref<1000000xf32, #tpu.memory_space<hbm>> -> memref<128xf32, #tpu.memory_space<hbm>>
      tpu.wait_dma2 semaphore(%arg33 : memref<!tpu.dma_semaphore, #tpu.memory_space<semaphore_mem>>) src(%dma_wait3A_1061 : memref<128xf32, #tpu.memory_space<hbm>>) dst(%dma_wait3A_1060 : memref<128xf32, #tpu.memory_space<vmem>>)
      %dma_wait3A_1062 = arith.constant 1 : i32
      %dma_wait3A_1063 = arith.constant 0 : i32
      %dma_wait3A_1064 = tpu.memref_slice %arg28[%dma_wait3A_1062, %dma_wait3A_1063] : memref<16x128xf32, #tpu.memory_space<vmem>> -> memref<1x128xf32, #tpu.memory_space<vmem>>
      %dma_wait3A_1065 = tpu.memref_squeeze %dma_wait3A_1064 : memref<1x128xf32, #tpu.memory_space<vmem>> -> memref<128xf32, #tpu.memory_space<vmem>>
      %dma_wait3A_1066 = tpu.memref_slice %arg10[%multiple_of3A_128] : memref<1000000xf32, #tpu.memory_space<hbm>> -> memref<128xf32, #tpu.memory_space<hbm>>
      %dma_wait3A_1067 = arith.constant 0 : i32
      %dma_wait3A_1068 = tpu.memref_slice %arg28[%dma_wait3A_1062, %dma_wait3A_1067] : memref<16x128xf32, #tpu.memory_space<vmem>> -> memref<1x128xf32, #tpu.memory_space<vmem>>
      %dma_wait3A_1069 = tpu.memref_squeeze %dma_wait3A_1068 : memref<1x128xf32, #tpu.memory_space<vmem>> -> memref<128xf32, #tpu.memory_space<vmem>>
      %dma_wait3A_1070 = tpu.memref_slice %arg10[%multiple_of3A_128] : memref<1000000xf32, #tpu.memory_space<hbm>> -> memref<128xf32, #tpu.memory_space<hbm>>
      tpu.wait_dma2 semaphore(%arg33 : memref<!tpu.dma_semaphore, #tpu.memory_space<semaphore_mem>>) src(%dma_wait3A_1070 : memref<128xf32, #tpu.memory_space<hbm>>) dst(%dma_wait3A_1069 : memref<128xf32, #tpu.memory_space<vmem>>)
      %dma_wait3A_1071 = arith.constant 1 : i32
      %dma_wait3A_1072 = arith.constant 0 : i32
      %dma_wait3A_1073 = tpu.memref_slice %arg29[%dma_wait3A_1071, %dma_wait3A_1072] : memref<16x128xf32, #tpu.memory_space<vmem>> -> memref<1x128xf32, #tpu.memory_space<vmem>>
      %dma_wait3A_1074 = tpu.memref_squeeze %dma_wait3A_1073 : memref<1x128xf32, #tpu.memory_space<vmem>> -> memref<128xf32, #tpu.memory_space<vmem>>
      %dma_wait3A_1075 = tpu.memref_slice %arg12[%multiple_of3A_131] : memref<100000xf32, #tpu.memory_space<hbm>> -> memref<128xf32, #tpu.memory_space<hbm>>
      %dma_wait3A_1076 = arith.constant 0 : i32
      %dma_wait3A_1077 = tpu.memref_slice %arg29[%dma_wait3A_1071, %dma_wait3A_1076] : memref<16x128xf32, #tpu.memory_space<vmem>> -> memref<1x128xf32, #tpu.memory_space<vmem>>
      %dma_wait3A_1078 = tpu.memref_squeeze %dma_wait3A_1077 : memref<1x128xf32, #tpu.memory_space<vmem>> -> memref<128xf32, #tpu.memory_space<vmem>>
      %dma_wait3A_1079 = tpu.memref_slice %arg12[%multiple_of3A_131] : memref<100000xf32, #tpu.memory_space<hbm>> -> memref<128xf32, #tpu.memory_space<hbm>>
      tpu.wait_dma2 semaphore(%arg33 : memref<!tpu.dma_semaphore, #tpu.memory_space<semaphore_mem>>) src(%dma_wait3A_1079 : memref<128xf32, #tpu.memory_space<hbm>>) dst(%dma_wait3A_1078 : memref<128xf32, #tpu.memory_space<vmem>>)
      %dma_wait3A_1080 = arith.constant 2 : i32
      %dma_wait3A_1081 = arith.constant 0 : i32
      %dma_wait3A_1082 = arith.constant 0 : i32
      %dma_wait3A_1083 = tpu.memref_slice %arg24[%dma_wait3A_1080, %dma_wait3A_1081, %dma_wait3A_1082] : memref<16x16x128xf32, #tpu.memory_space<vmem>> -> memref<1x16x128xf32, #tpu.memory_space<vmem>>
      %dma_wait3A_1084 = tpu.memref_squeeze %dma_wait3A_1083 : memref<1x16x128xf32, #tpu.memory_space<vmem>> -> memref<16x128xf32, #tpu.memory_space<vmem>>
      %dma_wait3A_1085 = arith.constant 0 : i32
      %dma_wait3A_1086 = tpu.memref_slice %arg5[%dma_wait3A_1085, %multiple_of3A_200] : memref<16x1000000xf32, #tpu.memory_space<hbm>> -> memref<16x128xf32, #tpu.memory_space<hbm>>
      %dma_wait3A_1087 = arith.constant 0 : i32
      %dma_wait3A_1088 = arith.constant 0 : i32
      %dma_wait3A_1089 = tpu.memref_slice %arg24[%dma_wait3A_1080, %dma_wait3A_1087, %dma_wait3A_1088] : memref<16x16x128xf32, #tpu.memory_space<vmem>> -> memref<1x16x128xf32, #tpu.memory_space<vmem>>
      %dma_wait3A_1090 = tpu.memref_squeeze %dma_wait3A_1089 : memref<1x16x128xf32, #tpu.memory_space<vmem>> -> memref<16x128xf32, #tpu.memory_space<vmem>>
      %dma_wait3A_1091 = arith.constant 0 : i32
      %dma_wait3A_1092 = tpu.memref_slice %arg5[%dma_wait3A_1091, %multiple_of3A_200] : memref<16x1000000xf32, #tpu.memory_space<hbm>> -> memref<16x128xf32, #tpu.memory_space<hbm>>
      tpu.wait_dma2 semaphore(%arg33 : memref<!tpu.dma_semaphore, #tpu.memory_space<semaphore_mem>>) src(%dma_wait3A_1092 : memref<16x128xf32, #tpu.memory_space<hbm>>) dst(%dma_wait3A_1090 : memref<16x128xf32, #tpu.memory_space<vmem>>)
      %dma_wait3A_1093 = arith.constant 2 : i32
      %dma_wait3A_1094 = arith.constant 0 : i32
      %dma_wait3A_1095 = arith.constant 0 : i32
      %dma_wait3A_1096 = tpu.memref_slice %arg25[%dma_wait3A_1093, %dma_wait3A_1094, %dma_wait3A_1095] : memref<16x16x128xf32, #tpu.memory_space<vmem>> -> memref<1x16x128xf32, #tpu.memory_space<vmem>>
      %dma_wait3A_1097 = tpu.memref_squeeze %dma_wait3A_1096 : memref<1x16x128xf32, #tpu.memory_space<vmem>> -> memref<16x128xf32, #tpu.memory_space<vmem>>
      %dma_wait3A_1098 = arith.constant 0 : i32
      %dma_wait3A_1099 = tpu.memref_slice %arg6[%dma_wait3A_1098, %multiple_of3A_203] : memref<16x1000000xf32, #tpu.memory_space<hbm>> -> memref<16x128xf32, #tpu.memory_space<hbm>>
      %dma_wait3A_1100 = arith.constant 0 : i32
      %dma_wait3A_1101 = arith.constant 0 : i32
      %dma_wait3A_1102 = tpu.memref_slice %arg25[%dma_wait3A_1093, %dma_wait3A_1100, %dma_wait3A_1101] : memref<16x16x128xf32, #tpu.memory_space<vmem>> -> memref<1x16x128xf32, #tpu.memory_space<vmem>>
      %dma_wait3A_1103 = tpu.memref_squeeze %dma_wait3A_1102 : memref<1x16x128xf32, #tpu.memory_space<vmem>> -> memref<16x128xf32, #tpu.memory_space<vmem>>
      %dma_wait3A_1104 = arith.constant 0 : i32
      %dma_wait3A_1105 = tpu.memref_slice %arg6[%dma_wait3A_1104, %multiple_of3A_203] : memref<16x1000000xf32, #tpu.memory_space<hbm>> -> memref<16x128xf32, #tpu.memory_space<hbm>>
      tpu.wait_dma2 semaphore(%arg33 : memref<!tpu.dma_semaphore, #tpu.memory_space<semaphore_mem>>) src(%dma_wait3A_1105 : memref<16x128xf32, #tpu.memory_space<hbm>>) dst(%dma_wait3A_1103 : memref<16x128xf32, #tpu.memory_space<vmem>>)
      %dma_wait3A_1106 = arith.constant 2 : i32
      %dma_wait3A_1107 = arith.constant 0 : i32
      %dma_wait3A_1108 = arith.constant 0 : i32
      %dma_wait3A_1109 = tpu.memref_slice %arg26[%dma_wait3A_1106, %dma_wait3A_1107, %dma_wait3A_1108] : memref<16x16x128xf32, #tpu.memory_space<vmem>> -> memref<1x16x128xf32, #tpu.memory_space<vmem>>
      %dma_wait3A_1110 = tpu.memref_squeeze %dma_wait3A_1109 : memref<1x16x128xf32, #tpu.memory_space<vmem>> -> memref<16x128xf32, #tpu.memory_space<vmem>>
      %dma_wait3A_1111 = arith.constant 0 : i32
      %dma_wait3A_1112 = tpu.memref_slice %arg8[%dma_wait3A_1111, %multiple_of3A_206] : memref<16x100000xf32, #tpu.memory_space<hbm>> -> memref<16x128xf32, #tpu.memory_space<hbm>>
      %dma_wait3A_1113 = arith.constant 0 : i32
      %dma_wait3A_1114 = arith.constant 0 : i32
      %dma_wait3A_1115 = tpu.memref_slice %arg26[%dma_wait3A_1106, %dma_wait3A_1113, %dma_wait3A_1114] : memref<16x16x128xf32, #tpu.memory_space<vmem>> -> memref<1x16x128xf32, #tpu.memory_space<vmem>>
      %dma_wait3A_1116 = tpu.memref_squeeze %dma_wait3A_1115 : memref<1x16x128xf32, #tpu.memory_space<vmem>> -> memref<16x128xf32, #tpu.memory_space<vmem>>
      %dma_wait3A_1117 = arith.constant 0 : i32
      %dma_wait3A_1118 = tpu.memref_slice %arg8[%dma_wait3A_1117, %multiple_of3A_206] : memref<16x100000xf32, #tpu.memory_space<hbm>> -> memref<16x128xf32, #tpu.memory_space<hbm>>
      tpu.wait_dma2 semaphore(%arg33 : memref<!tpu.dma_semaphore, #tpu.memory_space<semaphore_mem>>) src(%dma_wait3A_1118 : memref<16x128xf32, #tpu.memory_space<hbm>>) dst(%dma_wait3A_1116 : memref<16x128xf32, #tpu.memory_space<vmem>>)
      %dma_wait3A_1119 = arith.constant 2 : i32
      %dma_wait3A_1120 = arith.constant 0 : i32
      %dma_wait3A_1121 = tpu.memref_slice %arg27[%dma_wait3A_1119, %dma_wait3A_1120] : memref<16x128xf32, #tpu.memory_space<vmem>> -> memref<1x128xf32, #tpu.memory_space<vmem>>
      %dma_wait3A_1122 = tpu.memref_squeeze %dma_wait3A_1121 : memref<1x128xf32, #tpu.memory_space<vmem>> -> memref<128xf32, #tpu.memory_space<vmem>>
      %dma_wait3A_1123 = tpu.memref_slice %arg9[%multiple_of3A_200] : memref<1000000xf32, #tpu.memory_space<hbm>> -> memref<128xf32, #tpu.memory_space<hbm>>
      %dma_wait3A_1124 = arith.constant 0 : i32
      %dma_wait3A_1125 = tpu.memref_slice %arg27[%dma_wait3A_1119, %dma_wait3A_1124] : memref<16x128xf32, #tpu.memory_space<vmem>> -> memref<1x128xf32, #tpu.memory_space<vmem>>
      %dma_wait3A_1126 = tpu.memref_squeeze %dma_wait3A_1125 : memref<1x128xf32, #tpu.memory_space<vmem>> -> memref<128xf32, #tpu.memory_space<vmem>>
      %dma_wait3A_1127 = tpu.memref_slice %arg9[%multiple_of3A_200] : memref<1000000xf32, #tpu.memory_space<hbm>> -> memref<128xf32, #tpu.memory_space<hbm>>
      tpu.wait_dma2 semaphore(%arg33 : memref<!tpu.dma_semaphore, #tpu.memory_space<semaphore_mem>>) src(%dma_wait3A_1127 : memref<128xf32, #tpu.memory_space<hbm>>) dst(%dma_wait3A_1126 : memref<128xf32, #tpu.memory_space<vmem>>)
      %dma_wait3A_1128 = arith.constant 2 : i32
      %dma_wait3A_1129 = arith.constant 0 : i32
      %dma_wait3A_1130 = tpu.memref_slice %arg28[%dma_wait3A_1128, %dma_wait3A_1129] : memref<16x128xf32, #tpu.memory_space<vmem>> -> memref<1x128xf32, #tpu.memory_space<vmem>>
      %dma_wait3A_1131 = tpu.memref_squeeze %dma_wait3A_1130 : memref<1x128xf32, #tpu.memory_space<vmem>> -> memref<128xf32, #tpu.memory_space<vmem>>
      %dma_wait3A_1132 = tpu.memref_slice %arg10[%multiple_of3A_203] : memref<1000000xf32, #tpu.memory_space<hbm>> -> memref<128xf32, #tpu.memory_space<hbm>>
      %dma_wait3A_1133 = arith.constant 0 : i32
      %dma_wait3A_1134 = tpu.memref_slice %arg28[%dma_wait3A_1128, %dma_wait3A_1133] : memref<16x128xf32, #tpu.memory_space<vmem>> -> memref<1x128xf32, #tpu.memory_space<vmem>>
      %dma_wait3A_1135 = tpu.memref_squeeze %dma_wait3A_1134 : memref<1x128xf32, #tpu.memory_space<vmem>> -> memref<128xf32, #tpu.memory_space<vmem>>
      %dma_wait3A_1136 = tpu.memref_slice %arg10[%multiple_of3A_203] : memref<1000000xf32, #tpu.memory_space<hbm>> -> memref<128xf32, #tpu.memory_space<hbm>>
      tpu.wait_dma2 semaphore(%arg33 : memref<!tpu.dma_semaphore, #tpu.memory_space<semaphore_mem>>) src(%dma_wait3A_1136 : memref<128xf32, #tpu.memory_space<hbm>>) dst(%dma_wait3A_1135 : memref<128xf32, #tpu.memory_space<vmem>>)
      %dma_wait3A_1137 = arith.constant 2 : i32
      %dma_wait3A_1138 = arith.constant 0 : i32
      %dma_wait3A_1139 = tpu.memref_slice %arg29[%dma_wait3A_1137, %dma_wait3A_1138] : memref<16x128xf32, #tpu.memory_space<vmem>> -> memref<1x128xf32, #tpu.memory_space<vmem>>
      %dma_wait3A_1140 = tpu.memref_squeeze %dma_wait3A_1139 : memref<1x128xf32, #tpu.memory_space<vmem>> -> memref<128xf32, #tpu.memory_space<vmem>>
      %dma_wait3A_1141 = tpu.memref_slice %arg12[%multiple_of3A_206] : memref<100000xf32, #tpu.memory_space<hbm>> -> memref<128xf32, #tpu.memory_space<hbm>>
      %dma_wait3A_1142 = arith.constant 0 : i32
      %dma_wait3A_1143 = tpu.memref_slice %arg29[%dma_wait3A_1137, %dma_wait3A_1142] : memref<16x128xf32, #tpu.memory_space<vmem>> -> memref<1x128xf32, #tpu.memory_space<vmem>>
      %dma_wait3A_1144 = tpu.memref_squeeze %dma_wait3A_1143 : memref<1x128xf32, #tpu.memory_space<vmem>> -> memref<128xf32, #tpu.memory_space<vmem>>
      %dma_wait3A_1145 = tpu.memref_slice %arg12[%multiple_of3A_206] : memref<100000xf32, #tpu.memory_space<hbm>> -> memref<128xf32, #tpu.memory_space<hbm>>
      tpu.wait_dma2 semaphore(%arg33 : memref<!tpu.dma_semaphore, #tpu.memory_space<semaphore_mem>>) src(%dma_wait3A_1145 : memref<128xf32, #tpu.memory_space<hbm>>) dst(%dma_wait3A_1144 : memref<128xf32, #tpu.memory_space<vmem>>)
      %dma_wait3A_1146 = arith.constant 3 : i32
      %dma_wait3A_1147 = arith.constant 0 : i32
      %dma_wait3A_1148 = arith.constant 0 : i32
      %dma_wait3A_1149 = tpu.memref_slice %arg24[%dma_wait3A_1146, %dma_wait3A_1147, %dma_wait3A_1148] : memref<16x16x128xf32, #tpu.memory_space<vmem>> -> memref<1x16x128xf32, #tpu.memory_space<vmem>>
      %dma_wait3A_1150 = tpu.memref_squeeze %dma_wait3A_1149 : memref<1x16x128xf32, #tpu.memory_space<vmem>> -> memref<16x128xf32, #tpu.memory_space<vmem>>
      %dma_wait3A_1151 = arith.constant 0 : i32
      %dma_wait3A_1152 = tpu.memref_slice %arg5[%dma_wait3A_1151, %multiple_of3A_275] : memref<16x1000000xf32, #tpu.memory_space<hbm>> -> memref<16x128xf32, #tpu.memory_space<hbm>>
      %dma_wait3A_1153 = arith.constant 0 : i32
      %dma_wait3A_1154 = arith.constant 0 : i32
      %dma_wait3A_1155 = tpu.memref_slice %arg24[%dma_wait3A_1146, %dma_wait3A_1153, %dma_wait3A_1154] : memref<16x16x128xf32, #tpu.memory_space<vmem>> -> memref<1x16x128xf32, #tpu.memory_space<vmem>>
      %dma_wait3A_1156 = tpu.memref_squeeze %dma_wait3A_1155 : memref<1x16x128xf32, #tpu.memory_space<vmem>> -> memref<16x128xf32, #tpu.memory_space<vmem>>
      %dma_wait3A_1157 = arith.constant 0 : i32
      %dma_wait3A_1158 = tpu.memref_slice %arg5[%dma_wait3A_1157, %multiple_of3A_275] : memref<16x1000000xf32, #tpu.memory_space<hbm>> -> memref<16x128xf32, #tpu.memory_space<hbm>>
      tpu.wait_dma2 semaphore(%arg33 : memref<!tpu.dma_semaphore, #tpu.memory_space<semaphore_mem>>) src(%dma_wait3A_1158 : memref<16x128xf32, #tpu.memory_space<hbm>>) dst(%dma_wait3A_1156 : memref<16x128xf32, #tpu.memory_space<vmem>>)
      %dma_wait3A_1159 = arith.constant 3 : i32
      %dma_wait3A_1160 = arith.constant 0 : i32
      %dma_wait3A_1161 = arith.constant 0 : i32
      %dma_wait3A_1162 = tpu.memref_slice %arg25[%dma_wait3A_1159, %dma_wait3A_1160, %dma_wait3A_1161] : memref<16x16x128xf32, #tpu.memory_space<vmem>> -> memref<1x16x128xf32, #tpu.memory_space<vmem>>
      %dma_wait3A_1163 = tpu.memref_squeeze %dma_wait3A_1162 : memref<1x16x128xf32, #tpu.memory_space<vmem>> -> memref<16x128xf32, #tpu.memory_space<vmem>>
      %dma_wait3A_1164 = arith.constant 0 : i32
      %dma_wait3A_1165 = tpu.memref_slice %arg6[%dma_wait3A_1164, %multiple_of3A_278] : memref<16x1000000xf32, #tpu.memory_space<hbm>> -> memref<16x128xf32, #tpu.memory_space<hbm>>
      %dma_wait3A_1166 = arith.constant 0 : i32
      %dma_wait3A_1167 = arith.constant 0 : i32
      %dma_wait3A_1168 = tpu.memref_slice %arg25[%dma_wait3A_1159, %dma_wait3A_1166, %dma_wait3A_1167] : memref<16x16x128xf32, #tpu.memory_space<vmem>> -> memref<1x16x128xf32, #tpu.memory_space<vmem>>
      %dma_wait3A_1169 = tpu.memref_squeeze %dma_wait3A_1168 : memref<1x16x128xf32, #tpu.memory_space<vmem>> -> memref<16x128xf32, #tpu.memory_space<vmem>>
      %dma_wait3A_1170 = arith.constant 0 : i32
      %dma_wait3A_1171 = tpu.memref_slice %arg6[%dma_wait3A_1170, %multiple_of3A_278] : memref<16x1000000xf32, #tpu.memory_space<hbm>> -> memref<16x128xf32, #tpu.memory_space<hbm>>
      tpu.wait_dma2 semaphore(%arg33 : memref<!tpu.dma_semaphore, #tpu.memory_space<semaphore_mem>>) src(%dma_wait3A_1171 : memref<16x128xf32, #tpu.memory_space<hbm>>) dst(%dma_wait3A_1169 : memref<16x128xf32, #tpu.memory_space<vmem>>)
      %dma_wait3A_1172 = arith.constant 3 : i32
      %dma_wait3A_1173 = arith.constant 0 : i32
      %dma_wait3A_1174 = arith.constant 0 : i32
      %dma_wait3A_1175 = tpu.memref_slice %arg26[%dma_wait3A_1172, %dma_wait3A_1173, %dma_wait3A_1174] : memref<16x16x128xf32, #tpu.memory_space<vmem>> -> memref<1x16x128xf32, #tpu.memory_space<vmem>>
      %dma_wait3A_1176 = tpu.memref_squeeze %dma_wait3A_1175 : memref<1x16x128xf32, #tpu.memory_space<vmem>> -> memref<16x128xf32, #tpu.memory_space<vmem>>
      %dma_wait3A_1177 = arith.constant 0 : i32
      %dma_wait3A_1178 = tpu.memref_slice %arg8[%dma_wait3A_1177, %multiple_of3A_281] : memref<16x100000xf32, #tpu.memory_space<hbm>> -> memref<16x128xf32, #tpu.memory_space<hbm>>
      %dma_wait3A_1179 = arith.constant 0 : i32
      %dma_wait3A_1180 = arith.constant 0 : i32
      %dma_wait3A_1181 = tpu.memref_slice %arg26[%dma_wait3A_1172, %dma_wait3A_1179, %dma_wait3A_1180] : memref<16x16x128xf32, #tpu.memory_space<vmem>> -> memref<1x16x128xf32, #tpu.memory_space<vmem>>
      %dma_wait3A_1182 = tpu.memref_squeeze %dma_wait3A_1181 : memref<1x16x128xf32, #tpu.memory_space<vmem>> -> memref<16x128xf32, #tpu.memory_space<vmem>>
      %dma_wait3A_1183 = arith.constant 0 : i32
      %dma_wait3A_1184 = tpu.memref_slice %arg8[%dma_wait3A_1183, %multiple_of3A_281] : memref<16x100000xf32, #tpu.memory_space<hbm>> -> memref<16x128xf32, #tpu.memory_space<hbm>>
      tpu.wait_dma2 semaphore(%arg33 : memref<!tpu.dma_semaphore, #tpu.memory_space<semaphore_mem>>) src(%dma_wait3A_1184 : memref<16x128xf32, #tpu.memory_space<hbm>>) dst(%dma_wait3A_1182 : memref<16x128xf32, #tpu.memory_space<vmem>>)
      %dma_wait3A_1185 = arith.constant 3 : i32
      %dma_wait3A_1186 = arith.constant 0 : i32
      %dma_wait3A_1187 = tpu.memref_slice %arg27[%dma_wait3A_1185, %dma_wait3A_1186] : memref<16x128xf32, #tpu.memory_space<vmem>> -> memref<1x128xf32, #tpu.memory_space<vmem>>
      %dma_wait3A_1188 = tpu.memref_squeeze %dma_wait3A_1187 : memref<1x128xf32, #tpu.memory_space<vmem>> -> memref<128xf32, #tpu.memory_space<vmem>>
      %dma_wait3A_1189 = tpu.memref_slice %arg9[%multiple_of3A_275] : memref<1000000xf32, #tpu.memory_space<hbm>> -> memref<128xf32, #tpu.memory_space<hbm>>
      %dma_wait3A_1190 = arith.constant 0 : i32
      %dma_wait3A_1191 = tpu.memref_slice %arg27[%dma_wait3A_1185, %dma_wait3A_1190] : memref<16x128xf32, #tpu.memory_space<vmem>> -> memref<1x128xf32, #tpu.memory_space<vmem>>
      %dma_wait3A_1192 = tpu.memref_squeeze %dma_wait3A_1191 : memref<1x128xf32, #tpu.memory_space<vmem>> -> memref<128xf32, #tpu.memory_space<vmem>>
      %dma_wait3A_1193 = tpu.memref_slice %arg9[%multiple_of3A_275] : memref<1000000xf32, #tpu.memory_space<hbm>> -> memref<128xf32, #tpu.memory_space<hbm>>
      tpu.wait_dma2 semaphore(%arg33 : memref<!tpu.dma_semaphore, #tpu.memory_space<semaphore_mem>>) src(%dma_wait3A_1193 : memref<128xf32, #tpu.memory_space<hbm>>) dst(%dma_wait3A_1192 : memref<128xf32, #tpu.memory_space<vmem>>)
      %dma_wait3A_1194 = arith.constant 3 : i32
      %dma_wait3A_1195 = arith.constant 0 : i32
      %dma_wait3A_1196 = tpu.memref_slice %arg28[%dma_wait3A_1194, %dma_wait3A_1195] : memref<16x128xf32, #tpu.memory_space<vmem>> -> memref<1x128xf32, #tpu.memory_space<vmem>>
      %dma_wait3A_1197 = tpu.memref_squeeze %dma_wait3A_1196 : memref<1x128xf32, #tpu.memory_space<vmem>> -> memref<128xf32, #tpu.memory_space<vmem>>
      %dma_wait3A_1198 = tpu.memref_slice %arg10[%multiple_of3A_278] : memref<1000000xf32, #tpu.memory_space<hbm>> -> memref<128xf32, #tpu.memory_space<hbm>>
      %dma_wait3A_1199 = arith.constant 0 : i32
      %dma_wait3A_1200 = tpu.memref_slice %arg28[%dma_wait3A_1194, %dma_wait3A_1199] : memref<16x128xf32, #tpu.memory_space<vmem>> -> memref<1x128xf32, #tpu.memory_space<vmem>>
      %dma_wait3A_1201 = tpu.memref_squeeze %dma_wait3A_1200 : memref<1x128xf32, #tpu.memory_space<vmem>> -> memref<128xf32, #tpu.memory_space<vmem>>
      %dma_wait3A_1202 = tpu.memref_slice %arg10[%multiple_of3A_278] : memref<1000000xf32, #tpu.memory_space<hbm>> -> memref<128xf32, #tpu.memory_space<hbm>>
      tpu.wait_dma2 semaphore(%arg33 : memref<!tpu.dma_semaphore, #tpu.memory_space<semaphore_mem>>) src(%dma_wait3A_1202 : memref<128xf32, #tpu.memory_space<hbm>>) dst(%dma_wait3A_1201 : memref<128xf32, #tpu.memory_space<vmem>>)
      %dma_wait3A_1203 = arith.constant 3 : i32
      %dma_wait3A_1204 = arith.constant 0 : i32
      %dma_wait3A_1205 = tpu.memref_slice %arg29[%dma_wait3A_1203, %dma_wait3A_1204] : memref<16x128xf32, #tpu.memory_space<vmem>> -> memref<1x128xf32, #tpu.memory_space<vmem>>
      %dma_wait3A_1206 = tpu.memref_squeeze %dma_wait3A_1205 : memref<1x128xf32, #tpu.memory_space<vmem>> -> memref<128xf32, #tpu.memory_space<vmem>>
      %dma_wait3A_1207 = tpu.memref_slice %arg12[%multiple_of3A_281] : memref<100000xf32, #tpu.memory_space<hbm>> -> memref<128xf32, #tpu.memory_space<hbm>>
      %dma_wait3A_1208 = arith.constant 0 : i32
      %dma_wait3A_1209 = tpu.memref_slice %arg29[%dma_wait3A_1203, %dma_wait3A_1208] : memref<16x128xf32, #tpu.memory_space<vmem>> -> memref<1x128xf32, #tpu.memory_space<vmem>>
      %dma_wait3A_1210 = tpu.memref_squeeze %dma_wait3A_1209 : memref<1x128xf32, #tpu.memory_space<vmem>> -> memref<128xf32, #tpu.memory_space<vmem>>
      %dma_wait3A_1211 = tpu.memref_slice %arg12[%multiple_of3A_281] : memref<100000xf32, #tpu.memory_space<hbm>> -> memref<128xf32, #tpu.memory_space<hbm>>
      tpu.wait_dma2 semaphore(%arg33 : memref<!tpu.dma_semaphore, #tpu.memory_space<semaphore_mem>>) src(%dma_wait3A_1211 : memref<128xf32, #tpu.memory_space<hbm>>) dst(%dma_wait3A_1210 : memref<128xf32, #tpu.memory_space<vmem>>)
      %slice3A_1212 = vector.extract_strided_slice %get3A_45 {offsets = [12], sizes = [1], strides = [1]} : vector<16xi32> to vector<1xi32>
      %squeeze3A_1213 = vector.extract %slice3A_1212[0] : i32 from vector<1xi32>
      %multiple_of3A_1214 = tpu.assume_multiple %squeeze3A_1213, 128 : i32
      %slice3A_1215 = vector.extract_strided_slice %get3A_47 {offsets = [12], sizes = [1], strides = [1]} : vector<16xi32> to vector<1xi32>
      %squeeze3A_1216 = vector.extract %slice3A_1215[0] : i32 from vector<1xi32>
      %multiple_of3A_1217 = tpu.assume_multiple %squeeze3A_1216, 128 : i32
      %slice3A_1218 = vector.extract_strided_slice %get3A_49 {offsets = [12], sizes = [1], strides = [1]} : vector<16xi32> to vector<1xi32>
      %squeeze3A_1219 = vector.extract %slice3A_1218[0] : i32 from vector<1xi32>
      %multiple_of3A_1220 = tpu.assume_multiple %squeeze3A_1219, 128 : i32
      %dma_start3A_1221 = arith.constant 12 : i32
      %dma_start3A_1222 = arith.constant 0 : i32
      %dma_start3A_1223 = arith.constant 0 : i32
      %dma_start3A_1224 = tpu.memref_slice %arg24[%dma_start3A_1221, %dma_start3A_1222, %dma_start3A_1223] : memref<16x16x128xf32, #tpu.memory_space<vmem>> -> memref<1x16x128xf32, #tpu.memory_space<vmem>>
      %dma_start3A_1225 = tpu.memref_squeeze %dma_start3A_1224 : memref<1x16x128xf32, #tpu.memory_space<vmem>> -> memref<16x128xf32, #tpu.memory_space<vmem>>
      %dma_start3A_1226 = arith.constant 0 : i32
      %dma_start3A_1227 = tpu.memref_slice %arg5[%dma_start3A_1226, %multiple_of3A_1214] : memref<16x1000000xf32, #tpu.memory_space<hbm>> -> memref<16x128xf32, #tpu.memory_space<hbm>>
      %dma_start3A_1228 = arith.constant 0 : i32
      %dma_start3A_1229 = arith.constant 0 : i32
      %dma_start3A_1230 = tpu.memref_slice %arg24[%dma_start3A_1221, %dma_start3A_1228, %dma_start3A_1229] : memref<16x16x128xf32, #tpu.memory_space<vmem>> -> memref<1x16x128xf32, #tpu.memory_space<vmem>>
      %dma_start3A_1231 = tpu.memref_squeeze %dma_start3A_1230 : memref<1x16x128xf32, #tpu.memory_space<vmem>> -> memref<16x128xf32, #tpu.memory_space<vmem>>
      %dma_start3A_1232 = arith.constant 0 : i32
      %dma_start3A_1233 = tpu.memref_slice %arg5[%dma_start3A_1232, %multiple_of3A_1214] : memref<16x1000000xf32, #tpu.memory_space<hbm>> -> memref<16x128xf32, #tpu.memory_space<hbm>>
      tpu.enqueue_dma source(%dma_start3A_1233 : memref<16x128xf32, #tpu.memory_space<hbm>>) target(%dma_start3A_1231 : memref<16x128xf32, #tpu.memory_space<vmem>>) target_semaphore(%arg33 : memref<!tpu.dma_semaphore, #tpu.memory_space<semaphore_mem>>)
      %dma_start3A_1234 = arith.constant 12 : i32
      %dma_start3A_1235 = arith.constant 0 : i32
      %dma_start3A_1236 = arith.constant 0 : i32
      %dma_start3A_1237 = tpu.memref_slice %arg25[%dma_start3A_1234, %dma_start3A_1235, %dma_start3A_1236] : memref<16x16x128xf32, #tpu.memory_space<vmem>> -> memref<1x16x128xf32, #tpu.memory_space<vmem>>
      %dma_start3A_1238 = tpu.memref_squeeze %dma_start3A_1237 : memref<1x16x128xf32, #tpu.memory_space<vmem>> -> memref<16x128xf32, #tpu.memory_space<vmem>>
      %dma_start3A_1239 = arith.constant 0 : i32
      %dma_start3A_1240 = tpu.memref_slice %arg6[%dma_start3A_1239, %multiple_of3A_1217] : memref<16x1000000xf32, #tpu.memory_space<hbm>> -> memref<16x128xf32, #tpu.memory_space<hbm>>
      %dma_start3A_1241 = arith.constant 0 : i32
      %dma_start3A_1242 = arith.constant 0 : i32
      %dma_start3A_1243 = tpu.memref_slice %arg25[%dma_start3A_1234, %dma_start3A_1241, %dma_start3A_1242] : memref<16x16x128xf32, #tpu.memory_space<vmem>> -> memref<1x16x128xf32, #tpu.memory_space<vmem>>
      %dma_start3A_1244 = tpu.memref_squeeze %dma_start3A_1243 : memref<1x16x128xf32, #tpu.memory_space<vmem>> -> memref<16x128xf32, #tpu.memory_space<vmem>>
      %dma_start3A_1245 = arith.constant 0 : i32
      %dma_start3A_1246 = tpu.memref_slice %arg6[%dma_start3A_1245, %multiple_of3A_1217] : memref<16x1000000xf32, #tpu.memory_space<hbm>> -> memref<16x128xf32, #tpu.memory_space<hbm>>
      tpu.enqueue_dma source(%dma_start3A_1246 : memref<16x128xf32, #tpu.memory_space<hbm>>) target(%dma_start3A_1244 : memref<16x128xf32, #tpu.memory_space<vmem>>) target_semaphore(%arg33 : memref<!tpu.dma_semaphore, #tpu.memory_space<semaphore_mem>>)
      %dma_start3A_1247 = arith.constant 12 : i32
      %dma_start3A_1248 = arith.constant 0 : i32
      %dma_start3A_1249 = arith.constant 0 : i32
      %dma_start3A_1250 = tpu.memref_slice %arg26[%dma_start3A_1247, %dma_start3A_1248, %dma_start3A_1249] : memref<16x16x128xf32, #tpu.memory_space<vmem>> -> memref<1x16x128xf32, #tpu.memory_space<vmem>>
      %dma_start3A_1251 = tpu.memref_squeeze %dma_start3A_1250 : memref<1x16x128xf32, #tpu.memory_space<vmem>> -> memref<16x128xf32, #tpu.memory_space<vmem>>
      %dma_start3A_1252 = arith.constant 0 : i32
      %dma_start3A_1253 = tpu.memref_slice %arg8[%dma_start3A_1252, %multiple_of3A_1220] : memref<16x100000xf32, #tpu.memory_space<hbm>> -> memref<16x128xf32, #tpu.memory_space<hbm>>
      %dma_start3A_1254 = arith.constant 0 : i32
      %dma_start3A_1255 = arith.constant 0 : i32
      %dma_start3A_1256 = tpu.memref_slice %arg26[%dma_start3A_1247, %dma_start3A_1254, %dma_start3A_1255] : memref<16x16x128xf32, #tpu.memory_space<vmem>> -> memref<1x16x128xf32, #tpu.memory_space<vmem>>
      %dma_start3A_1257 = tpu.memref_squeeze %dma_start3A_1256 : memref<1x16x128xf32, #tpu.memory_space<vmem>> -> memref<16x128xf32, #tpu.memory_space<vmem>>
      %dma_start3A_1258 = arith.constant 0 : i32
      %dma_start3A_1259 = tpu.memref_slice %arg8[%dma_start3A_1258, %multiple_of3A_1220] : memref<16x100000xf32, #tpu.memory_space<hbm>> -> memref<16x128xf32, #tpu.memory_space<hbm>>
      tpu.enqueue_dma source(%dma_start3A_1259 : memref<16x128xf32, #tpu.memory_space<hbm>>) target(%dma_start3A_1257 : memref<16x128xf32, #tpu.memory_space<vmem>>) target_semaphore(%arg33 : memref<!tpu.dma_semaphore, #tpu.memory_space<semaphore_mem>>)
      %dma_start3A_1260 = arith.constant 12 : i32
      %dma_start3A_1261 = arith.constant 0 : i32
      %dma_start3A_1262 = tpu.memref_slice %arg27[%dma_start3A_1260, %dma_start3A_1261] : memref<16x128xf32, #tpu.memory_space<vmem>> -> memref<1x128xf32, #tpu.memory_space<vmem>>
      %dma_start3A_1263 = tpu.memref_squeeze %dma_start3A_1262 : memref<1x128xf32, #tpu.memory_space<vmem>> -> memref<128xf32, #tpu.memory_space<vmem>>
      %dma_start3A_1264 = tpu.memref_slice %arg9[%multiple_of3A_1214] : memref<1000000xf32, #tpu.memory_space<hbm>> -> memref<128xf32, #tpu.memory_space<hbm>>
      %dma_start3A_1265 = arith.constant 0 : i32
      %dma_start3A_1266 = tpu.memref_slice %arg27[%dma_start3A_1260, %dma_start3A_1265] : memref<16x128xf32, #tpu.memory_space<vmem>> -> memref<1x128xf32, #tpu.memory_space<vmem>>
      %dma_start3A_1267 = tpu.memref_squeeze %dma_start3A_1266 : memref<1x128xf32, #tpu.memory_space<vmem>> -> memref<128xf32, #tpu.memory_space<vmem>>
      %dma_start3A_1268 = tpu.memref_slice %arg9[%multiple_of3A_1214] : memref<1000000xf32, #tpu.memory_space<hbm>> -> memref<128xf32, #tpu.memory_space<hbm>>
      tpu.enqueue_dma source(%dma_start3A_1268 : memref<128xf32, #tpu.memory_space<hbm>>) target(%dma_start3A_1267 : memref<128xf32, #tpu.memory_space<vmem>>) target_semaphore(%arg33 : memref<!tpu.dma_semaphore, #tpu.memory_space<semaphore_mem>>)
      %dma_start3A_1269 = arith.constant 12 : i32
      %dma_start3A_1270 = arith.constant 0 : i32
      %dma_start3A_1271 = tpu.memref_slice %arg28[%dma_start3A_1269, %dma_start3A_1270] : memref<16x128xf32, #tpu.memory_space<vmem>> -> memref<1x128xf32, #tpu.memory_space<vmem>>
      %dma_start3A_1272 = tpu.memref_squeeze %dma_start3A_1271 : memref<1x128xf32, #tpu.memory_space<vmem>> -> memref<128xf32, #tpu.memory_space<vmem>>
      %dma_start3A_1273 = tpu.memref_slice %arg10[%multiple_of3A_1217] : memref<1000000xf32, #tpu.memory_space<hbm>> -> memref<128xf32, #tpu.memory_space<hbm>>
      %dma_start3A_1274 = arith.constant 0 : i32
      %dma_start3A_1275 = tpu.memref_slice %arg28[%dma_start3A_1269, %dma_start3A_1274] : memref<16x128xf32, #tpu.memory_space<vmem>> -> memref<1x128xf32, #tpu.memory_space<vmem>>
      %dma_start3A_1276 = tpu.memref_squeeze %dma_start3A_1275 : memref<1x128xf32, #tpu.memory_space<vmem>> -> memref<128xf32, #tpu.memory_space<vmem>>
      %dma_start3A_1277 = tpu.memref_slice %arg10[%multiple_of3A_1217] : memref<1000000xf32, #tpu.memory_space<hbm>> -> memref<128xf32, #tpu.memory_space<hbm>>
      tpu.enqueue_dma source(%dma_start3A_1277 : memref<128xf32, #tpu.memory_space<hbm>>) target(%dma_start3A_1276 : memref<128xf32, #tpu.memory_space<vmem>>) target_semaphore(%arg33 : memref<!tpu.dma_semaphore, #tpu.memory_space<semaphore_mem>>)
      %dma_start3A_1278 = arith.constant 12 : i32
      %dma_start3A_1279 = arith.constant 0 : i32
      %dma_start3A_1280 = tpu.memref_slice %arg29[%dma_start3A_1278, %dma_start3A_1279] : memref<16x128xf32, #tpu.memory_space<vmem>> -> memref<1x128xf32, #tpu.memory_space<vmem>>
      %dma_start3A_1281 = tpu.memref_squeeze %dma_start3A_1280 : memref<1x128xf32, #tpu.memory_space<vmem>> -> memref<128xf32, #tpu.memory_space<vmem>>
      %dma_start3A_1282 = tpu.memref_slice %arg12[%multiple_of3A_1220] : memref<100000xf32, #tpu.memory_space<hbm>> -> memref<128xf32, #tpu.memory_space<hbm>>
      %dma_start3A_1283 = arith.constant 0 : i32
      %dma_start3A_1284 = tpu.memref_slice %arg29[%dma_start3A_1278, %dma_start3A_1283] : memref<16x128xf32, #tpu.memory_space<vmem>> -> memref<1x128xf32, #tpu.memory_space<vmem>>
      %dma_start3A_1285 = tpu.memref_squeeze %dma_start3A_1284 : memref<1x128xf32, #tpu.memory_space<vmem>> -> memref<128xf32, #tpu.memory_space<vmem>>
      %dma_start3A_1286 = tpu.memref_slice %arg12[%multiple_of3A_1220] : memref<100000xf32, #tpu.memory_space<hbm>> -> memref<128xf32, #tpu.memory_space<hbm>>
      tpu.enqueue_dma source(%dma_start3A_1286 : memref<128xf32, #tpu.memory_space<hbm>>) target(%dma_start3A_1285 : memref<128xf32, #tpu.memory_space<vmem>>) target_semaphore(%arg33 : memref<!tpu.dma_semaphore, #tpu.memory_space<semaphore_mem>>)
      %slice3A_1287 = vector.extract_strided_slice %get3A_45 {offsets = [13], sizes = [1], strides = [1]} : vector<16xi32> to vector<1xi32>
      %squeeze3A_1288 = vector.extract %slice3A_1287[0] : i32 from vector<1xi32>
      %multiple_of3A_1289 = tpu.assume_multiple %squeeze3A_1288, 128 : i32
      %slice3A_1290 = vector.extract_strided_slice %get3A_47 {offsets = [13], sizes = [1], strides = [1]} : vector<16xi32> to vector<1xi32>
      %squeeze3A_1291 = vector.extract %slice3A_1290[0] : i32 from vector<1xi32>
      %multiple_of3A_1292 = tpu.assume_multiple %squeeze3A_1291, 128 : i32
      %slice3A_1293 = vector.extract_strided_slice %get3A_49 {offsets = [13], sizes = [1], strides = [1]} : vector<16xi32> to vector<1xi32>
      %squeeze3A_1294 = vector.extract %slice3A_1293[0] : i32 from vector<1xi32>
      %multiple_of3A_1295 = tpu.assume_multiple %squeeze3A_1294, 128 : i32
      %dma_start3A_1296 = arith.constant 13 : i32
      %dma_start3A_1297 = arith.constant 0 : i32
      %dma_start3A_1298 = arith.constant 0 : i32
      %dma_start3A_1299 = tpu.memref_slice %arg24[%dma_start3A_1296, %dma_start3A_1297, %dma_start3A_1298] : memref<16x16x128xf32, #tpu.memory_space<vmem>> -> memref<1x16x128xf32, #tpu.memory_space<vmem>>
      %dma_start3A_1300 = tpu.memref_squeeze %dma_start3A_1299 : memref<1x16x128xf32, #tpu.memory_space<vmem>> -> memref<16x128xf32, #tpu.memory_space<vmem>>
      %dma_start3A_1301 = arith.constant 0 : i32
      %dma_start3A_1302 = tpu.memref_slice %arg5[%dma_start3A_1301, %multiple_of3A_1289] : memref<16x1000000xf32, #tpu.memory_space<hbm>> -> memref<16x128xf32, #tpu.memory_space<hbm>>
      %dma_start3A_1303 = arith.constant 0 : i32
      %dma_start3A_1304 = arith.constant 0 : i32
      %dma_start3A_1305 = tpu.memref_slice %arg24[%dma_start3A_1296, %dma_start3A_1303, %dma_start3A_1304] : memref<16x16x128xf32, #tpu.memory_space<vmem>> -> memref<1x16x128xf32, #tpu.memory_space<vmem>>
      %dma_start3A_1306 = tpu.memref_squeeze %dma_start3A_1305 : memref<1x16x128xf32, #tpu.memory_space<vmem>> -> memref<16x128xf32, #tpu.memory_space<vmem>>
      %dma_start3A_1307 = arith.constant 0 : i32
      %dma_start3A_1308 = tpu.memref_slice %arg5[%dma_start3A_1307, %multiple_of3A_1289] : memref<16x1000000xf32, #tpu.memory_space<hbm>> -> memref<16x128xf32, #tpu.memory_space<hbm>>
      tpu.enqueue_dma source(%dma_start3A_1308 : memref<16x128xf32, #tpu.memory_space<hbm>>) target(%dma_start3A_1306 : memref<16x128xf32, #tpu.memory_space<vmem>>) target_semaphore(%arg33 : memref<!tpu.dma_semaphore, #tpu.memory_space<semaphore_mem>>)
      %dma_start3A_1309 = arith.constant 13 : i32
      %dma_start3A_1310 = arith.constant 0 : i32
      %dma_start3A_1311 = arith.constant 0 : i32
      %dma_start3A_1312 = tpu.memref_slice %arg25[%dma_start3A_1309, %dma_start3A_1310, %dma_start3A_1311] : memref<16x16x128xf32, #tpu.memory_space<vmem>> -> memref<1x16x128xf32, #tpu.memory_space<vmem>>
      %dma_start3A_1313 = tpu.memref_squeeze %dma_start3A_1312 : memref<1x16x128xf32, #tpu.memory_space<vmem>> -> memref<16x128xf32, #tpu.memory_space<vmem>>
      %dma_start3A_1314 = arith.constant 0 : i32
      %dma_start3A_1315 = tpu.memref_slice %arg6[%dma_start3A_1314, %multiple_of3A_1292] : memref<16x1000000xf32, #tpu.memory_space<hbm>> -> memref<16x128xf32, #tpu.memory_space<hbm>>
      %dma_start3A_1316 = arith.constant 0 : i32
      %dma_start3A_1317 = arith.constant 0 : i32
      %dma_start3A_1318 = tpu.memref_slice %arg25[%dma_start3A_1309, %dma_start3A_1316, %dma_start3A_1317] : memref<16x16x128xf32, #tpu.memory_space<vmem>> -> memref<1x16x128xf32, #tpu.memory_space<vmem>>
      %dma_start3A_1319 = tpu.memref_squeeze %dma_start3A_1318 : memref<1x16x128xf32, #tpu.memory_space<vmem>> -> memref<16x128xf32, #tpu.memory_space<vmem>>
      %dma_start3A_1320 = arith.constant 0 : i32
      %dma_start3A_1321 = tpu.memref_slice %arg6[%dma_start3A_1320, %multiple_of3A_1292] : memref<16x1000000xf32, #tpu.memory_space<hbm>> -> memref<16x128xf32, #tpu.memory_space<hbm>>
      tpu.enqueue_dma source(%dma_start3A_1321 : memref<16x128xf32, #tpu.memory_space<hbm>>) target(%dma_start3A_1319 : memref<16x128xf32, #tpu.memory_space<vmem>>) target_semaphore(%arg33 : memref<!tpu.dma_semaphore, #tpu.memory_space<semaphore_mem>>)
      %dma_start3A_1322 = arith.constant 13 : i32
      %dma_start3A_1323 = arith.constant 0 : i32
      %dma_start3A_1324 = arith.constant 0 : i32
      %dma_start3A_1325 = tpu.memref_slice %arg26[%dma_start3A_1322, %dma_start3A_1323, %dma_start3A_1324] : memref<16x16x128xf32, #tpu.memory_space<vmem>> -> memref<1x16x128xf32, #tpu.memory_space<vmem>>
      %dma_start3A_1326 = tpu.memref_squeeze %dma_start3A_1325 : memref<1x16x128xf32, #tpu.memory_space<vmem>> -> memref<16x128xf32, #tpu.memory_space<vmem>>
      %dma_start3A_1327 = arith.constant 0 : i32
      %dma_start3A_1328 = tpu.memref_slice %arg8[%dma_start3A_1327, %multiple_of3A_1295] : memref<16x100000xf32, #tpu.memory_space<hbm>> -> memref<16x128xf32, #tpu.memory_space<hbm>>
      %dma_start3A_1329 = arith.constant 0 : i32
      %dma_start3A_1330 = arith.constant 0 : i32
      %dma_start3A_1331 = tpu.memref_slice %arg26[%dma_start3A_1322, %dma_start3A_1329, %dma_start3A_1330] : memref<16x16x128xf32, #tpu.memory_space<vmem>> -> memref<1x16x128xf32, #tpu.memory_space<vmem>>
      %dma_start3A_1332 = tpu.memref_squeeze %dma_start3A_1331 : memref<1x16x128xf32, #tpu.memory_space<vmem>> -> memref<16x128xf32, #tpu.memory_space<vmem>>
      %dma_start3A_1333 = arith.constant 0 : i32
      %dma_start3A_1334 = tpu.memref_slice %arg8[%dma_start3A_1333, %multiple_of3A_1295] : memref<16x100000xf32, #tpu.memory_space<hbm>> -> memref<16x128xf32, #tpu.memory_space<hbm>>
      tpu.enqueue_dma source(%dma_start3A_1334 : memref<16x128xf32, #tpu.memory_space<hbm>>) target(%dma_start3A_1332 : memref<16x128xf32, #tpu.memory_space<vmem>>) target_semaphore(%arg33 : memref<!tpu.dma_semaphore, #tpu.memory_space<semaphore_mem>>)
      %dma_start3A_1335 = arith.constant 13 : i32
      %dma_start3A_1336 = arith.constant 0 : i32
      %dma_start3A_1337 = tpu.memref_slice %arg27[%dma_start3A_1335, %dma_start3A_1336] : memref<16x128xf32, #tpu.memory_space<vmem>> -> memref<1x128xf32, #tpu.memory_space<vmem>>
      %dma_start3A_1338 = tpu.memref_squeeze %dma_start3A_1337 : memref<1x128xf32, #tpu.memory_space<vmem>> -> memref<128xf32, #tpu.memory_space<vmem>>
      %dma_start3A_1339 = tpu.memref_slice %arg9[%multiple_of3A_1289] : memref<1000000xf32, #tpu.memory_space<hbm>> -> memref<128xf32, #tpu.memory_space<hbm>>
      %dma_start3A_1340 = arith.constant 0 : i32
      %dma_start3A_1341 = tpu.memref_slice %arg27[%dma_start3A_1335, %dma_start3A_1340] : memref<16x128xf32, #tpu.memory_space<vmem>> -> memref<1x128xf32, #tpu.memory_space<vmem>>
      %dma_start3A_1342 = tpu.memref_squeeze %dma_start3A_1341 : memref<1x128xf32, #tpu.memory_space<vmem>> -> memref<128xf32, #tpu.memory_space<vmem>>
      %dma_start3A_1343 = tpu.memref_slice %arg9[%multiple_of3A_1289] : memref<1000000xf32, #tpu.memory_space<hbm>> -> memref<128xf32, #tpu.memory_space<hbm>>
      tpu.enqueue_dma source(%dma_start3A_1343 : memref<128xf32, #tpu.memory_space<hbm>>) target(%dma_start3A_1342 : memref<128xf32, #tpu.memory_space<vmem>>) target_semaphore(%arg33 : memref<!tpu.dma_semaphore, #tpu.memory_space<semaphore_mem>>)
      %dma_start3A_1344 = arith.constant 13 : i32
      %dma_start3A_1345 = arith.constant 0 : i32
      %dma_start3A_1346 = tpu.memref_slice %arg28[%dma_start3A_1344, %dma_start3A_1345] : memref<16x128xf32, #tpu.memory_space<vmem>> -> memref<1x128xf32, #tpu.memory_space<vmem>>
      %dma_start3A_1347 = tpu.memref_squeeze %dma_start3A_1346 : memref<1x128xf32, #tpu.memory_space<vmem>> -> memref<128xf32, #tpu.memory_space<vmem>>
      %dma_start3A_1348 = tpu.memref_slice %arg10[%multiple_of3A_1292] : memref<1000000xf32, #tpu.memory_space<hbm>> -> memref<128xf32, #tpu.memory_space<hbm>>
      %dma_start3A_1349 = arith.constant 0 : i32
      %dma_start3A_1350 = tpu.memref_slice %arg28[%dma_start3A_1344, %dma_start3A_1349] : memref<16x128xf32, #tpu.memory_space<vmem>> -> memref<1x128xf32, #tpu.memory_space<vmem>>
      %dma_start3A_1351 = tpu.memref_squeeze %dma_start3A_1350 : memref<1x128xf32, #tpu.memory_space<vmem>> -> memref<128xf32, #tpu.memory_space<vmem>>
      %dma_start3A_1352 = tpu.memref_slice %arg10[%multiple_of3A_1292] : memref<1000000xf32, #tpu.memory_space<hbm>> -> memref<128xf32, #tpu.memory_space<hbm>>
      tpu.enqueue_dma source(%dma_start3A_1352 : memref<128xf32, #tpu.memory_space<hbm>>) target(%dma_start3A_1351 : memref<128xf32, #tpu.memory_space<vmem>>) target_semaphore(%arg33 : memref<!tpu.dma_semaphore, #tpu.memory_space<semaphore_mem>>)
      %dma_start3A_1353 = arith.constant 13 : i32
      %dma_start3A_1354 = arith.constant 0 : i32
      %dma_start3A_1355 = tpu.memref_slice %arg29[%dma_start3A_1353, %dma_start3A_1354] : memref<16x128xf32, #tpu.memory_space<vmem>> -> memref<1x128xf32, #tpu.memory_space<vmem>>
      %dma_start3A_1356 = tpu.memref_squeeze %dma_start3A_1355 : memref<1x128xf32, #tpu.memory_space<vmem>> -> memref<128xf32, #tpu.memory_space<vmem>>
      %dma_start3A_1357 = tpu.memref_slice %arg12[%multiple_of3A_1295] : memref<100000xf32, #tpu.memory_space<hbm>> -> memref<128xf32, #tpu.memory_space<hbm>>
      %dma_start3A_1358 = arith.constant 0 : i32
      %dma_start3A_1359 = tpu.memref_slice %arg29[%dma_start3A_1353, %dma_start3A_1358] : memref<16x128xf32, #tpu.memory_space<vmem>> -> memref<1x128xf32, #tpu.memory_space<vmem>>
      %dma_start3A_1360 = tpu.memref_squeeze %dma_start3A_1359 : memref<1x128xf32, #tpu.memory_space<vmem>> -> memref<128xf32, #tpu.memory_space<vmem>>
      %dma_start3A_1361 = tpu.memref_slice %arg12[%multiple_of3A_1295] : memref<100000xf32, #tpu.memory_space<hbm>> -> memref<128xf32, #tpu.memory_space<hbm>>
      tpu.enqueue_dma source(%dma_start3A_1361 : memref<128xf32, #tpu.memory_space<hbm>>) target(%dma_start3A_1360 : memref<128xf32, #tpu.memory_space<vmem>>) target_semaphore(%arg33 : memref<!tpu.dma_semaphore, #tpu.memory_space<semaphore_mem>>)
      %slice3A_1362 = vector.extract_strided_slice %get3A_45 {offsets = [14], sizes = [1], strides = [1]} : vector<16xi32> to vector<1xi32>
      %squeeze3A_1363 = vector.extract %slice3A_1362[0] : i32 from vector<1xi32>
      %multiple_of3A_1364 = tpu.assume_multiple %squeeze3A_1363, 128 : i32
      %slice3A_1365 = vector.extract_strided_slice %get3A_47 {offsets = [14], sizes = [1], strides = [1]} : vector<16xi32> to vector<1xi32>
      %squeeze3A_1366 = vector.extract %slice3A_1365[0] : i32 from vector<1xi32>
      %multiple_of3A_1367 = tpu.assume_multiple %squeeze3A_1366, 128 : i32
      %slice3A_1368 = vector.extract_strided_slice %get3A_49 {offsets = [14], sizes = [1], strides = [1]} : vector<16xi32> to vector<1xi32>
      %squeeze3A_1369 = vector.extract %slice3A_1368[0] : i32 from vector<1xi32>
      %multiple_of3A_1370 = tpu.assume_multiple %squeeze3A_1369, 128 : i32
      %dma_start3A_1371 = arith.constant 14 : i32
      %dma_start3A_1372 = arith.constant 0 : i32
      %dma_start3A_1373 = arith.constant 0 : i32
      %dma_start3A_1374 = tpu.memref_slice %arg24[%dma_start3A_1371, %dma_start3A_1372, %dma_start3A_1373] : memref<16x16x128xf32, #tpu.memory_space<vmem>> -> memref<1x16x128xf32, #tpu.memory_space<vmem>>
      %dma_start3A_1375 = tpu.memref_squeeze %dma_start3A_1374 : memref<1x16x128xf32, #tpu.memory_space<vmem>> -> memref<16x128xf32, #tpu.memory_space<vmem>>
      %dma_start3A_1376 = arith.constant 0 : i32
      %dma_start3A_1377 = tpu.memref_slice %arg5[%dma_start3A_1376, %multiple_of3A_1364] : memref<16x1000000xf32, #tpu.memory_space<hbm>> -> memref<16x128xf32, #tpu.memory_space<hbm>>
      %dma_start3A_1378 = arith.constant 0 : i32
      %dma_start3A_1379 = arith.constant 0 : i32
      %dma_start3A_1380 = tpu.memref_slice %arg24[%dma_start3A_1371, %dma_start3A_1378, %dma_start3A_1379] : memref<16x16x128xf32, #tpu.memory_space<vmem>> -> memref<1x16x128xf32, #tpu.memory_space<vmem>>
      %dma_start3A_1381 = tpu.memref_squeeze %dma_start3A_1380 : memref<1x16x128xf32, #tpu.memory_space<vmem>> -> memref<16x128xf32, #tpu.memory_space<vmem>>
      %dma_start3A_1382 = arith.constant 0 : i32
      %dma_start3A_1383 = tpu.memref_slice %arg5[%dma_start3A_1382, %multiple_of3A_1364] : memref<16x1000000xf32, #tpu.memory_space<hbm>> -> memref<16x128xf32, #tpu.memory_space<hbm>>
      tpu.enqueue_dma source(%dma_start3A_1383 : memref<16x128xf32, #tpu.memory_space<hbm>>) target(%dma_start3A_1381 : memref<16x128xf32, #tpu.memory_space<vmem>>) target_semaphore(%arg33 : memref<!tpu.dma_semaphore, #tpu.memory_space<semaphore_mem>>)
      %dma_start3A_1384 = arith.constant 14 : i32
      %dma_start3A_1385 = arith.constant 0 : i32
      %dma_start3A_1386 = arith.constant 0 : i32
      %dma_start3A_1387 = tpu.memref_slice %arg25[%dma_start3A_1384, %dma_start3A_1385, %dma_start3A_1386] : memref<16x16x128xf32, #tpu.memory_space<vmem>> -> memref<1x16x128xf32, #tpu.memory_space<vmem>>
      %dma_start3A_1388 = tpu.memref_squeeze %dma_start3A_1387 : memref<1x16x128xf32, #tpu.memory_space<vmem>> -> memref<16x128xf32, #tpu.memory_space<vmem>>
      %dma_start3A_1389 = arith.constant 0 : i32
      %dma_start3A_1390 = tpu.memref_slice %arg6[%dma_start3A_1389, %multiple_of3A_1367] : memref<16x1000000xf32, #tpu.memory_space<hbm>> -> memref<16x128xf32, #tpu.memory_space<hbm>>
      %dma_start3A_1391 = arith.constant 0 : i32
      %dma_start3A_1392 = arith.constant 0 : i32
      %dma_start3A_1393 = tpu.memref_slice %arg25[%dma_start3A_1384, %dma_start3A_1391, %dma_start3A_1392] : memref<16x16x128xf32, #tpu.memory_space<vmem>> -> memref<1x16x128xf32, #tpu.memory_space<vmem>>
      %dma_start3A_1394 = tpu.memref_squeeze %dma_start3A_1393 : memref<1x16x128xf32, #tpu.memory_space<vmem>> -> memref<16x128xf32, #tpu.memory_space<vmem>>
      %dma_start3A_1395 = arith.constant 0 : i32
      %dma_start3A_1396 = tpu.memref_slice %arg6[%dma_start3A_1395, %multiple_of3A_1367] : memref<16x1000000xf32, #tpu.memory_space<hbm>> -> memref<16x128xf32, #tpu.memory_space<hbm>>
      tpu.enqueue_dma source(%dma_start3A_1396 : memref<16x128xf32, #tpu.memory_space<hbm>>) target(%dma_start3A_1394 : memref<16x128xf32, #tpu.memory_space<vmem>>) target_semaphore(%arg33 : memref<!tpu.dma_semaphore, #tpu.memory_space<semaphore_mem>>)
      %dma_start3A_1397 = arith.constant 14 : i32
      %dma_start3A_1398 = arith.constant 0 : i32
      %dma_start3A_1399 = arith.constant 0 : i32
      %dma_start3A_1400 = tpu.memref_slice %arg26[%dma_start3A_1397, %dma_start3A_1398, %dma_start3A_1399] : memref<16x16x128xf32, #tpu.memory_space<vmem>> -> memref<1x16x128xf32, #tpu.memory_space<vmem>>
      %dma_start3A_1401 = tpu.memref_squeeze %dma_start3A_1400 : memref<1x16x128xf32, #tpu.memory_space<vmem>> -> memref<16x128xf32, #tpu.memory_space<vmem>>
      %dma_start3A_1402 = arith.constant 0 : i32
      %dma_start3A_1403 = tpu.memref_slice %arg8[%dma_start3A_1402, %multiple_of3A_1370] : memref<16x100000xf32, #tpu.memory_space<hbm>> -> memref<16x128xf32, #tpu.memory_space<hbm>>
      %dma_start3A_1404 = arith.constant 0 : i32
      %dma_start3A_1405 = arith.constant 0 : i32
      %dma_start3A_1406 = tpu.memref_slice %arg26[%dma_start3A_1397, %dma_start3A_1404, %dma_start3A_1405] : memref<16x16x128xf32, #tpu.memory_space<vmem>> -> memref<1x16x128xf32, #tpu.memory_space<vmem>>
      %dma_start3A_1407 = tpu.memref_squeeze %dma_start3A_1406 : memref<1x16x128xf32, #tpu.memory_space<vmem>> -> memref<16x128xf32, #tpu.memory_space<vmem>>
      %dma_start3A_1408 = arith.constant 0 : i32
      %dma_start3A_1409 = tpu.memref_slice %arg8[%dma_start3A_1408, %multiple_of3A_1370] : memref<16x100000xf32, #tpu.memory_space<hbm>> -> memref<16x128xf32, #tpu.memory_space<hbm>>
      tpu.enqueue_dma source(%dma_start3A_1409 : memref<16x128xf32, #tpu.memory_space<hbm>>) target(%dma_start3A_1407 : memref<16x128xf32, #tpu.memory_space<vmem>>) target_semaphore(%arg33 : memref<!tpu.dma_semaphore, #tpu.memory_space<semaphore_mem>>)
      %dma_start3A_1410 = arith.constant 14 : i32
      %dma_start3A_1411 = arith.constant 0 : i32
      %dma_start3A_1412 = tpu.memref_slice %arg27[%dma_start3A_1410, %dma_start3A_1411] : memref<16x128xf32, #tpu.memory_space<vmem>> -> memref<1x128xf32, #tpu.memory_space<vmem>>
      %dma_start3A_1413 = tpu.memref_squeeze %dma_start3A_1412 : memref<1x128xf32, #tpu.memory_space<vmem>> -> memref<128xf32, #tpu.memory_space<vmem>>
      %dma_start3A_1414 = tpu.memref_slice %arg9[%multiple_of3A_1364] : memref<1000000xf32, #tpu.memory_space<hbm>> -> memref<128xf32, #tpu.memory_space<hbm>>
      %dma_start3A_1415 = arith.constant 0 : i32
      %dma_start3A_1416 = tpu.memref_slice %arg27[%dma_start3A_1410, %dma_start3A_1415] : memref<16x128xf32, #tpu.memory_space<vmem>> -> memref<1x128xf32, #tpu.memory_space<vmem>>
      %dma_start3A_1417 = tpu.memref_squeeze %dma_start3A_1416 : memref<1x128xf32, #tpu.memory_space<vmem>> -> memref<128xf32, #tpu.memory_space<vmem>>
      %dma_start3A_1418 = tpu.memref_slice %arg9[%multiple_of3A_1364] : memref<1000000xf32, #tpu.memory_space<hbm>> -> memref<128xf32, #tpu.memory_space<hbm>>
      tpu.enqueue_dma source(%dma_start3A_1418 : memref<128xf32, #tpu.memory_space<hbm>>) target(%dma_start3A_1417 : memref<128xf32, #tpu.memory_space<vmem>>) target_semaphore(%arg33 : memref<!tpu.dma_semaphore, #tpu.memory_space<semaphore_mem>>)
      %dma_start3A_1419 = arith.constant 14 : i32
      %dma_start3A_1420 = arith.constant 0 : i32
      %dma_start3A_1421 = tpu.memref_slice %arg28[%dma_start3A_1419, %dma_start3A_1420] : memref<16x128xf32, #tpu.memory_space<vmem>> -> memref<1x128xf32, #tpu.memory_space<vmem>>
      %dma_start3A_1422 = tpu.memref_squeeze %dma_start3A_1421 : memref<1x128xf32, #tpu.memory_space<vmem>> -> memref<128xf32, #tpu.memory_space<vmem>>
      %dma_start3A_1423 = tpu.memref_slice %arg10[%multiple_of3A_1367] : memref<1000000xf32, #tpu.memory_space<hbm>> -> memref<128xf32, #tpu.memory_space<hbm>>
      %dma_start3A_1424 = arith.constant 0 : i32
      %dma_start3A_1425 = tpu.memref_slice %arg28[%dma_start3A_1419, %dma_start3A_1424] : memref<16x128xf32, #tpu.memory_space<vmem>> -> memref<1x128xf32, #tpu.memory_space<vmem>>
      %dma_start3A_1426 = tpu.memref_squeeze %dma_start3A_1425 : memref<1x128xf32, #tpu.memory_space<vmem>> -> memref<128xf32, #tpu.memory_space<vmem>>
      %dma_start3A_1427 = tpu.memref_slice %arg10[%multiple_of3A_1367] : memref<1000000xf32, #tpu.memory_space<hbm>> -> memref<128xf32, #tpu.memory_space<hbm>>
      tpu.enqueue_dma source(%dma_start3A_1427 : memref<128xf32, #tpu.memory_space<hbm>>) target(%dma_start3A_1426 : memref<128xf32, #tpu.memory_space<vmem>>) target_semaphore(%arg33 : memref<!tpu.dma_semaphore, #tpu.memory_space<semaphore_mem>>)
      %dma_start3A_1428 = arith.constant 14 : i32
      %dma_start3A_1429 = arith.constant 0 : i32
      %dma_start3A_1430 = tpu.memref_slice %arg29[%dma_start3A_1428, %dma_start3A_1429] : memref<16x128xf32, #tpu.memory_space<vmem>> -> memref<1x128xf32, #tpu.memory_space<vmem>>
      %dma_start3A_1431 = tpu.memref_squeeze %dma_start3A_1430 : memref<1x128xf32, #tpu.memory_space<vmem>> -> memref<128xf32, #tpu.memory_space<vmem>>
      %dma_start3A_1432 = tpu.memref_slice %arg12[%multiple_of3A_1370] : memref<100000xf32, #tpu.memory_space<hbm>> -> memref<128xf32, #tpu.memory_space<hbm>>
      %dma_start3A_1433 = arith.constant 0 : i32
      %dma_start3A_1434 = tpu.memref_slice %arg29[%dma_start3A_1428, %dma_start3A_1433] : memref<16x128xf32, #tpu.memory_space<vmem>> -> memref<1x128xf32, #tpu.memory_space<vmem>>
      %dma_start3A_1435 = tpu.memref_squeeze %dma_start3A_1434 : memref<1x128xf32, #tpu.memory_space<vmem>> -> memref<128xf32, #tpu.memory_space<vmem>>
      %dma_start3A_1436 = tpu.memref_slice %arg12[%multiple_of3A_1370] : memref<100000xf32, #tpu.memory_space<hbm>> -> memref<128xf32, #tpu.memory_space<hbm>>
      tpu.enqueue_dma source(%dma_start3A_1436 : memref<128xf32, #tpu.memory_space<hbm>>) target(%dma_start3A_1435 : memref<128xf32, #tpu.memory_space<vmem>>) target_semaphore(%arg33 : memref<!tpu.dma_semaphore, #tpu.memory_space<semaphore_mem>>)
      %slice3A_1437 = vector.extract_strided_slice %get3A_45 {offsets = [15], sizes = [1], strides = [1]} : vector<16xi32> to vector<1xi32>
      %squeeze3A_1438 = vector.extract %slice3A_1437[0] : i32 from vector<1xi32>
      %multiple_of3A_1439 = tpu.assume_multiple %squeeze3A_1438, 128 : i32
      %slice3A_1440 = vector.extract_strided_slice %get3A_47 {offsets = [15], sizes = [1], strides = [1]} : vector<16xi32> to vector<1xi32>
      %squeeze3A_1441 = vector.extract %slice3A_1440[0] : i32 from vector<1xi32>
      %multiple_of3A_1442 = tpu.assume_multiple %squeeze3A_1441, 128 : i32
      %slice3A_1443 = vector.extract_strided_slice %get3A_49 {offsets = [15], sizes = [1], strides = [1]} : vector<16xi32> to vector<1xi32>
      %squeeze3A_1444 = vector.extract %slice3A_1443[0] : i32 from vector<1xi32>
      %multiple_of3A_1445 = tpu.assume_multiple %squeeze3A_1444, 128 : i32
      %dma_start3A_1446 = arith.constant 15 : i32
      %dma_start3A_1447 = arith.constant 0 : i32
      %dma_start3A_1448 = arith.constant 0 : i32
      %dma_start3A_1449 = tpu.memref_slice %arg24[%dma_start3A_1446, %dma_start3A_1447, %dma_start3A_1448] : memref<16x16x128xf32, #tpu.memory_space<vmem>> -> memref<1x16x128xf32, #tpu.memory_space<vmem>>
      %dma_start3A_1450 = tpu.memref_squeeze %dma_start3A_1449 : memref<1x16x128xf32, #tpu.memory_space<vmem>> -> memref<16x128xf32, #tpu.memory_space<vmem>>
      %dma_start3A_1451 = arith.constant 0 : i32
      %dma_start3A_1452 = tpu.memref_slice %arg5[%dma_start3A_1451, %multiple_of3A_1439] : memref<16x1000000xf32, #tpu.memory_space<hbm>> -> memref<16x128xf32, #tpu.memory_space<hbm>>
      %dma_start3A_1453 = arith.constant 0 : i32
      %dma_start3A_1454 = arith.constant 0 : i32
      %dma_start3A_1455 = tpu.memref_slice %arg24[%dma_start3A_1446, %dma_start3A_1453, %dma_start3A_1454] : memref<16x16x128xf32, #tpu.memory_space<vmem>> -> memref<1x16x128xf32, #tpu.memory_space<vmem>>
      %dma_start3A_1456 = tpu.memref_squeeze %dma_start3A_1455 : memref<1x16x128xf32, #tpu.memory_space<vmem>> -> memref<16x128xf32, #tpu.memory_space<vmem>>
      %dma_start3A_1457 = arith.constant 0 : i32
      %dma_start3A_1458 = tpu.memref_slice %arg5[%dma_start3A_1457, %multiple_of3A_1439] : memref<16x1000000xf32, #tpu.memory_space<hbm>> -> memref<16x128xf32, #tpu.memory_space<hbm>>
      tpu.enqueue_dma source(%dma_start3A_1458 : memref<16x128xf32, #tpu.memory_space<hbm>>) target(%dma_start3A_1456 : memref<16x128xf32, #tpu.memory_space<vmem>>) target_semaphore(%arg33 : memref<!tpu.dma_semaphore, #tpu.memory_space<semaphore_mem>>)
      %dma_start3A_1459 = arith.constant 15 : i32
      %dma_start3A_1460 = arith.constant 0 : i32
      %dma_start3A_1461 = arith.constant 0 : i32
      %dma_start3A_1462 = tpu.memref_slice %arg25[%dma_start3A_1459, %dma_start3A_1460, %dma_start3A_1461] : memref<16x16x128xf32, #tpu.memory_space<vmem>> -> memref<1x16x128xf32, #tpu.memory_space<vmem>>
      %dma_start3A_1463 = tpu.memref_squeeze %dma_start3A_1462 : memref<1x16x128xf32, #tpu.memory_space<vmem>> -> memref<16x128xf32, #tpu.memory_space<vmem>>
      %dma_start3A_1464 = arith.constant 0 : i32
      %dma_start3A_1465 = tpu.memref_slice %arg6[%dma_start3A_1464, %multiple_of3A_1442] : memref<16x1000000xf32, #tpu.memory_space<hbm>> -> memref<16x128xf32, #tpu.memory_space<hbm>>
      %dma_start3A_1466 = arith.constant 0 : i32
      %dma_start3A_1467 = arith.constant 0 : i32
      %dma_start3A_1468 = tpu.memref_slice %arg25[%dma_start3A_1459, %dma_start3A_1466, %dma_start3A_1467] : memref<16x16x128xf32, #tpu.memory_space<vmem>> -> memref<1x16x128xf32, #tpu.memory_space<vmem>>
      %dma_start3A_1469 = tpu.memref_squeeze %dma_start3A_1468 : memref<1x16x128xf32, #tpu.memory_space<vmem>> -> memref<16x128xf32, #tpu.memory_space<vmem>>
      %dma_start3A_1470 = arith.constant 0 : i32
      %dma_start3A_1471 = tpu.memref_slice %arg6[%dma_start3A_1470, %multiple_of3A_1442] : memref<16x1000000xf32, #tpu.memory_space<hbm>> -> memref<16x128xf32, #tpu.memory_space<hbm>>
      tpu.enqueue_dma source(%dma_start3A_1471 : memref<16x128xf32, #tpu.memory_space<hbm>>) target(%dma_start3A_1469 : memref<16x128xf32, #tpu.memory_space<vmem>>) target_semaphore(%arg33 : memref<!tpu.dma_semaphore, #tpu.memory_space<semaphore_mem>>)
      %dma_start3A_1472 = arith.constant 15 : i32
      %dma_start3A_1473 = arith.constant 0 : i32
      %dma_start3A_1474 = arith.constant 0 : i32
      %dma_start3A_1475 = tpu.memref_slice %arg26[%dma_start3A_1472, %dma_start3A_1473, %dma_start3A_1474] : memref<16x16x128xf32, #tpu.memory_space<vmem>> -> memref<1x16x128xf32, #tpu.memory_space<vmem>>
      %dma_start3A_1476 = tpu.memref_squeeze %dma_start3A_1475 : memref<1x16x128xf32, #tpu.memory_space<vmem>> -> memref<16x128xf32, #tpu.memory_space<vmem>>
      %dma_start3A_1477 = arith.constant 0 : i32
      %dma_start3A_1478 = tpu.memref_slice %arg8[%dma_start3A_1477, %multiple_of3A_1445] : memref<16x100000xf32, #tpu.memory_space<hbm>> -> memref<16x128xf32, #tpu.memory_space<hbm>>
      %dma_start3A_1479 = arith.constant 0 : i32
      %dma_start3A_1480 = arith.constant 0 : i32
      %dma_start3A_1481 = tpu.memref_slice %arg26[%dma_start3A_1472, %dma_start3A_1479, %dma_start3A_1480] : memref<16x16x128xf32, #tpu.memory_space<vmem>> -> memref<1x16x128xf32, #tpu.memory_space<vmem>>
      %dma_start3A_1482 = tpu.memref_squeeze %dma_start3A_1481 : memref<1x16x128xf32, #tpu.memory_space<vmem>> -> memref<16x128xf32, #tpu.memory_space<vmem>>
      %dma_start3A_1483 = arith.constant 0 : i32
      %dma_start3A_1484 = tpu.memref_slice %arg8[%dma_start3A_1483, %multiple_of3A_1445] : memref<16x100000xf32, #tpu.memory_space<hbm>> -> memref<16x128xf32, #tpu.memory_space<hbm>>
      tpu.enqueue_dma source(%dma_start3A_1484 : memref<16x128xf32, #tpu.memory_space<hbm>>) target(%dma_start3A_1482 : memref<16x128xf32, #tpu.memory_space<vmem>>) target_semaphore(%arg33 : memref<!tpu.dma_semaphore, #tpu.memory_space<semaphore_mem>>)
      %dma_start3A_1485 = arith.constant 15 : i32
      %dma_start3A_1486 = arith.constant 0 : i32
      %dma_start3A_1487 = tpu.memref_slice %arg27[%dma_start3A_1485, %dma_start3A_1486] : memref<16x128xf32, #tpu.memory_space<vmem>> -> memref<1x128xf32, #tpu.memory_space<vmem>>
      %dma_start3A_1488 = tpu.memref_squeeze %dma_start3A_1487 : memref<1x128xf32, #tpu.memory_space<vmem>> -> memref<128xf32, #tpu.memory_space<vmem>>
      %dma_start3A_1489 = tpu.memref_slice %arg9[%multiple_of3A_1439] : memref<1000000xf32, #tpu.memory_space<hbm>> -> memref<128xf32, #tpu.memory_space<hbm>>
      %dma_start3A_1490 = arith.constant 0 : i32
      %dma_start3A_1491 = tpu.memref_slice %arg27[%dma_start3A_1485, %dma_start3A_1490] : memref<16x128xf32, #tpu.memory_space<vmem>> -> memref<1x128xf32, #tpu.memory_space<vmem>>
      %dma_start3A_1492 = tpu.memref_squeeze %dma_start3A_1491 : memref<1x128xf32, #tpu.memory_space<vmem>> -> memref<128xf32, #tpu.memory_space<vmem>>
      %dma_start3A_1493 = tpu.memref_slice %arg9[%multiple_of3A_1439] : memref<1000000xf32, #tpu.memory_space<hbm>> -> memref<128xf32, #tpu.memory_space<hbm>>
      tpu.enqueue_dma source(%dma_start3A_1493 : memref<128xf32, #tpu.memory_space<hbm>>) target(%dma_start3A_1492 : memref<128xf32, #tpu.memory_space<vmem>>) target_semaphore(%arg33 : memref<!tpu.dma_semaphore, #tpu.memory_space<semaphore_mem>>)
      %dma_start3A_1494 = arith.constant 15 : i32
      %dma_start3A_1495 = arith.constant 0 : i32
      %dma_start3A_1496 = tpu.memref_slice %arg28[%dma_start3A_1494, %dma_start3A_1495] : memref<16x128xf32, #tpu.memory_space<vmem>> -> memref<1x128xf32, #tpu.memory_space<vmem>>
      %dma_start3A_1497 = tpu.memref_squeeze %dma_start3A_1496 : memref<1x128xf32, #tpu.memory_space<vmem>> -> memref<128xf32, #tpu.memory_space<vmem>>
      %dma_start3A_1498 = tpu.memref_slice %arg10[%multiple_of3A_1442] : memref<1000000xf32, #tpu.memory_space<hbm>> -> memref<128xf32, #tpu.memory_space<hbm>>
      %dma_start3A_1499 = arith.constant 0 : i32
      %dma_start3A_1500 = tpu.memref_slice %arg28[%dma_start3A_1494, %dma_start3A_1499] : memref<16x128xf32, #tpu.memory_space<vmem>> -> memref<1x128xf32, #tpu.memory_space<vmem>>
      %dma_start3A_1501 = tpu.memref_squeeze %dma_start3A_1500 : memref<1x128xf32, #tpu.memory_space<vmem>> -> memref<128xf32, #tpu.memory_space<vmem>>
      %dma_start3A_1502 = tpu.memref_slice %arg10[%multiple_of3A_1442] : memref<1000000xf32, #tpu.memory_space<hbm>> -> memref<128xf32, #tpu.memory_space<hbm>>
      tpu.enqueue_dma source(%dma_start3A_1502 : memref<128xf32, #tpu.memory_space<hbm>>) target(%dma_start3A_1501 : memref<128xf32, #tpu.memory_space<vmem>>) target_semaphore(%arg33 : memref<!tpu.dma_semaphore, #tpu.memory_space<semaphore_mem>>)
      %dma_start3A_1503 = arith.constant 15 : i32
      %dma_start3A_1504 = arith.constant 0 : i32
      %dma_start3A_1505 = tpu.memref_slice %arg29[%dma_start3A_1503, %dma_start3A_1504] : memref<16x128xf32, #tpu.memory_space<vmem>> -> memref<1x128xf32, #tpu.memory_space<vmem>>
      %dma_start3A_1506 = tpu.memref_squeeze %dma_start3A_1505 : memref<1x128xf32, #tpu.memory_space<vmem>> -> memref<128xf32, #tpu.memory_space<vmem>>
      %dma_start3A_1507 = tpu.memref_slice %arg12[%multiple_of3A_1445] : memref<100000xf32, #tpu.memory_space<hbm>> -> memref<128xf32, #tpu.memory_space<hbm>>
      %dma_start3A_1508 = arith.constant 0 : i32
      %dma_start3A_1509 = tpu.memref_slice %arg29[%dma_start3A_1503, %dma_start3A_1508] : memref<16x128xf32, #tpu.memory_space<vmem>> -> memref<1x128xf32, #tpu.memory_space<vmem>>
      %dma_start3A_1510 = tpu.memref_squeeze %dma_start3A_1509 : memref<1x128xf32, #tpu.memory_space<vmem>> -> memref<128xf32, #tpu.memory_space<vmem>>
      %dma_start3A_1511 = tpu.memref_slice %arg12[%multiple_of3A_1445] : memref<100000xf32, #tpu.memory_space<hbm>> -> memref<128xf32, #tpu.memory_space<hbm>>
      tpu.enqueue_dma source(%dma_start3A_1511 : memref<128xf32, #tpu.memory_space<hbm>>) target(%dma_start3A_1510 : memref<128xf32, #tpu.memory_space<vmem>>) target_semaphore(%arg33 : memref<!tpu.dma_semaphore, #tpu.memory_space<semaphore_mem>>)
      %dma_wait3A_1512 = arith.constant 4 : i32
      %dma_wait3A_1513 = arith.constant 0 : i32
      %dma_wait3A_1514 = arith.constant 0 : i32
      %dma_wait3A_1515 = tpu.memref_slice %arg24[%dma_wait3A_1512, %dma_wait3A_1513, %dma_wait3A_1514] : memref<16x16x128xf32, #tpu.memory_space<vmem>> -> memref<1x16x128xf32, #tpu.memory_space<vmem>>
      %dma_wait3A_1516 = tpu.memref_squeeze %dma_wait3A_1515 : memref<1x16x128xf32, #tpu.memory_space<vmem>> -> memref<16x128xf32, #tpu.memory_space<vmem>>
      %dma_wait3A_1517 = arith.constant 0 : i32
      %dma_wait3A_1518 = tpu.memref_slice %arg5[%dma_wait3A_1517, %multiple_of3A_350] : memref<16x1000000xf32, #tpu.memory_space<hbm>> -> memref<16x128xf32, #tpu.memory_space<hbm>>
      %dma_wait3A_1519 = arith.constant 0 : i32
      %dma_wait3A_1520 = arith.constant 0 : i32
      %dma_wait3A_1521 = tpu.memref_slice %arg24[%dma_wait3A_1512, %dma_wait3A_1519, %dma_wait3A_1520] : memref<16x16x128xf32, #tpu.memory_space<vmem>> -> memref<1x16x128xf32, #tpu.memory_space<vmem>>
      %dma_wait3A_1522 = tpu.memref_squeeze %dma_wait3A_1521 : memref<1x16x128xf32, #tpu.memory_space<vmem>> -> memref<16x128xf32, #tpu.memory_space<vmem>>
      %dma_wait3A_1523 = arith.constant 0 : i32
      %dma_wait3A_1524 = tpu.memref_slice %arg5[%dma_wait3A_1523, %multiple_of3A_350] : memref<16x1000000xf32, #tpu.memory_space<hbm>> -> memref<16x128xf32, #tpu.memory_space<hbm>>
      tpu.wait_dma2 semaphore(%arg33 : memref<!tpu.dma_semaphore, #tpu.memory_space<semaphore_mem>>) src(%dma_wait3A_1524 : memref<16x128xf32, #tpu.memory_space<hbm>>) dst(%dma_wait3A_1522 : memref<16x128xf32, #tpu.memory_space<vmem>>)
      %dma_wait3A_1525 = arith.constant 4 : i32
      %dma_wait3A_1526 = arith.constant 0 : i32
      %dma_wait3A_1527 = arith.constant 0 : i32
      %dma_wait3A_1528 = tpu.memref_slice %arg25[%dma_wait3A_1525, %dma_wait3A_1526, %dma_wait3A_1527] : memref<16x16x128xf32, #tpu.memory_space<vmem>> -> memref<1x16x128xf32, #tpu.memory_space<vmem>>
      %dma_wait3A_1529 = tpu.memref_squeeze %dma_wait3A_1528 : memref<1x16x128xf32, #tpu.memory_space<vmem>> -> memref<16x128xf32, #tpu.memory_space<vmem>>
      %dma_wait3A_1530 = arith.constant 0 : i32
      %dma_wait3A_1531 = tpu.memref_slice %arg6[%dma_wait3A_1530, %multiple_of3A_353] : memref<16x1000000xf32, #tpu.memory_space<hbm>> -> memref<16x128xf32, #tpu.memory_space<hbm>>
      %dma_wait3A_1532 = arith.constant 0 : i32
      %dma_wait3A_1533 = arith.constant 0 : i32
      %dma_wait3A_1534 = tpu.memref_slice %arg25[%dma_wait3A_1525, %dma_wait3A_1532, %dma_wait3A_1533] : memref<16x16x128xf32, #tpu.memory_space<vmem>> -> memref<1x16x128xf32, #tpu.memory_space<vmem>>
      %dma_wait3A_1535 = tpu.memref_squeeze %dma_wait3A_1534 : memref<1x16x128xf32, #tpu.memory_space<vmem>> -> memref<16x128xf32, #tpu.memory_space<vmem>>
      %dma_wait3A_1536 = arith.constant 0 : i32
      %dma_wait3A_1537 = tpu.memref_slice %arg6[%dma_wait3A_1536, %multiple_of3A_353] : memref<16x1000000xf32, #tpu.memory_space<hbm>> -> memref<16x128xf32, #tpu.memory_space<hbm>>
      tpu.wait_dma2 semaphore(%arg33 : memref<!tpu.dma_semaphore, #tpu.memory_space<semaphore_mem>>) src(%dma_wait3A_1537 : memref<16x128xf32, #tpu.memory_space<hbm>>) dst(%dma_wait3A_1535 : memref<16x128xf32, #tpu.memory_space<vmem>>)
      %dma_wait3A_1538 = arith.constant 4 : i32
      %dma_wait3A_1539 = arith.constant 0 : i32
      %dma_wait3A_1540 = arith.constant 0 : i32
      %dma_wait3A_1541 = tpu.memref_slice %arg26[%dma_wait3A_1538, %dma_wait3A_1539, %dma_wait3A_1540] : memref<16x16x128xf32, #tpu.memory_space<vmem>> -> memref<1x16x128xf32, #tpu.memory_space<vmem>>
      %dma_wait3A_1542 = tpu.memref_squeeze %dma_wait3A_1541 : memref<1x16x128xf32, #tpu.memory_space<vmem>> -> memref<16x128xf32, #tpu.memory_space<vmem>>
      %dma_wait3A_1543 = arith.constant 0 : i32
      %dma_wait3A_1544 = tpu.memref_slice %arg8[%dma_wait3A_1543, %multiple_of3A_356] : memref<16x100000xf32, #tpu.memory_space<hbm>> -> memref<16x128xf32, #tpu.memory_space<hbm>>
      %dma_wait3A_1545 = arith.constant 0 : i32
      %dma_wait3A_1546 = arith.constant 0 : i32
      %dma_wait3A_1547 = tpu.memref_slice %arg26[%dma_wait3A_1538, %dma_wait3A_1545, %dma_wait3A_1546] : memref<16x16x128xf32, #tpu.memory_space<vmem>> -> memref<1x16x128xf32, #tpu.memory_space<vmem>>
      %dma_wait3A_1548 = tpu.memref_squeeze %dma_wait3A_1547 : memref<1x16x128xf32, #tpu.memory_space<vmem>> -> memref<16x128xf32, #tpu.memory_space<vmem>>
      %dma_wait3A_1549 = arith.constant 0 : i32
      %dma_wait3A_1550 = tpu.memref_slice %arg8[%dma_wait3A_1549, %multiple_of3A_356] : memref<16x100000xf32, #tpu.memory_space<hbm>> -> memref<16x128xf32, #tpu.memory_space<hbm>>
      tpu.wait_dma2 semaphore(%arg33 : memref<!tpu.dma_semaphore, #tpu.memory_space<semaphore_mem>>) src(%dma_wait3A_1550 : memref<16x128xf32, #tpu.memory_space<hbm>>) dst(%dma_wait3A_1548 : memref<16x128xf32, #tpu.memory_space<vmem>>)
      %dma_wait3A_1551 = arith.constant 4 : i32
      %dma_wait3A_1552 = arith.constant 0 : i32
      %dma_wait3A_1553 = tpu.memref_slice %arg27[%dma_wait3A_1551, %dma_wait3A_1552] : memref<16x128xf32, #tpu.memory_space<vmem>> -> memref<1x128xf32, #tpu.memory_space<vmem>>
      %dma_wait3A_1554 = tpu.memref_squeeze %dma_wait3A_1553 : memref<1x128xf32, #tpu.memory_space<vmem>> -> memref<128xf32, #tpu.memory_space<vmem>>
      %dma_wait3A_1555 = tpu.memref_slice %arg9[%multiple_of3A_350] : memref<1000000xf32, #tpu.memory_space<hbm>> -> memref<128xf32, #tpu.memory_space<hbm>>
      %dma_wait3A_1556 = arith.constant 0 : i32
      %dma_wait3A_1557 = tpu.memref_slice %arg27[%dma_wait3A_1551, %dma_wait3A_1556] : memref<16x128xf32, #tpu.memory_space<vmem>> -> memref<1x128xf32, #tpu.memory_space<vmem>>
      %dma_wait3A_1558 = tpu.memref_squeeze %dma_wait3A_1557 : memref<1x128xf32, #tpu.memory_space<vmem>> -> memref<128xf32, #tpu.memory_space<vmem>>
      %dma_wait3A_1559 = tpu.memref_slice %arg9[%multiple_of3A_350] : memref<1000000xf32, #tpu.memory_space<hbm>> -> memref<128xf32, #tpu.memory_space<hbm>>
      tpu.wait_dma2 semaphore(%arg33 : memref<!tpu.dma_semaphore, #tpu.memory_space<semaphore_mem>>) src(%dma_wait3A_1559 : memref<128xf32, #tpu.memory_space<hbm>>) dst(%dma_wait3A_1558 : memref<128xf32, #tpu.memory_space<vmem>>)
      %dma_wait3A_1560 = arith.constant 4 : i32
      %dma_wait3A_1561 = arith.constant 0 : i32
      %dma_wait3A_1562 = tpu.memref_slice %arg28[%dma_wait3A_1560, %dma_wait3A_1561] : memref<16x128xf32, #tpu.memory_space<vmem>> -> memref<1x128xf32, #tpu.memory_space<vmem>>
      %dma_wait3A_1563 = tpu.memref_squeeze %dma_wait3A_1562 : memref<1x128xf32, #tpu.memory_space<vmem>> -> memref<128xf32, #tpu.memory_space<vmem>>
      %dma_wait3A_1564 = tpu.memref_slice %arg10[%multiple_of3A_353] : memref<1000000xf32, #tpu.memory_space<hbm>> -> memref<128xf32, #tpu.memory_space<hbm>>
      %dma_wait3A_1565 = arith.constant 0 : i32
      %dma_wait3A_1566 = tpu.memref_slice %arg28[%dma_wait3A_1560, %dma_wait3A_1565] : memref<16x128xf32, #tpu.memory_space<vmem>> -> memref<1x128xf32, #tpu.memory_space<vmem>>
      %dma_wait3A_1567 = tpu.memref_squeeze %dma_wait3A_1566 : memref<1x128xf32, #tpu.memory_space<vmem>> -> memref<128xf32, #tpu.memory_space<vmem>>
      %dma_wait3A_1568 = tpu.memref_slice %arg10[%multiple_of3A_353] : memref<1000000xf32, #tpu.memory_space<hbm>> -> memref<128xf32, #tpu.memory_space<hbm>>
      tpu.wait_dma2 semaphore(%arg33 : memref<!tpu.dma_semaphore, #tpu.memory_space<semaphore_mem>>) src(%dma_wait3A_1568 : memref<128xf32, #tpu.memory_space<hbm>>) dst(%dma_wait3A_1567 : memref<128xf32, #tpu.memory_space<vmem>>)
      %dma_wait3A_1569 = arith.constant 4 : i32
      %dma_wait3A_1570 = arith.constant 0 : i32
      %dma_wait3A_1571 = tpu.memref_slice %arg29[%dma_wait3A_1569, %dma_wait3A_1570] : memref<16x128xf32, #tpu.memory_space<vmem>> -> memref<1x128xf32, #tpu.memory_space<vmem>>
      %dma_wait3A_1572 = tpu.memref_squeeze %dma_wait3A_1571 : memref<1x128xf32, #tpu.memory_space<vmem>> -> memref<128xf32, #tpu.memory_space<vmem>>
      %dma_wait3A_1573 = tpu.memref_slice %arg12[%multiple_of3A_356] : memref<100000xf32, #tpu.memory_space<hbm>> -> memref<128xf32, #tpu.memory_space<hbm>>
      %dma_wait3A_1574 = arith.constant 0 : i32
      %dma_wait3A_1575 = tpu.memref_slice %arg29[%dma_wait3A_1569, %dma_wait3A_1574] : memref<16x128xf32, #tpu.memory_space<vmem>> -> memref<1x128xf32, #tpu.memory_space<vmem>>
      %dma_wait3A_1576 = tpu.memref_squeeze %dma_wait3A_1575 : memref<1x128xf32, #tpu.memory_space<vmem>> -> memref<128xf32, #tpu.memory_space<vmem>>
      %dma_wait3A_1577 = tpu.memref_slice %arg12[%multiple_of3A_356] : memref<100000xf32, #tpu.memory_space<hbm>> -> memref<128xf32, #tpu.memory_space<hbm>>
      tpu.wait_dma2 semaphore(%arg33 : memref<!tpu.dma_semaphore, #tpu.memory_space<semaphore_mem>>) src(%dma_wait3A_1577 : memref<128xf32, #tpu.memory_space<hbm>>) dst(%dma_wait3A_1576 : memref<128xf32, #tpu.memory_space<vmem>>)
      %dma_wait3A_1578 = arith.constant 5 : i32
      %dma_wait3A_1579 = arith.constant 0 : i32
      %dma_wait3A_1580 = arith.constant 0 : i32
      %dma_wait3A_1581 = tpu.memref_slice %arg24[%dma_wait3A_1578, %dma_wait3A_1579, %dma_wait3A_1580] : memref<16x16x128xf32, #tpu.memory_space<vmem>> -> memref<1x16x128xf32, #tpu.memory_space<vmem>>
      %dma_wait3A_1582 = tpu.memref_squeeze %dma_wait3A_1581 : memref<1x16x128xf32, #tpu.memory_space<vmem>> -> memref<16x128xf32, #tpu.memory_space<vmem>>
      %dma_wait3A_1583 = arith.constant 0 : i32
      %dma_wait3A_1584 = tpu.memref_slice %arg5[%dma_wait3A_1583, %multiple_of3A_425] : memref<16x1000000xf32, #tpu.memory_space<hbm>> -> memref<16x128xf32, #tpu.memory_space<hbm>>
      %dma_wait3A_1585 = arith.constant 0 : i32
      %dma_wait3A_1586 = arith.constant 0 : i32
      %dma_wait3A_1587 = tpu.memref_slice %arg24[%dma_wait3A_1578, %dma_wait3A_1585, %dma_wait3A_1586] : memref<16x16x128xf32, #tpu.memory_space<vmem>> -> memref<1x16x128xf32, #tpu.memory_space<vmem>>
      %dma_wait3A_1588 = tpu.memref_squeeze %dma_wait3A_1587 : memref<1x16x128xf32, #tpu.memory_space<vmem>> -> memref<16x128xf32, #tpu.memory_space<vmem>>
      %dma_wait3A_1589 = arith.constant 0 : i32
      %dma_wait3A_1590 = tpu.memref_slice %arg5[%dma_wait3A_1589, %multiple_of3A_425] : memref<16x1000000xf32, #tpu.memory_space<hbm>> -> memref<16x128xf32, #tpu.memory_space<hbm>>
      tpu.wait_dma2 semaphore(%arg33 : memref<!tpu.dma_semaphore, #tpu.memory_space<semaphore_mem>>) src(%dma_wait3A_1590 : memref<16x128xf32, #tpu.memory_space<hbm>>) dst(%dma_wait3A_1588 : memref<16x128xf32, #tpu.memory_space<vmem>>)
      %dma_wait3A_1591 = arith.constant 5 : i32
      %dma_wait3A_1592 = arith.constant 0 : i32
      %dma_wait3A_1593 = arith.constant 0 : i32
      %dma_wait3A_1594 = tpu.memref_slice %arg25[%dma_wait3A_1591, %dma_wait3A_1592, %dma_wait3A_1593] : memref<16x16x128xf32, #tpu.memory_space<vmem>> -> memref<1x16x128xf32, #tpu.memory_space<vmem>>
      %dma_wait3A_1595 = tpu.memref_squeeze %dma_wait3A_1594 : memref<1x16x128xf32, #tpu.memory_space<vmem>> -> memref<16x128xf32, #tpu.memory_space<vmem>>
      %dma_wait3A_1596 = arith.constant 0 : i32
      %dma_wait3A_1597 = tpu.memref_slice %arg6[%dma_wait3A_1596, %multiple_of3A_428] : memref<16x1000000xf32, #tpu.memory_space<hbm>> -> memref<16x128xf32, #tpu.memory_space<hbm>>
      %dma_wait3A_1598 = arith.constant 0 : i32
      %dma_wait3A_1599 = arith.constant 0 : i32
      %dma_wait3A_1600 = tpu.memref_slice %arg25[%dma_wait3A_1591, %dma_wait3A_1598, %dma_wait3A_1599] : memref<16x16x128xf32, #tpu.memory_space<vmem>> -> memref<1x16x128xf32, #tpu.memory_space<vmem>>
      %dma_wait3A_1601 = tpu.memref_squeeze %dma_wait3A_1600 : memref<1x16x128xf32, #tpu.memory_space<vmem>> -> memref<16x128xf32, #tpu.memory_space<vmem>>
      %dma_wait3A_1602 = arith.constant 0 : i32
      %dma_wait3A_1603 = tpu.memref_slice %arg6[%dma_wait3A_1602, %multiple_of3A_428] : memref<16x1000000xf32, #tpu.memory_space<hbm>> -> memref<16x128xf32, #tpu.memory_space<hbm>>
      tpu.wait_dma2 semaphore(%arg33 : memref<!tpu.dma_semaphore, #tpu.memory_space<semaphore_mem>>) src(%dma_wait3A_1603 : memref<16x128xf32, #tpu.memory_space<hbm>>) dst(%dma_wait3A_1601 : memref<16x128xf32, #tpu.memory_space<vmem>>)
      %dma_wait3A_1604 = arith.constant 5 : i32
      %dma_wait3A_1605 = arith.constant 0 : i32
      %dma_wait3A_1606 = arith.constant 0 : i32
      %dma_wait3A_1607 = tpu.memref_slice %arg26[%dma_wait3A_1604, %dma_wait3A_1605, %dma_wait3A_1606] : memref<16x16x128xf32, #tpu.memory_space<vmem>> -> memref<1x16x128xf32, #tpu.memory_space<vmem>>
      %dma_wait3A_1608 = tpu.memref_squeeze %dma_wait3A_1607 : memref<1x16x128xf32, #tpu.memory_space<vmem>> -> memref<16x128xf32, #tpu.memory_space<vmem>>
      %dma_wait3A_1609 = arith.constant 0 : i32
      %dma_wait3A_1610 = tpu.memref_slice %arg8[%dma_wait3A_1609, %multiple_of3A_431] : memref<16x100000xf32, #tpu.memory_space<hbm>> -> memref<16x128xf32, #tpu.memory_space<hbm>>
      %dma_wait3A_1611 = arith.constant 0 : i32
      %dma_wait3A_1612 = arith.constant 0 : i32
      %dma_wait3A_1613 = tpu.memref_slice %arg26[%dma_wait3A_1604, %dma_wait3A_1611, %dma_wait3A_1612] : memref<16x16x128xf32, #tpu.memory_space<vmem>> -> memref<1x16x128xf32, #tpu.memory_space<vmem>>
      %dma_wait3A_1614 = tpu.memref_squeeze %dma_wait3A_1613 : memref<1x16x128xf32, #tpu.memory_space<vmem>> -> memref<16x128xf32, #tpu.memory_space<vmem>>
      %dma_wait3A_1615 = arith.constant 0 : i32
      %dma_wait3A_1616 = tpu.memref_slice %arg8[%dma_wait3A_1615, %multiple_of3A_431] : memref<16x100000xf32, #tpu.memory_space<hbm>> -> memref<16x128xf32, #tpu.memory_space<hbm>>
      tpu.wait_dma2 semaphore(%arg33 : memref<!tpu.dma_semaphore, #tpu.memory_space<semaphore_mem>>) src(%dma_wait3A_1616 : memref<16x128xf32, #tpu.memory_space<hbm>>) dst(%dma_wait3A_1614 : memref<16x128xf32, #tpu.memory_space<vmem>>)
      %dma_wait3A_1617 = arith.constant 5 : i32
      %dma_wait3A_1618 = arith.constant 0 : i32
      %dma_wait3A_1619 = tpu.memref_slice %arg27[%dma_wait3A_1617, %dma_wait3A_1618] : memref<16x128xf32, #tpu.memory_space<vmem>> -> memref<1x128xf32, #tpu.memory_space<vmem>>
      %dma_wait3A_1620 = tpu.memref_squeeze %dma_wait3A_1619 : memref<1x128xf32, #tpu.memory_space<vmem>> -> memref<128xf32, #tpu.memory_space<vmem>>
      %dma_wait3A_1621 = tpu.memref_slice %arg9[%multiple_of3A_425] : memref<1000000xf32, #tpu.memory_space<hbm>> -> memref<128xf32, #tpu.memory_space<hbm>>
      %dma_wait3A_1622 = arith.constant 0 : i32
      %dma_wait3A_1623 = tpu.memref_slice %arg27[%dma_wait3A_1617, %dma_wait3A_1622] : memref<16x128xf32, #tpu.memory_space<vmem>> -> memref<1x128xf32, #tpu.memory_space<vmem>>
      %dma_wait3A_1624 = tpu.memref_squeeze %dma_wait3A_1623 : memref<1x128xf32, #tpu.memory_space<vmem>> -> memref<128xf32, #tpu.memory_space<vmem>>
      %dma_wait3A_1625 = tpu.memref_slice %arg9[%multiple_of3A_425] : memref<1000000xf32, #tpu.memory_space<hbm>> -> memref<128xf32, #tpu.memory_space<hbm>>
      tpu.wait_dma2 semaphore(%arg33 : memref<!tpu.dma_semaphore, #tpu.memory_space<semaphore_mem>>) src(%dma_wait3A_1625 : memref<128xf32, #tpu.memory_space<hbm>>) dst(%dma_wait3A_1624 : memref<128xf32, #tpu.memory_space<vmem>>)
      %dma_wait3A_1626 = arith.constant 5 : i32
      %dma_wait3A_1627 = arith.constant 0 : i32
      %dma_wait3A_1628 = tpu.memref_slice %arg28[%dma_wait3A_1626, %dma_wait3A_1627] : memref<16x128xf32, #tpu.memory_space<vmem>> -> memref<1x128xf32, #tpu.memory_space<vmem>>
      %dma_wait3A_1629 = tpu.memref_squeeze %dma_wait3A_1628 : memref<1x128xf32, #tpu.memory_space<vmem>> -> memref<128xf32, #tpu.memory_space<vmem>>
      %dma_wait3A_1630 = tpu.memref_slice %arg10[%multiple_of3A_428] : memref<1000000xf32, #tpu.memory_space<hbm>> -> memref<128xf32, #tpu.memory_space<hbm>>
      %dma_wait3A_1631 = arith.constant 0 : i32
      %dma_wait3A_1632 = tpu.memref_slice %arg28[%dma_wait3A_1626, %dma_wait3A_1631] : memref<16x128xf32, #tpu.memory_space<vmem>> -> memref<1x128xf32, #tpu.memory_space<vmem>>
      %dma_wait3A_1633 = tpu.memref_squeeze %dma_wait3A_1632 : memref<1x128xf32, #tpu.memory_space<vmem>> -> memref<128xf32, #tpu.memory_space<vmem>>
      %dma_wait3A_1634 = tpu.memref_slice %arg10[%multiple_of3A_428] : memref<1000000xf32, #tpu.memory_space<hbm>> -> memref<128xf32, #tpu.memory_space<hbm>>
      tpu.wait_dma2 semaphore(%arg33 : memref<!tpu.dma_semaphore, #tpu.memory_space<semaphore_mem>>) src(%dma_wait3A_1634 : memref<128xf32, #tpu.memory_space<hbm>>) dst(%dma_wait3A_1633 : memref<128xf32, #tpu.memory_space<vmem>>)
      %dma_wait3A_1635 = arith.constant 5 : i32
      %dma_wait3A_1636 = arith.constant 0 : i32
      %dma_wait3A_1637 = tpu.memref_slice %arg29[%dma_wait3A_1635, %dma_wait3A_1636] : memref<16x128xf32, #tpu.memory_space<vmem>> -> memref<1x128xf32, #tpu.memory_space<vmem>>
      %dma_wait3A_1638 = tpu.memref_squeeze %dma_wait3A_1637 : memref<1x128xf32, #tpu.memory_space<vmem>> -> memref<128xf32, #tpu.memory_space<vmem>>
      %dma_wait3A_1639 = tpu.memref_slice %arg12[%multiple_of3A_431] : memref<100000xf32, #tpu.memory_space<hbm>> -> memref<128xf32, #tpu.memory_space<hbm>>
      %dma_wait3A_1640 = arith.constant 0 : i32
      %dma_wait3A_1641 = tpu.memref_slice %arg29[%dma_wait3A_1635, %dma_wait3A_1640] : memref<16x128xf32, #tpu.memory_space<vmem>> -> memref<1x128xf32, #tpu.memory_space<vmem>>
      %dma_wait3A_1642 = tpu.memref_squeeze %dma_wait3A_1641 : memref<1x128xf32, #tpu.memory_space<vmem>> -> memref<128xf32, #tpu.memory_space<vmem>>
      %dma_wait3A_1643 = tpu.memref_slice %arg12[%multiple_of3A_431] : memref<100000xf32, #tpu.memory_space<hbm>> -> memref<128xf32, #tpu.memory_space<hbm>>
      tpu.wait_dma2 semaphore(%arg33 : memref<!tpu.dma_semaphore, #tpu.memory_space<semaphore_mem>>) src(%dma_wait3A_1643 : memref<128xf32, #tpu.memory_space<hbm>>) dst(%dma_wait3A_1642 : memref<128xf32, #tpu.memory_space<vmem>>)
      %dma_wait3A_1644 = arith.constant 6 : i32
      %dma_wait3A_1645 = arith.constant 0 : i32
      %dma_wait3A_1646 = arith.constant 0 : i32
      %dma_wait3A_1647 = tpu.memref_slice %arg24[%dma_wait3A_1644, %dma_wait3A_1645, %dma_wait3A_1646] : memref<16x16x128xf32, #tpu.memory_space<vmem>> -> memref<1x16x128xf32, #tpu.memory_space<vmem>>
      %dma_wait3A_1648 = tpu.memref_squeeze %dma_wait3A_1647 : memref<1x16x128xf32, #tpu.memory_space<vmem>> -> memref<16x128xf32, #tpu.memory_space<vmem>>
      %dma_wait3A_1649 = arith.constant 0 : i32
      %dma_wait3A_1650 = tpu.memref_slice %arg5[%dma_wait3A_1649, %multiple_of3A_500] : memref<16x1000000xf32, #tpu.memory_space<hbm>> -> memref<16x128xf32, #tpu.memory_space<hbm>>
      %dma_wait3A_1651 = arith.constant 0 : i32
      %dma_wait3A_1652 = arith.constant 0 : i32
      %dma_wait3A_1653 = tpu.memref_slice %arg24[%dma_wait3A_1644, %dma_wait3A_1651, %dma_wait3A_1652] : memref<16x16x128xf32, #tpu.memory_space<vmem>> -> memref<1x16x128xf32, #tpu.memory_space<vmem>>
      %dma_wait3A_1654 = tpu.memref_squeeze %dma_wait3A_1653 : memref<1x16x128xf32, #tpu.memory_space<vmem>> -> memref<16x128xf32, #tpu.memory_space<vmem>>
      %dma_wait3A_1655 = arith.constant 0 : i32
      %dma_wait3A_1656 = tpu.memref_slice %arg5[%dma_wait3A_1655, %multiple_of3A_500] : memref<16x1000000xf32, #tpu.memory_space<hbm>> -> memref<16x128xf32, #tpu.memory_space<hbm>>
      tpu.wait_dma2 semaphore(%arg33 : memref<!tpu.dma_semaphore, #tpu.memory_space<semaphore_mem>>) src(%dma_wait3A_1656 : memref<16x128xf32, #tpu.memory_space<hbm>>) dst(%dma_wait3A_1654 : memref<16x128xf32, #tpu.memory_space<vmem>>)
      %dma_wait3A_1657 = arith.constant 6 : i32
      %dma_wait3A_1658 = arith.constant 0 : i32
      %dma_wait3A_1659 = arith.constant 0 : i32
      %dma_wait3A_1660 = tpu.memref_slice %arg25[%dma_wait3A_1657, %dma_wait3A_1658, %dma_wait3A_1659] : memref<16x16x128xf32, #tpu.memory_space<vmem>> -> memref<1x16x128xf32, #tpu.memory_space<vmem>>
      %dma_wait3A_1661 = tpu.memref_squeeze %dma_wait3A_1660 : memref<1x16x128xf32, #tpu.memory_space<vmem>> -> memref<16x128xf32, #tpu.memory_space<vmem>>
      %dma_wait3A_1662 = arith.constant 0 : i32
      %dma_wait3A_1663 = tpu.memref_slice %arg6[%dma_wait3A_1662, %multiple_of3A_503] : memref<16x1000000xf32, #tpu.memory_space<hbm>> -> memref<16x128xf32, #tpu.memory_space<hbm>>
      %dma_wait3A_1664 = arith.constant 0 : i32
      %dma_wait3A_1665 = arith.constant 0 : i32
      %dma_wait3A_1666 = tpu.memref_slice %arg25[%dma_wait3A_1657, %dma_wait3A_1664, %dma_wait3A_1665] : memref<16x16x128xf32, #tpu.memory_space<vmem>> -> memref<1x16x128xf32, #tpu.memory_space<vmem>>
      %dma_wait3A_1667 = tpu.memref_squeeze %dma_wait3A_1666 : memref<1x16x128xf32, #tpu.memory_space<vmem>> -> memref<16x128xf32, #tpu.memory_space<vmem>>
      %dma_wait3A_1668 = arith.constant 0 : i32
      %dma_wait3A_1669 = tpu.memref_slice %arg6[%dma_wait3A_1668, %multiple_of3A_503] : memref<16x1000000xf32, #tpu.memory_space<hbm>> -> memref<16x128xf32, #tpu.memory_space<hbm>>
      tpu.wait_dma2 semaphore(%arg33 : memref<!tpu.dma_semaphore, #tpu.memory_space<semaphore_mem>>) src(%dma_wait3A_1669 : memref<16x128xf32, #tpu.memory_space<hbm>>) dst(%dma_wait3A_1667 : memref<16x128xf32, #tpu.memory_space<vmem>>)
      %dma_wait3A_1670 = arith.constant 6 : i32
      %dma_wait3A_1671 = arith.constant 0 : i32
      %dma_wait3A_1672 = arith.constant 0 : i32
      %dma_wait3A_1673 = tpu.memref_slice %arg26[%dma_wait3A_1670, %dma_wait3A_1671, %dma_wait3A_1672] : memref<16x16x128xf32, #tpu.memory_space<vmem>> -> memref<1x16x128xf32, #tpu.memory_space<vmem>>
      %dma_wait3A_1674 = tpu.memref_squeeze %dma_wait3A_1673 : memref<1x16x128xf32, #tpu.memory_space<vmem>> -> memref<16x128xf32, #tpu.memory_space<vmem>>
      %dma_wait3A_1675 = arith.constant 0 : i32
      %dma_wait3A_1676 = tpu.memref_slice %arg8[%dma_wait3A_1675, %multiple_of3A_506] : memref<16x100000xf32, #tpu.memory_space<hbm>> -> memref<16x128xf32, #tpu.memory_space<hbm>>
      %dma_wait3A_1677 = arith.constant 0 : i32
      %dma_wait3A_1678 = arith.constant 0 : i32
      %dma_wait3A_1679 = tpu.memref_slice %arg26[%dma_wait3A_1670, %dma_wait3A_1677, %dma_wait3A_1678] : memref<16x16x128xf32, #tpu.memory_space<vmem>> -> memref<1x16x128xf32, #tpu.memory_space<vmem>>
      %dma_wait3A_1680 = tpu.memref_squeeze %dma_wait3A_1679 : memref<1x16x128xf32, #tpu.memory_space<vmem>> -> memref<16x128xf32, #tpu.memory_space<vmem>>
      %dma_wait3A_1681 = arith.constant 0 : i32
      %dma_wait3A_1682 = tpu.memref_slice %arg8[%dma_wait3A_1681, %multiple_of3A_506] : memref<16x100000xf32, #tpu.memory_space<hbm>> -> memref<16x128xf32, #tpu.memory_space<hbm>>
      tpu.wait_dma2 semaphore(%arg33 : memref<!tpu.dma_semaphore, #tpu.memory_space<semaphore_mem>>) src(%dma_wait3A_1682 : memref<16x128xf32, #tpu.memory_space<hbm>>) dst(%dma_wait3A_1680 : memref<16x128xf32, #tpu.memory_space<vmem>>)
      %dma_wait3A_1683 = arith.constant 6 : i32
      %dma_wait3A_1684 = arith.constant 0 : i32
      %dma_wait3A_1685 = tpu.memref_slice %arg27[%dma_wait3A_1683, %dma_wait3A_1684] : memref<16x128xf32, #tpu.memory_space<vmem>> -> memref<1x128xf32, #tpu.memory_space<vmem>>
      %dma_wait3A_1686 = tpu.memref_squeeze %dma_wait3A_1685 : memref<1x128xf32, #tpu.memory_space<vmem>> -> memref<128xf32, #tpu.memory_space<vmem>>
      %dma_wait3A_1687 = tpu.memref_slice %arg9[%multiple_of3A_500] : memref<1000000xf32, #tpu.memory_space<hbm>> -> memref<128xf32, #tpu.memory_space<hbm>>
      %dma_wait3A_1688 = arith.constant 0 : i32
      %dma_wait3A_1689 = tpu.memref_slice %arg27[%dma_wait3A_1683, %dma_wait3A_1688] : memref<16x128xf32, #tpu.memory_space<vmem>> -> memref<1x128xf32, #tpu.memory_space<vmem>>
      %dma_wait3A_1690 = tpu.memref_squeeze %dma_wait3A_1689 : memref<1x128xf32, #tpu.memory_space<vmem>> -> memref<128xf32, #tpu.memory_space<vmem>>
      %dma_wait3A_1691 = tpu.memref_slice %arg9[%multiple_of3A_500] : memref<1000000xf32, #tpu.memory_space<hbm>> -> memref<128xf32, #tpu.memory_space<hbm>>
      tpu.wait_dma2 semaphore(%arg33 : memref<!tpu.dma_semaphore, #tpu.memory_space<semaphore_mem>>) src(%dma_wait3A_1691 : memref<128xf32, #tpu.memory_space<hbm>>) dst(%dma_wait3A_1690 : memref<128xf32, #tpu.memory_space<vmem>>)
      %dma_wait3A_1692 = arith.constant 6 : i32
      %dma_wait3A_1693 = arith.constant 0 : i32
      %dma_wait3A_1694 = tpu.memref_slice %arg28[%dma_wait3A_1692, %dma_wait3A_1693] : memref<16x128xf32, #tpu.memory_space<vmem>> -> memref<1x128xf32, #tpu.memory_space<vmem>>
      %dma_wait3A_1695 = tpu.memref_squeeze %dma_wait3A_1694 : memref<1x128xf32, #tpu.memory_space<vmem>> -> memref<128xf32, #tpu.memory_space<vmem>>
      %dma_wait3A_1696 = tpu.memref_slice %arg10[%multiple_of3A_503] : memref<1000000xf32, #tpu.memory_space<hbm>> -> memref<128xf32, #tpu.memory_space<hbm>>
      %dma_wait3A_1697 = arith.constant 0 : i32
      %dma_wait3A_1698 = tpu.memref_slice %arg28[%dma_wait3A_1692, %dma_wait3A_1697] : memref<16x128xf32, #tpu.memory_space<vmem>> -> memref<1x128xf32, #tpu.memory_space<vmem>>
      %dma_wait3A_1699 = tpu.memref_squeeze %dma_wait3A_1698 : memref<1x128xf32, #tpu.memory_space<vmem>> -> memref<128xf32, #tpu.memory_space<vmem>>
      %dma_wait3A_1700 = tpu.memref_slice %arg10[%multiple_of3A_503] : memref<1000000xf32, #tpu.memory_space<hbm>> -> memref<128xf32, #tpu.memory_space<hbm>>
      tpu.wait_dma2 semaphore(%arg33 : memref<!tpu.dma_semaphore, #tpu.memory_space<semaphore_mem>>) src(%dma_wait3A_1700 : memref<128xf32, #tpu.memory_space<hbm>>) dst(%dma_wait3A_1699 : memref<128xf32, #tpu.memory_space<vmem>>)
      %dma_wait3A_1701 = arith.constant 6 : i32
      %dma_wait3A_1702 = arith.constant 0 : i32
      %dma_wait3A_1703 = tpu.memref_slice %arg29[%dma_wait3A_1701, %dma_wait3A_1702] : memref<16x128xf32, #tpu.memory_space<vmem>> -> memref<1x128xf32, #tpu.memory_space<vmem>>
      %dma_wait3A_1704 = tpu.memref_squeeze %dma_wait3A_1703 : memref<1x128xf32, #tpu.memory_space<vmem>> -> memref<128xf32, #tpu.memory_space<vmem>>
      %dma_wait3A_1705 = tpu.memref_slice %arg12[%multiple_of3A_506] : memref<100000xf32, #tpu.memory_space<hbm>> -> memref<128xf32, #tpu.memory_space<hbm>>
      %dma_wait3A_1706 = arith.constant 0 : i32
      %dma_wait3A_1707 = tpu.memref_slice %arg29[%dma_wait3A_1701, %dma_wait3A_1706] : memref<16x128xf32, #tpu.memory_space<vmem>> -> memref<1x128xf32, #tpu.memory_space<vmem>>
      %dma_wait3A_1708 = tpu.memref_squeeze %dma_wait3A_1707 : memref<1x128xf32, #tpu.memory_space<vmem>> -> memref<128xf32, #tpu.memory_space<vmem>>
      %dma_wait3A_1709 = tpu.memref_slice %arg12[%multiple_of3A_506] : memref<100000xf32, #tpu.memory_space<hbm>> -> memref<128xf32, #tpu.memory_space<hbm>>
      tpu.wait_dma2 semaphore(%arg33 : memref<!tpu.dma_semaphore, #tpu.memory_space<semaphore_mem>>) src(%dma_wait3A_1709 : memref<128xf32, #tpu.memory_space<hbm>>) dst(%dma_wait3A_1708 : memref<128xf32, #tpu.memory_space<vmem>>)
      %dma_wait3A_1710 = arith.constant 7 : i32
      %dma_wait3A_1711 = arith.constant 0 : i32
      %dma_wait3A_1712 = arith.constant 0 : i32
      %dma_wait3A_1713 = tpu.memref_slice %arg24[%dma_wait3A_1710, %dma_wait3A_1711, %dma_wait3A_1712] : memref<16x16x128xf32, #tpu.memory_space<vmem>> -> memref<1x16x128xf32, #tpu.memory_space<vmem>>
      %dma_wait3A_1714 = tpu.memref_squeeze %dma_wait3A_1713 : memref<1x16x128xf32, #tpu.memory_space<vmem>> -> memref<16x128xf32, #tpu.memory_space<vmem>>
      %dma_wait3A_1715 = arith.constant 0 : i32
      %dma_wait3A_1716 = tpu.memref_slice %arg5[%dma_wait3A_1715, %multiple_of3A_575] : memref<16x1000000xf32, #tpu.memory_space<hbm>> -> memref<16x128xf32, #tpu.memory_space<hbm>>
      %dma_wait3A_1717 = arith.constant 0 : i32
      %dma_wait3A_1718 = arith.constant 0 : i32
      %dma_wait3A_1719 = tpu.memref_slice %arg24[%dma_wait3A_1710, %dma_wait3A_1717, %dma_wait3A_1718] : memref<16x16x128xf32, #tpu.memory_space<vmem>> -> memref<1x16x128xf32, #tpu.memory_space<vmem>>
      %dma_wait3A_1720 = tpu.memref_squeeze %dma_wait3A_1719 : memref<1x16x128xf32, #tpu.memory_space<vmem>> -> memref<16x128xf32, #tpu.memory_space<vmem>>
      %dma_wait3A_1721 = arith.constant 0 : i32
      %dma_wait3A_1722 = tpu.memref_slice %arg5[%dma_wait3A_1721, %multiple_of3A_575] : memref<16x1000000xf32, #tpu.memory_space<hbm>> -> memref<16x128xf32, #tpu.memory_space<hbm>>
      tpu.wait_dma2 semaphore(%arg33 : memref<!tpu.dma_semaphore, #tpu.memory_space<semaphore_mem>>) src(%dma_wait3A_1722 : memref<16x128xf32, #tpu.memory_space<hbm>>) dst(%dma_wait3A_1720 : memref<16x128xf32, #tpu.memory_space<vmem>>)
      %dma_wait3A_1723 = arith.constant 7 : i32
      %dma_wait3A_1724 = arith.constant 0 : i32
      %dma_wait3A_1725 = arith.constant 0 : i32
      %dma_wait3A_1726 = tpu.memref_slice %arg25[%dma_wait3A_1723, %dma_wait3A_1724, %dma_wait3A_1725] : memref<16x16x128xf32, #tpu.memory_space<vmem>> -> memref<1x16x128xf32, #tpu.memory_space<vmem>>
      %dma_wait3A_1727 = tpu.memref_squeeze %dma_wait3A_1726 : memref<1x16x128xf32, #tpu.memory_space<vmem>> -> memref<16x128xf32, #tpu.memory_space<vmem>>
      %dma_wait3A_1728 = arith.constant 0 : i32
      %dma_wait3A_1729 = tpu.memref_slice %arg6[%dma_wait3A_1728, %multiple_of3A_578] : memref<16x1000000xf32, #tpu.memory_space<hbm>> -> memref<16x128xf32, #tpu.memory_space<hbm>>
      %dma_wait3A_1730 = arith.constant 0 : i32
      %dma_wait3A_1731 = arith.constant 0 : i32
      %dma_wait3A_1732 = tpu.memref_slice %arg25[%dma_wait3A_1723, %dma_wait3A_1730, %dma_wait3A_1731] : memref<16x16x128xf32, #tpu.memory_space<vmem>> -> memref<1x16x128xf32, #tpu.memory_space<vmem>>
      %dma_wait3A_1733 = tpu.memref_squeeze %dma_wait3A_1732 : memref<1x16x128xf32, #tpu.memory_space<vmem>> -> memref<16x128xf32, #tpu.memory_space<vmem>>
      %dma_wait3A_1734 = arith.constant 0 : i32
      %dma_wait3A_1735 = tpu.memref_slice %arg6[%dma_wait3A_1734, %multiple_of3A_578] : memref<16x1000000xf32, #tpu.memory_space<hbm>> -> memref<16x128xf32, #tpu.memory_space<hbm>>
      tpu.wait_dma2 semaphore(%arg33 : memref<!tpu.dma_semaphore, #tpu.memory_space<semaphore_mem>>) src(%dma_wait3A_1735 : memref<16x128xf32, #tpu.memory_space<hbm>>) dst(%dma_wait3A_1733 : memref<16x128xf32, #tpu.memory_space<vmem>>)
      %dma_wait3A_1736 = arith.constant 7 : i32
      %dma_wait3A_1737 = arith.constant 0 : i32
      %dma_wait3A_1738 = arith.constant 0 : i32
      %dma_wait3A_1739 = tpu.memref_slice %arg26[%dma_wait3A_1736, %dma_wait3A_1737, %dma_wait3A_1738] : memref<16x16x128xf32, #tpu.memory_space<vmem>> -> memref<1x16x128xf32, #tpu.memory_space<vmem>>
      %dma_wait3A_1740 = tpu.memref_squeeze %dma_wait3A_1739 : memref<1x16x128xf32, #tpu.memory_space<vmem>> -> memref<16x128xf32, #tpu.memory_space<vmem>>
      %dma_wait3A_1741 = arith.constant 0 : i32
      %dma_wait3A_1742 = tpu.memref_slice %arg8[%dma_wait3A_1741, %multiple_of3A_581] : memref<16x100000xf32, #tpu.memory_space<hbm>> -> memref<16x128xf32, #tpu.memory_space<hbm>>
      %dma_wait3A_1743 = arith.constant 0 : i32
      %dma_wait3A_1744 = arith.constant 0 : i32
      %dma_wait3A_1745 = tpu.memref_slice %arg26[%dma_wait3A_1736, %dma_wait3A_1743, %dma_wait3A_1744] : memref<16x16x128xf32, #tpu.memory_space<vmem>> -> memref<1x16x128xf32, #tpu.memory_space<vmem>>
      %dma_wait3A_1746 = tpu.memref_squeeze %dma_wait3A_1745 : memref<1x16x128xf32, #tpu.memory_space<vmem>> -> memref<16x128xf32, #tpu.memory_space<vmem>>
      %dma_wait3A_1747 = arith.constant 0 : i32
      %dma_wait3A_1748 = tpu.memref_slice %arg8[%dma_wait3A_1747, %multiple_of3A_581] : memref<16x100000xf32, #tpu.memory_space<hbm>> -> memref<16x128xf32, #tpu.memory_space<hbm>>
      tpu.wait_dma2 semaphore(%arg33 : memref<!tpu.dma_semaphore, #tpu.memory_space<semaphore_mem>>) src(%dma_wait3A_1748 : memref<16x128xf32, #tpu.memory_space<hbm>>) dst(%dma_wait3A_1746 : memref<16x128xf32, #tpu.memory_space<vmem>>)
      %dma_wait3A_1749 = arith.constant 7 : i32
      %dma_wait3A_1750 = arith.constant 0 : i32
      %dma_wait3A_1751 = tpu.memref_slice %arg27[%dma_wait3A_1749, %dma_wait3A_1750] : memref<16x128xf32, #tpu.memory_space<vmem>> -> memref<1x128xf32, #tpu.memory_space<vmem>>
      %dma_wait3A_1752 = tpu.memref_squeeze %dma_wait3A_1751 : memref<1x128xf32, #tpu.memory_space<vmem>> -> memref<128xf32, #tpu.memory_space<vmem>>
      %dma_wait3A_1753 = tpu.memref_slice %arg9[%multiple_of3A_575] : memref<1000000xf32, #tpu.memory_space<hbm>> -> memref<128xf32, #tpu.memory_space<hbm>>
      %dma_wait3A_1754 = arith.constant 0 : i32
      %dma_wait3A_1755 = tpu.memref_slice %arg27[%dma_wait3A_1749, %dma_wait3A_1754] : memref<16x128xf32, #tpu.memory_space<vmem>> -> memref<1x128xf32, #tpu.memory_space<vmem>>
      %dma_wait3A_1756 = tpu.memref_squeeze %dma_wait3A_1755 : memref<1x128xf32, #tpu.memory_space<vmem>> -> memref<128xf32, #tpu.memory_space<vmem>>
      %dma_wait3A_1757 = tpu.memref_slice %arg9[%multiple_of3A_575] : memref<1000000xf32, #tpu.memory_space<hbm>> -> memref<128xf32, #tpu.memory_space<hbm>>
      tpu.wait_dma2 semaphore(%arg33 : memref<!tpu.dma_semaphore, #tpu.memory_space<semaphore_mem>>) src(%dma_wait3A_1757 : memref<128xf32, #tpu.memory_space<hbm>>) dst(%dma_wait3A_1756 : memref<128xf32, #tpu.memory_space<vmem>>)
      %dma_wait3A_1758 = arith.constant 7 : i32
      %dma_wait3A_1759 = arith.constant 0 : i32
      %dma_wait3A_1760 = tpu.memref_slice %arg28[%dma_wait3A_1758, %dma_wait3A_1759] : memref<16x128xf32, #tpu.memory_space<vmem>> -> memref<1x128xf32, #tpu.memory_space<vmem>>
      %dma_wait3A_1761 = tpu.memref_squeeze %dma_wait3A_1760 : memref<1x128xf32, #tpu.memory_space<vmem>> -> memref<128xf32, #tpu.memory_space<vmem>>
      %dma_wait3A_1762 = tpu.memref_slice %arg10[%multiple_of3A_578] : memref<1000000xf32, #tpu.memory_space<hbm>> -> memref<128xf32, #tpu.memory_space<hbm>>
      %dma_wait3A_1763 = arith.constant 0 : i32
      %dma_wait3A_1764 = tpu.memref_slice %arg28[%dma_wait3A_1758, %dma_wait3A_1763] : memref<16x128xf32, #tpu.memory_space<vmem>> -> memref<1x128xf32, #tpu.memory_space<vmem>>
      %dma_wait3A_1765 = tpu.memref_squeeze %dma_wait3A_1764 : memref<1x128xf32, #tpu.memory_space<vmem>> -> memref<128xf32, #tpu.memory_space<vmem>>
      %dma_wait3A_1766 = tpu.memref_slice %arg10[%multiple_of3A_578] : memref<1000000xf32, #tpu.memory_space<hbm>> -> memref<128xf32, #tpu.memory_space<hbm>>
      tpu.wait_dma2 semaphore(%arg33 : memref<!tpu.dma_semaphore, #tpu.memory_space<semaphore_mem>>) src(%dma_wait3A_1766 : memref<128xf32, #tpu.memory_space<hbm>>) dst(%dma_wait3A_1765 : memref<128xf32, #tpu.memory_space<vmem>>)
      %dma_wait3A_1767 = arith.constant 7 : i32
      %dma_wait3A_1768 = arith.constant 0 : i32
      %dma_wait3A_1769 = tpu.memref_slice %arg29[%dma_wait3A_1767, %dma_wait3A_1768] : memref<16x128xf32, #tpu.memory_space<vmem>> -> memref<1x128xf32, #tpu.memory_space<vmem>>
      %dma_wait3A_1770 = tpu.memref_squeeze %dma_wait3A_1769 : memref<1x128xf32, #tpu.memory_space<vmem>> -> memref<128xf32, #tpu.memory_space<vmem>>
      %dma_wait3A_1771 = tpu.memref_slice %arg12[%multiple_of3A_581] : memref<100000xf32, #tpu.memory_space<hbm>> -> memref<128xf32, #tpu.memory_space<hbm>>
      %dma_wait3A_1772 = arith.constant 0 : i32
      %dma_wait3A_1773 = tpu.memref_slice %arg29[%dma_wait3A_1767, %dma_wait3A_1772] : memref<16x128xf32, #tpu.memory_space<vmem>> -> memref<1x128xf32, #tpu.memory_space<vmem>>
      %dma_wait3A_1774 = tpu.memref_squeeze %dma_wait3A_1773 : memref<1x128xf32, #tpu.memory_space<vmem>> -> memref<128xf32, #tpu.memory_space<vmem>>
      %dma_wait3A_1775 = tpu.memref_slice %arg12[%multiple_of3A_581] : memref<100000xf32, #tpu.memory_space<hbm>> -> memref<128xf32, #tpu.memory_space<hbm>>
      tpu.wait_dma2 semaphore(%arg33 : memref<!tpu.dma_semaphore, #tpu.memory_space<semaphore_mem>>) src(%dma_wait3A_1775 : memref<128xf32, #tpu.memory_space<hbm>>) dst(%dma_wait3A_1774 : memref<128xf32, #tpu.memory_space<vmem>>)
      %dma_wait3A_1776 = arith.constant 8 : i32
      %dma_wait3A_1777 = arith.constant 0 : i32
      %dma_wait3A_1778 = arith.constant 0 : i32
      %dma_wait3A_1779 = tpu.memref_slice %arg24[%dma_wait3A_1776, %dma_wait3A_1777, %dma_wait3A_1778] : memref<16x16x128xf32, #tpu.memory_space<vmem>> -> memref<1x16x128xf32, #tpu.memory_space<vmem>>
      %dma_wait3A_1780 = tpu.memref_squeeze %dma_wait3A_1779 : memref<1x16x128xf32, #tpu.memory_space<vmem>> -> memref<16x128xf32, #tpu.memory_space<vmem>>
      %dma_wait3A_1781 = arith.constant 0 : i32
      %dma_wait3A_1782 = tpu.memref_slice %arg5[%dma_wait3A_1781, %multiple_of3A_650] : memref<16x1000000xf32, #tpu.memory_space<hbm>> -> memref<16x128xf32, #tpu.memory_space<hbm>>
      %dma_wait3A_1783 = arith.constant 0 : i32
      %dma_wait3A_1784 = arith.constant 0 : i32
      %dma_wait3A_1785 = tpu.memref_slice %arg24[%dma_wait3A_1776, %dma_wait3A_1783, %dma_wait3A_1784] : memref<16x16x128xf32, #tpu.memory_space<vmem>> -> memref<1x16x128xf32, #tpu.memory_space<vmem>>
      %dma_wait3A_1786 = tpu.memref_squeeze %dma_wait3A_1785 : memref<1x16x128xf32, #tpu.memory_space<vmem>> -> memref<16x128xf32, #tpu.memory_space<vmem>>
      %dma_wait3A_1787 = arith.constant 0 : i32
      %dma_wait3A_1788 = tpu.memref_slice %arg5[%dma_wait3A_1787, %multiple_of3A_650] : memref<16x1000000xf32, #tpu.memory_space<hbm>> -> memref<16x128xf32, #tpu.memory_space<hbm>>
      tpu.wait_dma2 semaphore(%arg33 : memref<!tpu.dma_semaphore, #tpu.memory_space<semaphore_mem>>) src(%dma_wait3A_1788 : memref<16x128xf32, #tpu.memory_space<hbm>>) dst(%dma_wait3A_1786 : memref<16x128xf32, #tpu.memory_space<vmem>>)
      %dma_wait3A_1789 = arith.constant 8 : i32
      %dma_wait3A_1790 = arith.constant 0 : i32
      %dma_wait3A_1791 = arith.constant 0 : i32
      %dma_wait3A_1792 = tpu.memref_slice %arg25[%dma_wait3A_1789, %dma_wait3A_1790, %dma_wait3A_1791] : memref<16x16x128xf32, #tpu.memory_space<vmem>> -> memref<1x16x128xf32, #tpu.memory_space<vmem>>
      %dma_wait3A_1793 = tpu.memref_squeeze %dma_wait3A_1792 : memref<1x16x128xf32, #tpu.memory_space<vmem>> -> memref<16x128xf32, #tpu.memory_space<vmem>>
      %dma_wait3A_1794 = arith.constant 0 : i32
      %dma_wait3A_1795 = tpu.memref_slice %arg6[%dma_wait3A_1794, %multiple_of3A_653] : memref<16x1000000xf32, #tpu.memory_space<hbm>> -> memref<16x128xf32, #tpu.memory_space<hbm>>
      %dma_wait3A_1796 = arith.constant 0 : i32
      %dma_wait3A_1797 = arith.constant 0 : i32
      %dma_wait3A_1798 = tpu.memref_slice %arg25[%dma_wait3A_1789, %dma_wait3A_1796, %dma_wait3A_1797] : memref<16x16x128xf32, #tpu.memory_space<vmem>> -> memref<1x16x128xf32, #tpu.memory_space<vmem>>
      %dma_wait3A_1799 = tpu.memref_squeeze %dma_wait3A_1798 : memref<1x16x128xf32, #tpu.memory_space<vmem>> -> memref<16x128xf32, #tpu.memory_space<vmem>>
      %dma_wait3A_1800 = arith.constant 0 : i32
      %dma_wait3A_1801 = tpu.memref_slice %arg6[%dma_wait3A_1800, %multiple_of3A_653] : memref<16x1000000xf32, #tpu.memory_space<hbm>> -> memref<16x128xf32, #tpu.memory_space<hbm>>
      tpu.wait_dma2 semaphore(%arg33 : memref<!tpu.dma_semaphore, #tpu.memory_space<semaphore_mem>>) src(%dma_wait3A_1801 : memref<16x128xf32, #tpu.memory_space<hbm>>) dst(%dma_wait3A_1799 : memref<16x128xf32, #tpu.memory_space<vmem>>)
      %dma_wait3A_1802 = arith.constant 8 : i32
      %dma_wait3A_1803 = arith.constant 0 : i32
      %dma_wait3A_1804 = arith.constant 0 : i32
      %dma_wait3A_1805 = tpu.memref_slice %arg26[%dma_wait3A_1802, %dma_wait3A_1803, %dma_wait3A_1804] : memref<16x16x128xf32, #tpu.memory_space<vmem>> -> memref<1x16x128xf32, #tpu.memory_space<vmem>>
      %dma_wait3A_1806 = tpu.memref_squeeze %dma_wait3A_1805 : memref<1x16x128xf32, #tpu.memory_space<vmem>> -> memref<16x128xf32, #tpu.memory_space<vmem>>
      %dma_wait3A_1807 = arith.constant 0 : i32
      %dma_wait3A_1808 = tpu.memref_slice %arg8[%dma_wait3A_1807, %multiple_of3A_656] : memref<16x100000xf32, #tpu.memory_space<hbm>> -> memref<16x128xf32, #tpu.memory_space<hbm>>
      %dma_wait3A_1809 = arith.constant 0 : i32
      %dma_wait3A_1810 = arith.constant 0 : i32
      %dma_wait3A_1811 = tpu.memref_slice %arg26[%dma_wait3A_1802, %dma_wait3A_1809, %dma_wait3A_1810] : memref<16x16x128xf32, #tpu.memory_space<vmem>> -> memref<1x16x128xf32, #tpu.memory_space<vmem>>
      %dma_wait3A_1812 = tpu.memref_squeeze %dma_wait3A_1811 : memref<1x16x128xf32, #tpu.memory_space<vmem>> -> memref<16x128xf32, #tpu.memory_space<vmem>>
      %dma_wait3A_1813 = arith.constant 0 : i32
      %dma_wait3A_1814 = tpu.memref_slice %arg8[%dma_wait3A_1813, %multiple_of3A_656] : memref<16x100000xf32, #tpu.memory_space<hbm>> -> memref<16x128xf32, #tpu.memory_space<hbm>>
      tpu.wait_dma2 semaphore(%arg33 : memref<!tpu.dma_semaphore, #tpu.memory_space<semaphore_mem>>) src(%dma_wait3A_1814 : memref<16x128xf32, #tpu.memory_space<hbm>>) dst(%dma_wait3A_1812 : memref<16x128xf32, #tpu.memory_space<vmem>>)
      %dma_wait3A_1815 = arith.constant 8 : i32
      %dma_wait3A_1816 = arith.constant 0 : i32
      %dma_wait3A_1817 = tpu.memref_slice %arg27[%dma_wait3A_1815, %dma_wait3A_1816] : memref<16x128xf32, #tpu.memory_space<vmem>> -> memref<1x128xf32, #tpu.memory_space<vmem>>
      %dma_wait3A_1818 = tpu.memref_squeeze %dma_wait3A_1817 : memref<1x128xf32, #tpu.memory_space<vmem>> -> memref<128xf32, #tpu.memory_space<vmem>>
      %dma_wait3A_1819 = tpu.memref_slice %arg9[%multiple_of3A_650] : memref<1000000xf32, #tpu.memory_space<hbm>> -> memref<128xf32, #tpu.memory_space<hbm>>
      %dma_wait3A_1820 = arith.constant 0 : i32
      %dma_wait3A_1821 = tpu.memref_slice %arg27[%dma_wait3A_1815, %dma_wait3A_1820] : memref<16x128xf32, #tpu.memory_space<vmem>> -> memref<1x128xf32, #tpu.memory_space<vmem>>
      %dma_wait3A_1822 = tpu.memref_squeeze %dma_wait3A_1821 : memref<1x128xf32, #tpu.memory_space<vmem>> -> memref<128xf32, #tpu.memory_space<vmem>>
      %dma_wait3A_1823 = tpu.memref_slice %arg9[%multiple_of3A_650] : memref<1000000xf32, #tpu.memory_space<hbm>> -> memref<128xf32, #tpu.memory_space<hbm>>
      tpu.wait_dma2 semaphore(%arg33 : memref<!tpu.dma_semaphore, #tpu.memory_space<semaphore_mem>>) src(%dma_wait3A_1823 : memref<128xf32, #tpu.memory_space<hbm>>) dst(%dma_wait3A_1822 : memref<128xf32, #tpu.memory_space<vmem>>)
      %dma_wait3A_1824 = arith.constant 8 : i32
      %dma_wait3A_1825 = arith.constant 0 : i32
      %dma_wait3A_1826 = tpu.memref_slice %arg28[%dma_wait3A_1824, %dma_wait3A_1825] : memref<16x128xf32, #tpu.memory_space<vmem>> -> memref<1x128xf32, #tpu.memory_space<vmem>>
      %dma_wait3A_1827 = tpu.memref_squeeze %dma_wait3A_1826 : memref<1x128xf32, #tpu.memory_space<vmem>> -> memref<128xf32, #tpu.memory_space<vmem>>
      %dma_wait3A_1828 = tpu.memref_slice %arg10[%multiple_of3A_653] : memref<1000000xf32, #tpu.memory_space<hbm>> -> memref<128xf32, #tpu.memory_space<hbm>>
      %dma_wait3A_1829 = arith.constant 0 : i32
      %dma_wait3A_1830 = tpu.memref_slice %arg28[%dma_wait3A_1824, %dma_wait3A_1829] : memref<16x128xf32, #tpu.memory_space<vmem>> -> memref<1x128xf32, #tpu.memory_space<vmem>>
      %dma_wait3A_1831 = tpu.memref_squeeze %dma_wait3A_1830 : memref<1x128xf32, #tpu.memory_space<vmem>> -> memref<128xf32, #tpu.memory_space<vmem>>
      %dma_wait3A_1832 = tpu.memref_slice %arg10[%multiple_of3A_653] : memref<1000000xf32, #tpu.memory_space<hbm>> -> memref<128xf32, #tpu.memory_space<hbm>>
      tpu.wait_dma2 semaphore(%arg33 : memref<!tpu.dma_semaphore, #tpu.memory_space<semaphore_mem>>) src(%dma_wait3A_1832 : memref<128xf32, #tpu.memory_space<hbm>>) dst(%dma_wait3A_1831 : memref<128xf32, #tpu.memory_space<vmem>>)
      %dma_wait3A_1833 = arith.constant 8 : i32
      %dma_wait3A_1834 = arith.constant 0 : i32
      %dma_wait3A_1835 = tpu.memref_slice %arg29[%dma_wait3A_1833, %dma_wait3A_1834] : memref<16x128xf32, #tpu.memory_space<vmem>> -> memref<1x128xf32, #tpu.memory_space<vmem>>
      %dma_wait3A_1836 = tpu.memref_squeeze %dma_wait3A_1835 : memref<1x128xf32, #tpu.memory_space<vmem>> -> memref<128xf32, #tpu.memory_space<vmem>>
      %dma_wait3A_1837 = tpu.memref_slice %arg12[%multiple_of3A_656] : memref<100000xf32, #tpu.memory_space<hbm>> -> memref<128xf32, #tpu.memory_space<hbm>>
      %dma_wait3A_1838 = arith.constant 0 : i32
      %dma_wait3A_1839 = tpu.memref_slice %arg29[%dma_wait3A_1833, %dma_wait3A_1838] : memref<16x128xf32, #tpu.memory_space<vmem>> -> memref<1x128xf32, #tpu.memory_space<vmem>>
      %dma_wait3A_1840 = tpu.memref_squeeze %dma_wait3A_1839 : memref<1x128xf32, #tpu.memory_space<vmem>> -> memref<128xf32, #tpu.memory_space<vmem>>
      %dma_wait3A_1841 = tpu.memref_slice %arg12[%multiple_of3A_656] : memref<100000xf32, #tpu.memory_space<hbm>> -> memref<128xf32, #tpu.memory_space<hbm>>
      tpu.wait_dma2 semaphore(%arg33 : memref<!tpu.dma_semaphore, #tpu.memory_space<semaphore_mem>>) src(%dma_wait3A_1841 : memref<128xf32, #tpu.memory_space<hbm>>) dst(%dma_wait3A_1840 : memref<128xf32, #tpu.memory_space<vmem>>)
      %dma_wait3A_1842 = arith.constant 9 : i32
      %dma_wait3A_1843 = arith.constant 0 : i32
      %dma_wait3A_1844 = arith.constant 0 : i32
      %dma_wait3A_1845 = tpu.memref_slice %arg24[%dma_wait3A_1842, %dma_wait3A_1843, %dma_wait3A_1844] : memref<16x16x128xf32, #tpu.memory_space<vmem>> -> memref<1x16x128xf32, #tpu.memory_space<vmem>>
      %dma_wait3A_1846 = tpu.memref_squeeze %dma_wait3A_1845 : memref<1x16x128xf32, #tpu.memory_space<vmem>> -> memref<16x128xf32, #tpu.memory_space<vmem>>
      %dma_wait3A_1847 = arith.constant 0 : i32
      %dma_wait3A_1848 = tpu.memref_slice %arg5[%dma_wait3A_1847, %multiple_of3A_725] : memref<16x1000000xf32, #tpu.memory_space<hbm>> -> memref<16x128xf32, #tpu.memory_space<hbm>>
      %dma_wait3A_1849 = arith.constant 0 : i32
      %dma_wait3A_1850 = arith.constant 0 : i32
      %dma_wait3A_1851 = tpu.memref_slice %arg24[%dma_wait3A_1842, %dma_wait3A_1849, %dma_wait3A_1850] : memref<16x16x128xf32, #tpu.memory_space<vmem>> -> memref<1x16x128xf32, #tpu.memory_space<vmem>>
      %dma_wait3A_1852 = tpu.memref_squeeze %dma_wait3A_1851 : memref<1x16x128xf32, #tpu.memory_space<vmem>> -> memref<16x128xf32, #tpu.memory_space<vmem>>
      %dma_wait3A_1853 = arith.constant 0 : i32
      %dma_wait3A_1854 = tpu.memref_slice %arg5[%dma_wait3A_1853, %multiple_of3A_725] : memref<16x1000000xf32, #tpu.memory_space<hbm>> -> memref<16x128xf32, #tpu.memory_space<hbm>>
      tpu.wait_dma2 semaphore(%arg33 : memref<!tpu.dma_semaphore, #tpu.memory_space<semaphore_mem>>) src(%dma_wait3A_1854 : memref<16x128xf32, #tpu.memory_space<hbm>>) dst(%dma_wait3A_1852 : memref<16x128xf32, #tpu.memory_space<vmem>>)
      %dma_wait3A_1855 = arith.constant 9 : i32
      %dma_wait3A_1856 = arith.constant 0 : i32
      %dma_wait3A_1857 = arith.constant 0 : i32
      %dma_wait3A_1858 = tpu.memref_slice %arg25[%dma_wait3A_1855, %dma_wait3A_1856, %dma_wait3A_1857] : memref<16x16x128xf32, #tpu.memory_space<vmem>> -> memref<1x16x128xf32, #tpu.memory_space<vmem>>
      %dma_wait3A_1859 = tpu.memref_squeeze %dma_wait3A_1858 : memref<1x16x128xf32, #tpu.memory_space<vmem>> -> memref<16x128xf32, #tpu.memory_space<vmem>>
      %dma_wait3A_1860 = arith.constant 0 : i32
      %dma_wait3A_1861 = tpu.memref_slice %arg6[%dma_wait3A_1860, %multiple_of3A_728] : memref<16x1000000xf32, #tpu.memory_space<hbm>> -> memref<16x128xf32, #tpu.memory_space<hbm>>
      %dma_wait3A_1862 = arith.constant 0 : i32
      %dma_wait3A_1863 = arith.constant 0 : i32
      %dma_wait3A_1864 = tpu.memref_slice %arg25[%dma_wait3A_1855, %dma_wait3A_1862, %dma_wait3A_1863] : memref<16x16x128xf32, #tpu.memory_space<vmem>> -> memref<1x16x128xf32, #tpu.memory_space<vmem>>
      %dma_wait3A_1865 = tpu.memref_squeeze %dma_wait3A_1864 : memref<1x16x128xf32, #tpu.memory_space<vmem>> -> memref<16x128xf32, #tpu.memory_space<vmem>>
      %dma_wait3A_1866 = arith.constant 0 : i32
      %dma_wait3A_1867 = tpu.memref_slice %arg6[%dma_wait3A_1866, %multiple_of3A_728] : memref<16x1000000xf32, #tpu.memory_space<hbm>> -> memref<16x128xf32, #tpu.memory_space<hbm>>
      tpu.wait_dma2 semaphore(%arg33 : memref<!tpu.dma_semaphore, #tpu.memory_space<semaphore_mem>>) src(%dma_wait3A_1867 : memref<16x128xf32, #tpu.memory_space<hbm>>) dst(%dma_wait3A_1865 : memref<16x128xf32, #tpu.memory_space<vmem>>)
      %dma_wait3A_1868 = arith.constant 9 : i32
      %dma_wait3A_1869 = arith.constant 0 : i32
      %dma_wait3A_1870 = arith.constant 0 : i32
      %dma_wait3A_1871 = tpu.memref_slice %arg26[%dma_wait3A_1868, %dma_wait3A_1869, %dma_wait3A_1870] : memref<16x16x128xf32, #tpu.memory_space<vmem>> -> memref<1x16x128xf32, #tpu.memory_space<vmem>>
      %dma_wait3A_1872 = tpu.memref_squeeze %dma_wait3A_1871 : memref<1x16x128xf32, #tpu.memory_space<vmem>> -> memref<16x128xf32, #tpu.memory_space<vmem>>
      %dma_wait3A_1873 = arith.constant 0 : i32
      %dma_wait3A_1874 = tpu.memref_slice %arg8[%dma_wait3A_1873, %multiple_of3A_731] : memref<16x100000xf32, #tpu.memory_space<hbm>> -> memref<16x128xf32, #tpu.memory_space<hbm>>
      %dma_wait3A_1875 = arith.constant 0 : i32
      %dma_wait3A_1876 = arith.constant 0 : i32
      %dma_wait3A_1877 = tpu.memref_slice %arg26[%dma_wait3A_1868, %dma_wait3A_1875, %dma_wait3A_1876] : memref<16x16x128xf32, #tpu.memory_space<vmem>> -> memref<1x16x128xf32, #tpu.memory_space<vmem>>
      %dma_wait3A_1878 = tpu.memref_squeeze %dma_wait3A_1877 : memref<1x16x128xf32, #tpu.memory_space<vmem>> -> memref<16x128xf32, #tpu.memory_space<vmem>>
      %dma_wait3A_1879 = arith.constant 0 : i32
      %dma_wait3A_1880 = tpu.memref_slice %arg8[%dma_wait3A_1879, %multiple_of3A_731] : memref<16x100000xf32, #tpu.memory_space<hbm>> -> memref<16x128xf32, #tpu.memory_space<hbm>>
      tpu.wait_dma2 semaphore(%arg33 : memref<!tpu.dma_semaphore, #tpu.memory_space<semaphore_mem>>) src(%dma_wait3A_1880 : memref<16x128xf32, #tpu.memory_space<hbm>>) dst(%dma_wait3A_1878 : memref<16x128xf32, #tpu.memory_space<vmem>>)
      %dma_wait3A_1881 = arith.constant 9 : i32
      %dma_wait3A_1882 = arith.constant 0 : i32
      %dma_wait3A_1883 = tpu.memref_slice %arg27[%dma_wait3A_1881, %dma_wait3A_1882] : memref<16x128xf32, #tpu.memory_space<vmem>> -> memref<1x128xf32, #tpu.memory_space<vmem>>
      %dma_wait3A_1884 = tpu.memref_squeeze %dma_wait3A_1883 : memref<1x128xf32, #tpu.memory_space<vmem>> -> memref<128xf32, #tpu.memory_space<vmem>>
      %dma_wait3A_1885 = tpu.memref_slice %arg9[%multiple_of3A_725] : memref<1000000xf32, #tpu.memory_space<hbm>> -> memref<128xf32, #tpu.memory_space<hbm>>
      %dma_wait3A_1886 = arith.constant 0 : i32
      %dma_wait3A_1887 = tpu.memref_slice %arg27[%dma_wait3A_1881, %dma_wait3A_1886] : memref<16x128xf32, #tpu.memory_space<vmem>> -> memref<1x128xf32, #tpu.memory_space<vmem>>
      %dma_wait3A_1888 = tpu.memref_squeeze %dma_wait3A_1887 : memref<1x128xf32, #tpu.memory_space<vmem>> -> memref<128xf32, #tpu.memory_space<vmem>>
      %dma_wait3A_1889 = tpu.memref_slice %arg9[%multiple_of3A_725] : memref<1000000xf32, #tpu.memory_space<hbm>> -> memref<128xf32, #tpu.memory_space<hbm>>
      tpu.wait_dma2 semaphore(%arg33 : memref<!tpu.dma_semaphore, #tpu.memory_space<semaphore_mem>>) src(%dma_wait3A_1889 : memref<128xf32, #tpu.memory_space<hbm>>) dst(%dma_wait3A_1888 : memref<128xf32, #tpu.memory_space<vmem>>)
      %dma_wait3A_1890 = arith.constant 9 : i32
      %dma_wait3A_1891 = arith.constant 0 : i32
      %dma_wait3A_1892 = tpu.memref_slice %arg28[%dma_wait3A_1890, %dma_wait3A_1891] : memref<16x128xf32, #tpu.memory_space<vmem>> -> memref<1x128xf32, #tpu.memory_space<vmem>>
      %dma_wait3A_1893 = tpu.memref_squeeze %dma_wait3A_1892 : memref<1x128xf32, #tpu.memory_space<vmem>> -> memref<128xf32, #tpu.memory_space<vmem>>
      %dma_wait3A_1894 = tpu.memref_slice %arg10[%multiple_of3A_728] : memref<1000000xf32, #tpu.memory_space<hbm>> -> memref<128xf32, #tpu.memory_space<hbm>>
      %dma_wait3A_1895 = arith.constant 0 : i32
      %dma_wait3A_1896 = tpu.memref_slice %arg28[%dma_wait3A_1890, %dma_wait3A_1895] : memref<16x128xf32, #tpu.memory_space<vmem>> -> memref<1x128xf32, #tpu.memory_space<vmem>>
      %dma_wait3A_1897 = tpu.memref_squeeze %dma_wait3A_1896 : memref<1x128xf32, #tpu.memory_space<vmem>> -> memref<128xf32, #tpu.memory_space<vmem>>
      %dma_wait3A_1898 = tpu.memref_slice %arg10[%multiple_of3A_728] : memref<1000000xf32, #tpu.memory_space<hbm>> -> memref<128xf32, #tpu.memory_space<hbm>>
      tpu.wait_dma2 semaphore(%arg33 : memref<!tpu.dma_semaphore, #tpu.memory_space<semaphore_mem>>) src(%dma_wait3A_1898 : memref<128xf32, #tpu.memory_space<hbm>>) dst(%dma_wait3A_1897 : memref<128xf32, #tpu.memory_space<vmem>>)
      %dma_wait3A_1899 = arith.constant 9 : i32
      %dma_wait3A_1900 = arith.constant 0 : i32
      %dma_wait3A_1901 = tpu.memref_slice %arg29[%dma_wait3A_1899, %dma_wait3A_1900] : memref<16x128xf32, #tpu.memory_space<vmem>> -> memref<1x128xf32, #tpu.memory_space<vmem>>
      %dma_wait3A_1902 = tpu.memref_squeeze %dma_wait3A_1901 : memref<1x128xf32, #tpu.memory_space<vmem>> -> memref<128xf32, #tpu.memory_space<vmem>>
      %dma_wait3A_1903 = tpu.memref_slice %arg12[%multiple_of3A_731] : memref<100000xf32, #tpu.memory_space<hbm>> -> memref<128xf32, #tpu.memory_space<hbm>>
      %dma_wait3A_1904 = arith.constant 0 : i32
      %dma_wait3A_1905 = tpu.memref_slice %arg29[%dma_wait3A_1899, %dma_wait3A_1904] : memref<16x128xf32, #tpu.memory_space<vmem>> -> memref<1x128xf32, #tpu.memory_space<vmem>>
      %dma_wait3A_1906 = tpu.memref_squeeze %dma_wait3A_1905 : memref<1x128xf32, #tpu.memory_space<vmem>> -> memref<128xf32, #tpu.memory_space<vmem>>
      %dma_wait3A_1907 = tpu.memref_slice %arg12[%multiple_of3A_731] : memref<100000xf32, #tpu.memory_space<hbm>> -> memref<128xf32, #tpu.memory_space<hbm>>
      tpu.wait_dma2 semaphore(%arg33 : memref<!tpu.dma_semaphore, #tpu.memory_space<semaphore_mem>>) src(%dma_wait3A_1907 : memref<128xf32, #tpu.memory_space<hbm>>) dst(%dma_wait3A_1906 : memref<128xf32, #tpu.memory_space<vmem>>)
      %dma_wait3A_1908 = arith.constant 10 : i32
      %dma_wait3A_1909 = arith.constant 0 : i32
      %dma_wait3A_1910 = arith.constant 0 : i32
      %dma_wait3A_1911 = tpu.memref_slice %arg24[%dma_wait3A_1908, %dma_wait3A_1909, %dma_wait3A_1910] : memref<16x16x128xf32, #tpu.memory_space<vmem>> -> memref<1x16x128xf32, #tpu.memory_space<vmem>>
      %dma_wait3A_1912 = tpu.memref_squeeze %dma_wait3A_1911 : memref<1x16x128xf32, #tpu.memory_space<vmem>> -> memref<16x128xf32, #tpu.memory_space<vmem>>
      %dma_wait3A_1913 = arith.constant 0 : i32
      %dma_wait3A_1914 = tpu.memref_slice %arg5[%dma_wait3A_1913, %multiple_of3A_800] : memref<16x1000000xf32, #tpu.memory_space<hbm>> -> memref<16x128xf32, #tpu.memory_space<hbm>>
      %dma_wait3A_1915 = arith.constant 0 : i32
      %dma_wait3A_1916 = arith.constant 0 : i32
      %dma_wait3A_1917 = tpu.memref_slice %arg24[%dma_wait3A_1908, %dma_wait3A_1915, %dma_wait3A_1916] : memref<16x16x128xf32, #tpu.memory_space<vmem>> -> memref<1x16x128xf32, #tpu.memory_space<vmem>>
      %dma_wait3A_1918 = tpu.memref_squeeze %dma_wait3A_1917 : memref<1x16x128xf32, #tpu.memory_space<vmem>> -> memref<16x128xf32, #tpu.memory_space<vmem>>
      %dma_wait3A_1919 = arith.constant 0 : i32
      %dma_wait3A_1920 = tpu.memref_slice %arg5[%dma_wait3A_1919, %multiple_of3A_800] : memref<16x1000000xf32, #tpu.memory_space<hbm>> -> memref<16x128xf32, #tpu.memory_space<hbm>>
      tpu.wait_dma2 semaphore(%arg33 : memref<!tpu.dma_semaphore, #tpu.memory_space<semaphore_mem>>) src(%dma_wait3A_1920 : memref<16x128xf32, #tpu.memory_space<hbm>>) dst(%dma_wait3A_1918 : memref<16x128xf32, #tpu.memory_space<vmem>>)
      %dma_wait3A_1921 = arith.constant 10 : i32
      %dma_wait3A_1922 = arith.constant 0 : i32
      %dma_wait3A_1923 = arith.constant 0 : i32
      %dma_wait3A_1924 = tpu.memref_slice %arg25[%dma_wait3A_1921, %dma_wait3A_1922, %dma_wait3A_1923] : memref<16x16x128xf32, #tpu.memory_space<vmem>> -> memref<1x16x128xf32, #tpu.memory_space<vmem>>
      %dma_wait3A_1925 = tpu.memref_squeeze %dma_wait3A_1924 : memref<1x16x128xf32, #tpu.memory_space<vmem>> -> memref<16x128xf32, #tpu.memory_space<vmem>>
      %dma_wait3A_1926 = arith.constant 0 : i32
      %dma_wait3A_1927 = tpu.memref_slice %arg6[%dma_wait3A_1926, %multiple_of3A_803] : memref<16x1000000xf32, #tpu.memory_space<hbm>> -> memref<16x128xf32, #tpu.memory_space<hbm>>
      %dma_wait3A_1928 = arith.constant 0 : i32
      %dma_wait3A_1929 = arith.constant 0 : i32
      %dma_wait3A_1930 = tpu.memref_slice %arg25[%dma_wait3A_1921, %dma_wait3A_1928, %dma_wait3A_1929] : memref<16x16x128xf32, #tpu.memory_space<vmem>> -> memref<1x16x128xf32, #tpu.memory_space<vmem>>
      %dma_wait3A_1931 = tpu.memref_squeeze %dma_wait3A_1930 : memref<1x16x128xf32, #tpu.memory_space<vmem>> -> memref<16x128xf32, #tpu.memory_space<vmem>>
      %dma_wait3A_1932 = arith.constant 0 : i32
      %dma_wait3A_1933 = tpu.memref_slice %arg6[%dma_wait3A_1932, %multiple_of3A_803] : memref<16x1000000xf32, #tpu.memory_space<hbm>> -> memref<16x128xf32, #tpu.memory_space<hbm>>
      tpu.wait_dma2 semaphore(%arg33 : memref<!tpu.dma_semaphore, #tpu.memory_space<semaphore_mem>>) src(%dma_wait3A_1933 : memref<16x128xf32, #tpu.memory_space<hbm>>) dst(%dma_wait3A_1931 : memref<16x128xf32, #tpu.memory_space<vmem>>)
      %dma_wait3A_1934 = arith.constant 10 : i32
      %dma_wait3A_1935 = arith.constant 0 : i32
      %dma_wait3A_1936 = arith.constant 0 : i32
      %dma_wait3A_1937 = tpu.memref_slice %arg26[%dma_wait3A_1934, %dma_wait3A_1935, %dma_wait3A_1936] : memref<16x16x128xf32, #tpu.memory_space<vmem>> -> memref<1x16x128xf32, #tpu.memory_space<vmem>>
      %dma_wait3A_1938 = tpu.memref_squeeze %dma_wait3A_1937 : memref<1x16x128xf32, #tpu.memory_space<vmem>> -> memref<16x128xf32, #tpu.memory_space<vmem>>
      %dma_wait3A_1939 = arith.constant 0 : i32
      %dma_wait3A_1940 = tpu.memref_slice %arg8[%dma_wait3A_1939, %multiple_of3A_806] : memref<16x100000xf32, #tpu.memory_space<hbm>> -> memref<16x128xf32, #tpu.memory_space<hbm>>
      %dma_wait3A_1941 = arith.constant 0 : i32
      %dma_wait3A_1942 = arith.constant 0 : i32
      %dma_wait3A_1943 = tpu.memref_slice %arg26[%dma_wait3A_1934, %dma_wait3A_1941, %dma_wait3A_1942] : memref<16x16x128xf32, #tpu.memory_space<vmem>> -> memref<1x16x128xf32, #tpu.memory_space<vmem>>
      %dma_wait3A_1944 = tpu.memref_squeeze %dma_wait3A_1943 : memref<1x16x128xf32, #tpu.memory_space<vmem>> -> memref<16x128xf32, #tpu.memory_space<vmem>>
      %dma_wait3A_1945 = arith.constant 0 : i32
      %dma_wait3A_1946 = tpu.memref_slice %arg8[%dma_wait3A_1945, %multiple_of3A_806] : memref<16x100000xf32, #tpu.memory_space<hbm>> -> memref<16x128xf32, #tpu.memory_space<hbm>>
      tpu.wait_dma2 semaphore(%arg33 : memref<!tpu.dma_semaphore, #tpu.memory_space<semaphore_mem>>) src(%dma_wait3A_1946 : memref<16x128xf32, #tpu.memory_space<hbm>>) dst(%dma_wait3A_1944 : memref<16x128xf32, #tpu.memory_space<vmem>>)
      %dma_wait3A_1947 = arith.constant 10 : i32
      %dma_wait3A_1948 = arith.constant 0 : i32
      %dma_wait3A_1949 = tpu.memref_slice %arg27[%dma_wait3A_1947, %dma_wait3A_1948] : memref<16x128xf32, #tpu.memory_space<vmem>> -> memref<1x128xf32, #tpu.memory_space<vmem>>
      %dma_wait3A_1950 = tpu.memref_squeeze %dma_wait3A_1949 : memref<1x128xf32, #tpu.memory_space<vmem>> -> memref<128xf32, #tpu.memory_space<vmem>>
      %dma_wait3A_1951 = tpu.memref_slice %arg9[%multiple_of3A_800] : memref<1000000xf32, #tpu.memory_space<hbm>> -> memref<128xf32, #tpu.memory_space<hbm>>
      %dma_wait3A_1952 = arith.constant 0 : i32
      %dma_wait3A_1953 = tpu.memref_slice %arg27[%dma_wait3A_1947, %dma_wait3A_1952] : memref<16x128xf32, #tpu.memory_space<vmem>> -> memref<1x128xf32, #tpu.memory_space<vmem>>
      %dma_wait3A_1954 = tpu.memref_squeeze %dma_wait3A_1953 : memref<1x128xf32, #tpu.memory_space<vmem>> -> memref<128xf32, #tpu.memory_space<vmem>>
      %dma_wait3A_1955 = tpu.memref_slice %arg9[%multiple_of3A_800] : memref<1000000xf32, #tpu.memory_space<hbm>> -> memref<128xf32, #tpu.memory_space<hbm>>
      tpu.wait_dma2 semaphore(%arg33 : memref<!tpu.dma_semaphore, #tpu.memory_space<semaphore_mem>>) src(%dma_wait3A_1955 : memref<128xf32, #tpu.memory_space<hbm>>) dst(%dma_wait3A_1954 : memref<128xf32, #tpu.memory_space<vmem>>)
      %dma_wait3A_1956 = arith.constant 10 : i32
      %dma_wait3A_1957 = arith.constant 0 : i32
      %dma_wait3A_1958 = tpu.memref_slice %arg28[%dma_wait3A_1956, %dma_wait3A_1957] : memref<16x128xf32, #tpu.memory_space<vmem>> -> memref<1x128xf32, #tpu.memory_space<vmem>>
      %dma_wait3A_1959 = tpu.memref_squeeze %dma_wait3A_1958 : memref<1x128xf32, #tpu.memory_space<vmem>> -> memref<128xf32, #tpu.memory_space<vmem>>
      %dma_wait3A_1960 = tpu.memref_slice %arg10[%multiple_of3A_803] : memref<1000000xf32, #tpu.memory_space<hbm>> -> memref<128xf32, #tpu.memory_space<hbm>>
      %dma_wait3A_1961 = arith.constant 0 : i32
      %dma_wait3A_1962 = tpu.memref_slice %arg28[%dma_wait3A_1956, %dma_wait3A_1961] : memref<16x128xf32, #tpu.memory_space<vmem>> -> memref<1x128xf32, #tpu.memory_space<vmem>>
      %dma_wait3A_1963 = tpu.memref_squeeze %dma_wait3A_1962 : memref<1x128xf32, #tpu.memory_space<vmem>> -> memref<128xf32, #tpu.memory_space<vmem>>
      %dma_wait3A_1964 = tpu.memref_slice %arg10[%multiple_of3A_803] : memref<1000000xf32, #tpu.memory_space<hbm>> -> memref<128xf32, #tpu.memory_space<hbm>>
      tpu.wait_dma2 semaphore(%arg33 : memref<!tpu.dma_semaphore, #tpu.memory_space<semaphore_mem>>) src(%dma_wait3A_1964 : memref<128xf32, #tpu.memory_space<hbm>>) dst(%dma_wait3A_1963 : memref<128xf32, #tpu.memory_space<vmem>>)
      %dma_wait3A_1965 = arith.constant 10 : i32
      %dma_wait3A_1966 = arith.constant 0 : i32
      %dma_wait3A_1967 = tpu.memref_slice %arg29[%dma_wait3A_1965, %dma_wait3A_1966] : memref<16x128xf32, #tpu.memory_space<vmem>> -> memref<1x128xf32, #tpu.memory_space<vmem>>
      %dma_wait3A_1968 = tpu.memref_squeeze %dma_wait3A_1967 : memref<1x128xf32, #tpu.memory_space<vmem>> -> memref<128xf32, #tpu.memory_space<vmem>>
      %dma_wait3A_1969 = tpu.memref_slice %arg12[%multiple_of3A_806] : memref<100000xf32, #tpu.memory_space<hbm>> -> memref<128xf32, #tpu.memory_space<hbm>>
      %dma_wait3A_1970 = arith.constant 0 : i32
      %dma_wait3A_1971 = tpu.memref_slice %arg29[%dma_wait3A_1965, %dma_wait3A_1970] : memref<16x128xf32, #tpu.memory_space<vmem>> -> memref<1x128xf32, #tpu.memory_space<vmem>>
      %dma_wait3A_1972 = tpu.memref_squeeze %dma_wait3A_1971 : memref<1x128xf32, #tpu.memory_space<vmem>> -> memref<128xf32, #tpu.memory_space<vmem>>
      %dma_wait3A_1973 = tpu.memref_slice %arg12[%multiple_of3A_806] : memref<100000xf32, #tpu.memory_space<hbm>> -> memref<128xf32, #tpu.memory_space<hbm>>
      tpu.wait_dma2 semaphore(%arg33 : memref<!tpu.dma_semaphore, #tpu.memory_space<semaphore_mem>>) src(%dma_wait3A_1973 : memref<128xf32, #tpu.memory_space<hbm>>) dst(%dma_wait3A_1972 : memref<128xf32, #tpu.memory_space<vmem>>)
      %dma_wait3A_1974 = arith.constant 11 : i32
      %dma_wait3A_1975 = arith.constant 0 : i32
      %dma_wait3A_1976 = arith.constant 0 : i32
      %dma_wait3A_1977 = tpu.memref_slice %arg24[%dma_wait3A_1974, %dma_wait3A_1975, %dma_wait3A_1976] : memref<16x16x128xf32, #tpu.memory_space<vmem>> -> memref<1x16x128xf32, #tpu.memory_space<vmem>>
      %dma_wait3A_1978 = tpu.memref_squeeze %dma_wait3A_1977 : memref<1x16x128xf32, #tpu.memory_space<vmem>> -> memref<16x128xf32, #tpu.memory_space<vmem>>
      %dma_wait3A_1979 = arith.constant 0 : i32
      %dma_wait3A_1980 = tpu.memref_slice %arg5[%dma_wait3A_1979, %multiple_of3A_875] : memref<16x1000000xf32, #tpu.memory_space<hbm>> -> memref<16x128xf32, #tpu.memory_space<hbm>>
      %dma_wait3A_1981 = arith.constant 0 : i32
      %dma_wait3A_1982 = arith.constant 0 : i32
      %dma_wait3A_1983 = tpu.memref_slice %arg24[%dma_wait3A_1974, %dma_wait3A_1981, %dma_wait3A_1982] : memref<16x16x128xf32, #tpu.memory_space<vmem>> -> memref<1x16x128xf32, #tpu.memory_space<vmem>>
      %dma_wait3A_1984 = tpu.memref_squeeze %dma_wait3A_1983 : memref<1x16x128xf32, #tpu.memory_space<vmem>> -> memref<16x128xf32, #tpu.memory_space<vmem>>
      %dma_wait3A_1985 = arith.constant 0 : i32
      %dma_wait3A_1986 = tpu.memref_slice %arg5[%dma_wait3A_1985, %multiple_of3A_875] : memref<16x1000000xf32, #tpu.memory_space<hbm>> -> memref<16x128xf32, #tpu.memory_space<hbm>>
      tpu.wait_dma2 semaphore(%arg33 : memref<!tpu.dma_semaphore, #tpu.memory_space<semaphore_mem>>) src(%dma_wait3A_1986 : memref<16x128xf32, #tpu.memory_space<hbm>>) dst(%dma_wait3A_1984 : memref<16x128xf32, #tpu.memory_space<vmem>>)
      %dma_wait3A_1987 = arith.constant 11 : i32
      %dma_wait3A_1988 = arith.constant 0 : i32
      %dma_wait3A_1989 = arith.constant 0 : i32
      %dma_wait3A_1990 = tpu.memref_slice %arg25[%dma_wait3A_1987, %dma_wait3A_1988, %dma_wait3A_1989] : memref<16x16x128xf32, #tpu.memory_space<vmem>> -> memref<1x16x128xf32, #tpu.memory_space<vmem>>
      %dma_wait3A_1991 = tpu.memref_squeeze %dma_wait3A_1990 : memref<1x16x128xf32, #tpu.memory_space<vmem>> -> memref<16x128xf32, #tpu.memory_space<vmem>>
      %dma_wait3A_1992 = arith.constant 0 : i32
      %dma_wait3A_1993 = tpu.memref_slice %arg6[%dma_wait3A_1992, %multiple_of3A_878] : memref<16x1000000xf32, #tpu.memory_space<hbm>> -> memref<16x128xf32, #tpu.memory_space<hbm>>
      %dma_wait3A_1994 = arith.constant 0 : i32
      %dma_wait3A_1995 = arith.constant 0 : i32
      %dma_wait3A_1996 = tpu.memref_slice %arg25[%dma_wait3A_1987, %dma_wait3A_1994, %dma_wait3A_1995] : memref<16x16x128xf32, #tpu.memory_space<vmem>> -> memref<1x16x128xf32, #tpu.memory_space<vmem>>
      %dma_wait3A_1997 = tpu.memref_squeeze %dma_wait3A_1996 : memref<1x16x128xf32, #tpu.memory_space<vmem>> -> memref<16x128xf32, #tpu.memory_space<vmem>>
      %dma_wait3A_1998 = arith.constant 0 : i32
      %dma_wait3A_1999 = tpu.memref_slice %arg6[%dma_wait3A_1998, %multiple_of3A_878] : memref<16x1000000xf32, #tpu.memory_space<hbm>> -> memref<16x128xf32, #tpu.memory_space<hbm>>
      tpu.wait_dma2 semaphore(%arg33 : memref<!tpu.dma_semaphore, #tpu.memory_space<semaphore_mem>>) src(%dma_wait3A_1999 : memref<16x128xf32, #tpu.memory_space<hbm>>) dst(%dma_wait3A_1997 : memref<16x128xf32, #tpu.memory_space<vmem>>)
      %dma_wait3A_2000 = arith.constant 11 : i32
      %dma_wait3A_2001 = arith.constant 0 : i32
      %dma_wait3A_2002 = arith.constant 0 : i32
      %dma_wait3A_2003 = tpu.memref_slice %arg26[%dma_wait3A_2000, %dma_wait3A_2001, %dma_wait3A_2002] : memref<16x16x128xf32, #tpu.memory_space<vmem>> -> memref<1x16x128xf32, #tpu.memory_space<vmem>>
      %dma_wait3A_2004 = tpu.memref_squeeze %dma_wait3A_2003 : memref<1x16x128xf32, #tpu.memory_space<vmem>> -> memref<16x128xf32, #tpu.memory_space<vmem>>
      %dma_wait3A_2005 = arith.constant 0 : i32
      %dma_wait3A_2006 = tpu.memref_slice %arg8[%dma_wait3A_2005, %multiple_of3A_881] : memref<16x100000xf32, #tpu.memory_space<hbm>> -> memref<16x128xf32, #tpu.memory_space<hbm>>
      %dma_wait3A_2007 = arith.constant 0 : i32
      %dma_wait3A_2008 = arith.constant 0 : i32
      %dma_wait3A_2009 = tpu.memref_slice %arg26[%dma_wait3A_2000, %dma_wait3A_2007, %dma_wait3A_2008] : memref<16x16x128xf32, #tpu.memory_space<vmem>> -> memref<1x16x128xf32, #tpu.memory_space<vmem>>
      %dma_wait3A_2010 = tpu.memref_squeeze %dma_wait3A_2009 : memref<1x16x128xf32, #tpu.memory_space<vmem>> -> memref<16x128xf32, #tpu.memory_space<vmem>>
      %dma_wait3A_2011 = arith.constant 0 : i32
      %dma_wait3A_2012 = tpu.memref_slice %arg8[%dma_wait3A_2011, %multiple_of3A_881] : memref<16x100000xf32, #tpu.memory_space<hbm>> -> memref<16x128xf32, #tpu.memory_space<hbm>>
      tpu.wait_dma2 semaphore(%arg33 : memref<!tpu.dma_semaphore, #tpu.memory_space<semaphore_mem>>) src(%dma_wait3A_2012 : memref<16x128xf32, #tpu.memory_space<hbm>>) dst(%dma_wait3A_2010 : memref<16x128xf32, #tpu.memory_space<vmem>>)
      %dma_wait3A_2013 = arith.constant 11 : i32
      %dma_wait3A_2014 = arith.constant 0 : i32
      %dma_wait3A_2015 = tpu.memref_slice %arg27[%dma_wait3A_2013, %dma_wait3A_2014] : memref<16x128xf32, #tpu.memory_space<vmem>> -> memref<1x128xf32, #tpu.memory_space<vmem>>
      %dma_wait3A_2016 = tpu.memref_squeeze %dma_wait3A_2015 : memref<1x128xf32, #tpu.memory_space<vmem>> -> memref<128xf32, #tpu.memory_space<vmem>>
      %dma_wait3A_2017 = tpu.memref_slice %arg9[%multiple_of3A_875] : memref<1000000xf32, #tpu.memory_space<hbm>> -> memref<128xf32, #tpu.memory_space<hbm>>
      %dma_wait3A_2018 = arith.constant 0 : i32
      %dma_wait3A_2019 = tpu.memref_slice %arg27[%dma_wait3A_2013, %dma_wait3A_2018] : memref<16x128xf32, #tpu.memory_space<vmem>> -> memref<1x128xf32, #tpu.memory_space<vmem>>
      %dma_wait3A_2020 = tpu.memref_squeeze %dma_wait3A_2019 : memref<1x128xf32, #tpu.memory_space<vmem>> -> memref<128xf32, #tpu.memory_space<vmem>>
      %dma_wait3A_2021 = tpu.memref_slice %arg9[%multiple_of3A_875] : memref<1000000xf32, #tpu.memory_space<hbm>> -> memref<128xf32, #tpu.memory_space<hbm>>
      tpu.wait_dma2 semaphore(%arg33 : memref<!tpu.dma_semaphore, #tpu.memory_space<semaphore_mem>>) src(%dma_wait3A_2021 : memref<128xf32, #tpu.memory_space<hbm>>) dst(%dma_wait3A_2020 : memref<128xf32, #tpu.memory_space<vmem>>)
      %dma_wait3A_2022 = arith.constant 11 : i32
      %dma_wait3A_2023 = arith.constant 0 : i32
      %dma_wait3A_2024 = tpu.memref_slice %arg28[%dma_wait3A_2022, %dma_wait3A_2023] : memref<16x128xf32, #tpu.memory_space<vmem>> -> memref<1x128xf32, #tpu.memory_space<vmem>>
      %dma_wait3A_2025 = tpu.memref_squeeze %dma_wait3A_2024 : memref<1x128xf32, #tpu.memory_space<vmem>> -> memref<128xf32, #tpu.memory_space<vmem>>
      %dma_wait3A_2026 = tpu.memref_slice %arg10[%multiple_of3A_878] : memref<1000000xf32, #tpu.memory_space<hbm>> -> memref<128xf32, #tpu.memory_space<hbm>>
      %dma_wait3A_2027 = arith.constant 0 : i32
      %dma_wait3A_2028 = tpu.memref_slice %arg28[%dma_wait3A_2022, %dma_wait3A_2027] : memref<16x128xf32, #tpu.memory_space<vmem>> -> memref<1x128xf32, #tpu.memory_space<vmem>>
      %dma_wait3A_2029 = tpu.memref_squeeze %dma_wait3A_2028 : memref<1x128xf32, #tpu.memory_space<vmem>> -> memref<128xf32, #tpu.memory_space<vmem>>
      %dma_wait3A_2030 = tpu.memref_slice %arg10[%multiple_of3A_878] : memref<1000000xf32, #tpu.memory_space<hbm>> -> memref<128xf32, #tpu.memory_space<hbm>>
      tpu.wait_dma2 semaphore(%arg33 : memref<!tpu.dma_semaphore, #tpu.memory_space<semaphore_mem>>) src(%dma_wait3A_2030 : memref<128xf32, #tpu.memory_space<hbm>>) dst(%dma_wait3A_2029 : memref<128xf32, #tpu.memory_space<vmem>>)
      %dma_wait3A_2031 = arith.constant 11 : i32
      %dma_wait3A_2032 = arith.constant 0 : i32
      %dma_wait3A_2033 = tpu.memref_slice %arg29[%dma_wait3A_2031, %dma_wait3A_2032] : memref<16x128xf32, #tpu.memory_space<vmem>> -> memref<1x128xf32, #tpu.memory_space<vmem>>
      %dma_wait3A_2034 = tpu.memref_squeeze %dma_wait3A_2033 : memref<1x128xf32, #tpu.memory_space<vmem>> -> memref<128xf32, #tpu.memory_space<vmem>>
      %dma_wait3A_2035 = tpu.memref_slice %arg12[%multiple_of3A_881] : memref<100000xf32, #tpu.memory_space<hbm>> -> memref<128xf32, #tpu.memory_space<hbm>>
      %dma_wait3A_2036 = arith.constant 0 : i32
      %dma_wait3A_2037 = tpu.memref_slice %arg29[%dma_wait3A_2031, %dma_wait3A_2036] : memref<16x128xf32, #tpu.memory_space<vmem>> -> memref<1x128xf32, #tpu.memory_space<vmem>>
      %dma_wait3A_2038 = tpu.memref_squeeze %dma_wait3A_2037 : memref<1x128xf32, #tpu.memory_space<vmem>> -> memref<128xf32, #tpu.memory_space<vmem>>
      %dma_wait3A_2039 = tpu.memref_slice %arg12[%multiple_of3A_881] : memref<100000xf32, #tpu.memory_space<hbm>> -> memref<128xf32, #tpu.memory_space<hbm>>
      tpu.wait_dma2 semaphore(%arg33 : memref<!tpu.dma_semaphore, #tpu.memory_space<semaphore_mem>>) src(%dma_wait3A_2039 : memref<128xf32, #tpu.memory_space<hbm>>) dst(%dma_wait3A_2038 : memref<128xf32, #tpu.memory_space<vmem>>)
      %dma_wait3A_2040 = arith.constant 12 : i32
      %dma_wait3A_2041 = arith.constant 0 : i32
      %dma_wait3A_2042 = arith.constant 0 : i32
      %dma_wait3A_2043 = tpu.memref_slice %arg24[%dma_wait3A_2040, %dma_wait3A_2041, %dma_wait3A_2042] : memref<16x16x128xf32, #tpu.memory_space<vmem>> -> memref<1x16x128xf32, #tpu.memory_space<vmem>>
      %dma_wait3A_2044 = tpu.memref_squeeze %dma_wait3A_2043 : memref<1x16x128xf32, #tpu.memory_space<vmem>> -> memref<16x128xf32, #tpu.memory_space<vmem>>
      %dma_wait3A_2045 = arith.constant 0 : i32
      %dma_wait3A_2046 = tpu.memref_slice %arg5[%dma_wait3A_2045, %multiple_of3A_1214] : memref<16x1000000xf32, #tpu.memory_space<hbm>> -> memref<16x128xf32, #tpu.memory_space<hbm>>
      %dma_wait3A_2047 = arith.constant 0 : i32
      %dma_wait3A_2048 = arith.constant 0 : i32
      %dma_wait3A_2049 = tpu.memref_slice %arg24[%dma_wait3A_2040, %dma_wait3A_2047, %dma_wait3A_2048] : memref<16x16x128xf32, #tpu.memory_space<vmem>> -> memref<1x16x128xf32, #tpu.memory_space<vmem>>
      %dma_wait3A_2050 = tpu.memref_squeeze %dma_wait3A_2049 : memref<1x16x128xf32, #tpu.memory_space<vmem>> -> memref<16x128xf32, #tpu.memory_space<vmem>>
      %dma_wait3A_2051 = arith.constant 0 : i32
      %dma_wait3A_2052 = tpu.memref_slice %arg5[%dma_wait3A_2051, %multiple_of3A_1214] : memref<16x1000000xf32, #tpu.memory_space<hbm>> -> memref<16x128xf32, #tpu.memory_space<hbm>>
      tpu.wait_dma2 semaphore(%arg33 : memref<!tpu.dma_semaphore, #tpu.memory_space<semaphore_mem>>) src(%dma_wait3A_2052 : memref<16x128xf32, #tpu.memory_space<hbm>>) dst(%dma_wait3A_2050 : memref<16x128xf32, #tpu.memory_space<vmem>>)
      %dma_wait3A_2053 = arith.constant 12 : i32
      %dma_wait3A_2054 = arith.constant 0 : i32
      %dma_wait3A_2055 = arith.constant 0 : i32
      %dma_wait3A_2056 = tpu.memref_slice %arg25[%dma_wait3A_2053, %dma_wait3A_2054, %dma_wait3A_2055] : memref<16x16x128xf32, #tpu.memory_space<vmem>> -> memref<1x16x128xf32, #tpu.memory_space<vmem>>
      %dma_wait3A_2057 = tpu.memref_squeeze %dma_wait3A_2056 : memref<1x16x128xf32, #tpu.memory_space<vmem>> -> memref<16x128xf32, #tpu.memory_space<vmem>>
      %dma_wait3A_2058 = arith.constant 0 : i32
      %dma_wait3A_2059 = tpu.memref_slice %arg6[%dma_wait3A_2058, %multiple_of3A_1217] : memref<16x1000000xf32, #tpu.memory_space<hbm>> -> memref<16x128xf32, #tpu.memory_space<hbm>>
      %dma_wait3A_2060 = arith.constant 0 : i32
      %dma_wait3A_2061 = arith.constant 0 : i32
      %dma_wait3A_2062 = tpu.memref_slice %arg25[%dma_wait3A_2053, %dma_wait3A_2060, %dma_wait3A_2061] : memref<16x16x128xf32, #tpu.memory_space<vmem>> -> memref<1x16x128xf32, #tpu.memory_space<vmem>>
      %dma_wait3A_2063 = tpu.memref_squeeze %dma_wait3A_2062 : memref<1x16x128xf32, #tpu.memory_space<vmem>> -> memref<16x128xf32, #tpu.memory_space<vmem>>
      %dma_wait3A_2064 = arith.constant 0 : i32
      %dma_wait3A_2065 = tpu.memref_slice %arg6[%dma_wait3A_2064, %multiple_of3A_1217] : memref<16x1000000xf32, #tpu.memory_space<hbm>> -> memref<16x128xf32, #tpu.memory_space<hbm>>
      tpu.wait_dma2 semaphore(%arg33 : memref<!tpu.dma_semaphore, #tpu.memory_space<semaphore_mem>>) src(%dma_wait3A_2065 : memref<16x128xf32, #tpu.memory_space<hbm>>) dst(%dma_wait3A_2063 : memref<16x128xf32, #tpu.memory_space<vmem>>)
      %dma_wait3A_2066 = arith.constant 12 : i32
      %dma_wait3A_2067 = arith.constant 0 : i32
      %dma_wait3A_2068 = arith.constant 0 : i32
      %dma_wait3A_2069 = tpu.memref_slice %arg26[%dma_wait3A_2066, %dma_wait3A_2067, %dma_wait3A_2068] : memref<16x16x128xf32, #tpu.memory_space<vmem>> -> memref<1x16x128xf32, #tpu.memory_space<vmem>>
      %dma_wait3A_2070 = tpu.memref_squeeze %dma_wait3A_2069 : memref<1x16x128xf32, #tpu.memory_space<vmem>> -> memref<16x128xf32, #tpu.memory_space<vmem>>
      %dma_wait3A_2071 = arith.constant 0 : i32
      %dma_wait3A_2072 = tpu.memref_slice %arg8[%dma_wait3A_2071, %multiple_of3A_1220] : memref<16x100000xf32, #tpu.memory_space<hbm>> -> memref<16x128xf32, #tpu.memory_space<hbm>>
      %dma_wait3A_2073 = arith.constant 0 : i32
      %dma_wait3A_2074 = arith.constant 0 : i32
      %dma_wait3A_2075 = tpu.memref_slice %arg26[%dma_wait3A_2066, %dma_wait3A_2073, %dma_wait3A_2074] : memref<16x16x128xf32, #tpu.memory_space<vmem>> -> memref<1x16x128xf32, #tpu.memory_space<vmem>>
      %dma_wait3A_2076 = tpu.memref_squeeze %dma_wait3A_2075 : memref<1x16x128xf32, #tpu.memory_space<vmem>> -> memref<16x128xf32, #tpu.memory_space<vmem>>
      %dma_wait3A_2077 = arith.constant 0 : i32
      %dma_wait3A_2078 = tpu.memref_slice %arg8[%dma_wait3A_2077, %multiple_of3A_1220] : memref<16x100000xf32, #tpu.memory_space<hbm>> -> memref<16x128xf32, #tpu.memory_space<hbm>>
      tpu.wait_dma2 semaphore(%arg33 : memref<!tpu.dma_semaphore, #tpu.memory_space<semaphore_mem>>) src(%dma_wait3A_2078 : memref<16x128xf32, #tpu.memory_space<hbm>>) dst(%dma_wait3A_2076 : memref<16x128xf32, #tpu.memory_space<vmem>>)
      %dma_wait3A_2079 = arith.constant 12 : i32
      %dma_wait3A_2080 = arith.constant 0 : i32
      %dma_wait3A_2081 = tpu.memref_slice %arg27[%dma_wait3A_2079, %dma_wait3A_2080] : memref<16x128xf32, #tpu.memory_space<vmem>> -> memref<1x128xf32, #tpu.memory_space<vmem>>
      %dma_wait3A_2082 = tpu.memref_squeeze %dma_wait3A_2081 : memref<1x128xf32, #tpu.memory_space<vmem>> -> memref<128xf32, #tpu.memory_space<vmem>>
      %dma_wait3A_2083 = tpu.memref_slice %arg9[%multiple_of3A_1214] : memref<1000000xf32, #tpu.memory_space<hbm>> -> memref<128xf32, #tpu.memory_space<hbm>>
      %dma_wait3A_2084 = arith.constant 0 : i32
      %dma_wait3A_2085 = tpu.memref_slice %arg27[%dma_wait3A_2079, %dma_wait3A_2084] : memref<16x128xf32, #tpu.memory_space<vmem>> -> memref<1x128xf32, #tpu.memory_space<vmem>>
      %dma_wait3A_2086 = tpu.memref_squeeze %dma_wait3A_2085 : memref<1x128xf32, #tpu.memory_space<vmem>> -> memref<128xf32, #tpu.memory_space<vmem>>
      %dma_wait3A_2087 = tpu.memref_slice %arg9[%multiple_of3A_1214] : memref<1000000xf32, #tpu.memory_space<hbm>> -> memref<128xf32, #tpu.memory_space<hbm>>
      tpu.wait_dma2 semaphore(%arg33 : memref<!tpu.dma_semaphore, #tpu.memory_space<semaphore_mem>>) src(%dma_wait3A_2087 : memref<128xf32, #tpu.memory_space<hbm>>) dst(%dma_wait3A_2086 : memref<128xf32, #tpu.memory_space<vmem>>)
      %dma_wait3A_2088 = arith.constant 12 : i32
      %dma_wait3A_2089 = arith.constant 0 : i32
      %dma_wait3A_2090 = tpu.memref_slice %arg28[%dma_wait3A_2088, %dma_wait3A_2089] : memref<16x128xf32, #tpu.memory_space<vmem>> -> memref<1x128xf32, #tpu.memory_space<vmem>>
      %dma_wait3A_2091 = tpu.memref_squeeze %dma_wait3A_2090 : memref<1x128xf32, #tpu.memory_space<vmem>> -> memref<128xf32, #tpu.memory_space<vmem>>
      %dma_wait3A_2092 = tpu.memref_slice %arg10[%multiple_of3A_1217] : memref<1000000xf32, #tpu.memory_space<hbm>> -> memref<128xf32, #tpu.memory_space<hbm>>
      %dma_wait3A_2093 = arith.constant 0 : i32
      %dma_wait3A_2094 = tpu.memref_slice %arg28[%dma_wait3A_2088, %dma_wait3A_2093] : memref<16x128xf32, #tpu.memory_space<vmem>> -> memref<1x128xf32, #tpu.memory_space<vmem>>
      %dma_wait3A_2095 = tpu.memref_squeeze %dma_wait3A_2094 : memref<1x128xf32, #tpu.memory_space<vmem>> -> memref<128xf32, #tpu.memory_space<vmem>>
      %dma_wait3A_2096 = tpu.memref_slice %arg10[%multiple_of3A_1217] : memref<1000000xf32, #tpu.memory_space<hbm>> -> memref<128xf32, #tpu.memory_space<hbm>>
      tpu.wait_dma2 semaphore(%arg33 : memref<!tpu.dma_semaphore, #tpu.memory_space<semaphore_mem>>) src(%dma_wait3A_2096 : memref<128xf32, #tpu.memory_space<hbm>>) dst(%dma_wait3A_2095 : memref<128xf32, #tpu.memory_space<vmem>>)
      %dma_wait3A_2097 = arith.constant 12 : i32
      %dma_wait3A_2098 = arith.constant 0 : i32
      %dma_wait3A_2099 = tpu.memref_slice %arg29[%dma_wait3A_2097, %dma_wait3A_2098] : memref<16x128xf32, #tpu.memory_space<vmem>> -> memref<1x128xf32, #tpu.memory_space<vmem>>
      %dma_wait3A_2100 = tpu.memref_squeeze %dma_wait3A_2099 : memref<1x128xf32, #tpu.memory_space<vmem>> -> memref<128xf32, #tpu.memory_space<vmem>>
      %dma_wait3A_2101 = tpu.memref_slice %arg12[%multiple_of3A_1220] : memref<100000xf32, #tpu.memory_space<hbm>> -> memref<128xf32, #tpu.memory_space<hbm>>
      %dma_wait3A_2102 = arith.constant 0 : i32
      %dma_wait3A_2103 = tpu.memref_slice %arg29[%dma_wait3A_2097, %dma_wait3A_2102] : memref<16x128xf32, #tpu.memory_space<vmem>> -> memref<1x128xf32, #tpu.memory_space<vmem>>
      %dma_wait3A_2104 = tpu.memref_squeeze %dma_wait3A_2103 : memref<1x128xf32, #tpu.memory_space<vmem>> -> memref<128xf32, #tpu.memory_space<vmem>>
      %dma_wait3A_2105 = tpu.memref_slice %arg12[%multiple_of3A_1220] : memref<100000xf32, #tpu.memory_space<hbm>> -> memref<128xf32, #tpu.memory_space<hbm>>
      tpu.wait_dma2 semaphore(%arg33 : memref<!tpu.dma_semaphore, #tpu.memory_space<semaphore_mem>>) src(%dma_wait3A_2105 : memref<128xf32, #tpu.memory_space<hbm>>) dst(%dma_wait3A_2104 : memref<128xf32, #tpu.memory_space<vmem>>)
      %dma_wait3A_2106 = arith.constant 13 : i32
      %dma_wait3A_2107 = arith.constant 0 : i32
      %dma_wait3A_2108 = arith.constant 0 : i32
      %dma_wait3A_2109 = tpu.memref_slice %arg24[%dma_wait3A_2106, %dma_wait3A_2107, %dma_wait3A_2108] : memref<16x16x128xf32, #tpu.memory_space<vmem>> -> memref<1x16x128xf32, #tpu.memory_space<vmem>>
      %dma_wait3A_2110 = tpu.memref_squeeze %dma_wait3A_2109 : memref<1x16x128xf32, #tpu.memory_space<vmem>> -> memref<16x128xf32, #tpu.memory_space<vmem>>
      %dma_wait3A_2111 = arith.constant 0 : i32
      %dma_wait3A_2112 = tpu.memref_slice %arg5[%dma_wait3A_2111, %multiple_of3A_1289] : memref<16x1000000xf32, #tpu.memory_space<hbm>> -> memref<16x128xf32, #tpu.memory_space<hbm>>
      %dma_wait3A_2113 = arith.constant 0 : i32
      %dma_wait3A_2114 = arith.constant 0 : i32
      %dma_wait3A_2115 = tpu.memref_slice %arg24[%dma_wait3A_2106, %dma_wait3A_2113, %dma_wait3A_2114] : memref<16x16x128xf32, #tpu.memory_space<vmem>> -> memref<1x16x128xf32, #tpu.memory_space<vmem>>
      %dma_wait3A_2116 = tpu.memref_squeeze %dma_wait3A_2115 : memref<1x16x128xf32, #tpu.memory_space<vmem>> -> memref<16x128xf32, #tpu.memory_space<vmem>>
      %dma_wait3A_2117 = arith.constant 0 : i32
      %dma_wait3A_2118 = tpu.memref_slice %arg5[%dma_wait3A_2117, %multiple_of3A_1289] : memref<16x1000000xf32, #tpu.memory_space<hbm>> -> memref<16x128xf32, #tpu.memory_space<hbm>>
      tpu.wait_dma2 semaphore(%arg33 : memref<!tpu.dma_semaphore, #tpu.memory_space<semaphore_mem>>) src(%dma_wait3A_2118 : memref<16x128xf32, #tpu.memory_space<hbm>>) dst(%dma_wait3A_2116 : memref<16x128xf32, #tpu.memory_space<vmem>>)
      %dma_wait3A_2119 = arith.constant 13 : i32
      %dma_wait3A_2120 = arith.constant 0 : i32
      %dma_wait3A_2121 = arith.constant 0 : i32
      %dma_wait3A_2122 = tpu.memref_slice %arg25[%dma_wait3A_2119, %dma_wait3A_2120, %dma_wait3A_2121] : memref<16x16x128xf32, #tpu.memory_space<vmem>> -> memref<1x16x128xf32, #tpu.memory_space<vmem>>
      %dma_wait3A_2123 = tpu.memref_squeeze %dma_wait3A_2122 : memref<1x16x128xf32, #tpu.memory_space<vmem>> -> memref<16x128xf32, #tpu.memory_space<vmem>>
      %dma_wait3A_2124 = arith.constant 0 : i32
      %dma_wait3A_2125 = tpu.memref_slice %arg6[%dma_wait3A_2124, %multiple_of3A_1292] : memref<16x1000000xf32, #tpu.memory_space<hbm>> -> memref<16x128xf32, #tpu.memory_space<hbm>>
      %dma_wait3A_2126 = arith.constant 0 : i32
      %dma_wait3A_2127 = arith.constant 0 : i32
      %dma_wait3A_2128 = tpu.memref_slice %arg25[%dma_wait3A_2119, %dma_wait3A_2126, %dma_wait3A_2127] : memref<16x16x128xf32, #tpu.memory_space<vmem>> -> memref<1x16x128xf32, #tpu.memory_space<vmem>>
      %dma_wait3A_2129 = tpu.memref_squeeze %dma_wait3A_2128 : memref<1x16x128xf32, #tpu.memory_space<vmem>> -> memref<16x128xf32, #tpu.memory_space<vmem>>
      %dma_wait3A_2130 = arith.constant 0 : i32
      %dma_wait3A_2131 = tpu.memref_slice %arg6[%dma_wait3A_2130, %multiple_of3A_1292] : memref<16x1000000xf32, #tpu.memory_space<hbm>> -> memref<16x128xf32, #tpu.memory_space<hbm>>
      tpu.wait_dma2 semaphore(%arg33 : memref<!tpu.dma_semaphore, #tpu.memory_space<semaphore_mem>>) src(%dma_wait3A_2131 : memref<16x128xf32, #tpu.memory_space<hbm>>) dst(%dma_wait3A_2129 : memref<16x128xf32, #tpu.memory_space<vmem>>)
      %dma_wait3A_2132 = arith.constant 13 : i32
      %dma_wait3A_2133 = arith.constant 0 : i32
      %dma_wait3A_2134 = arith.constant 0 : i32
      %dma_wait3A_2135 = tpu.memref_slice %arg26[%dma_wait3A_2132, %dma_wait3A_2133, %dma_wait3A_2134] : memref<16x16x128xf32, #tpu.memory_space<vmem>> -> memref<1x16x128xf32, #tpu.memory_space<vmem>>
      %dma_wait3A_2136 = tpu.memref_squeeze %dma_wait3A_2135 : memref<1x16x128xf32, #tpu.memory_space<vmem>> -> memref<16x128xf32, #tpu.memory_space<vmem>>
      %dma_wait3A_2137 = arith.constant 0 : i32
      %dma_wait3A_2138 = tpu.memref_slice %arg8[%dma_wait3A_2137, %multiple_of3A_1295] : memref<16x100000xf32, #tpu.memory_space<hbm>> -> memref<16x128xf32, #tpu.memory_space<hbm>>
      %dma_wait3A_2139 = arith.constant 0 : i32
      %dma_wait3A_2140 = arith.constant 0 : i32
      %dma_wait3A_2141 = tpu.memref_slice %arg26[%dma_wait3A_2132, %dma_wait3A_2139, %dma_wait3A_2140] : memref<16x16x128xf32, #tpu.memory_space<vmem>> -> memref<1x16x128xf32, #tpu.memory_space<vmem>>
      %dma_wait3A_2142 = tpu.memref_squeeze %dma_wait3A_2141 : memref<1x16x128xf32, #tpu.memory_space<vmem>> -> memref<16x128xf32, #tpu.memory_space<vmem>>
      %dma_wait3A_2143 = arith.constant 0 : i32
      %dma_wait3A_2144 = tpu.memref_slice %arg8[%dma_wait3A_2143, %multiple_of3A_1295] : memref<16x100000xf32, #tpu.memory_space<hbm>> -> memref<16x128xf32, #tpu.memory_space<hbm>>
      tpu.wait_dma2 semaphore(%arg33 : memref<!tpu.dma_semaphore, #tpu.memory_space<semaphore_mem>>) src(%dma_wait3A_2144 : memref<16x128xf32, #tpu.memory_space<hbm>>) dst(%dma_wait3A_2142 : memref<16x128xf32, #tpu.memory_space<vmem>>)
      %dma_wait3A_2145 = arith.constant 13 : i32
      %dma_wait3A_2146 = arith.constant 0 : i32
      %dma_wait3A_2147 = tpu.memref_slice %arg27[%dma_wait3A_2145, %dma_wait3A_2146] : memref<16x128xf32, #tpu.memory_space<vmem>> -> memref<1x128xf32, #tpu.memory_space<vmem>>
      %dma_wait3A_2148 = tpu.memref_squeeze %dma_wait3A_2147 : memref<1x128xf32, #tpu.memory_space<vmem>> -> memref<128xf32, #tpu.memory_space<vmem>>
      %dma_wait3A_2149 = tpu.memref_slice %arg9[%multiple_of3A_1289] : memref<1000000xf32, #tpu.memory_space<hbm>> -> memref<128xf32, #tpu.memory_space<hbm>>
      %dma_wait3A_2150 = arith.constant 0 : i32
      %dma_wait3A_2151 = tpu.memref_slice %arg27[%dma_wait3A_2145, %dma_wait3A_2150] : memref<16x128xf32, #tpu.memory_space<vmem>> -> memref<1x128xf32, #tpu.memory_space<vmem>>
      %dma_wait3A_2152 = tpu.memref_squeeze %dma_wait3A_2151 : memref<1x128xf32, #tpu.memory_space<vmem>> -> memref<128xf32, #tpu.memory_space<vmem>>
      %dma_wait3A_2153 = tpu.memref_slice %arg9[%multiple_of3A_1289] : memref<1000000xf32, #tpu.memory_space<hbm>> -> memref<128xf32, #tpu.memory_space<hbm>>
      tpu.wait_dma2 semaphore(%arg33 : memref<!tpu.dma_semaphore, #tpu.memory_space<semaphore_mem>>) src(%dma_wait3A_2153 : memref<128xf32, #tpu.memory_space<hbm>>) dst(%dma_wait3A_2152 : memref<128xf32, #tpu.memory_space<vmem>>)
      %dma_wait3A_2154 = arith.constant 13 : i32
      %dma_wait3A_2155 = arith.constant 0 : i32
      %dma_wait3A_2156 = tpu.memref_slice %arg28[%dma_wait3A_2154, %dma_wait3A_2155] : memref<16x128xf32, #tpu.memory_space<vmem>> -> memref<1x128xf32, #tpu.memory_space<vmem>>
      %dma_wait3A_2157 = tpu.memref_squeeze %dma_wait3A_2156 : memref<1x128xf32, #tpu.memory_space<vmem>> -> memref<128xf32, #tpu.memory_space<vmem>>
      %dma_wait3A_2158 = tpu.memref_slice %arg10[%multiple_of3A_1292] : memref<1000000xf32, #tpu.memory_space<hbm>> -> memref<128xf32, #tpu.memory_space<hbm>>
      %dma_wait3A_2159 = arith.constant 0 : i32
      %dma_wait3A_2160 = tpu.memref_slice %arg28[%dma_wait3A_2154, %dma_wait3A_2159] : memref<16x128xf32, #tpu.memory_space<vmem>> -> memref<1x128xf32, #tpu.memory_space<vmem>>
      %dma_wait3A_2161 = tpu.memref_squeeze %dma_wait3A_2160 : memref<1x128xf32, #tpu.memory_space<vmem>> -> memref<128xf32, #tpu.memory_space<vmem>>
      %dma_wait3A_2162 = tpu.memref_slice %arg10[%multiple_of3A_1292] : memref<1000000xf32, #tpu.memory_space<hbm>> -> memref<128xf32, #tpu.memory_space<hbm>>
      tpu.wait_dma2 semaphore(%arg33 : memref<!tpu.dma_semaphore, #tpu.memory_space<semaphore_mem>>) src(%dma_wait3A_2162 : memref<128xf32, #tpu.memory_space<hbm>>) dst(%dma_wait3A_2161 : memref<128xf32, #tpu.memory_space<vmem>>)
      %dma_wait3A_2163 = arith.constant 13 : i32
      %dma_wait3A_2164 = arith.constant 0 : i32
      %dma_wait3A_2165 = tpu.memref_slice %arg29[%dma_wait3A_2163, %dma_wait3A_2164] : memref<16x128xf32, #tpu.memory_space<vmem>> -> memref<1x128xf32, #tpu.memory_space<vmem>>
      %dma_wait3A_2166 = tpu.memref_squeeze %dma_wait3A_2165 : memref<1x128xf32, #tpu.memory_space<vmem>> -> memref<128xf32, #tpu.memory_space<vmem>>
      %dma_wait3A_2167 = tpu.memref_slice %arg12[%multiple_of3A_1295] : memref<100000xf32, #tpu.memory_space<hbm>> -> memref<128xf32, #tpu.memory_space<hbm>>
      %dma_wait3A_2168 = arith.constant 0 : i32
      %dma_wait3A_2169 = tpu.memref_slice %arg29[%dma_wait3A_2163, %dma_wait3A_2168] : memref<16x128xf32, #tpu.memory_space<vmem>> -> memref<1x128xf32, #tpu.memory_space<vmem>>
      %dma_wait3A_2170 = tpu.memref_squeeze %dma_wait3A_2169 : memref<1x128xf32, #tpu.memory_space<vmem>> -> memref<128xf32, #tpu.memory_space<vmem>>
      %dma_wait3A_2171 = tpu.memref_slice %arg12[%multiple_of3A_1295] : memref<100000xf32, #tpu.memory_space<hbm>> -> memref<128xf32, #tpu.memory_space<hbm>>
      tpu.wait_dma2 semaphore(%arg33 : memref<!tpu.dma_semaphore, #tpu.memory_space<semaphore_mem>>) src(%dma_wait3A_2171 : memref<128xf32, #tpu.memory_space<hbm>>) dst(%dma_wait3A_2170 : memref<128xf32, #tpu.memory_space<vmem>>)
      %dma_wait3A_2172 = arith.constant 14 : i32
      %dma_wait3A_2173 = arith.constant 0 : i32
      %dma_wait3A_2174 = arith.constant 0 : i32
      %dma_wait3A_2175 = tpu.memref_slice %arg24[%dma_wait3A_2172, %dma_wait3A_2173, %dma_wait3A_2174] : memref<16x16x128xf32, #tpu.memory_space<vmem>> -> memref<1x16x128xf32, #tpu.memory_space<vmem>>
      %dma_wait3A_2176 = tpu.memref_squeeze %dma_wait3A_2175 : memref<1x16x128xf32, #tpu.memory_space<vmem>> -> memref<16x128xf32, #tpu.memory_space<vmem>>
      %dma_wait3A_2177 = arith.constant 0 : i32
      %dma_wait3A_2178 = tpu.memref_slice %arg5[%dma_wait3A_2177, %multiple_of3A_1364] : memref<16x1000000xf32, #tpu.memory_space<hbm>> -> memref<16x128xf32, #tpu.memory_space<hbm>>
      %dma_wait3A_2179 = arith.constant 0 : i32
      %dma_wait3A_2180 = arith.constant 0 : i32
      %dma_wait3A_2181 = tpu.memref_slice %arg24[%dma_wait3A_2172, %dma_wait3A_2179, %dma_wait3A_2180] : memref<16x16x128xf32, #tpu.memory_space<vmem>> -> memref<1x16x128xf32, #tpu.memory_space<vmem>>
      %dma_wait3A_2182 = tpu.memref_squeeze %dma_wait3A_2181 : memref<1x16x128xf32, #tpu.memory_space<vmem>> -> memref<16x128xf32, #tpu.memory_space<vmem>>
      %dma_wait3A_2183 = arith.constant 0 : i32
      %dma_wait3A_2184 = tpu.memref_slice %arg5[%dma_wait3A_2183, %multiple_of3A_1364] : memref<16x1000000xf32, #tpu.memory_space<hbm>> -> memref<16x128xf32, #tpu.memory_space<hbm>>
      tpu.wait_dma2 semaphore(%arg33 : memref<!tpu.dma_semaphore, #tpu.memory_space<semaphore_mem>>) src(%dma_wait3A_2184 : memref<16x128xf32, #tpu.memory_space<hbm>>) dst(%dma_wait3A_2182 : memref<16x128xf32, #tpu.memory_space<vmem>>)
      %dma_wait3A_2185 = arith.constant 14 : i32
      %dma_wait3A_2186 = arith.constant 0 : i32
      %dma_wait3A_2187 = arith.constant 0 : i32
      %dma_wait3A_2188 = tpu.memref_slice %arg25[%dma_wait3A_2185, %dma_wait3A_2186, %dma_wait3A_2187] : memref<16x16x128xf32, #tpu.memory_space<vmem>> -> memref<1x16x128xf32, #tpu.memory_space<vmem>>
      %dma_wait3A_2189 = tpu.memref_squeeze %dma_wait3A_2188 : memref<1x16x128xf32, #tpu.memory_space<vmem>> -> memref<16x128xf32, #tpu.memory_space<vmem>>
      %dma_wait3A_2190 = arith.constant 0 : i32
      %dma_wait3A_2191 = tpu.memref_slice %arg6[%dma_wait3A_2190, %multiple_of3A_1367] : memref<16x1000000xf32, #tpu.memory_space<hbm>> -> memref<16x128xf32, #tpu.memory_space<hbm>>
      %dma_wait3A_2192 = arith.constant 0 : i32
      %dma_wait3A_2193 = arith.constant 0 : i32
      %dma_wait3A_2194 = tpu.memref_slice %arg25[%dma_wait3A_2185, %dma_wait3A_2192, %dma_wait3A_2193] : memref<16x16x128xf32, #tpu.memory_space<vmem>> -> memref<1x16x128xf32, #tpu.memory_space<vmem>>
      %dma_wait3A_2195 = tpu.memref_squeeze %dma_wait3A_2194 : memref<1x16x128xf32, #tpu.memory_space<vmem>> -> memref<16x128xf32, #tpu.memory_space<vmem>>
      %dma_wait3A_2196 = arith.constant 0 : i32
      %dma_wait3A_2197 = tpu.memref_slice %arg6[%dma_wait3A_2196, %multiple_of3A_1367] : memref<16x1000000xf32, #tpu.memory_space<hbm>> -> memref<16x128xf32, #tpu.memory_space<hbm>>
      tpu.wait_dma2 semaphore(%arg33 : memref<!tpu.dma_semaphore, #tpu.memory_space<semaphore_mem>>) src(%dma_wait3A_2197 : memref<16x128xf32, #tpu.memory_space<hbm>>) dst(%dma_wait3A_2195 : memref<16x128xf32, #tpu.memory_space<vmem>>)
      %dma_wait3A_2198 = arith.constant 14 : i32
      %dma_wait3A_2199 = arith.constant 0 : i32
      %dma_wait3A_2200 = arith.constant 0 : i32
      %dma_wait3A_2201 = tpu.memref_slice %arg26[%dma_wait3A_2198, %dma_wait3A_2199, %dma_wait3A_2200] : memref<16x16x128xf32, #tpu.memory_space<vmem>> -> memref<1x16x128xf32, #tpu.memory_space<vmem>>
      %dma_wait3A_2202 = tpu.memref_squeeze %dma_wait3A_2201 : memref<1x16x128xf32, #tpu.memory_space<vmem>> -> memref<16x128xf32, #tpu.memory_space<vmem>>
      %dma_wait3A_2203 = arith.constant 0 : i32
      %dma_wait3A_2204 = tpu.memref_slice %arg8[%dma_wait3A_2203, %multiple_of3A_1370] : memref<16x100000xf32, #tpu.memory_space<hbm>> -> memref<16x128xf32, #tpu.memory_space<hbm>>
      %dma_wait3A_2205 = arith.constant 0 : i32
      %dma_wait3A_2206 = arith.constant 0 : i32
      %dma_wait3A_2207 = tpu.memref_slice %arg26[%dma_wait3A_2198, %dma_wait3A_2205, %dma_wait3A_2206] : memref<16x16x128xf32, #tpu.memory_space<vmem>> -> memref<1x16x128xf32, #tpu.memory_space<vmem>>
      %dma_wait3A_2208 = tpu.memref_squeeze %dma_wait3A_2207 : memref<1x16x128xf32, #tpu.memory_space<vmem>> -> memref<16x128xf32, #tpu.memory_space<vmem>>
      %dma_wait3A_2209 = arith.constant 0 : i32
      %dma_wait3A_2210 = tpu.memref_slice %arg8[%dma_wait3A_2209, %multiple_of3A_1370] : memref<16x100000xf32, #tpu.memory_space<hbm>> -> memref<16x128xf32, #tpu.memory_space<hbm>>
      tpu.wait_dma2 semaphore(%arg33 : memref<!tpu.dma_semaphore, #tpu.memory_space<semaphore_mem>>) src(%dma_wait3A_2210 : memref<16x128xf32, #tpu.memory_space<hbm>>) dst(%dma_wait3A_2208 : memref<16x128xf32, #tpu.memory_space<vmem>>)
      %dma_wait3A_2211 = arith.constant 14 : i32
      %dma_wait3A_2212 = arith.constant 0 : i32
      %dma_wait3A_2213 = tpu.memref_slice %arg27[%dma_wait3A_2211, %dma_wait3A_2212] : memref<16x128xf32, #tpu.memory_space<vmem>> -> memref<1x128xf32, #tpu.memory_space<vmem>>
      %dma_wait3A_2214 = tpu.memref_squeeze %dma_wait3A_2213 : memref<1x128xf32, #tpu.memory_space<vmem>> -> memref<128xf32, #tpu.memory_space<vmem>>
      %dma_wait3A_2215 = tpu.memref_slice %arg9[%multiple_of3A_1364] : memref<1000000xf32, #tpu.memory_space<hbm>> -> memref<128xf32, #tpu.memory_space<hbm>>
      %dma_wait3A_2216 = arith.constant 0 : i32
      %dma_wait3A_2217 = tpu.memref_slice %arg27[%dma_wait3A_2211, %dma_wait3A_2216] : memref<16x128xf32, #tpu.memory_space<vmem>> -> memref<1x128xf32, #tpu.memory_space<vmem>>
      %dma_wait3A_2218 = tpu.memref_squeeze %dma_wait3A_2217 : memref<1x128xf32, #tpu.memory_space<vmem>> -> memref<128xf32, #tpu.memory_space<vmem>>
      %dma_wait3A_2219 = tpu.memref_slice %arg9[%multiple_of3A_1364] : memref<1000000xf32, #tpu.memory_space<hbm>> -> memref<128xf32, #tpu.memory_space<hbm>>
      tpu.wait_dma2 semaphore(%arg33 : memref<!tpu.dma_semaphore, #tpu.memory_space<semaphore_mem>>) src(%dma_wait3A_2219 : memref<128xf32, #tpu.memory_space<hbm>>) dst(%dma_wait3A_2218 : memref<128xf32, #tpu.memory_space<vmem>>)
      %dma_wait3A_2220 = arith.constant 14 : i32
      %dma_wait3A_2221 = arith.constant 0 : i32
      %dma_wait3A_2222 = tpu.memref_slice %arg28[%dma_wait3A_2220, %dma_wait3A_2221] : memref<16x128xf32, #tpu.memory_space<vmem>> -> memref<1x128xf32, #tpu.memory_space<vmem>>
      %dma_wait3A_2223 = tpu.memref_squeeze %dma_wait3A_2222 : memref<1x128xf32, #tpu.memory_space<vmem>> -> memref<128xf32, #tpu.memory_space<vmem>>
      %dma_wait3A_2224 = tpu.memref_slice %arg10[%multiple_of3A_1367] : memref<1000000xf32, #tpu.memory_space<hbm>> -> memref<128xf32, #tpu.memory_space<hbm>>
      %dma_wait3A_2225 = arith.constant 0 : i32
      %dma_wait3A_2226 = tpu.memref_slice %arg28[%dma_wait3A_2220, %dma_wait3A_2225] : memref<16x128xf32, #tpu.memory_space<vmem>> -> memref<1x128xf32, #tpu.memory_space<vmem>>
      %dma_wait3A_2227 = tpu.memref_squeeze %dma_wait3A_2226 : memref<1x128xf32, #tpu.memory_space<vmem>> -> memref<128xf32, #tpu.memory_space<vmem>>
      %dma_wait3A_2228 = tpu.memref_slice %arg10[%multiple_of3A_1367] : memref<1000000xf32, #tpu.memory_space<hbm>> -> memref<128xf32, #tpu.memory_space<hbm>>
      tpu.wait_dma2 semaphore(%arg33 : memref<!tpu.dma_semaphore, #tpu.memory_space<semaphore_mem>>) src(%dma_wait3A_2228 : memref<128xf32, #tpu.memory_space<hbm>>) dst(%dma_wait3A_2227 : memref<128xf32, #tpu.memory_space<vmem>>)
      %dma_wait3A_2229 = arith.constant 14 : i32
      %dma_wait3A_2230 = arith.constant 0 : i32
      %dma_wait3A_2231 = tpu.memref_slice %arg29[%dma_wait3A_2229, %dma_wait3A_2230] : memref<16x128xf32, #tpu.memory_space<vmem>> -> memref<1x128xf32, #tpu.memory_space<vmem>>
      %dma_wait3A_2232 = tpu.memref_squeeze %dma_wait3A_2231 : memref<1x128xf32, #tpu.memory_space<vmem>> -> memref<128xf32, #tpu.memory_space<vmem>>
      %dma_wait3A_2233 = tpu.memref_slice %arg12[%multiple_of3A_1370] : memref<100000xf32, #tpu.memory_space<hbm>> -> memref<128xf32, #tpu.memory_space<hbm>>
      %dma_wait3A_2234 = arith.constant 0 : i32
      %dma_wait3A_2235 = tpu.memref_slice %arg29[%dma_wait3A_2229, %dma_wait3A_2234] : memref<16x128xf32, #tpu.memory_space<vmem>> -> memref<1x128xf32, #tpu.memory_space<vmem>>
      %dma_wait3A_2236 = tpu.memref_squeeze %dma_wait3A_2235 : memref<1x128xf32, #tpu.memory_space<vmem>> -> memref<128xf32, #tpu.memory_space<vmem>>
      %dma_wait3A_2237 = tpu.memref_slice %arg12[%multiple_of3A_1370] : memref<100000xf32, #tpu.memory_space<hbm>> -> memref<128xf32, #tpu.memory_space<hbm>>
      tpu.wait_dma2 semaphore(%arg33 : memref<!tpu.dma_semaphore, #tpu.memory_space<semaphore_mem>>) src(%dma_wait3A_2237 : memref<128xf32, #tpu.memory_space<hbm>>) dst(%dma_wait3A_2236 : memref<128xf32, #tpu.memory_space<vmem>>)
      %dma_wait3A_2238 = arith.constant 15 : i32
      %dma_wait3A_2239 = arith.constant 0 : i32
      %dma_wait3A_2240 = arith.constant 0 : i32
      %dma_wait3A_2241 = tpu.memref_slice %arg24[%dma_wait3A_2238, %dma_wait3A_2239, %dma_wait3A_2240] : memref<16x16x128xf32, #tpu.memory_space<vmem>> -> memref<1x16x128xf32, #tpu.memory_space<vmem>>
      %dma_wait3A_2242 = tpu.memref_squeeze %dma_wait3A_2241 : memref<1x16x128xf32, #tpu.memory_space<vmem>> -> memref<16x128xf32, #tpu.memory_space<vmem>>
      %dma_wait3A_2243 = arith.constant 0 : i32
      %dma_wait3A_2244 = tpu.memref_slice %arg5[%dma_wait3A_2243, %multiple_of3A_1439] : memref<16x1000000xf32, #tpu.memory_space<hbm>> -> memref<16x128xf32, #tpu.memory_space<hbm>>
      %dma_wait3A_2245 = arith.constant 0 : i32
      %dma_wait3A_2246 = arith.constant 0 : i32
      %dma_wait3A_2247 = tpu.memref_slice %arg24[%dma_wait3A_2238, %dma_wait3A_2245, %dma_wait3A_2246] : memref<16x16x128xf32, #tpu.memory_space<vmem>> -> memref<1x16x128xf32, #tpu.memory_space<vmem>>
      %dma_wait3A_2248 = tpu.memref_squeeze %dma_wait3A_2247 : memref<1x16x128xf32, #tpu.memory_space<vmem>> -> memref<16x128xf32, #tpu.memory_space<vmem>>
      %dma_wait3A_2249 = arith.constant 0 : i32
      %dma_wait3A_2250 = tpu.memref_slice %arg5[%dma_wait3A_2249, %multiple_of3A_1439] : memref<16x1000000xf32, #tpu.memory_space<hbm>> -> memref<16x128xf32, #tpu.memory_space<hbm>>
      tpu.wait_dma2 semaphore(%arg33 : memref<!tpu.dma_semaphore, #tpu.memory_space<semaphore_mem>>) src(%dma_wait3A_2250 : memref<16x128xf32, #tpu.memory_space<hbm>>) dst(%dma_wait3A_2248 : memref<16x128xf32, #tpu.memory_space<vmem>>)
      %dma_wait3A_2251 = arith.constant 15 : i32
      %dma_wait3A_2252 = arith.constant 0 : i32
      %dma_wait3A_2253 = arith.constant 0 : i32
      %dma_wait3A_2254 = tpu.memref_slice %arg25[%dma_wait3A_2251, %dma_wait3A_2252, %dma_wait3A_2253] : memref<16x16x128xf32, #tpu.memory_space<vmem>> -> memref<1x16x128xf32, #tpu.memory_space<vmem>>
      %dma_wait3A_2255 = tpu.memref_squeeze %dma_wait3A_2254 : memref<1x16x128xf32, #tpu.memory_space<vmem>> -> memref<16x128xf32, #tpu.memory_space<vmem>>
      %dma_wait3A_2256 = arith.constant 0 : i32
      %dma_wait3A_2257 = tpu.memref_slice %arg6[%dma_wait3A_2256, %multiple_of3A_1442] : memref<16x1000000xf32, #tpu.memory_space<hbm>> -> memref<16x128xf32, #tpu.memory_space<hbm>>
      %dma_wait3A_2258 = arith.constant 0 : i32
      %dma_wait3A_2259 = arith.constant 0 : i32
      %dma_wait3A_2260 = tpu.memref_slice %arg25[%dma_wait3A_2251, %dma_wait3A_2258, %dma_wait3A_2259] : memref<16x16x128xf32, #tpu.memory_space<vmem>> -> memref<1x16x128xf32, #tpu.memory_space<vmem>>
      %dma_wait3A_2261 = tpu.memref_squeeze %dma_wait3A_2260 : memref<1x16x128xf32, #tpu.memory_space<vmem>> -> memref<16x128xf32, #tpu.memory_space<vmem>>
      %dma_wait3A_2262 = arith.constant 0 : i32
      %dma_wait3A_2263 = tpu.memref_slice %arg6[%dma_wait3A_2262, %multiple_of3A_1442] : memref<16x1000000xf32, #tpu.memory_space<hbm>> -> memref<16x128xf32, #tpu.memory_space<hbm>>
      tpu.wait_dma2 semaphore(%arg33 : memref<!tpu.dma_semaphore, #tpu.memory_space<semaphore_mem>>) src(%dma_wait3A_2263 : memref<16x128xf32, #tpu.memory_space<hbm>>) dst(%dma_wait3A_2261 : memref<16x128xf32, #tpu.memory_space<vmem>>)
      %dma_wait3A_2264 = arith.constant 15 : i32
      %dma_wait3A_2265 = arith.constant 0 : i32
      %dma_wait3A_2266 = arith.constant 0 : i32
      %dma_wait3A_2267 = tpu.memref_slice %arg26[%dma_wait3A_2264, %dma_wait3A_2265, %dma_wait3A_2266] : memref<16x16x128xf32, #tpu.memory_space<vmem>> -> memref<1x16x128xf32, #tpu.memory_space<vmem>>
      %dma_wait3A_2268 = tpu.memref_squeeze %dma_wait3A_2267 : memref<1x16x128xf32, #tpu.memory_space<vmem>> -> memref<16x128xf32, #tpu.memory_space<vmem>>
      %dma_wait3A_2269 = arith.constant 0 : i32
      %dma_wait3A_2270 = tpu.memref_slice %arg8[%dma_wait3A_2269, %multiple_of3A_1445] : memref<16x100000xf32, #tpu.memory_space<hbm>> -> memref<16x128xf32, #tpu.memory_space<hbm>>
      %dma_wait3A_2271 = arith.constant 0 : i32
      %dma_wait3A_2272 = arith.constant 0 : i32
      %dma_wait3A_2273 = tpu.memref_slice %arg26[%dma_wait3A_2264, %dma_wait3A_2271, %dma_wait3A_2272] : memref<16x16x128xf32, #tpu.memory_space<vmem>> -> memref<1x16x128xf32, #tpu.memory_space<vmem>>
      %dma_wait3A_2274 = tpu.memref_squeeze %dma_wait3A_2273 : memref<1x16x128xf32, #tpu.memory_space<vmem>> -> memref<16x128xf32, #tpu.memory_space<vmem>>
      %dma_wait3A_2275 = arith.constant 0 : i32
      %dma_wait3A_2276 = tpu.memref_slice %arg8[%dma_wait3A_2275, %multiple_of3A_1445] : memref<16x100000xf32, #tpu.memory_space<hbm>> -> memref<16x128xf32, #tpu.memory_space<hbm>>
      tpu.wait_dma2 semaphore(%arg33 : memref<!tpu.dma_semaphore, #tpu.memory_space<semaphore_mem>>) src(%dma_wait3A_2276 : memref<16x128xf32, #tpu.memory_space<hbm>>) dst(%dma_wait3A_2274 : memref<16x128xf32, #tpu.memory_space<vmem>>)
      %dma_wait3A_2277 = arith.constant 15 : i32
      %dma_wait3A_2278 = arith.constant 0 : i32
      %dma_wait3A_2279 = tpu.memref_slice %arg27[%dma_wait3A_2277, %dma_wait3A_2278] : memref<16x128xf32, #tpu.memory_space<vmem>> -> memref<1x128xf32, #tpu.memory_space<vmem>>
      %dma_wait3A_2280 = tpu.memref_squeeze %dma_wait3A_2279 : memref<1x128xf32, #tpu.memory_space<vmem>> -> memref<128xf32, #tpu.memory_space<vmem>>
      %dma_wait3A_2281 = tpu.memref_slice %arg9[%multiple_of3A_1439] : memref<1000000xf32, #tpu.memory_space<hbm>> -> memref<128xf32, #tpu.memory_space<hbm>>
      %dma_wait3A_2282 = arith.constant 0 : i32
      %dma_wait3A_2283 = tpu.memref_slice %arg27[%dma_wait3A_2277, %dma_wait3A_2282] : memref<16x128xf32, #tpu.memory_space<vmem>> -> memref<1x128xf32, #tpu.memory_space<vmem>>
      %dma_wait3A_2284 = tpu.memref_squeeze %dma_wait3A_2283 : memref<1x128xf32, #tpu.memory_space<vmem>> -> memref<128xf32, #tpu.memory_space<vmem>>
      %dma_wait3A_2285 = tpu.memref_slice %arg9[%multiple_of3A_1439] : memref<1000000xf32, #tpu.memory_space<hbm>> -> memref<128xf32, #tpu.memory_space<hbm>>
      tpu.wait_dma2 semaphore(%arg33 : memref<!tpu.dma_semaphore, #tpu.memory_space<semaphore_mem>>) src(%dma_wait3A_2285 : memref<128xf32, #tpu.memory_space<hbm>>) dst(%dma_wait3A_2284 : memref<128xf32, #tpu.memory_space<vmem>>)
      %dma_wait3A_2286 = arith.constant 15 : i32
      %dma_wait3A_2287 = arith.constant 0 : i32
      %dma_wait3A_2288 = tpu.memref_slice %arg28[%dma_wait3A_2286, %dma_wait3A_2287] : memref<16x128xf32, #tpu.memory_space<vmem>> -> memref<1x128xf32, #tpu.memory_space<vmem>>
      %dma_wait3A_2289 = tpu.memref_squeeze %dma_wait3A_2288 : memref<1x128xf32, #tpu.memory_space<vmem>> -> memref<128xf32, #tpu.memory_space<vmem>>
      %dma_wait3A_2290 = tpu.memref_slice %arg10[%multiple_of3A_1442] : memref<1000000xf32, #tpu.memory_space<hbm>> -> memref<128xf32, #tpu.memory_space<hbm>>
      %dma_wait3A_2291 = arith.constant 0 : i32
      %dma_wait3A_2292 = tpu.memref_slice %arg28[%dma_wait3A_2286, %dma_wait3A_2291] : memref<16x128xf32, #tpu.memory_space<vmem>> -> memref<1x128xf32, #tpu.memory_space<vmem>>
      %dma_wait3A_2293 = tpu.memref_squeeze %dma_wait3A_2292 : memref<1x128xf32, #tpu.memory_space<vmem>> -> memref<128xf32, #tpu.memory_space<vmem>>
      %dma_wait3A_2294 = tpu.memref_slice %arg10[%multiple_of3A_1442] : memref<1000000xf32, #tpu.memory_space<hbm>> -> memref<128xf32, #tpu.memory_space<hbm>>
      tpu.wait_dma2 semaphore(%arg33 : memref<!tpu.dma_semaphore, #tpu.memory_space<semaphore_mem>>) src(%dma_wait3A_2294 : memref<128xf32, #tpu.memory_space<hbm>>) dst(%dma_wait3A_2293 : memref<128xf32, #tpu.memory_space<vmem>>)
      %dma_wait3A_2295 = arith.constant 15 : i32
      %dma_wait3A_2296 = arith.constant 0 : i32
      %dma_wait3A_2297 = tpu.memref_slice %arg29[%dma_wait3A_2295, %dma_wait3A_2296] : memref<16x128xf32, #tpu.memory_space<vmem>> -> memref<1x128xf32, #tpu.memory_space<vmem>>
      %dma_wait3A_2298 = tpu.memref_squeeze %dma_wait3A_2297 : memref<1x128xf32, #tpu.memory_space<vmem>> -> memref<128xf32, #tpu.memory_space<vmem>>
      %dma_wait3A_2299 = tpu.memref_slice %arg12[%multiple_of3A_1445] : memref<100000xf32, #tpu.memory_space<hbm>> -> memref<128xf32, #tpu.memory_space<hbm>>
      %dma_wait3A_2300 = arith.constant 0 : i32
      %dma_wait3A_2301 = tpu.memref_slice %arg29[%dma_wait3A_2295, %dma_wait3A_2300] : memref<16x128xf32, #tpu.memory_space<vmem>> -> memref<1x128xf32, #tpu.memory_space<vmem>>
      %dma_wait3A_2302 = tpu.memref_squeeze %dma_wait3A_2301 : memref<1x128xf32, #tpu.memory_space<vmem>> -> memref<128xf32, #tpu.memory_space<vmem>>
      %dma_wait3A_2303 = tpu.memref_slice %arg12[%multiple_of3A_1445] : memref<100000xf32, #tpu.memory_space<hbm>> -> memref<128xf32, #tpu.memory_space<hbm>>
      tpu.wait_dma2 semaphore(%arg33 : memref<!tpu.dma_semaphore, #tpu.memory_space<semaphore_mem>>) src(%dma_wait3A_2303 : memref<128xf32, #tpu.memory_space<hbm>>) dst(%dma_wait3A_2302 : memref<128xf32, #tpu.memory_space<vmem>>)
      %get3A_2304 = arith.index_cast %mul3A_44 : i32 to index
      %get3A_2305 = tpu.vector_load %arg21[%get3A_2304] {strides = array<i32>} : memref<512xi32, #tpu.memory_space<vmem>>, vector<16xi32>,
      %get3A_2306 = arith.index_cast %mul3A_44 : i32 to index
      %get3A_2307 = tpu.vector_load %arg22[%get3A_2306] {strides = array<i32>} : memref<512xi32, #tpu.memory_space<vmem>>, vector<16xi32>,
      %get3A_2308 = arith.index_cast %mul3A_44 : i32 to index
      %get3A_2309 = tpu.vector_load %arg23[%get3A_2308] {strides = array<i32>} : memref<512xi32, #tpu.memory_space<vmem>>, vector<16xi32>,
      %get3A_2310 = arith.index_cast %mul3A_44 : i32 to index
      %get3A_2311 = tpu.vector_load %arg16[%get3A_2310] {strides = array<i32>} : memref<512xi32, #tpu.memory_space<vmem>>, vector<16xi32>,
      %gather3A = tpu.vector_load_idx %arg27[%iota3A, %get3A_2305] : memref<16x128xf32, #tpu.memory_space<vmem>>[vector<16xi32>, vector<16xi32>], vector<16xf32>,
      %gather3A_2312 = tpu.vector_load_idx %arg28[%iota3A, %get3A_2307] : memref<16x128xf32, #tpu.memory_space<vmem>>[vector<16xi32>, vector<16xi32>], vector<16xf32>,
      %add3A_2313 = arith.addf %gather3A, %gather3A_2312 : vector<16xf32>
      %gather3A_2314 = tpu.vector_load_idx %arg29[%iota3A, %get3A_2309] : memref<16x128xf32, #tpu.memory_space<vmem>>[vector<16xi32>, vector<16xi32>], vector<16xf32>,
      %add3A_2315 = arith.addf %add3A_2313, %gather3A_2314 : vector<16xf32>
      %gather3A_2316 = tpu.vector_load_idx %arg31[%get3A_2311] : memref<1000xf32, #tpu.memory_space<vmem>>[vector<16xi32>], vector<16xf32>,
      %add3A_2317 = arith.addf %add3A_2315, %gather3A_2316 : vector<16xf32>
      %broadcast_in_dim3A = arith.constant 0.000000e+00 : f32
      %broadcast_in_dim3A_2318 = vector.broadcast %broadcast_in_dim3A : f32 to vector<16xf32>
      %broadcast_in_dim3A_2319 = arith.constant 0 : i32
      %broadcast_in_dim3A_2320 = vector.broadcast %broadcast_in_dim3A_2319 : i32 to vector<16xi32>
      %gather3A_2321 = tpu.vector_load_idx %arg24[%iota3A, %broadcast_in_dim3A_2320, %get3A_2305] : memref<16x16x128xf32, #tpu.memory_space<vmem>>[vector<16xi32>, vector<16xi32>, vector<16xi32>], vector<16xf32>,
      %gather3A_2322 = tpu.vector_load_idx %arg25[%iota3A, %broadcast_in_dim3A_2320, %get3A_2307] : memref<16x16x128xf32, #tpu.memory_space<vmem>>[vector<16xi32>, vector<16xi32>, vector<16xi32>], vector<16xf32>,
      %gather3A_2323 = tpu.vector_load_idx %arg30[%broadcast_in_dim3A_2320, %get3A_2311] : memref<16x1000xf32, #tpu.memory_space<vmem>>[vector<16xi32>, vector<16xi32>], vector<16xf32>,
      %gather3A_2324 = tpu.vector_load_idx %arg26[%iota3A, %broadcast_in_dim3A_2320, %get3A_2309] : memref<16x16x128xf32, #tpu.memory_space<vmem>>[vector<16xi32>, vector<16xi32>, vector<16xi32>], vector<16xf32>,
      %add3A_2325 = arith.addf %gather3A_2321, %gather3A_2322 : vector<16xf32>
      %add3A_2326 = arith.addf %add3A_2325, %gather3A_2323 : vector<16xf32>
      %add3A_2327 = arith.addf %add3A_2326, %gather3A_2324 : vector<16xf32>
      %mul3A_2328 = arith.mulf %add3A_2327, %add3A_2327 : vector<16xf32>
      %mul3A_2329 = arith.mulf %gather3A_2321, %gather3A_2321 : vector<16xf32>
      %sub3A = arith.subf %mul3A_2328, %mul3A_2329 : vector<16xf32>
      %mul3A_2330 = arith.mulf %gather3A_2322, %gather3A_2322 : vector<16xf32>
      %sub3A_2331 = arith.subf %sub3A, %mul3A_2330 : vector<16xf32>
      %mul3A_2332 = arith.mulf %gather3A_2323, %gather3A_2323 : vector<16xf32>
      %sub3A_2333 = arith.subf %sub3A_2331, %mul3A_2332 : vector<16xf32>
      %mul3A_2334 = arith.mulf %gather3A_2324, %gather3A_2324 : vector<16xf32>
      %sub3A_2335 = arith.subf %sub3A_2333, %mul3A_2334 : vector<16xf32>
      %add3A_2336 = arith.addf %broadcast_in_dim3A_2318, %sub3A_2335 : vector<16xf32>
      %broadcast_in_dim3A_2337 = arith.constant 1 : i32
      %broadcast_in_dim3A_2338 = vector.broadcast %broadcast_in_dim3A_2337 : i32 to vector<16xi32>
      %gather3A_2339 = tpu.vector_load_idx %arg24[%iota3A, %broadcast_in_dim3A_2338, %get3A_2305] : memref<16x16x128xf32, #tpu.memory_space<vmem>>[vector<16xi32>, vector<16xi32>, vector<16xi32>], vector<16xf32>,
      %gather3A_2340 = tpu.vector_load_idx %arg25[%iota3A, %broadcast_in_dim3A_2338, %get3A_2307] : memref<16x16x128xf32, #tpu.memory_space<vmem>>[vector<16xi32>, vector<16xi32>, vector<16xi32>], vector<16xf32>,
      %gather3A_2341 = tpu.vector_load_idx %arg30[%broadcast_in_dim3A_2338, %get3A_2311] : memref<16x1000xf32, #tpu.memory_space<vmem>>[vector<16xi32>, vector<16xi32>], vector<16xf32>,
      %gather3A_2342 = tpu.vector_load_idx %arg26[%iota3A, %broadcast_in_dim3A_2338, %get3A_2309] : memref<16x16x128xf32, #tpu.memory_space<vmem>>[vector<16xi32>, vector<16xi32>, vector<16xi32>], vector<16xf32>,
      %add3A_2343 = arith.addf %gather3A_2339, %gather3A_2340 : vector<16xf32>
      %add3A_2344 = arith.addf %add3A_2343, %gather3A_2341 : vector<16xf32>
      %add3A_2345 = arith.addf %add3A_2344, %gather3A_2342 : vector<16xf32>
      %mul3A_2346 = arith.mulf %add3A_2345, %add3A_2345 : vector<16xf32>
      %mul3A_2347 = arith.mulf %gather3A_2339, %gather3A_2339 : vector<16xf32>
      %sub3A_2348 = arith.subf %mul3A_2346, %mul3A_2347 : vector<16xf32>
      %mul3A_2349 = arith.mulf %gather3A_2340, %gather3A_2340 : vector<16xf32>
      %sub3A_2350 = arith.subf %sub3A_2348, %mul3A_2349 : vector<16xf32>
      %mul3A_2351 = arith.mulf %gather3A_2341, %gather3A_2341 : vector<16xf32>
      %sub3A_2352 = arith.subf %sub3A_2350, %mul3A_2351 : vector<16xf32>
      %mul3A_2353 = arith.mulf %gather3A_2342, %gather3A_2342 : vector<16xf32>
      %sub3A_2354 = arith.subf %sub3A_2352, %mul3A_2353 : vector<16xf32>
      %add3A_2355 = arith.addf %add3A_2336, %sub3A_2354 : vector<16xf32>
      %broadcast_in_dim3A_2356 = arith.constant 2 : i32
      %broadcast_in_dim3A_2357 = vector.broadcast %broadcast_in_dim3A_2356 : i32 to vector<16xi32>
      %gather3A_2358 = tpu.vector_load_idx %arg24[%iota3A, %broadcast_in_dim3A_2357, %get3A_2305] : memref<16x16x128xf32, #tpu.memory_space<vmem>>[vector<16xi32>, vector<16xi32>, vector<16xi32>], vector<16xf32>,
      %gather3A_2359 = tpu.vector_load_idx %arg25[%iota3A, %broadcast_in_dim3A_2357, %get3A_2307] : memref<16x16x128xf32, #tpu.memory_space<vmem>>[vector<16xi32>, vector<16xi32>, vector<16xi32>], vector<16xf32>,
      %gather3A_2360 = tpu.vector_load_idx %arg30[%broadcast_in_dim3A_2357, %get3A_2311] : memref<16x1000xf32, #tpu.memory_space<vmem>>[vector<16xi32>, vector<16xi32>], vector<16xf32>,
      %gather3A_2361 = tpu.vector_load_idx %arg26[%iota3A, %broadcast_in_dim3A_2357, %get3A_2309] : memref<16x16x128xf32, #tpu.memory_space<vmem>>[vector<16xi32>, vector<16xi32>, vector<16xi32>], vector<16xf32>,
      %add3A_2362 = arith.addf %gather3A_2358, %gather3A_2359 : vector<16xf32>
      %add3A_2363 = arith.addf %add3A_2362, %gather3A_2360 : vector<16xf32>
      %add3A_2364 = arith.addf %add3A_2363, %gather3A_2361 : vector<16xf32>
      %mul3A_2365 = arith.mulf %add3A_2364, %add3A_2364 : vector<16xf32>
      %mul3A_2366 = arith.mulf %gather3A_2358, %gather3A_2358 : vector<16xf32>
      %sub3A_2367 = arith.subf %mul3A_2365, %mul3A_2366 : vector<16xf32>
      %mul3A_2368 = arith.mulf %gather3A_2359, %gather3A_2359 : vector<16xf32>
      %sub3A_2369 = arith.subf %sub3A_2367, %mul3A_2368 : vector<16xf32>
      %mul3A_2370 = arith.mulf %gather3A_2360, %gather3A_2360 : vector<16xf32>
      %sub3A_2371 = arith.subf %sub3A_2369, %mul3A_2370 : vector<16xf32>
      %mul3A_2372 = arith.mulf %gather3A_2361, %gather3A_2361 : vector<16xf32>
      %sub3A_2373 = arith.subf %sub3A_2371, %mul3A_2372 : vector<16xf32>
      %add3A_2374 = arith.addf %add3A_2355, %sub3A_2373 : vector<16xf32>
      %broadcast_in_dim3A_2375 = arith.constant 3 : i32
      %broadcast_in_dim3A_2376 = vector.broadcast %broadcast_in_dim3A_2375 : i32 to vector<16xi32>
      %gather3A_2377 = tpu.vector_load_idx %arg24[%iota3A, %broadcast_in_dim3A_2376, %get3A_2305] : memref<16x16x128xf32, #tpu.memory_space<vmem>>[vector<16xi32>, vector<16xi32>, vector<16xi32>], vector<16xf32>,
      %gather3A_2378 = tpu.vector_load_idx %arg25[%iota3A, %broadcast_in_dim3A_2376, %get3A_2307] : memref<16x16x128xf32, #tpu.memory_space<vmem>>[vector<16xi32>, vector<16xi32>, vector<16xi32>], vector<16xf32>,
      %gather3A_2379 = tpu.vector_load_idx %arg30[%broadcast_in_dim3A_2376, %get3A_2311] : memref<16x1000xf32, #tpu.memory_space<vmem>>[vector<16xi32>, vector<16xi32>], vector<16xf32>,
      %gather3A_2380 = tpu.vector_load_idx %arg26[%iota3A, %broadcast_in_dim3A_2376, %get3A_2309] : memref<16x16x128xf32, #tpu.memory_space<vmem>>[vector<16xi32>, vector<16xi32>, vector<16xi32>], vector<16xf32>,
      %add3A_2381 = arith.addf %gather3A_2377, %gather3A_2378 : vector<16xf32>
      %add3A_2382 = arith.addf %add3A_2381, %gather3A_2379 : vector<16xf32>
      %add3A_2383 = arith.addf %add3A_2382, %gather3A_2380 : vector<16xf32>
      %mul3A_2384 = arith.mulf %add3A_2383, %add3A_2383 : vector<16xf32>
      %mul3A_2385 = arith.mulf %gather3A_2377, %gather3A_2377 : vector<16xf32>
      %sub3A_2386 = arith.subf %mul3A_2384, %mul3A_2385 : vector<16xf32>
      %mul3A_2387 = arith.mulf %gather3A_2378, %gather3A_2378 : vector<16xf32>
      %sub3A_2388 = arith.subf %sub3A_2386, %mul3A_2387 : vector<16xf32>
      %mul3A_2389 = arith.mulf %gather3A_2379, %gather3A_2379 : vector<16xf32>
      %sub3A_2390 = arith.subf %sub3A_2388, %mul3A_2389 : vector<16xf32>
      %mul3A_2391 = arith.mulf %gather3A_2380, %gather3A_2380 : vector<16xf32>
      %sub3A_2392 = arith.subf %sub3A_2390, %mul3A_2391 : vector<16xf32>
      %add3A_2393 = arith.addf %add3A_2374, %sub3A_2392 : vector<16xf32>
      %broadcast_in_dim3A_2394 = arith.constant 4 : i32
      %broadcast_in_dim3A_2395 = vector.broadcast %broadcast_in_dim3A_2394 : i32 to vector<16xi32>
      %gather3A_2396 = tpu.vector_load_idx %arg24[%iota3A, %broadcast_in_dim3A_2395, %get3A_2305] : memref<16x16x128xf32, #tpu.memory_space<vmem>>[vector<16xi32>, vector<16xi32>, vector<16xi32>], vector<16xf32>,
      %gather3A_2397 = tpu.vector_load_idx %arg25[%iota3A, %broadcast_in_dim3A_2395, %get3A_2307] : memref<16x16x128xf32, #tpu.memory_space<vmem>>[vector<16xi32>, vector<16xi32>, vector<16xi32>], vector<16xf32>,
      %gather3A_2398 = tpu.vector_load_idx %arg30[%broadcast_in_dim3A_2395, %get3A_2311] : memref<16x1000xf32, #tpu.memory_space<vmem>>[vector<16xi32>, vector<16xi32>], vector<16xf32>,
      %gather3A_2399 = tpu.vector_load_idx %arg26[%iota3A, %broadcast_in_dim3A_2395, %get3A_2309] : memref<16x16x128xf32, #tpu.memory_space<vmem>>[vector<16xi32>, vector<16xi32>, vector<16xi32>], vector<16xf32>,
      %add3A_2400 = arith.addf %gather3A_2396, %gather3A_2397 : vector<16xf32>
      %add3A_2401 = arith.addf %add3A_2400, %gather3A_2398 : vector<16xf32>
      %add3A_2402 = arith.addf %add3A_2401, %gather3A_2399 : vector<16xf32>
      %mul3A_2403 = arith.mulf %add3A_2402, %add3A_2402 : vector<16xf32>
      %mul3A_2404 = arith.mulf %gather3A_2396, %gather3A_2396 : vector<16xf32>
      %sub3A_2405 = arith.subf %mul3A_2403, %mul3A_2404 : vector<16xf32>
      %mul3A_2406 = arith.mulf %gather3A_2397, %gather3A_2397 : vector<16xf32>
      %sub3A_2407 = arith.subf %sub3A_2405, %mul3A_2406 : vector<16xf32>
      %mul3A_2408 = arith.mulf %gather3A_2398, %gather3A_2398 : vector<16xf32>
      %sub3A_2409 = arith.subf %sub3A_2407, %mul3A_2408 : vector<16xf32>
      %mul3A_2410 = arith.mulf %gather3A_2399, %gather3A_2399 : vector<16xf32>
      %sub3A_2411 = arith.subf %sub3A_2409, %mul3A_2410 : vector<16xf32>
      %add3A_2412 = arith.addf %add3A_2393, %sub3A_2411 : vector<16xf32>
      %broadcast_in_dim3A_2413 = arith.constant 5 : i32
      %broadcast_in_dim3A_2414 = vector.broadcast %broadcast_in_dim3A_2413 : i32 to vector<16xi32>
      %gather3A_2415 = tpu.vector_load_idx %arg24[%iota3A, %broadcast_in_dim3A_2414, %get3A_2305] : memref<16x16x128xf32, #tpu.memory_space<vmem>>[vector<16xi32>, vector<16xi32>, vector<16xi32>], vector<16xf32>,
      %gather3A_2416 = tpu.vector_load_idx %arg25[%iota3A, %broadcast_in_dim3A_2414, %get3A_2307] : memref<16x16x128xf32, #tpu.memory_space<vmem>>[vector<16xi32>, vector<16xi32>, vector<16xi32>], vector<16xf32>,
      %gather3A_2417 = tpu.vector_load_idx %arg30[%broadcast_in_dim3A_2414, %get3A_2311] : memref<16x1000xf32, #tpu.memory_space<vmem>>[vector<16xi32>, vector<16xi32>], vector<16xf32>,
      %gather3A_2418 = tpu.vector_load_idx %arg26[%iota3A, %broadcast_in_dim3A_2414, %get3A_2309] : memref<16x16x128xf32, #tpu.memory_space<vmem>>[vector<16xi32>, vector<16xi32>, vector<16xi32>], vector<16xf32>,
      %add3A_2419 = arith.addf %gather3A_2415, %gather3A_2416 : vector<16xf32>
      %add3A_2420 = arith.addf %add3A_2419, %gather3A_2417 : vector<16xf32>
      %add3A_2421 = arith.addf %add3A_2420, %gather3A_2418 : vector<16xf32>
      %mul3A_2422 = arith.mulf %add3A_2421, %add3A_2421 : vector<16xf32>
      %mul3A_2423 = arith.mulf %gather3A_2415, %gather3A_2415 : vector<16xf32>
      %sub3A_2424 = arith.subf %mul3A_2422, %mul3A_2423 : vector<16xf32>
      %mul3A_2425 = arith.mulf %gather3A_2416, %gather3A_2416 : vector<16xf32>
      %sub3A_2426 = arith.subf %sub3A_2424, %mul3A_2425 : vector<16xf32>
      %mul3A_2427 = arith.mulf %gather3A_2417, %gather3A_2417 : vector<16xf32>
      %sub3A_2428 = arith.subf %sub3A_2426, %mul3A_2427 : vector<16xf32>
      %mul3A_2429 = arith.mulf %gather3A_2418, %gather3A_2418 : vector<16xf32>
      %sub3A_2430 = arith.subf %sub3A_2428, %mul3A_2429 : vector<16xf32>
      %add3A_2431 = arith.addf %add3A_2412, %sub3A_2430 : vector<16xf32>
      %broadcast_in_dim3A_2432 = arith.constant 6 : i32
      %broadcast_in_dim3A_2433 = vector.broadcast %broadcast_in_dim3A_2432 : i32 to vector<16xi32>
      %gather3A_2434 = tpu.vector_load_idx %arg24[%iota3A, %broadcast_in_dim3A_2433, %get3A_2305] : memref<16x16x128xf32, #tpu.memory_space<vmem>>[vector<16xi32>, vector<16xi32>, vector<16xi32>], vector<16xf32>,
      %gather3A_2435 = tpu.vector_load_idx %arg25[%iota3A, %broadcast_in_dim3A_2433, %get3A_2307] : memref<16x16x128xf32, #tpu.memory_space<vmem>>[vector<16xi32>, vector<16xi32>, vector<16xi32>], vector<16xf32>,
      %gather3A_2436 = tpu.vector_load_idx %arg30[%broadcast_in_dim3A_2433, %get3A_2311] : memref<16x1000xf32, #tpu.memory_space<vmem>>[vector<16xi32>, vector<16xi32>], vector<16xf32>,
      %gather3A_2437 = tpu.vector_load_idx %arg26[%iota3A, %broadcast_in_dim3A_2433, %get3A_2309] : memref<16x16x128xf32, #tpu.memory_space<vmem>>[vector<16xi32>, vector<16xi32>, vector<16xi32>], vector<16xf32>,
      %add3A_2438 = arith.addf %gather3A_2434, %gather3A_2435 : vector<16xf32>
      %add3A_2439 = arith.addf %add3A_2438, %gather3A_2436 : vector<16xf32>
      %add3A_2440 = arith.addf %add3A_2439, %gather3A_2437 : vector<16xf32>
      %mul3A_2441 = arith.mulf %add3A_2440, %add3A_2440 : vector<16xf32>
      %mul3A_2442 = arith.mulf %gather3A_2434, %gather3A_2434 : vector<16xf32>
      %sub3A_2443 = arith.subf %mul3A_2441, %mul3A_2442 : vector<16xf32>
      %mul3A_2444 = arith.mulf %gather3A_2435, %gather3A_2435 : vector<16xf32>
      %sub3A_2445 = arith.subf %sub3A_2443, %mul3A_2444 : vector<16xf32>
      %mul3A_2446 = arith.mulf %gather3A_2436, %gather3A_2436 : vector<16xf32>
      %sub3A_2447 = arith.subf %sub3A_2445, %mul3A_2446 : vector<16xf32>
      %mul3A_2448 = arith.mulf %gather3A_2437, %gather3A_2437 : vector<16xf32>
      %sub3A_2449 = arith.subf %sub3A_2447, %mul3A_2448 : vector<16xf32>
      %add3A_2450 = arith.addf %add3A_2431, %sub3A_2449 : vector<16xf32>
      %broadcast_in_dim3A_2451 = arith.constant 7 : i32
      %broadcast_in_dim3A_2452 = vector.broadcast %broadcast_in_dim3A_2451 : i32 to vector<16xi32>
      %gather3A_2453 = tpu.vector_load_idx %arg24[%iota3A, %broadcast_in_dim3A_2452, %get3A_2305] : memref<16x16x128xf32, #tpu.memory_space<vmem>>[vector<16xi32>, vector<16xi32>, vector<16xi32>], vector<16xf32>,
      %gather3A_2454 = tpu.vector_load_idx %arg25[%iota3A, %broadcast_in_dim3A_2452, %get3A_2307] : memref<16x16x128xf32, #tpu.memory_space<vmem>>[vector<16xi32>, vector<16xi32>, vector<16xi32>], vector<16xf32>,
      %gather3A_2455 = tpu.vector_load_idx %arg30[%broadcast_in_dim3A_2452, %get3A_2311] : memref<16x1000xf32, #tpu.memory_space<vmem>>[vector<16xi32>, vector<16xi32>], vector<16xf32>,
      %gather3A_2456 = tpu.vector_load_idx %arg26[%iota3A, %broadcast_in_dim3A_2452, %get3A_2309] : memref<16x16x128xf32, #tpu.memory_space<vmem>>[vector<16xi32>, vector<16xi32>, vector<16xi32>], vector<16xf32>,
      %add3A_2457 = arith.addf %gather3A_2453, %gather3A_2454 : vector<16xf32>
      %add3A_2458 = arith.addf %add3A_2457, %gather3A_2455 : vector<16xf32>
      %add3A_2459 = arith.addf %add3A_2458, %gather3A_2456 : vector<16xf32>
      %mul3A_2460 = arith.mulf %add3A_2459, %add3A_2459 : vector<16xf32>
      %mul3A_2461 = arith.mulf %gather3A_2453, %gather3A_2453 : vector<16xf32>
      %sub3A_2462 = arith.subf %mul3A_2460, %mul3A_2461 : vector<16xf32>
      %mul3A_2463 = arith.mulf %gather3A_2454, %gather3A_2454 : vector<16xf32>
      %sub3A_2464 = arith.subf %sub3A_2462, %mul3A_2463 : vector<16xf32>
      %mul3A_2465 = arith.mulf %gather3A_2455, %gather3A_2455 : vector<16xf32>
      %sub3A_2466 = arith.subf %sub3A_2464, %mul3A_2465 : vector<16xf32>
      %mul3A_2467 = arith.mulf %gather3A_2456, %gather3A_2456 : vector<16xf32>
      %sub3A_2468 = arith.subf %sub3A_2466, %mul3A_2467 : vector<16xf32>
      %add3A_2469 = arith.addf %add3A_2450, %sub3A_2468 : vector<16xf32>
      %broadcast_in_dim3A_2470 = arith.constant 8 : i32
      %broadcast_in_dim3A_2471 = vector.broadcast %broadcast_in_dim3A_2470 : i32 to vector<16xi32>
      %gather3A_2472 = tpu.vector_load_idx %arg24[%iota3A, %broadcast_in_dim3A_2471, %get3A_2305] : memref<16x16x128xf32, #tpu.memory_space<vmem>>[vector<16xi32>, vector<16xi32>, vector<16xi32>], vector<16xf32>,
      %gather3A_2473 = tpu.vector_load_idx %arg25[%iota3A, %broadcast_in_dim3A_2471, %get3A_2307] : memref<16x16x128xf32, #tpu.memory_space<vmem>>[vector<16xi32>, vector<16xi32>, vector<16xi32>], vector<16xf32>,
      %gather3A_2474 = tpu.vector_load_idx %arg30[%broadcast_in_dim3A_2471, %get3A_2311] : memref<16x1000xf32, #tpu.memory_space<vmem>>[vector<16xi32>, vector<16xi32>], vector<16xf32>,
      %gather3A_2475 = tpu.vector_load_idx %arg26[%iota3A, %broadcast_in_dim3A_2471, %get3A_2309] : memref<16x16x128xf32, #tpu.memory_space<vmem>>[vector<16xi32>, vector<16xi32>, vector<16xi32>], vector<16xf32>,
      %add3A_2476 = arith.addf %gather3A_2472, %gather3A_2473 : vector<16xf32>
      %add3A_2477 = arith.addf %add3A_2476, %gather3A_2474 : vector<16xf32>
      %add3A_2478 = arith.addf %add3A_2477, %gather3A_2475 : vector<16xf32>
      %mul3A_2479 = arith.mulf %add3A_2478, %add3A_2478 : vector<16xf32>
      %mul3A_2480 = arith.mulf %gather3A_2472, %gather3A_2472 : vector<16xf32>
      %sub3A_2481 = arith.subf %mul3A_2479, %mul3A_2480 : vector<16xf32>
      %mul3A_2482 = arith.mulf %gather3A_2473, %gather3A_2473 : vector<16xf32>
      %sub3A_2483 = arith.subf %sub3A_2481, %mul3A_2482 : vector<16xf32>
      %mul3A_2484 = arith.mulf %gather3A_2474, %gather3A_2474 : vector<16xf32>
      %sub3A_2485 = arith.subf %sub3A_2483, %mul3A_2484 : vector<16xf32>
      %mul3A_2486 = arith.mulf %gather3A_2475, %gather3A_2475 : vector<16xf32>
      %sub3A_2487 = arith.subf %sub3A_2485, %mul3A_2486 : vector<16xf32>
      %add3A_2488 = arith.addf %add3A_2469, %sub3A_2487 : vector<16xf32>
      %broadcast_in_dim3A_2489 = arith.constant 9 : i32
      %broadcast_in_dim3A_2490 = vector.broadcast %broadcast_in_dim3A_2489 : i32 to vector<16xi32>
      %gather3A_2491 = tpu.vector_load_idx %arg24[%iota3A, %broadcast_in_dim3A_2490, %get3A_2305] : memref<16x16x128xf32, #tpu.memory_space<vmem>>[vector<16xi32>, vector<16xi32>, vector<16xi32>], vector<16xf32>,
      %gather3A_2492 = tpu.vector_load_idx %arg25[%iota3A, %broadcast_in_dim3A_2490, %get3A_2307] : memref<16x16x128xf32, #tpu.memory_space<vmem>>[vector<16xi32>, vector<16xi32>, vector<16xi32>], vector<16xf32>,
      %gather3A_2493 = tpu.vector_load_idx %arg30[%broadcast_in_dim3A_2490, %get3A_2311] : memref<16x1000xf32, #tpu.memory_space<vmem>>[vector<16xi32>, vector<16xi32>], vector<16xf32>,
      %gather3A_2494 = tpu.vector_load_idx %arg26[%iota3A, %broadcast_in_dim3A_2490, %get3A_2309] : memref<16x16x128xf32, #tpu.memory_space<vmem>>[vector<16xi32>, vector<16xi32>, vector<16xi32>], vector<16xf32>,
      %add3A_2495 = arith.addf %gather3A_2491, %gather3A_2492 : vector<16xf32>
      %add3A_2496 = arith.addf %add3A_2495, %gather3A_2493 : vector<16xf32>
      %add3A_2497 = arith.addf %add3A_2496, %gather3A_2494 : vector<16xf32>
      %mul3A_2498 = arith.mulf %add3A_2497, %add3A_2497 : vector<16xf32>
      %mul3A_2499 = arith.mulf %gather3A_2491, %gather3A_2491 : vector<16xf32>
      %sub3A_2500 = arith.subf %mul3A_2498, %mul3A_2499 : vector<16xf32>
      %mul3A_2501 = arith.mulf %gather3A_2492, %gather3A_2492 : vector<16xf32>
      %sub3A_2502 = arith.subf %sub3A_2500, %mul3A_2501 : vector<16xf32>
      %mul3A_2503 = arith.mulf %gather3A_2493, %gather3A_2493 : vector<16xf32>
      %sub3A_2504 = arith.subf %sub3A_2502, %mul3A_2503 : vector<16xf32>
      %mul3A_2505 = arith.mulf %gather3A_2494, %gather3A_2494 : vector<16xf32>
      %sub3A_2506 = arith.subf %sub3A_2504, %mul3A_2505 : vector<16xf32>
      %add3A_2507 = arith.addf %add3A_2488, %sub3A_2506 : vector<16xf32>
      %broadcast_in_dim3A_2508 = arith.constant 10 : i32
      %broadcast_in_dim3A_2509 = vector.broadcast %broadcast_in_dim3A_2508 : i32 to vector<16xi32>
      %gather3A_2510 = tpu.vector_load_idx %arg24[%iota3A, %broadcast_in_dim3A_2509, %get3A_2305] : memref<16x16x128xf32, #tpu.memory_space<vmem>>[vector<16xi32>, vector<16xi32>, vector<16xi32>], vector<16xf32>,
      %gather3A_2511 = tpu.vector_load_idx %arg25[%iota3A, %broadcast_in_dim3A_2509, %get3A_2307] : memref<16x16x128xf32, #tpu.memory_space<vmem>>[vector<16xi32>, vector<16xi32>, vector<16xi32>], vector<16xf32>,
      %gather3A_2512 = tpu.vector_load_idx %arg30[%broadcast_in_dim3A_2509, %get3A_2311] : memref<16x1000xf32, #tpu.memory_space<vmem>>[vector<16xi32>, vector<16xi32>], vector<16xf32>,
      %gather3A_2513 = tpu.vector_load_idx %arg26[%iota3A, %broadcast_in_dim3A_2509, %get3A_2309] : memref<16x16x128xf32, #tpu.memory_space<vmem>>[vector<16xi32>, vector<16xi32>, vector<16xi32>], vector<16xf32>,
      %add3A_2514 = arith.addf %gather3A_2510, %gather3A_2511 : vector<16xf32>
      %add3A_2515 = arith.addf %add3A_2514, %gather3A_2512 : vector<16xf32>
      %add3A_2516 = arith.addf %add3A_2515, %gather3A_2513 : vector<16xf32>
      %mul3A_2517 = arith.mulf %add3A_2516, %add3A_2516 : vector<16xf32>
      %mul3A_2518 = arith.mulf %gather3A_2510, %gather3A_2510 : vector<16xf32>
      %sub3A_2519 = arith.subf %mul3A_2517, %mul3A_2518 : vector<16xf32>
      %mul3A_2520 = arith.mulf %gather3A_2511, %gather3A_2511 : vector<16xf32>
      %sub3A_2521 = arith.subf %sub3A_2519, %mul3A_2520 : vector<16xf32>
      %mul3A_2522 = arith.mulf %gather3A_2512, %gather3A_2512 : vector<16xf32>
      %sub3A_2523 = arith.subf %sub3A_2521, %mul3A_2522 : vector<16xf32>
      %mul3A_2524 = arith.mulf %gather3A_2513, %gather3A_2513 : vector<16xf32>
      %sub3A_2525 = arith.subf %sub3A_2523, %mul3A_2524 : vector<16xf32>
      %add3A_2526 = arith.addf %add3A_2507, %sub3A_2525 : vector<16xf32>
      %broadcast_in_dim3A_2527 = arith.constant 11 : i32
      %broadcast_in_dim3A_2528 = vector.broadcast %broadcast_in_dim3A_2527 : i32 to vector<16xi32>
      %gather3A_2529 = tpu.vector_load_idx %arg24[%iota3A, %broadcast_in_dim3A_2528, %get3A_2305] : memref<16x16x128xf32, #tpu.memory_space<vmem>>[vector<16xi32>, vector<16xi32>, vector<16xi32>], vector<16xf32>,
      %gather3A_2530 = tpu.vector_load_idx %arg25[%iota3A, %broadcast_in_dim3A_2528, %get3A_2307] : memref<16x16x128xf32, #tpu.memory_space<vmem>>[vector<16xi32>, vector<16xi32>, vector<16xi32>], vector<16xf32>,
      %gather3A_2531 = tpu.vector_load_idx %arg30[%broadcast_in_dim3A_2528, %get3A_2311] : memref<16x1000xf32, #tpu.memory_space<vmem>>[vector<16xi32>, vector<16xi32>], vector<16xf32>,
      %gather3A_2532 = tpu.vector_load_idx %arg26[%iota3A, %broadcast_in_dim3A_2528, %get3A_2309] : memref<16x16x128xf32, #tpu.memory_space<vmem>>[vector<16xi32>, vector<16xi32>, vector<16xi32>], vector<16xf32>,
      %add3A_2533 = arith.addf %gather3A_2529, %gather3A_2530 : vector<16xf32>
      %add3A_2534 = arith.addf %add3A_2533, %gather3A_2531 : vector<16xf32>
      %add3A_2535 = arith.addf %add3A_2534, %gather3A_2532 : vector<16xf32>
      %mul3A_2536 = arith.mulf %add3A_2535, %add3A_2535 : vector<16xf32>
      %mul3A_2537 = arith.mulf %gather3A_2529, %gather3A_2529 : vector<16xf32>
      %sub3A_2538 = arith.subf %mul3A_2536, %mul3A_2537 : vector<16xf32>
      %mul3A_2539 = arith.mulf %gather3A_2530, %gather3A_2530 : vector<16xf32>
      %sub3A_2540 = arith.subf %sub3A_2538, %mul3A_2539 : vector<16xf32>
      %mul3A_2541 = arith.mulf %gather3A_2531, %gather3A_2531 : vector<16xf32>
      %sub3A_2542 = arith.subf %sub3A_2540, %mul3A_2541 : vector<16xf32>
      %mul3A_2543 = arith.mulf %gather3A_2532, %gather3A_2532 : vector<16xf32>
      %sub3A_2544 = arith.subf %sub3A_2542, %mul3A_2543 : vector<16xf32>
      %add3A_2545 = arith.addf %add3A_2526, %sub3A_2544 : vector<16xf32>
      %broadcast_in_dim3A_2546 = arith.constant 12 : i32
      %broadcast_in_dim3A_2547 = vector.broadcast %broadcast_in_dim3A_2546 : i32 to vector<16xi32>
      %gather3A_2548 = tpu.vector_load_idx %arg24[%iota3A, %broadcast_in_dim3A_2547, %get3A_2305] : memref<16x16x128xf32, #tpu.memory_space<vmem>>[vector<16xi32>, vector<16xi32>, vector<16xi32>], vector<16xf32>,
      %gather3A_2549 = tpu.vector_load_idx %arg25[%iota3A, %broadcast_in_dim3A_2547, %get3A_2307] : memref<16x16x128xf32, #tpu.memory_space<vmem>>[vector<16xi32>, vector<16xi32>, vector<16xi32>], vector<16xf32>,
      %gather3A_2550 = tpu.vector_load_idx %arg30[%broadcast_in_dim3A_2547, %get3A_2311] : memref<16x1000xf32, #tpu.memory_space<vmem>>[vector<16xi32>, vector<16xi32>], vector<16xf32>,
      %gather3A_2551 = tpu.vector_load_idx %arg26[%iota3A, %broadcast_in_dim3A_2547, %get3A_2309] : memref<16x16x128xf32, #tpu.memory_space<vmem>>[vector<16xi32>, vector<16xi32>, vector<16xi32>], vector<16xf32>,
      %add3A_2552 = arith.addf %gather3A_2548, %gather3A_2549 : vector<16xf32>
      %add3A_2553 = arith.addf %add3A_2552, %gather3A_2550 : vector<16xf32>
      %add3A_2554 = arith.addf %add3A_2553, %gather3A_2551 : vector<16xf32>
      %mul3A_2555 = arith.mulf %add3A_2554, %add3A_2554 : vector<16xf32>
      %mul3A_2556 = arith.mulf %gather3A_2548, %gather3A_2548 : vector<16xf32>
      %sub3A_2557 = arith.subf %mul3A_2555, %mul3A_2556 : vector<16xf32>
      %mul3A_2558 = arith.mulf %gather3A_2549, %gather3A_2549 : vector<16xf32>
      %sub3A_2559 = arith.subf %sub3A_2557, %mul3A_2558 : vector<16xf32>
      %mul3A_2560 = arith.mulf %gather3A_2550, %gather3A_2550 : vector<16xf32>
      %sub3A_2561 = arith.subf %sub3A_2559, %mul3A_2560 : vector<16xf32>
      %mul3A_2562 = arith.mulf %gather3A_2551, %gather3A_2551 : vector<16xf32>
      %sub3A_2563 = arith.subf %sub3A_2561, %mul3A_2562 : vector<16xf32>
      %add3A_2564 = arith.addf %add3A_2545, %sub3A_2563 : vector<16xf32>
      %broadcast_in_dim3A_2565 = arith.constant 13 : i32
      %broadcast_in_dim3A_2566 = vector.broadcast %broadcast_in_dim3A_2565 : i32 to vector<16xi32>
      %gather3A_2567 = tpu.vector_load_idx %arg24[%iota3A, %broadcast_in_dim3A_2566, %get3A_2305] : memref<16x16x128xf32, #tpu.memory_space<vmem>>[vector<16xi32>, vector<16xi32>, vector<16xi32>], vector<16xf32>,
      %gather3A_2568 = tpu.vector_load_idx %arg25[%iota3A, %broadcast_in_dim3A_2566, %get3A_2307] : memref<16x16x128xf32, #tpu.memory_space<vmem>>[vector<16xi32>, vector<16xi32>, vector<16xi32>], vector<16xf32>,
      %gather3A_2569 = tpu.vector_load_idx %arg30[%broadcast_in_dim3A_2566, %get3A_2311] : memref<16x1000xf32, #tpu.memory_space<vmem>>[vector<16xi32>, vector<16xi32>], vector<16xf32>,
      %gather3A_2570 = tpu.vector_load_idx %arg26[%iota3A, %broadcast_in_dim3A_2566, %get3A_2309] : memref<16x16x128xf32, #tpu.memory_space<vmem>>[vector<16xi32>, vector<16xi32>, vector<16xi32>], vector<16xf32>,
      %add3A_2571 = arith.addf %gather3A_2567, %gather3A_2568 : vector<16xf32>
      %add3A_2572 = arith.addf %add3A_2571, %gather3A_2569 : vector<16xf32>
      %add3A_2573 = arith.addf %add3A_2572, %gather3A_2570 : vector<16xf32>
      %mul3A_2574 = arith.mulf %add3A_2573, %add3A_2573 : vector<16xf32>
      %mul3A_2575 = arith.mulf %gather3A_2567, %gather3A_2567 : vector<16xf32>
      %sub3A_2576 = arith.subf %mul3A_2574, %mul3A_2575 : vector<16xf32>
      %mul3A_2577 = arith.mulf %gather3A_2568, %gather3A_2568 : vector<16xf32>
      %sub3A_2578 = arith.subf %sub3A_2576, %mul3A_2577 : vector<16xf32>
      %mul3A_2579 = arith.mulf %gather3A_2569, %gather3A_2569 : vector<16xf32>
      %sub3A_2580 = arith.subf %sub3A_2578, %mul3A_2579 : vector<16xf32>
      %mul3A_2581 = arith.mulf %gather3A_2570, %gather3A_2570 : vector<16xf32>
      %sub3A_2582 = arith.subf %sub3A_2580, %mul3A_2581 : vector<16xf32>
      %add3A_2583 = arith.addf %add3A_2564, %sub3A_2582 : vector<16xf32>
      %broadcast_in_dim3A_2584 = arith.constant 14 : i32
      %broadcast_in_dim3A_2585 = vector.broadcast %broadcast_in_dim3A_2584 : i32 to vector<16xi32>
      %gather3A_2586 = tpu.vector_load_idx %arg24[%iota3A, %broadcast_in_dim3A_2585, %get3A_2305] : memref<16x16x128xf32, #tpu.memory_space<vmem>>[vector<16xi32>, vector<16xi32>, vector<16xi32>], vector<16xf32>,
      %gather3A_2587 = tpu.vector_load_idx %arg25[%iota3A, %broadcast_in_dim3A_2585, %get3A_2307] : memref<16x16x128xf32, #tpu.memory_space<vmem>>[vector<16xi32>, vector<16xi32>, vector<16xi32>], vector<16xf32>,
      %gather3A_2588 = tpu.vector_load_idx %arg30[%broadcast_in_dim3A_2585, %get3A_2311] : memref<16x1000xf32, #tpu.memory_space<vmem>>[vector<16xi32>, vector<16xi32>], vector<16xf32>,
      %gather3A_2589 = tpu.vector_load_idx %arg26[%iota3A, %broadcast_in_dim3A_2585, %get3A_2309] : memref<16x16x128xf32, #tpu.memory_space<vmem>>[vector<16xi32>, vector<16xi32>, vector<16xi32>], vector<16xf32>,
      %add3A_2590 = arith.addf %gather3A_2586, %gather3A_2587 : vector<16xf32>
      %add3A_2591 = arith.addf %add3A_2590, %gather3A_2588 : vector<16xf32>
      %add3A_2592 = arith.addf %add3A_2591, %gather3A_2589 : vector<16xf32>
      %mul3A_2593 = arith.mulf %add3A_2592, %add3A_2592 : vector<16xf32>
      %mul3A_2594 = arith.mulf %gather3A_2586, %gather3A_2586 : vector<16xf32>
      %sub3A_2595 = arith.subf %mul3A_2593, %mul3A_2594 : vector<16xf32>
      %mul3A_2596 = arith.mulf %gather3A_2587, %gather3A_2587 : vector<16xf32>
      %sub3A_2597 = arith.subf %sub3A_2595, %mul3A_2596 : vector<16xf32>
      %mul3A_2598 = arith.mulf %gather3A_2588, %gather3A_2588 : vector<16xf32>
      %sub3A_2599 = arith.subf %sub3A_2597, %mul3A_2598 : vector<16xf32>
      %mul3A_2600 = arith.mulf %gather3A_2589, %gather3A_2589 : vector<16xf32>
      %sub3A_2601 = arith.subf %sub3A_2599, %mul3A_2600 : vector<16xf32>
      %add3A_2602 = arith.addf %add3A_2583, %sub3A_2601 : vector<16xf32>
      %broadcast_in_dim3A_2603 = arith.constant 15 : i32
      %broadcast_in_dim3A_2604 = vector.broadcast %broadcast_in_dim3A_2603 : i32 to vector<16xi32>
      %gather3A_2605 = tpu.vector_load_idx %arg24[%iota3A, %broadcast_in_dim3A_2604, %get3A_2305] : memref<16x16x128xf32, #tpu.memory_space<vmem>>[vector<16xi32>, vector<16xi32>, vector<16xi32>], vector<16xf32>,
      %gather3A_2606 = tpu.vector_load_idx %arg25[%iota3A, %broadcast_in_dim3A_2604, %get3A_2307] : memref<16x16x128xf32, #tpu.memory_space<vmem>>[vector<16xi32>, vector<16xi32>, vector<16xi32>], vector<16xf32>,
      %gather3A_2607 = tpu.vector_load_idx %arg30[%broadcast_in_dim3A_2604, %get3A_2311] : memref<16x1000xf32, #tpu.memory_space<vmem>>[vector<16xi32>, vector<16xi32>], vector<16xf32>,
      %gather3A_2608 = tpu.vector_load_idx %arg26[%iota3A, %broadcast_in_dim3A_2604, %get3A_2309] : memref<16x16x128xf32, #tpu.memory_space<vmem>>[vector<16xi32>, vector<16xi32>, vector<16xi32>], vector<16xf32>,
      %add3A_2609 = arith.addf %gather3A_2605, %gather3A_2606 : vector<16xf32>
      %add3A_2610 = arith.addf %add3A_2609, %gather3A_2607 : vector<16xf32>
      %add3A_2611 = arith.addf %add3A_2610, %gather3A_2608 : vector<16xf32>
      %mul3A_2612 = arith.mulf %add3A_2611, %add3A_2611 : vector<16xf32>
      %mul3A_2613 = arith.mulf %gather3A_2605, %gather3A_2605 : vector<16xf32>
      %sub3A_2614 = arith.subf %mul3A_2612, %mul3A_2613 : vector<16xf32>
      %mul3A_2615 = arith.mulf %gather3A_2606, %gather3A_2606 : vector<16xf32>
      %sub3A_2616 = arith.subf %sub3A_2614, %mul3A_2615 : vector<16xf32>
      %mul3A_2617 = arith.mulf %gather3A_2607, %gather3A_2607 : vector<16xf32>
      %sub3A_2618 = arith.subf %sub3A_2616, %mul3A_2617 : vector<16xf32>
      %mul3A_2619 = arith.mulf %gather3A_2608, %gather3A_2608 : vector<16xf32>
      %sub3A_2620 = arith.subf %sub3A_2618, %mul3A_2619 : vector<16xf32>
      %add3A_2621 = arith.addf %add3A_2602, %sub3A_2620 : vector<16xf32>
      %mul3A_2622 = arith.constant 5.000000e-01 : f32
      %mul3A_2623 = vector.broadcast %mul3A_2622 : f32 to vector<16xf32>
      %mul3A_2624 = arith.mulf %mul3A_2623, %add3A_2621 : vector<16xf32>
      %add3A_2625 = arith.addf %add3A_2317, %mul3A_2624 : vector<16xf32>
      %neg3A = arith.constant 0.000000e+00 : f32
      %neg3A_2626 = vector.broadcast %neg3A : f32 to vector<16xf32>
      %neg3A_2627 = arith.subf %neg3A_2626, %add3A_2625 : vector<16xf32>
      %exp3A = math.exp %neg3A_2627 : vector<16xf32>
      %add3A_2628 = arith.constant 1.000000e+00 : f32
      %add3A_2629 = vector.broadcast %add3A_2628 : f32 to vector<16xf32>
      %add3A_2630 = arith.addf %add3A_2629, %exp3A : vector<16xf32>
      %div3A = arith.constant 1.000000e+00 : f32
      %div3A_2631 = vector.broadcast %div3A : f32 to vector<16xf32>
      %div3A_2632 = arith.divf %div3A_2631, %add3A_2630 : vector<16xf32>
      %swap3A = arith.index_cast %mul3A_44 : i32 to index
      %swap3A_2633 = tpu.vector_load %arg32[%swap3A] {strides = array<i32>} : memref<512xf32, #tpu.memory_space<vmem>>, vector<16xf32>,
      tpu.vector_store %arg32[%swap3A], %div3A_2632 {strides = array<i32>} : memref<512xf32, #tpu.memory_space<vmem>>, vector<16xf32>,
    }
    %scan3A_37 = arith.constant 32 : i32
    "tpu.region"() ({
      %run_scoped3A = tpu.sem_alloc : memref<!tpu.dma_semaphore, #tpu.memory_space<semaphore_mem>>
      %dma_start3A_38 = tpu.memref_slice %arg13[%multiple_of3A] : memref<16384xf32, #tpu.memory_space<hbm>> -> memref<512xf32, #tpu.memory_space<hbm>>
      %dma_start3A_39 = tpu.memref_slice %arg13[%multiple_of3A] : memref<16384xf32, #tpu.memory_space<hbm>> -> memref<512xf32, #tpu.memory_space<hbm>>
      tpu.enqueue_dma source(%arg32 : memref<512xf32, #tpu.memory_space<vmem>>) target(%dma_start3A_39 : memref<512xf32, #tpu.memory_space<hbm>>) target_semaphore(%run_scoped3A : memref<!tpu.dma_semaphore, #tpu.memory_space<semaphore_mem>>)
      %dma_wait3A_40 = tpu.memref_slice %arg13[%multiple_of3A] : memref<16384xf32, #tpu.memory_space<hbm>> -> memref<512xf32, #tpu.memory_space<hbm>>
      %dma_wait3A_41 = tpu.memref_slice %arg13[%multiple_of3A] : memref<16384xf32, #tpu.memory_space<hbm>> -> memref<512xf32, #tpu.memory_space<hbm>>
      tpu.wait_dma2 semaphore(%run_scoped3A : memref<!tpu.dma_semaphore, #tpu.memory_space<semaphore_mem>>) src(%arg32 : memref<512xf32, #tpu.memory_space<vmem>>) dst(%dma_wait3A_41 : memref<512xf32, #tpu.memory_space<hbm>>)
      tpu.yield
    }) : () -> ()
    return
  }
}

</mosaic_0001>

<sc_bundles>
// kernel: kernel.3.cloned.1.call-start
scs
__scs_entry_jumppad:
0x0: {  	(pc) =	sbr.rel $0x88, $3  }
0x1: {  	(tag) =	ssettag $0x0;
	lr =	simm.s32 $0x1  }
0x2: {  	[smem:$0x3F96] =	sst lr;
	_ =	strace $0xD0000000  }
0x3: {  	_ = 	snop  }
0x4: {  	_ = 	snop  }
0x5: {  	_ = 	snop  }
0x6: {  	_ = 	snop  }
0x7: {  	_ = 	snop  }
__scs_overlays_trampoline_lowered:
0x8: {  	[smem:$0x3FA5] =	sst s0  }
0x9: {  	[smem:$0x3FA6] =	sst s1  }
0xa: {  	[smem:$0x3FA7] =	sst s2  }
0xb: {  	[smem:$0x3FA8] =	sst s3  }
0xc: {  	[smem:$0x3FA9] =	sst s4  }
0xd: {  	[smem:$0x3FAA] =	sst s5  }
0xe: {  	[smem:$0x3FAB] =	sst s6  }
0xf: {  	[smem:$0x3FAC] =	sst s7  }
0x10: {  	[smem:$0x3FAD] =	sst s8  }
0x11: {  	[smem:$0x3FAE] =	sst s9;
	s0 =	simm.s32 @!p0 $0x0  }
0x12: {  	s1 =	sld [smem:$0x3F94];
	s0 =	simm.s32 @p0 $0x1  }
0x13: {  	[smem:$0x3FAF] =	sst s0;
	s0 =	simm.s32 @!p1 $0x0  }
0x14: {  	s2 =	sld [smem:$0x3F93];
	s0 =	simm.s32 @p1 $0x1  }
0x15: {  	[smem:$0x3FB0] =	sst s0;
	s0 =	simm.s32 @!p2 $0x0  }
0x16: {  	s3 =	sld [smem:$0x3FDB];
	s0 =	simm.s32 @p2 $0x1  }
0x17: {  	s4 =	simm.s32 $0x1BF5;
	[smem:$0x3FB2] =	sst s0  }
0x18: {  	s0 =	sld [smem:$0x3F95];
	_ =	swait.ge [sflag:s4], $0x0  }
0x19: {  	s7 =	sld [smem:$0x3F96]  }
0x1a: {  	s8 =	sadd.s32 $0xFFFFE003, lr  }
0x1b: {  	s9 =	sadd.s32 $0xFFFFFEF7, lr;
	s5 =	simm.s32 $0xFFFFFFFF;
	p2 =	slt.u32 s8, $0xFFFFF086  }
0x1c: {  	p1 =	slt.u32 s9, $0xF7A;
	s5 =	simm.s32 @!p2 $0x0  }
0x1d: {  	s5 =	simm.s32 @p1 $0x1;
	p0 =	seq.s32 s7, s2  }
0x1e: {  	s7 =	smul.u32 @!p0 $0xF7A, s2;
	p2 =	seq.s32 @!p0 s5, $0x0  }
0x1f: {  	s9 =	smul.u32 $0xF7A, s1;
	s8 =	simm.s32 @!p0 $0x1BF5;
	p2 =	por !p2, p0  }
0x20: {  	[sflag:s8] =	ssyncset.s32 @!p0 $0xFFFFF086;
	s6 =	sadd.s32 @!p0 s3, s7;
	s7 =	simm.s32 @!p0 $0x108  }
0x21: {  	s3 =	sadd.s32 s3, s9;
	s6 =	sadd.s32 @!p0 $0x88, s6;
	s7 =	simm.s32 @p2 $0x1082  }
0x22: {  	[simem:s7], [sflag:s8] =	dma.local @!p0 [hbm:s6], $0xF7A  }
0x23: {  	s9 =	sor.u32 $0xD0000000, s2;
	s6 =	simm.s32 $0x108;
	_ =	swait.ge @!p0 [sflag:s8], $0x0  }
0x24: {  	s3 =	sadd.s32 $0x88, s3;
	s6 =	simm.s32 @!p1 $0x1082;
	[sflag:s4] =	ssyncset.s32 $0xFFFFF086  }
0x25: {  	[simem:s6], [sflag:s4] =	dma.local [hbm:s3], $0xF7A  }
0x26: {  	[smem:$0x3F96] =	sst s1;
	(tag) =	ssettag s2;
	_ =	strace s9  }
0x27: {  	s1 =	sld [smem:$0x3FA6]  }
0x28: {  	s2 =	sld [smem:$0x3FA7]  }
0x29: {  	s4 =	sld [smem:$0x3FA9]  }
0x2a: {  	p0 =	seq.s32 s5, $0x0;
	s5 =	sld [smem:$0x3FAA]  }
0x2b: {  	s6 =	sld [smem:$0x3FAB]  }
0x2c: {  	s7 =	sld [smem:$0x3FAC]  }
0x2d: {  	s3 =	simm.s32 $0x108;
	s8 =	sld [smem:$0x3FAD]  }
0x2e: {  	s3 =	simm.s32 @!p0 $0x1082;
	s9 =	sld [smem:$0x3FAE]  }
0x2f: {  	lr =	sadd.s32 s0, s3;
	s0 =	sld [smem:$0x3FA5]  }
0x30: {  	s3 =	sld [smem:$0x3FA8]  }
0x31: {  	[smem:$0x3FB1] =	sst s10  }
0x32: {  	s10 =	sld [smem:$0x3FAF];
	_ =	sdelay $0x3  }
0x33: {  	p0 =	seq.s32 s10, $0x1;
	s10 =	sld [smem:$0x3FB1];
	_ =	sdelay $0x3  }
0x34: {  	[smem:$0x3FB1] =	sst s10  }
0x35: {  	s10 =	sld [smem:$0x3FB0];
	_ =	sdelay $0x3  }
0x36: {  	p1 =	seq.s32 s10, $0x1;
	s10 =	sld [smem:$0x3FB1];
	_ =	sdelay $0x3  }
0x37: {  	[smem:$0x3FB1] =	sst s10  }
0x38: {  	s10 =	sld [smem:$0x3FB2]  }
0x39: {  	_ = 	snop;
	(pc) =	sbr.ind lr, $3  }
0x3a: {  	_ = 	snop  }
0x3b: {  	_ = 	snop  }
0x3c: {  	p2 =	seq.s32 s10, $0x1;
	s10 =	sld [smem:$0x3FB1]  }
0x3d: {  	_ =	shalt  }
0x3e: {  	_ =	shalt  }
0x3f: {  	_ =	shalt  }
0x40: {  	_ =	shalt  }
0x41: {  	_ =	shalt  }
0x42: {  	_ =	shalt  }
0x43: {  	_ =	shalt  }
0x44: {  	_ =	shalt  }
0x45: {  	_ =	shalt  }
0x46: {  	_ =	shalt  }
0x47: {  	_ =	shalt  }
0x48: {  	_ =	shalt  }
0x49: {  	_ =	shalt  }
0x4a: {  	_ =	shalt  }
0x4b: {  	_ =	shalt  }
0x4c: {  	_ =	shalt  }
0x4d: {  	_ =	shalt  }
0x4e: {  	_ =	shalt  }
0x4f: {  	_ =	shalt  }
0x50: {  	_ =	shalt  }
0x51: {  	_ =	shalt  }
0x52: {  	_ =	shalt  }
0x53: {  	_ =	shalt  }
0x54: {  	_ =	shalt  }
0x55: {  	_ =	shalt  }
0x56: {  	_ =	shalt  }
0x57: {  	_ =	shalt  }
0x58: {  	_ =	shalt  }
0x59: {  	_ =	shalt  }
0x5a: {  	_ =	shalt  }
0x5b: {  	_ =	shalt  }
0x5c: {  	_ =	shalt  }
0x5d: {  	_ =	shalt  }
0x5e: {  	_ =	shalt  }
0x5f: {  	_ =	shalt  }
0x60: {  	_ =	shalt  }
0x61: {  	_ =	shalt  }
0x62: {  	_ =	shalt  }
0x63: {  	_ =	shalt  }
0x64: {  	_ =	shalt  }
0x65: {  	_ =	shalt  }
0x66: {  	_ =	shalt  }
0x67: {  	_ =	shalt  }
0x68: {  	_ =	shalt  }
0x69: {  	_ =	shalt  }
0x6a: {  	_ =	shalt  }
0x6b: {  	_ =	shalt  }
0x6c: {  	_ =	shalt  }
0x6d: {  	_ =	shalt  }
0x6e: {  	_ =	shalt  }
0x6f: {  	_ =	shalt  }
0x70: {  	_ =	shalt  }
0x71: {  	_ =	shalt  }
0x72: {  	_ =	shalt  }
0x73: {  	_ =	shalt  }
0x74: {  	_ =	shalt  }
0x75: {  	_ =	shalt  }
0x76: {  	_ =	shalt  }
0x77: {  	_ =	shalt  }
0x78: {  	_ =	shalt  }
0x79: {  	_ =	shalt  }
0x7a: {  	_ =	shalt  }
0x7b: {  	_ =	shalt  }
0x7c: {  	_ =	shalt  }
0x7d: {  	_ =	shalt  }
0x7e: {  	_ =	shalt  }
0x7f: {  	_ =	shalt  }
0x80: {  	_ =	shalt  }
0x81: {  	_ =	shalt  }
0x82: {  	_ =	shalt  }
0x83: {  	_ =	shalt  }
0x84: {  	_ =	shalt  }
0x85: {  	_ =	shalt  }
0x86: {  	_ =	shalt  }
0x87: {  	_ =	shalt  }
.Lfunc_end0:
.L_simem_size_0:
called_computation_lowered:
.L_overlay_start_0:
0x88: {  	s2 =	sld [smem:$0x3FD9]  }
0x89: {  	s3 =	sld [smem:$0x3FFE];
	_ =	sdelay $0x1  }
0x8a: {  	s1 =	srdreg.scid  }
0x8b: {  	s0 =	sand.u32 $0x1, s1  }
0x8c: {  	s17 =	sshll.u32 s0, $0xA;
	s2 =	sadd.s32 s3, s2  }
0x8d: {  	s2 =	sadd.s32 s2, s17  }
0x8e: {  	[smem:$0x3FBD] =	sst s2  }
0x8f: {  	_ = 	snop  }
0x90: {  	s2 =	sld [smem:$0x3FC9]  }
0x91: {  	s18 =	sld [smem:$0x3FC8]  }
0x92: {  	s4 =	sld [smem:$0x3FC7]  }
0x93: {  	s5 =	sld [smem:$0x3FC6]  }
0x94: {  	s6 =	sld [smem:$0x3FC5]  }
0x95: {  	s7 =	sld [smem:$0x3FC4]  }
0x96: {  	s8 =	sld [smem:$0x3FC3]  }
0x97: {  	s9 =	sld [smem:$0x3FC0]  }
0x98: {  	s10 =	sld [smem:$0x3FD0];
	(tm) =	ssettm $0x1  }
0x99: {  	s11 =	sld [smem:$0x3FFB];
	_ =	sdelay $0x3  }
0x9a: {  	_ =	strace s11  }
0x9b: {  	s11 =	sld [smem:$0x3FFC];
	_ =	sdelay $0x3  }
0x9c: {  	_ =	strace s11  }
0x9d: {  	s11 =	sld [smem:$0x3FFD];
	_ =	sdelay $0x3  }
0x9e: {  	_ =	strace s11  }
0x9f: {  	_ =	strace $0x8FFFFFFF  }
0xa0: {  	s19 =	sld [smem:$0x3FDB];
	_ =	sdelay $0x1  }
0xa1: {  	s12 =	simm.s32 $_scs_section_size  }
0xa2: {  	s13 =	simm.s32 $_size__tile_overlayer_lowered;
	s14 =	simm.s32 $_tile_overlayer_lowered  }
0xa3: {  	s22 =	simm.s32 $0x1BFF;
	s21 =	sshll.u32 s14, $0x1;
	s11 =	sadd.s32 s12, s19  }
0xa4: {  	s15 =	simm.s32 $0x0;
	s20 =	sshll.u32 s13, $0x1;
	s13 =	sadd.s32 s21, s11  }
0xa5: {  	[timem:s15], [sflag:s22] =	dma.local [hbm:s13], s20  }
0xa6: {  	_ =	swait.ge [sflag:s22], s20  }
0xa7: {  	s12 =	ssub.s32 $0x0, s20;
	[sflag:s22] =	ssyncset.done $0x0  }
0xa8: {  	[sflag:s22] =	ssyncadd.s32 s12;
	_ =	sdelay $0x1  }
0xa9: {  	s23 =	simm.s32 $0x1B8B  }
0xaa: {  	_ =	swait.ge [sflag:s23], $0x1  }
0xab: {  	[sflag:s23] =	ssyncset.done $0x0  }
0xac: {  	s25 =	simm.s32 $0x1B8E;
	s24 =	sld [smem:$0x3FFE];
	[sflag:s23] =	ssyncadd.s32 $0xFFFFFFFF  }
0xad: {  	s26 =	simm.s32 $execute0_lowered;
	[smem:$0x3FD2] =	sst s25  }
0xae: {  	s13 =	sshll.u32 s26, $0x1;
	_ =	strace $0x80000046;
	[dreg:$0x1] =	wrdreg $0xFFFFFFFF  }
0xaf: {  	s28 =	simm.s32 $_size_execute0_lowered;
	s11 =	sadd.s32 s11, s13;
	[dreg:$0x0] =	wrdreg $0x0  }
0xb0: {  	s13 =	sshll.u32 s28, $0x1;
	[dreg:$0x2] =	wrdreg s11  }
0xb1: {  	[dreg:$0x3] =	wrdreg s13  }
0xb2: {  	[dreg:$0x4] =	wrdreg $0xC0  }
0xb3: {  	_ =	task [dreg:s15], $0x5FFFF  }
0xb4: {  	[dreg:$0x1] =	wrdreg $0xFFFFFFFF  }
0xb5: {  	[dreg:$0x0] =	wrdreg $0x60  }
0xb6: {  	[dreg:$0x2] =	wrdreg s2  }
0xb7: {  	[dreg:$0x3] =	wrdreg s18  }
0xb8: {  	[dreg:$0x4] =	wrdreg s4  }
0xb9: {  	[dreg:$0x5] =	wrdreg s5  }
0xba: {  	[dreg:$0x6] =	wrdreg s6  }
0xbb: {  	[dreg:$0x7] =	wrdreg s7  }
0xbc: {  	[dreg:$0x8] =	wrdreg s8  }
0xbd: {  	[dreg:$0x9] =	wrdreg s24  }
0xbe: {  	[dreg:$0xa] =	wrdreg s9  }
0xbf: {  	[dreg:$0xb] =	wrdreg s10  }
0xc0: {  	[dreg:$0xc] =	wrdreg $0x9  }
0xc1: {  	_ =	task.clear_ibuf [dreg:s15], $0xDFFFF;
	_ =	strace $0x90000046  }
0xc2: {  	s29 =	simm.s32 $0x9;
	_ =	strace $0x80000048  }
0xc3: {  	_ =	swait.ge [sflag:s29], $0x1  }
0xc4: {  	[sflag:s29] =	ssyncadd.s32 $0xFFFFFFFF  }
0xc5: {  	_ =	strace $0x90000048  }
0xc6: {  	_ =	sfence  }
0xc7: {  	s30 =	sld [smem:$0x0];
	_ =	sdelay $0x2  }
0xc8: {  	s31 =	sshll.u32 s1, $0xD;
	s1 =	sshrl.u32 s1, $0x2  }
0xc9: {  	s3 =	sand.u32 $0x4000, s31;
	s1 =	sadd.s32 s1, s30  }
0xca: {  	s0 =	sor.u32 s3, s0;
	s1 =	sshll.u32 s1, $0x11  }
0xcb: {  	s0 =	sor.u32 s1, s0  }
0xcc: {  	s0 =	sadd.s32 $0x8F2B, s0  }
0xcd: {  	[sflag:s0] =	ssyncadd.remote.s32 $0x1  }
0xce: {  	_ =	sfence.sel $0xFFFF  }
0xcf: {  	[dreg:$0x0] =	wrdreg $0xFFFFFFFF;
	(pc) =	sbr.abs _section_cstart, $3  }
0xd0: {  	[dreg:$0x1] =	wrdreg $0xFFFFFFFF  }
0xd1: {  	_ =	task.clear_ibuf [dreg:s15], $0x2FFFF;
	_ =	strace $0x9FFFFFFF  }
0xd2: {  	(tm) =	ssettm $0x7FFFFFFF  }
0xd3: {  	_ =	shalt  }
tec
execute0_lowered:
.L_overlay_start_1:
0x0: {  	(tag) =	ssettag $0x1  }
0x1: {  	s10 =	rddreg [dreg:$0x0]  }
0x2: {  	s6 =	rddreg [dreg:$0x1]  }
0x3: {  	s1 =	rddreg [dreg:$0x2]  }
0x4: {  	s0 =	rddreg [dreg:$0x3]  }
0x5: {  	s2 =	rddreg [dreg:$0x4]  }
0x6: {  	s4 =	rddreg [dreg:$0x6]  }
0x7: {  	s5 =	rddreg [dreg:$0x7]  }
0x8: {  	s3 =	rddreg [dreg:$0x9];
	s7 =	simm.s32 $0x0  }
0x9: {  	s8 =	simm.s32 $0x1C00;
	[smem:$0x7FF] =	sst s7  }
0xa: {  	s11 =	simm.s32 $0x9C00;
	_ =	strace $0x80000047;
	[dreg:$0xb] =	wrdreg s8  }
0xb: {  	s12 =	simm.s32 $0x11C00;
	[dreg:$0xc] =	wrdreg s11  }
0xc: {  	s13 =	simm.s32 $0x19480;
	[dreg:$0xd] =	wrdreg s12  }
0xd: {  	s14 =	simm.s32 $0x19C80;
	[dreg:$0xe] =	wrdreg s13  }
0xe: {  	s15 =	simm.s32 $0x1A480;
	[dreg:$0xf] =	wrdreg s14  }
0xf: {  	s16 =	simm.s32 $0x2400;
	[dreg:$0x10] =	wrdreg s15  }
0x10: {  	s17 =	simm.s32 $0xA400;
	[dreg:$0x11] =	wrdreg s16  }
0x11: {  	s18 =	simm.s32 $0x12400;
	[dreg:$0x12] =	wrdreg s17  }
0x12: {  	s19 =	simm.s32 $0x19500;
	[dreg:$0x13] =	wrdreg s18  }
0x13: {  	s20 =	simm.s32 $0x19D00;
	[dreg:$0x14] =	wrdreg s19  }
0x14: {  	s21 =	simm.s32 $0x1A500;
	[dreg:$0x15] =	wrdreg s20  }
0x15: {  	s22 =	simm.s32 $0x2C00;
	[dreg:$0x16] =	wrdreg s21  }
0x16: {  	s23 =	simm.s32 $0xAC00;
	[dreg:$0x17] =	wrdreg s22  }
0x17: {  	s24 =	simm.s32 $0x12C00;
	[dreg:$0x18] =	wrdreg s23  }
0x18: {  	s25 =	simm.s32 $0x19580;
	[dreg:$0x19] =	wrdreg s24  }
0x19: {  	s26 =	simm.s32 $0x19D80;
	[dreg:$0x1a] =	wrdreg s25  }
0x1a: {  	s9 =	simm.s32 $0x1A580;
	[dreg:$0x1b] =	wrdreg s26  }
0x1b: {  	[dreg:$0x1c] =	wrdreg s9;
	s11 =	simm.s32 $0x3400  }
0x1c: {  	s12 =	simm.s32 $0xB400;
	[dreg:$0x1d] =	wrdreg s11  }
0x1d: {  	s13 =	simm.s32 $0x13400;
	[dreg:$0x1e] =	wrdreg s12  }
0x1e: {  	s14 =	simm.s32 $0x19600;
	[dreg:$0x1f] =	wrdreg s13  }
0x1f: {  	s15 =	simm.s32 $0x19E00;
	[smem:$0x7B6] =	sst s14  }
0x20: {  	s16 =	simm.s32 $0x1A600;
	[smem:$0x7B7] =	sst s15  }
0x21: {  	s17 =	simm.s32 $0x3C00;
	[smem:$0x7B8] =	sst s16  }
0x22: {  	s18 =	simm.s32 $0xBC00;
	[smem:$0x7B9] =	sst s17  }
0x23: {  	s19 =	simm.s32 $0x13C00;
	[smem:$0x7BA] =	sst s18  }
0x24: {  	s20 =	simm.s32 $0x19680;
	[smem:$0x7BB] =	sst s19  }
0x25: {  	s21 =	simm.s32 $0x19E80;
	[smem:$0x7BC] =	sst s20  }
0x26: {  	s22 =	simm.s32 $0x1A680;
	[smem:$0x7BD] =	sst s21  }
0x27: {  	s23 =	simm.s32 $0x4400;
	[smem:$0x7BE] =	sst s22  }
0x28: {  	s24 =	simm.s32 $0xC400;
	[smem:$0x7BF] =	sst s23  }
0x29: {  	s25 =	simm.s32 $0x14400;
	[smem:$0x7C0] =	sst s24  }
0x2a: {  	s26 =	simm.s32 $0x19700;
	[smem:$0x7C1] =	sst s25  }
0x2b: {  	s9 =	simm.s32 $0x19F00;
	[smem:$0x7C2] =	sst s26  }
0x2c: {  	[smem:$0x7C3] =	sst s9;
	s11 =	simm.s32 $0x1A700  }
0x2d: {  	s12 =	simm.s32 $0x4C00;
	[smem:$0x7C4] =	sst s11  }
0x2e: {  	s13 =	simm.s32 $0xCC00;
	[smem:$0x7C5] =	sst s12  }
0x2f: {  	s14 =	simm.s32 $0x14C00;
	[smem:$0x7C6] =	sst s13  }
0x30: {  	s15 =	simm.s32 $0x19780;
	[smem:$0x7C7] =	sst s14  }
0x31: {  	s16 =	simm.s32 $0x19F80;
	[smem:$0x7C8] =	sst s15  }
0x32: {  	s17 =	simm.s32 $0x1A780;
	[smem:$0x7C9] =	sst s16  }
0x33: {  	s18 =	simm.s32 $0x5400;
	[smem:$0x7CA] =	sst s17  }
0x34: {  	s19 =	simm.s32 $0xD400;
	[smem:$0x7CB] =	sst s18  }
0x35: {  	s20 =	simm.s32 $0x15400;
	[smem:$0x7CC] =	sst s19  }
0x36: {  	s21 =	simm.s32 $0x19800;
	[smem:$0x7CD] =	sst s20  }
0x37: {  	s22 =	simm.s32 $0x1A000;
	[smem:$0x7CE] =	sst s21  }
0x38: {  	s23 =	simm.s32 $0x1A800;
	[smem:$0x7CF] =	sst s22  }
0x39: {  	s24 =	simm.s32 $0x5C00;
	[smem:$0x7D0] =	sst s23  }
0x3a: {  	s25 =	simm.s32 $0xDC00;
	[smem:$0x7D1] =	sst s24  }
0x3b: {  	s26 =	simm.s32 $0x15C00;
	[smem:$0x7D2] =	sst s25  }
0x3c: {  	s9 =	simm.s32 $0x19880;
	[smem:$0x7D3] =	sst s26  }
0x3d: {  	[smem:$0x7D4] =	sst s9;
	s11 =	simm.s32 $0x1A080  }
0x3e: {  	s12 =	simm.s32 $0x1A880;
	[smem:$0x7D5] =	sst s11  }
0x3f: {  	s13 =	simm.s32 $0x6400;
	[smem:$0x7D6] =	sst s12  }
0x40: {  	s14 =	simm.s32 $0xE400;
	[smem:$0x7D7] =	sst s13  }
0x41: {  	s15 =	simm.s32 $0x16400;
	[smem:$0x7D8] =	sst s14  }
0x42: {  	s16 =	simm.s32 $0x19900;
	[smem:$0x7D9] =	sst s15  }
0x43: {  	s17 =	simm.s32 $0x1A100;
	[smem:$0x7DA] =	sst s16  }
0x44: {  	s18 =	simm.s32 $0x1A900;
	[smem:$0x7DB] =	sst s17  }
0x45: {  	s19 =	simm.s32 $0x6C00;
	[smem:$0x7DC] =	sst s18  }
0x46: {  	s20 =	simm.s32 $0xEC00;
	[smem:$0x7DD] =	sst s19  }
0x47: {  	s9 =	simm.s32 $0x16C00;
	[smem:$0x7DE] =	sst s20  }
0x48: {  	s21 =	simm.s32 $0x1A180;
	[smem:$0x7DF] =	sst s9  }
0x49: {  	s22 =	simm.s32 $0x1A980;
	[smem:$0x7E1] =	sst s21  }
0x4a: {  	s23 =	simm.s32 $0x7400;
	[smem:$0x7E2] =	sst s22  }
0x4b: {  	s24 =	simm.s32 $0xF400;
	[smem:$0x7E3] =	sst s23  }
0x4c: {  	s25 =	simm.s32 $0x17400;
	[smem:$0x7E4] =	sst s24  }
0x4d: {  	s28 =	simm.s32 $0x9400;
	s26 =	simm.s32 $0x19A00;
	[smem:$0x7E5] =	sst s25  }
0x4e: {  	s29 =	simm.s32 $0xC3800;
	s11 =	simm.s32 $0x19980;
	[smem:$0x7E6] =	sst s26  }
0x4f: {  	s30 =	simm.s32 $0x11400;
	s18 =	simm.s32 $0x1AA00;
	[smem:$0x7E0] =	sst s11  }
0x50: {  	s31 =	simm.s32 $0x19400;
	s19 =	simm.s32 $0x7C00;
	[smem:$0x7E8] =	sst s18  }
0x51: {  	s8 =	sadd.s32 $0x3200, s5;
	s20 =	simm.s32 $0xFC00;
	[smem:$0x7E9] =	sst s19  }
0x52: {  	s9 =	sadd.s32 $0x21C00, s5;
	s22 =	simm.s32 $0x17C00;
	[smem:$0x7EA] =	sst s20  }
0x53: {  	s12 =	srdreg.scid;
	s23 =	simm.s32 $0x19A80;
	[smem:$0x7EC] =	sst s22  }
0x54: {  	s15 =	stileid.u32;
	s24 =	simm.s32 $0x1A280;
	[smem:$0x7EE] =	sst s23  }
0x55: {  	s26 =	simm.s32 $0x1AA80;
	s12 =	sand.u32 $0x1, s12;
	[smem:$0x7EF] =	sst s24  }
0x56: {  	s17 =	sshll.u32 s15, $0xA;
	[smem:$0x7F0] =	sst s26;
	s11 =	simm.s32 $0x8400  }
0x57: {  	s18 =	simm.s32 $0x19B00;
	s19 =	simm.s32 $0x1A300;
	[smem:$0x7F2] =	sst s11  }
0x58: {  	s20 =	simm.s32 $0x1AB00;
	s22 =	simm.s32 $0x10C00;
	[smem:$0x7F5] =	sst s18  }
0x59: {  	s23 =	simm.s32 $0x18C00;
	s24 =	simm.s32 $0x19B80;
	[smem:$0x7F6] =	sst s19  }
0x5a: {  	s26 =	simm.s32 $0x1AB80;
	s13 =	ssub.s32 $0x2, s12;
	[smem:$0x7F7] =	sst s20  }
0x5b: {  	s12 =	sshll.u32 s12, $0x9;
	s20 =	simm.s32 $0x400;
	[smem:$0x7F9] =	sst s22  }
0x5c: {  	s22 =	simm.s32 $0x1AC00;
	[smem:$0x7FA] =	sst s23;
	s23 =	simm.s32 $0x1EC00  }
0x5d: {  	[smem:$0x7FB] =	sst s24;
	s24 =	simm.s32 $0x1;
	s14 =	sshrl.u32 s13, $0x1  }
0x5e: {  	[smem:$0x7FD] =	sst s26;
	s26 =	simm.s32 $0x1400;
	s16 =	ssub.s32 s13, s14  }
0x5f: {  	s14 =	simm.s32 $0x1A200;
	s13 =	sor.u32 s12, s17;
	s17 =	simm.s32 $0x18400  }
0x60: {  	v1 =	vlaneseq.u32;
	[smem:$0x7E7] =	sst s14;
	s21 =	sshrl.u32 s13, $0x3;
	s25 =	sshrl.u32 s13, $0x2  }
0x61: {  	v0 =	vmul.u32 $0x800, v1;
	s14 =	simm.s32 $0x10400;
	s16 =	smax.u32 s16, $0x1;
	[smem:$0x7F4] =	sst s17  }
0x62: {  	v1 =	vmul.u32 $0x80, v1;
	s17 =	simm.s32 $0x0;
	s10 =	sadd.s32 s10, s21;
	[smem:$0x7F3] =	sst s14  }
0x63: {  	v2 =	vor.u32 $0x80, v0;
	v3 =	vor.u32 $0x100, v0;
	v4 =	vor.u32 $0x180, v0;
	s6 =	sadd.s32 s6, s21;
	s13 =	sadd.s32 s1, s25;
	[smem:$0x7EB] =	sst s10  }
0x64: {  	v5 =	vor.u32 $0x200, v0;
	v6 =	vor.u32 $0x280, v0;
	v7 =	vor.u32 $0x300, v0;
	s15 =	sadd.s32 s3, s21;
	s21 =	simm.s32 $0x8C00;
	[smem:$0x7ED] =	sst s6  }
0x65: {  	v8 =	vor.u32 $0x380, v0;
	v9 =	vor.u32 $0x400, v0;
	v10 =	vor.u32 $0x480, v0;
	s25 =	simm.s32 $0x1A380;
	s1 =	simm.s32 $0x19C00;
	[smem:$0x7F8] =	sst s21  }
0x66: {  	v11 =	vor.u32 $0x500, v0;
	v12 =	vor.u32 $0x580, v0;
	v13 =	vor.u32 $0x600, v0;
	s12 =	sadd.s32 $0x10, s13;
	[smem:$0x7FC] =	sst s25;
	s25 =	simm.s32 $0x7A1400  }
0x67: {  	v14 =	vor.u32 $0x680, v0;
	v15 =	vor.u32 $0x700, v0;
	v16 =	vor.u32 $0x780, v0;
	s10 =	simm.s32 $0x1A400;
	s6 =	simm.s32 $0x2;
	[smem:$0x7F1] =	sst s12  }
.LBB2_1:
0x68: {  	s3 =	sld [smem:$0x7EB];
	_ =	sdelay $0x1  }
0x69: {  	s21 =	sld [smem:$0x7ED]  }
0x6a: {  	[tilespmem:s7], [sflag:$0x1] =	stream.linear.gather [hbm4b:s3+s7], $0x200, $0x38;
	[tilespmem:$0x1F200] =	vst v63  }
0x6b: {  	s11 =	simm.s32 $0x200  }
0x6c: {  	[tilespmem:s11], [sflag:$0x1] =	stream.linear.gather [hbm4b:s21+s7], $0x200, $0x38;
	[tilespmem:$0x1F200] =	vst v63  }
0x6d: {  	s12 =	simm.s32 $0x100;
	s18 =	sld [smem:$0x7F1];
	s3 =	simm.s32 $0x80  }
0x6e: {  	[tilespmem:s20], [sflag:$0x1] =	stream.strided.gather [hbm4b:s13+s3], $0x200, s12, s3, $0x38;
	[tilespmem:$0x1F200] =	vst v63  }
0x6f: {  	s14 =	simm.s32 $0x600  }
0x70: {  	[tilespmem:s14], [sflag:$0x1] =	stream.strided.gather [hbm4b:s18+s3], $0x200, s12, s3, $0x38;
	[tilespmem:$0x1F200] =	vst v63  }
0x71: {  	s19 =	rddreg [dreg:$0x5]  }
0x72: {  	[tilespmem:s22], [sflag:$0x1] =	stream.linear.gather [hbm4b:s19+s7], $0x4000, $0x38;
	[tilespmem:$0x1F200] =	vst v63  }
0x73: {  	s21 =	rddreg [dreg:$0x8]  }
0x74: {  	[tilespmem:s23], [sflag:$0x1] =	stream.linear.gather [hbm4b:s21+s7], $0x400, $0x38;
	[tilespmem:$0x1F200] =	vst v63  }
0x75: {  	_ =	swait.ge [sflag:s24], $0x200  }
0x76: {  	[sflag:s24] =	ssyncset.done $0x0  }
0x77: {  	[sflag:s24] =	ssyncadd.s32 $0xFFFFFE00  }
0x78: {  	_ =	swait.ge [sflag:s24], $0x200  }
0x79: {  	[sflag:s24] =	ssyncset.done $0x0  }
0x7a: {  	[sflag:s24] =	ssyncadd.s32 $0xFFFFFE00  }
0x7b: {  	_ =	swait.ge [sflag:s24], $0x200  }
0x7c: {  	[sflag:s24] =	ssyncset.done $0x0  }
0x7d: {  	[sflag:s24] =	ssyncadd.s32 $0xFFFFFE00  }
0x7e: {  	_ =	swait.ge [sflag:s24], $0x200  }
0x7f: {  	[sflag:s24] =	ssyncset.done $0x0  }
0x80: {  	s21 =	simm.s32 $0x0;
	[sflag:s24] =	ssyncadd.s32 $0xFFFFFE00  }
0x81: {  	v20 =	vld [tilespmem:s21+$0x600]  }
0x82: {  	v21 =	vld [tilespmem:s21+$0x0]  }
0x83: {  	v22 =	vld [tilespmem:s21+$0x200];
	_ =	sdelay $0x2  }
0x84: {  	s3 =	simm.s32 $0x10;
	v18 =	vand.u32 $0x7F, v20  }
0x85: {  	v17 =	vld [tilespmem:s3+$0x600];
	[tilespmem:s21+$0x1200] =	vst v18;
	v18 =	vand.u32 $0xFFFFFF80, v21  }
0x86: {  	v23 =	vand.u32 $0xFFFFFF80, v22;
	v19 =	vld [tilespmem:s3+$0x0];
	[tilespmem:s21+$0x800] =	vst v18  }
0x87: {  	v20 =	vand.u32 $0xFFFFFF80, v20;
	v18 =	vld [tilespmem:s3+$0x200];
	[tilespmem:s21+$0xA00] =	vst v23  }
0x88: {  	v21 =	vand.u32 $0x7F, v21;
	[tilespmem:s21+$0xC00] =	vst v20  }
0x89: {  	s11 =	simm.s32 $0x80;
	v20 =	vand.u32 $0x7F, v22;
	[tilespmem:s21+$0xE00] =	vst v21  }
.LBB2_2:
0x8a: {  	s12 =	sshra.s32 s11, $0x2;
	p0 =	sne.s32 s11, $0x7C0;
	s11 =	sadd.s32 $0x40, s11;
	v21 =	vand.u32 $0xFFFFFF80, v17;
	v22 =	vand.u32 $0x7F, v17;
	[tilespmem:s21+$0x1000] =	vst v20  }
.Ltmp0:
0x8b: {  	s21 =	smov.u32 s3;
	v17 =	vld [tilespmem:s12+$0x600];
	v20 =	vand.u32 $0xFFFFFF80, v19;
	v23 =	vand.u32 $0x7F, v19;
	[tilespmem:s3+$0x1200] =	vst v22;
	s3 =	smov.u32 s12;
	(pc) =	sbr.rel @p0 .LBB2_2-.Ltmp0, $4  }
0x8c: {  	v19 =	vld [tilespmem:s3+$0x0];
	[tilespmem:s21+$0x800] =	vst v20;
	v22 =	vand.u32 $0xFFFFFF80, v18;
	v20 =	vand.u32 $0x7F, v18  }
0x8d: {  	v18 =	vld [tilespmem:s3+$0x200];
	[tilespmem:s21+$0xA00] =	vst v22  }
0x8e: {  	[tilespmem:s21+$0xC00] =	vst v21  }
0x8f: {  	[tilespmem:s21+$0xE00] =	vst v23  }
0x90: {  	v21 =	vand.u32 $0x7F, v17;
	[tilespmem:s21+$0x1000] =	vst v20  }
0x91: {  	v17 =	vand.u32 $0xFFFFFF80, v17;
	[tilespmem:s3+$0x1200] =	vst v21  }
0x92: {  	v62 =	vand.u32 $0xFFFFFF80, v19;
	[tilespmem:s3+$0xC00] =	vst v17  }
0x93: {  	v19 =	vand.u32 $0x7F, v19;
	[tilespmem:s3+$0x800] =	vst v62  }
0x94: {  	v63 =	vand.u32 $0xFFFFFF80, v18;
	[tilespmem:s3+$0xE00] =	vst v19  }
0x95: {  	v17 =	vand.u32 $0x7F, v18;
	[tilespmem:s3+$0xA00] =	vst v63  }
0x96: {  	[tilespmem:s3+$0x1000] =	vst v17  }
0x97: {  	_ =	swait.ge [sflag:s24], $0x4000  }
0x98: {  	[sflag:s24] =	ssyncset.done $0x0  }
0x99: {  	[sflag:s24] =	ssyncadd.s32 $0xFFFFC000  }
0x9a: {  	_ =	swait.ge [sflag:s24], $0x400  }
0x9b: {  	[sflag:s24] =	ssyncset.done $0x0  }
0x9c: {  	s21 =	simm.s32 $0x0;
	[sflag:s24] =	ssyncadd.s32 $0xFFFFFC00  }
.LBB2_4:
0x9d: {  	s3 =	sshra.s32 s21, $0x2  }
0x9e: {  	v19 =	vld [tilespmem:s3+$0x800]  }
0x9f: {  	v18 =	vld [tilespmem:s3+$0xA00]  }
0xa0: {  	v17 =	vld [tilespmem:s3+$0xC00];
	_ =	sdelay $0x2  }
0xa1: {  	(v2sf) =	vpush v19, $0x0  }
0xa2: {  	(v2sf) =	vpush v18, $0x0  }
0xa3: {  	(v2sf) =	vpush v17, $0x0;
	_ =	sdelay $0xc  }
0xa4: {  	s11 =	spop (v2sf)  }
0xa5: {  	(v2sf) =	vpush v19, $0x1;
	s12 =	sand.u32 $0x1FFFFF80, s11;
	s18 =	spop (v2sf)  }
0xa6: {  	s12 =	sadd.s32 s0, s12;
	s14 =	sand.u32 $0x1FFFFF80, s18;
	s19 =	spop (v2sf)  }
0xa7: {  	(v2sf) =	vpush v18, $0x1;
	[tilespmem:s26], [sflag:$0x1] =	stream.strided.gather [hbm4b:s12+s20], $0x800, s25, s20, $0x38;
	[tilespmem:$0x1F200] =	vst v63  }
0xa8: {  	s11 =	sshrl.u32 s11, $0x3;
	s12 =	sadd.s32 s2, s14;
	s14 =	sand.u32 $0x1FFFFF80, s19  }
0xa9: {  	[tilespmem:s28], [sflag:$0x1] =	stream.strided.gather [hbm4b:s12+s20], $0x800, s25, s20, $0x38;
	[tilespmem:$0x1F200] =	vst v63  }
0xaa: {  	s11 =	sand.u32 $0x1FFFFFF0, s11;
	s12 =	sadd.s32 s4, s14  }
0xab: {  	[tilespmem:s30], [sflag:$0x1] =	stream.strided.gather [hbm4b:s12+s20], $0x800, s29, s20, $0x38;
	[tilespmem:$0x1F200] =	vst v63  }
0xac: {  	s18 =	sshrl.u32 s18, $0x3;
	(v2sf) =	vpush v17, $0x1;
	s11 =	sadd.s32 s8, s11  }
0xad: {  	[tilespmem:s31], [sflag:$0x1] =	stream.linear.gather [hbm4b:s11+s7], $0x80, $0x38;
	[tilespmem:$0x1F200] =	vst v63  }
0xae: {  	s11 =	sand.u32 $0x1FFFFFF0, s18  }
0xaf: {  	s12 =	sshrl.u32 s19, $0x3;
	s11 =	sadd.s32 s9, s11  }
0xb0: {  	[tilespmem:s1], [sflag:$0x1] =	stream.linear.gather [hbm4b:s11+s7], $0x80, $0x38;
	[tilespmem:$0x1F200] =	vst v63  }
0xb1: {  	s11 =	sand.u32 $0x1FFFFFF0, s12  }
0xb2: {  	s11 =	sadd.s32 s5, s11  }
0xb3: {  	[tilespmem:s10], [sflag:$0x1] =	stream.linear.gather [hbm4b:s11+s7], $0x80, $0x38;
	[tilespmem:$0x1F200] =	vst v63  }
0xb4: {  	s11 =	spop (v2sf)  }
0xb5: {  	s19 =	sand.u32 $0x1FFFFF80, s11  }
0xb6: {  	s14 =	rddreg [dreg:$0xb];
	s12 =	spop (v2sf);
	s18 =	sadd.s32 s0, s19  }
0xb7: {  	[tilespmem:s14], [sflag:$0x1] =	stream.strided.gather [hbm4b:s18+s20], $0x800, s25, s20, $0x38;
	[tilespmem:$0x1F200] =	vst v63  }
0xb8: {  	(v2sf) =	vpush v19, $0x2;
	s14 =	sand.u32 $0x1FFFFF80, s12  }
0xb9: {  	s18 =	rddreg [dreg:$0xc];
	s19 =	sadd.s32 s2, s14  }
0xba: {  	(v2sf) =	vpush v18, $0x2;
	[tilespmem:s18], [sflag:$0x1] =	stream.strided.gather [hbm4b:s19+s20], $0x800, s25, s20, $0x38;
	[tilespmem:$0x1F200] =	vst v63  }
0xbb: {  	s18 =	spop (v2sf)  }
0xbc: {  	s11 =	sshrl.u32 s11, $0x3;
	s14 =	sand.u32 $0x1FFFFF80, s18  }
0xbd: {  	s11 =	sand.u32 $0x1FFFFFF0, s11;
	s19 =	rddreg [dreg:$0xd];
	s14 =	sadd.s32 s4, s14  }
0xbe: {  	[tilespmem:s19], [sflag:$0x1] =	stream.strided.gather [hbm4b:s14+s20], $0x800, s29, s20, $0x38;
	[tilespmem:$0x1F200] =	vst v63  }
0xbf: {  	s11 =	sadd.s32 s8, s11;
	(v2sf) =	vpush v17, $0x2;
	s19 =	rddreg [dreg:$0xe];
	s14 =	sshrl.u32 s12, $0x3  }
0xc0: {  	[tilespmem:s19], [sflag:$0x1] =	stream.linear.gather [hbm4b:s11+s7], $0x80, $0x38;
	[tilespmem:$0x1F200] =	vst v63  }
0xc1: {  	s11 =	sand.u32 $0x1FFFFFF0, s14  }
0xc2: {  	s19 =	rddreg [dreg:$0xf];
	s14 =	sshrl.u32 s18, $0x3;
	s11 =	sadd.s32 s9, s11  }
0xc3: {  	[tilespmem:s19], [sflag:$0x1] =	stream.linear.gather [hbm4b:s11+s7], $0x80, $0x38;
	[tilespmem:$0x1F200] =	vst v63  }
0xc4: {  	s11 =	sand.u32 $0x1FFFFFF0, s14  }
0xc5: {  	s18 =	rddreg [dreg:$0x10];
	s11 =	sadd.s32 s5, s11  }
0xc6: {  	[tilespmem:s18], [sflag:$0x1] =	stream.linear.gather [hbm4b:s11+s7], $0x80, $0x38;
	[tilespmem:$0x1F200] =	vst v63  }
0xc7: {  	s11 =	spop (v2sf)  }
0xc8: {  	s18 =	sand.u32 $0x1FFFFF80, s11  }
0xc9: {  	s19 =	rddreg [dreg:$0x11];
	s12 =	spop (v2sf);
	s14 =	sadd.s32 s0, s18  }
0xca: {  	[tilespmem:s19], [sflag:$0x1] =	stream.strided.gather [hbm4b:s14+s20], $0x800, s25, s20, $0x38;
	[tilespmem:$0x1F200] =	vst v63  }
0xcb: {  	s19 =	sand.u32 $0x1FFFFF80, s12  }
0xcc: {  	s14 =	rddreg [dreg:$0x12];
	s18 =	sadd.s32 s2, s19  }
0xcd: {  	(v2sf) =	vpush v19, $0x3;
	[tilespmem:s14], [sflag:$0x1] =	stream.strided.gather [hbm4b:s18+s20], $0x800, s25, s20, $0x38;
	[tilespmem:$0x1F200] =	vst v63  }
0xce: {  	s14 =	spop (v2sf);
	(v2sf) =	vpush v18, $0x3;
	_ =	sdelay $0x2  }
0xcf: {  	s11 =	sshrl.u32 s11, $0x3;
	s19 =	sand.u32 $0x1FFFFF80, s14  }
0xd0: {  	s11 =	sand.u32 $0x1FFFFFF0, s11;
	s18 =	rddreg [dreg:$0x13];
	s19 =	sadd.s32 s4, s19  }
0xd1: {  	[tilespmem:s18], [sflag:$0x1] =	stream.strided.gather [hbm4b:s19+s20], $0x800, s29, s20, $0x38;
	[tilespmem:$0x1F200] =	vst v63  }
0xd2: {  	s11 =	sadd.s32 s8, s11;
	s19 =	rddreg [dreg:$0x14];
	s18 =	sshrl.u32 s12, $0x3  }
0xd3: {  	[tilespmem:s19], [sflag:$0x1] =	stream.linear.gather [hbm4b:s11+s7], $0x80, $0x38;
	[tilespmem:$0x1F200] =	vst v63  }
0xd4: {  	s11 =	sand.u32 $0x1FFFFFF0, s18  }
0xd5: {  	s14 =	sshrl.u32 s14, $0x3;
	s19 =	rddreg [dreg:$0x15];
	s11 =	sadd.s32 s9, s11  }
0xd6: {  	[tilespmem:s19], [sflag:$0x1] =	stream.linear.gather [hbm4b:s11+s7], $0x80, $0x38;
	[tilespmem:$0x1F200] =	vst v63  }
0xd7: {  	s11 =	sand.u32 $0x1FFFFFF0, s14  }
0xd8: {  	s18 =	rddreg [dreg:$0x16];
	s11 =	sadd.s32 s5, s11  }
0xd9: {  	[tilespmem:s18], [sflag:$0x1] =	stream.linear.gather [hbm4b:s11+s7], $0x80, $0x38;
	[tilespmem:$0x1F200] =	vst v63  }
0xda: {  	s11 =	spop (v2sf)  }
0xdb: {  	s12 =	spop (v2sf)  }
0xdc: {  	(v2sf) =	vpush v17, $0x3;
	_ =	sdelay $0x9  }
0xdd: {  	s19 =	sand.u32 $0x1FFFFF80, s11  }
0xde: {  	s18 =	sadd.s32 s0, s19;
	s14 =	rddreg [dreg:$0x17];
	s19 =	sand.u32 $0x1FFFFF80, s12  }
0xdf: {  	[tilespmem:s14], [sflag:$0x1] =	stream.strided.gather [hbm4b:s18+s20], $0x800, s25, s20, $0x38;
	(v2sf) =	vpush v19, $0x4;
	[tilespmem:$0x1F200] =	vst v63  }
0xe0: {  	s14 =	rddreg [dreg:$0x18];
	s18 =	sadd.s32 s2, s19  }
0xe1: {  	(v2sf) =	vpush v18, $0x4;
	[tilespmem:s14], [sflag:$0x1] =	stream.strided.gather [hbm4b:s18+s20], $0x800, s25, s20, $0x38;
	[tilespmem:$0x1F200] =	vst v63  }
0xe2: {  	s14 =	spop (v2sf)  }
0xe3: {  	s11 =	sshrl.u32 s11, $0x3;
	s19 =	sand.u32 $0x1FFFFF80, s14  }
0xe4: {  	s11 =	sand.u32 $0x1FFFFFF0, s11;
	s18 =	rddreg [dreg:$0x19];
	s19 =	sadd.s32 s4, s19  }
0xe5: {  	[tilespmem:s18], [sflag:$0x1] =	stream.strided.gather [hbm4b:s19+s20], $0x800, s29, s20, $0x38;
	[tilespmem:$0x1F200] =	vst v63  }
0xe6: {  	s11 =	sadd.s32 s8, s11;
	(v2sf) =	vpush v17, $0x4;
	s19 =	rddreg [dreg:$0x1a];
	s18 =	sshrl.u32 s12, $0x3  }
0xe7: {  	[tilespmem:s19], [sflag:$0x1] =	stream.linear.gather [hbm4b:s11+s7], $0x80, $0x38;
	[tilespmem:$0x1F200] =	vst v63  }
0xe8: {  	s11 =	sand.u32 $0x1FFFFFF0, s18  }
0xe9: {  	s14 =	sshrl.u32 s14, $0x3;
	s19 =	rddreg [dreg:$0x1b];
	s11 =	sadd.s32 s9, s11  }
0xea: {  	[tilespmem:s19], [sflag:$0x1] =	stream.linear.gather [hbm4b:s11+s7], $0x80, $0x38;
	[tilespmem:$0x1F200] =	vst v63  }
0xeb: {  	s11 =	sand.u32 $0x1FFFFFF0, s14  }
0xec: {  	s18 =	rddreg [dreg:$0x1c];
	s11 =	sadd.s32 s5, s11  }
0xed: {  	[tilespmem:s18], [sflag:$0x1] =	stream.linear.gather [hbm4b:s11+s7], $0x80, $0x38;
	[tilespmem:$0x1F200] =	vst v63  }
0xee: {  	s11 =	spop (v2sf)  }
0xef: {  	s18 =	sand.u32 $0x1FFFFF80, s11  }
0xf0: {  	s19 =	rddreg [dreg:$0x1d];
	s12 =	spop (v2sf);
	s14 =	sadd.s32 s0, s18  }
0xf1: {  	[tilespmem:s19], [sflag:$0x1] =	stream.strided.gather [hbm4b:s14+s20], $0x800, s25, s20, $0x38;
	[tilespmem:$0x1F200] =	vst v63  }
0xf2: {  	s19 =	sand.u32 $0x1FFFFF80, s12  }
0xf3: {  	s14 =	rddreg [dreg:$0x1e];
	s18 =	sadd.s32 s2, s19  }
0xf4: {  	[tilespmem:s14], [sflag:$0x1] =	stream.strided.gather [hbm4b:s18+s20], $0x800, s25, s20, $0x38;
	[tilespmem:$0x1F200] =	vst v63  }
0xf5: {  	(v2sf) =	vpush v19, $0x5;
	s14 =	spop (v2sf)  }
0xf6: {  	s19 =	sand.u32 $0x1FFFFF80, s14  }
0xf7: {  	s18 =	rddreg [dreg:$0x1f];
	s19 =	sadd.s32 s4, s19  }
0xf8: {  	[tilespmem:s18], [sflag:$0x1] =	stream.strided.gather [hbm4b:s19+s20], $0x800, s29, s20, $0x38;
	[tilespmem:$0x1F200] =	vst v63  }
0xf9: {  	s11 =	sshrl.u32 s11, $0x3;
	(v2sf) =	vpush v18, $0x5;
	s19 =	sld [smem:$0x7B6]  }
0xfa: {  	s11 =	sand.u32 $0x1FFFFFF0, s11  }
0xfb: {  	s11 =	sadd.s32 s8, s11  }
0xfc: {  	[tilespmem:s19], [sflag:$0x1] =	stream.linear.gather [hbm4b:s11+s7], $0x80, $0x38;
	[tilespmem:$0x1F200] =	vst v63  }
0xfd: {  	(v2sf) =	vpush v17, $0x5;
	s18 =	sshrl.u32 s12, $0x3;
	s19 =	sld [smem:$0x7B7]  }
0xfe: {  	s11 =	sand.u32 $0x1FFFFFF0, s18  }
0xff: {  	s14 =	sshrl.u32 s14, $0x3;
	s18 =	sld [smem:$0x7B8];
	s11 =	sadd.s32 s9, s11  }
0x100: {  	[tilespmem:s19], [sflag:$0x1] =	stream.linear.gather [hbm4b:s11+s7], $0x80, $0x38;
	[tilespmem:$0x1F200] =	vst v63  }
0x101: {  	s11 =	sand.u32 $0x1FFFFFF0, s14  }
0x102: {  	s11 =	sadd.s32 s5, s11  }
0x103: {  	[tilespmem:s18], [sflag:$0x1] =	stream.linear.gather [hbm4b:s11+s7], $0x80, $0x38;
	[tilespmem:$0x1F200] =	vst v63  }
0x104: {  	s19 =	sld [smem:$0x7B9];
	s11 =	spop (v2sf)  }
0x105: {  	s18 =	sand.u32 $0x1FFFFF80, s11  }
0x106: {  	s14 =	sadd.s32 s0, s18  }
0x107: {  	[tilespmem:s19], [sflag:$0x1] =	stream.strided.gather [hbm4b:s14+s20], $0x800, s25, s20, $0x38;
	[tilespmem:$0x1F200] =	vst v63  }
0x108: {  	s12 =	spop (v2sf);
	s14 =	sld [smem:$0x7BA]  }
0x109: {  	s19 =	sand.u32 $0x1FFFFF80, s12  }
0x10a: {  	s18 =	sadd.s32 s2, s19  }
0x10b: {  	[tilespmem:s14], [sflag:$0x1] =	stream.strided.gather [hbm4b:s18+s20], $0x800, s25, s20, $0x38;
	[tilespmem:$0x1F200] =	vst v63  }
0x10c: {  	(v2sf) =	vpush v19, $0x6;
	s14 =	spop (v2sf);
	s18 =	sld [smem:$0x7BB]  }
0x10d: {  	s19 =	sand.u32 $0x1FFFFF80, s14  }
0x10e: {  	s19 =	sadd.s32 s4, s19  }
0x10f: {  	[tilespmem:s18], [sflag:$0x1] =	stream.strided.gather [hbm4b:s19+s20], $0x800, s29, s20, $0x38;
	[tilespmem:$0x1F200] =	vst v63  }
0x110: {  	s11 =	sshrl.u32 s11, $0x3;
	(v2sf) =	vpush v18, $0x6;
	s19 =	sld [smem:$0x7BC]  }
0x111: {  	s11 =	sand.u32 $0x1FFFFFF0, s11  }
0x112: {  	s11 =	sadd.s32 s8, s11  }
0x113: {  	[tilespmem:s19], [sflag:$0x1] =	stream.linear.gather [hbm4b:s11+s7], $0x80, $0x38;
	[tilespmem:$0x1F200] =	vst v63  }
0x114: {  	(v2sf) =	vpush v17, $0x6;
	s18 =	sshrl.u32 s12, $0x3;
	s19 =	sld [smem:$0x7BD]  }
0x115: {  	s11 =	sand.u32 $0x1FFFFFF0, s18  }
0x116: {  	s14 =	sshrl.u32 s14, $0x3;
	s18 =	sld [smem:$0x7BE];
	s11 =	sadd.s32 s9, s11  }
0x117: {  	[tilespmem:s19], [sflag:$0x1] =	stream.linear.gather [hbm4b:s11+s7], $0x80, $0x38;
	[tilespmem:$0x1F200] =	vst v63  }
0x118: {  	s11 =	sand.u32 $0x1FFFFFF0, s14  }
0x119: {  	s11 =	sadd.s32 s5, s11  }
0x11a: {  	[tilespmem:s18], [sflag:$0x1] =	stream.linear.gather [hbm4b:s11+s7], $0x80, $0x38;
	[tilespmem:$0x1F200] =	vst v63  }
0x11b: {  	s19 =	sld [smem:$0x7BF];
	s11 =	spop (v2sf)  }
0x11c: {  	s18 =	sand.u32 $0x1FFFFF80, s11  }
0x11d: {  	s14 =	sadd.s32 s0, s18  }
0x11e: {  	[tilespmem:s19], [sflag:$0x1] =	stream.strided.gather [hbm4b:s14+s20], $0x800, s25, s20, $0x38;
	[tilespmem:$0x1F200] =	vst v63  }
0x11f: {  	s12 =	spop (v2sf);
	s14 =	sld [smem:$0x7C0]  }
0x120: {  	s19 =	sand.u32 $0x1FFFFF80, s12  }
0x121: {  	s18 =	sadd.s32 s2, s19  }
0x122: {  	[tilespmem:s14], [sflag:$0x1] =	stream.strided.gather [hbm4b:s18+s20], $0x800, s25, s20, $0x38;
	[tilespmem:$0x1F200] =	vst v63  }
0x123: {  	(v2sf) =	vpush v19, $0x7;
	s14 =	spop (v2sf);
	s18 =	sld [smem:$0x7C1]  }
0x124: {  	s19 =	sand.u32 $0x1FFFFF80, s14  }
0x125: {  	s19 =	sadd.s32 s4, s19  }
0x126: {  	[tilespmem:s18], [sflag:$0x1] =	stream.strided.gather [hbm4b:s19+s20], $0x800, s29, s20, $0x38;
	[tilespmem:$0x1F200] =	vst v63  }
0x127: {  	s11 =	sshrl.u32 s11, $0x3;
	(v2sf) =	vpush v18, $0x7;
	s19 =	sld [smem:$0x7C2]  }
0x128: {  	s11 =	sand.u32 $0x1FFFFFF0, s11  }
0x129: {  	s11 =	sadd.s32 s8, s11  }
0x12a: {  	[tilespmem:s19], [sflag:$0x1] =	stream.linear.gather [hbm4b:s11+s7], $0x80, $0x38;
	[tilespmem:$0x1F200] =	vst v63  }
0x12b: {  	(v2sf) =	vpush v17, $0x7;
	s18 =	sshrl.u32 s12, $0x3;
	s19 =	sld [smem:$0x7C3]  }
0x12c: {  	s11 =	sand.u32 $0x1FFFFFF0, s18  }
0x12d: {  	s14 =	sshrl.u32 s14, $0x3;
	s18 =	sld [smem:$0x7C4];
	s11 =	sadd.s32 s9, s11  }
0x12e: {  	[tilespmem:s19], [sflag:$0x1] =	stream.linear.gather [hbm4b:s11+s7], $0x80, $0x38;
	[tilespmem:$0x1F200] =	vst v63  }
0x12f: {  	s11 =	sand.u32 $0x1FFFFFF0, s14  }
0x130: {  	s11 =	sadd.s32 s5, s11  }
0x131: {  	[tilespmem:s18], [sflag:$0x1] =	stream.linear.gather [hbm4b:s11+s7], $0x80, $0x38;
	[tilespmem:$0x1F200] =	vst v63  }
0x132: {  	s19 =	sld [smem:$0x7C5];
	s11 =	spop (v2sf)  }
0x133: {  	s18 =	sand.u32 $0x1FFFFF80, s11  }
0x134: {  	s14 =	sadd.s32 s0, s18  }
0x135: {  	[tilespmem:s19], [sflag:$0x1] =	stream.strided.gather [hbm4b:s14+s20], $0x800, s25, s20, $0x38;
	[tilespmem:$0x1F200] =	vst v63  }
0x136: {  	s12 =	spop (v2sf);
	s14 =	sld [smem:$0x7C6]  }
0x137: {  	s19 =	sand.u32 $0x1FFFFF80, s12  }
0x138: {  	s18 =	sadd.s32 s2, s19  }
0x139: {  	[tilespmem:s14], [sflag:$0x1] =	stream.strided.gather [hbm4b:s18+s20], $0x800, s25, s20, $0x38;
	[tilespmem:$0x1F200] =	vst v63  }
0x13a: {  	(v2sf) =	vpush v19, $0x8;
	s14 =	spop (v2sf);
	s18 =	sld [smem:$0x7C7]  }
0x13b: {  	s19 =	sand.u32 $0x1FFFFF80, s14  }
0x13c: {  	s19 =	sadd.s32 s4, s19  }
0x13d: {  	[tilespmem:s18], [sflag:$0x1] =	stream.strided.gather [hbm4b:s19+s20], $0x800, s29, s20, $0x38;
	[tilespmem:$0x1F200] =	vst v63  }
0x13e: {  	s11 =	sshrl.u32 s11, $0x3;
	(v2sf) =	vpush v18, $0x8;
	s19 =	sld [smem:$0x7C8]  }
0x13f: {  	s11 =	sand.u32 $0x1FFFFFF0, s11  }
0x140: {  	s11 =	sadd.s32 s8, s11  }
0x141: {  	[tilespmem:s19], [sflag:$0x1] =	stream.linear.gather [hbm4b:s11+s7], $0x80, $0x38;
	[tilespmem:$0x1F200] =	vst v63  }
0x142: {  	(v2sf) =	vpush v17, $0x8;
	s18 =	sshrl.u32 s12, $0x3;
	s19 =	sld [smem:$0x7C9]  }
0x143: {  	s11 =	sand.u32 $0x1FFFFFF0, s18  }
0x144: {  	s14 =	sshrl.u32 s14, $0x3;
	s18 =	sld [smem:$0x7CA];
	s11 =	sadd.s32 s9, s11  }
0x145: {  	[tilespmem:s19], [sflag:$0x1] =	stream.linear.gather [hbm4b:s11+s7], $0x80, $0x38;
	[tilespmem:$0x1F200] =	vst v63  }
0x146: {  	s11 =	sand.u32 $0x1FFFFFF0, s14  }
0x147: {  	s11 =	sadd.s32 s5, s11  }
0x148: {  	[tilespmem:s18], [sflag:$0x1] =	stream.linear.gather [hbm4b:s11+s7], $0x80, $0x38;
	[tilespmem:$0x1F200] =	vst v63  }
0x149: {  	s19 =	sld [smem:$0x7CB];
	s11 =	spop (v2sf)  }
0x14a: {  	s18 =	sand.u32 $0x1FFFFF80, s11  }
0x14b: {  	s14 =	sadd.s32 s0, s18  }
0x14c: {  	[tilespmem:s19], [sflag:$0x1] =	stream.strided.gather [hbm4b:s14+s20], $0x800, s25, s20, $0x38;
	[tilespmem:$0x1F200] =	vst v63  }
0x14d: {  	s12 =	spop (v2sf);
	s14 =	sld [smem:$0x7CC]  }
0x14e: {  	s19 =	sand.u32 $0x1FFFFF80, s12  }
0x14f: {  	s18 =	sadd.s32 s2, s19  }
0x150: {  	[tilespmem:s14], [sflag:$0x1] =	stream.strided.gather [hbm4b:s18+s20], $0x800, s25, s20, $0x38;
	[tilespmem:$0x1F200] =	vst v63  }
0x151: {  	(v2sf) =	vpush v19, $0x9;
	s14 =	spop (v2sf);
	s18 =	sld [smem:$0x7CD]  }
0x152: {  	s19 =	sand.u32 $0x1FFFFF80, s14  }
0x153: {  	s19 =	sadd.s32 s4, s19  }
0x154: {  	[tilespmem:s18], [sflag:$0x1] =	stream.strided.gather [hbm4b:s19+s20], $0x800, s29, s20, $0x38;
	[tilespmem:$0x1F200] =	vst v63  }
0x155: {  	s11 =	sshrl.u32 s11, $0x3;
	(v2sf) =	vpush v18, $0x9;
	s19 =	sld [smem:$0x7CE]  }
0x156: {  	s11 =	sand.u32 $0x1FFFFFF0, s11  }
0x157: {  	s11 =	sadd.s32 s8, s11  }
0x158: {  	[tilespmem:s19], [sflag:$0x1] =	stream.linear.gather [hbm4b:s11+s7], $0x80, $0x38;
	[tilespmem:$0x1F200] =	vst v63  }
0x159: {  	(v2sf) =	vpush v17, $0x9;
	s18 =	sshrl.u32 s12, $0x3;
	s19 =	sld [smem:$0x7CF]  }
0x15a: {  	s11 =	sand.u32 $0x1FFFFFF0, s18  }
0x15b: {  	s14 =	sshrl.u32 s14, $0x3;
	s18 =	sld [smem:$0x7D0];
	s11 =	sadd.s32 s9, s11  }
0x15c: {  	[tilespmem:s19], [sflag:$0x1] =	stream.linear.gather [hbm4b:s11+s7], $0x80, $0x38;
	[tilespmem:$0x1F200] =	vst v63  }
0x15d: {  	s11 =	sand.u32 $0x1FFFFFF0, s14  }
0x15e: {  	s11 =	sadd.s32 s5, s11  }
0x15f: {  	[tilespmem:s18], [sflag:$0x1] =	stream.linear.gather [hbm4b:s11+s7], $0x80, $0x38;
	[tilespmem:$0x1F200] =	vst v63  }
0x160: {  	s19 =	sld [smem:$0x7D1];
	s11 =	spop (v2sf)  }
0x161: {  	s18 =	sand.u32 $0x1FFFFF80, s11  }
0x162: {  	s14 =	sadd.s32 s0, s18  }
0x163: {  	[tilespmem:s19], [sflag:$0x1] =	stream.strided.gather [hbm4b:s14+s20], $0x800, s25, s20, $0x38;
	[tilespmem:$0x1F200] =	vst v63  }
0x164: {  	s12 =	spop (v2sf);
	s14 =	sld [smem:$0x7D2]  }
0x165: {  	s19 =	sand.u32 $0x1FFFFF80, s12  }
0x166: {  	s18 =	sadd.s32 s2, s19  }
0x167: {  	[tilespmem:s14], [sflag:$0x1] =	stream.strided.gather [hbm4b:s18+s20], $0x800, s25, s20, $0x38;
	[tilespmem:$0x1F200] =	vst v63  }
0x168: {  	(v2sf) =	vpush v19, $0xA;
	s14 =	spop (v2sf);
	s18 =	sld [smem:$0x7D3]  }
0x169: {  	s19 =	sand.u32 $0x1FFFFF80, s14  }
0x16a: {  	s19 =	sadd.s32 s4, s19  }
0x16b: {  	[tilespmem:s18], [sflag:$0x1] =	stream.strided.gather [hbm4b:s19+s20], $0x800, s29, s20, $0x38;
	[tilespmem:$0x1F200] =	vst v63  }
0x16c: {  	s11 =	sshrl.u32 s11, $0x3;
	(v2sf) =	vpush v18, $0xA;
	s19 =	sld [smem:$0x7D4]  }
0x16d: {  	s11 =	sand.u32 $0x1FFFFFF0, s11  }
0x16e: {  	s11 =	sadd.s32 s8, s11  }
0x16f: {  	[tilespmem:s19], [sflag:$0x1] =	stream.linear.gather [hbm4b:s11+s7], $0x80, $0x38;
	[tilespmem:$0x1F200] =	vst v63  }
0x170: {  	(v2sf) =	vpush v17, $0xA;
	s18 =	sshrl.u32 s12, $0x3;
	s19 =	sld [smem:$0x7D5]  }
0x171: {  	s11 =	sand.u32 $0x1FFFFFF0, s18  }
0x172: {  	s14 =	sshrl.u32 s14, $0x3;
	s18 =	sld [smem:$0x7D6];
	s11 =	sadd.s32 s9, s11  }
0x173: {  	[tilespmem:s19], [sflag:$0x1] =	stream.linear.gather [hbm4b:s11+s7], $0x80, $0x38;
	[tilespmem:$0x1F200] =	vst v63  }
0x174: {  	s11 =	sand.u32 $0x1FFFFFF0, s14  }
0x175: {  	s11 =	sadd.s32 s5, s11  }
0x176: {  	[tilespmem:s18], [sflag:$0x1] =	stream.linear.gather [hbm4b:s11+s7], $0x80, $0x38;
	[tilespmem:$0x1F200] =	vst v63  }
0x177: {  	s19 =	sld [smem:$0x7D7];
	s11 =	spop (v2sf)  }
0x178: {  	s18 =	sand.u32 $0x1FFFFF80, s11  }
0x179: {  	s14 =	sadd.s32 s0, s18  }
0x17a: {  	[tilespmem:s19], [sflag:$0x1] =	stream.strided.gather [hbm4b:s14+s20], $0x800, s25, s20, $0x38;
	[tilespmem:$0x1F200] =	vst v63  }
0x17b: {  	s12 =	spop (v2sf);
	s14 =	sld [smem:$0x7D8]  }
0x17c: {  	s19 =	sand.u32 $0x1FFFFF80, s12  }
0x17d: {  	s18 =	sadd.s32 s2, s19  }
0x17e: {  	[tilespmem:s14], [sflag:$0x1] =	stream.strided.gather [hbm4b:s18+s20], $0x800, s25, s20, $0x38;
	[tilespmem:$0x1F200] =	vst v63  }
0x17f: {  	(v2sf) =	vpush v19, $0xB;
	s14 =	spop (v2sf);
	s18 =	sld [smem:$0x7D9]  }
0x180: {  	s19 =	sand.u32 $0x1FFFFF80, s14  }
0x181: {  	s19 =	sadd.s32 s4, s19  }
0x182: {  	[tilespmem:s18], [sflag:$0x1] =	stream.strided.gather [hbm4b:s19+s20], $0x800, s29, s20, $0x38;
	[tilespmem:$0x1F200] =	vst v63  }
0x183: {  	s11 =	sshrl.u32 s11, $0x3;
	(v2sf) =	vpush v18, $0xB;
	s19 =	sld [smem:$0x7DA]  }
0x184: {  	s11 =	sand.u32 $0x1FFFFFF0, s11  }
0x185: {  	s11 =	sadd.s32 s8, s11  }
0x186: {  	[tilespmem:s19], [sflag:$0x1] =	stream.linear.gather [hbm4b:s11+s7], $0x80, $0x38;
	[tilespmem:$0x1F200] =	vst v63  }
0x187: {  	(v2sf) =	vpush v17, $0xB;
	s18 =	sshrl.u32 s12, $0x3;
	s19 =	sld [smem:$0x7DB]  }
0x188: {  	s11 =	sand.u32 $0x1FFFFFF0, s18  }
0x189: {  	s14 =	sshrl.u32 s14, $0x3;
	s18 =	sld [smem:$0x7DC];
	s11 =	sadd.s32 s9, s11  }
0x18a: {  	[tilespmem:s19], [sflag:$0x1] =	stream.linear.gather [hbm4b:s11+s7], $0x80, $0x38;
	[tilespmem:$0x1F200] =	vst v63  }
0x18b: {  	s11 =	sand.u32 $0x1FFFFFF0, s14  }
0x18c: {  	s11 =	sadd.s32 s5, s11  }
0x18d: {  	[tilespmem:s18], [sflag:$0x1] =	stream.linear.gather [hbm4b:s11+s7], $0x80, $0x38;
	[tilespmem:$0x1F200] =	vst v63  }
0x18e: {  	s19 =	sld [smem:$0x7DD];
	s11 =	spop (v2sf)  }
0x18f: {  	s18 =	sand.u32 $0x1FFFFF80, s11  }
0x190: {  	s14 =	sadd.s32 s0, s18  }
0x191: {  	[tilespmem:s19], [sflag:$0x1] =	stream.strided.gather [hbm4b:s14+s20], $0x800, s25, s20, $0x38;
	[tilespmem:$0x1F200] =	vst v63  }
0x192: {  	s12 =	spop (v2sf);
	s14 =	sld [smem:$0x7DE]  }
0x193: {  	s19 =	sand.u32 $0x1FFFFF80, s12  }
0x194: {  	s18 =	sadd.s32 s2, s19  }
0x195: {  	[tilespmem:s14], [sflag:$0x1] =	stream.strided.gather [hbm4b:s18+s20], $0x800, s25, s20, $0x38;
	[tilespmem:$0x1F200] =	vst v63  }
0x196: {  	s14 =	spop (v2sf);
	s18 =	sld [smem:$0x7DF]  }
0x197: {  	s19 =	sand.u32 $0x1FFFFF80, s14  }
0x198: {  	s19 =	sadd.s32 s4, s19  }
0x199: {  	[tilespmem:s18], [sflag:$0x1] =	stream.strided.gather [hbm4b:s19+s20], $0x800, s29, s20, $0x38;
	[tilespmem:$0x1F200] =	vst v63  }
0x19a: {  	s11 =	sshrl.u32 s11, $0x3;
	s19 =	sld [smem:$0x7E0]  }
0x19b: {  	s11 =	sand.u32 $0x1FFFFFF0, s11  }
0x19c: {  	s11 =	sadd.s32 s8, s11  }
0x19d: {  	[tilespmem:s19], [sflag:$0x1] =	stream.linear.gather [hbm4b:s11+s7], $0x80, $0x38;
	[tilespmem:$0x1F200] =	vst v63  }
0x19e: {  	s18 =	sshrl.u32 s12, $0x3;
	s19 =	sld [smem:$0x7E1]  }
0x19f: {  	s11 =	sand.u32 $0x1FFFFFF0, s18  }
0x1a0: {  	s14 =	sshrl.u32 s14, $0x3;
	s18 =	sld [smem:$0x7E2];
	s11 =	sadd.s32 s9, s11  }
0x1a1: {  	[tilespmem:s19], [sflag:$0x1] =	stream.linear.gather [hbm4b:s11+s7], $0x80, $0x38;
	[tilespmem:$0x1F200] =	vst v63  }
0x1a2: {  	s11 =	sand.u32 $0x1FFFFFF0, s14  }
0x1a3: {  	s11 =	sadd.s32 s5, s11  }
0x1a4: {  	[tilespmem:s18], [sflag:$0x1] =	stream.linear.gather [hbm4b:s11+s7], $0x80, $0x38;
	[tilespmem:$0x1F200] =	vst v63  }
0x1a5: {  	_ =	swait.ge [sflag:s24], $0x800  }
0x1a6: {  	[sflag:s24] =	ssyncset.done $0x0  }
0x1a7: {  	[sflag:s24] =	ssyncadd.s32 $0xFFFFF800  }
0x1a8: {  	_ =	swait.ge [sflag:s24], $0x800  }
0x1a9: {  	[sflag:s24] =	ssyncset.done $0x0  }
0x1aa: {  	[sflag:s24] =	ssyncadd.s32 $0xFFFFF800  }
0x1ab: {  	_ =	swait.ge [sflag:s24], $0x800  }
0x1ac: {  	[sflag:s24] =	ssyncset.done $0x0  }
0x1ad: {  	[sflag:s24] =	ssyncadd.s32 $0xFFFFF800  }
0x1ae: {  	_ =	swait.ge [sflag:s24], $0x80  }
0x1af: {  	[sflag:s24] =	ssyncset.done $0x0  }
0x1b0: {  	[sflag:s24] =	ssyncadd.s32 $0xFFFFFF80  }
0x1b1: {  	_ =	swait.ge [sflag:s24], $0x80  }
0x1b2: {  	[sflag:s24] =	ssyncset.done $0x0  }
0x1b3: {  	[sflag:s24] =	ssyncadd.s32 $0xFFFFFF80  }
0x1b4: {  	_ =	swait.ge [sflag:s24], $0x80  }
0x1b5: {  	[sflag:s24] =	ssyncset.done $0x0  }
0x1b6: {  	[sflag:s24] =	ssyncadd.s32 $0xFFFFFF80  }
0x1b7: {  	_ =	swait.ge [sflag:s24], $0x800  }
0x1b8: {  	[sflag:s24] =	ssyncset.done $0x0  }
0x1b9: {  	[sflag:s24] =	ssyncadd.s32 $0xFFFFF800  }
0x1ba: {  	_ =	swait.ge [sflag:s24], $0x800  }
0x1bb: {  	[sflag:s24] =	ssyncset.done $0x0  }
0x1bc: {  	[sflag:s24] =	ssyncadd.s32 $0xFFFFF800  }
0x1bd: {  	_ =	swait.ge [sflag:s24], $0x800  }
0x1be: {  	[sflag:s24] =	ssyncset.done $0x0  }
0x1bf: {  	[sflag:s24] =	ssyncadd.s32 $0xFFFFF800  }
0x1c0: {  	_ =	swait.ge [sflag:s24], $0x80  }
0x1c1: {  	[sflag:s24] =	ssyncset.done $0x0  }
0x1c2: {  	[sflag:s24] =	ssyncadd.s32 $0xFFFFFF80  }
0x1c3: {  	_ =	swait.ge [sflag:s24], $0x80  }
0x1c4: {  	[sflag:s24] =	ssyncset.done $0x0  }
0x1c5: {  	[sflag:s24] =	ssyncadd.s32 $0xFFFFFF80  }
0x1c6: {  	_ =	swait.ge [sflag:s24], $0x80  }
0x1c7: {  	[sflag:s24] =	ssyncset.done $0x0  }
0x1c8: {  	[sflag:s24] =	ssyncadd.s32 $0xFFFFFF80  }
0x1c9: {  	_ =	swait.ge [sflag:s24], $0x800  }
0x1ca: {  	[sflag:s24] =	ssyncset.done $0x0  }
0x1cb: {  	[sflag:s24] =	ssyncadd.s32 $0xFFFFF800  }
0x1cc: {  	_ =	swait.ge [sflag:s24], $0x800  }
0x1cd: {  	[sflag:s24] =	ssyncset.done $0x0  }
0x1ce: {  	[sflag:s24] =	ssyncadd.s32 $0xFFFFF800  }
0x1cf: {  	_ =	swait.ge [sflag:s24], $0x800  }
0x1d0: {  	[sflag:s24] =	ssyncset.done $0x0  }
0x1d1: {  	[sflag:s24] =	ssyncadd.s32 $0xFFFFF800  }
0x1d2: {  	_ =	swait.ge [sflag:s24], $0x80  }
0x1d3: {  	[sflag:s24] =	ssyncset.done $0x0  }
0x1d4: {  	[sflag:s24] =	ssyncadd.s32 $0xFFFFFF80  }
0x1d5: {  	_ =	swait.ge [sflag:s24], $0x80  }
0x1d6: {  	[sflag:s24] =	ssyncset.done $0x0  }
0x1d7: {  	[sflag:s24] =	ssyncadd.s32 $0xFFFFFF80  }
0x1d8: {  	_ =	swait.ge [sflag:s24], $0x80  }
0x1d9: {  	[sflag:s24] =	ssyncset.done $0x0  }
0x1da: {  	[sflag:s24] =	ssyncadd.s32 $0xFFFFFF80  }
0x1db: {  	_ =	swait.ge [sflag:s24], $0x800  }
0x1dc: {  	[sflag:s24] =	ssyncset.done $0x0  }
0x1dd: {  	[sflag:s24] =	ssyncadd.s32 $0xFFFFF800  }
0x1de: {  	_ =	swait.ge [sflag:s24], $0x800  }
0x1df: {  	[sflag:s24] =	ssyncset.done $0x0  }
0x1e0: {  	[sflag:s24] =	ssyncadd.s32 $0xFFFFF800  }
0x1e1: {  	_ =	swait.ge [sflag:s24], $0x800  }
0x1e2: {  	[sflag:s24] =	ssyncset.done $0x0  }
0x1e3: {  	[sflag:s24] =	ssyncadd.s32 $0xFFFFF800  }
0x1e4: {  	_ =	swait.ge [sflag:s24], $0x80  }
0x1e5: {  	[sflag:s24] =	ssyncset.done $0x0  }
0x1e6: {  	[sflag:s24] =	ssyncadd.s32 $0xFFFFFF80  }
0x1e7: {  	_ =	swait.ge [sflag:s24], $0x80  }
0x1e8: {  	[sflag:s24] =	ssyncset.done $0x0  }
0x1e9: {  	[sflag:s24] =	ssyncadd.s32 $0xFFFFFF80  }
0x1ea: {  	_ =	swait.ge [sflag:s24], $0x80  }
0x1eb: {  	(v2sf) =	vpush v19, $0xC;
	_ =	sdelay $0x3  }
0x1ec: {  	(v2sf) =	vpush v18, $0xC;
	_ =	sdelay $0x3  }
0x1ed: {  	(v2sf) =	vpush v17, $0xC;
	_ =	sdelay $0x6  }
0x1ee: {  	s19 =	sld [smem:$0x7E3];
	s11 =	spop (v2sf)  }
0x1ef: {  	[sflag:s24] =	ssyncset.done $0x0;
	s18 =	sand.u32 $0x1FFFFF80, s11  }
0x1f0: {  	[sflag:s24] =	ssyncadd.s32 $0xFFFFFF80;
	s14 =	sadd.s32 s0, s18  }
0x1f1: {  	[tilespmem:s19], [sflag:$0x1] =	stream.strided.gather [hbm4b:s14+s20], $0x800, s25, s20, $0x38;
	[tilespmem:$0x1F200] =	vst v63  }
0x1f2: {  	s12 =	spop (v2sf);
	s14 =	sld [smem:$0x7E4]  }
0x1f3: {  	s19 =	sand.u32 $0x1FFFFF80, s12  }
0x1f4: {  	s18 =	sadd.s32 s2, s19  }
0x1f5: {  	[tilespmem:s14], [sflag:$0x1] =	stream.strided.gather [hbm4b:s18+s20], $0x800, s25, s20, $0x38;
	[tilespmem:$0x1F200] =	vst v63  }
0x1f6: {  	(v2sf) =	vpush v19, $0xD;
	s14 =	spop (v2sf);
	s18 =	sld [smem:$0x7E5]  }
0x1f7: {  	s19 =	sand.u32 $0x1FFFFF80, s14  }
0x1f8: {  	s19 =	sadd.s32 s4, s19  }
0x1f9: {  	[tilespmem:s18], [sflag:$0x1] =	stream.strided.gather [hbm4b:s19+s20], $0x800, s29, s20, $0x38;
	[tilespmem:$0x1F200] =	vst v63  }
0x1fa: {  	s11 =	sshrl.u32 s11, $0x3;
	(v2sf) =	vpush v18, $0xD;
	s19 =	sld [smem:$0x7E6]  }
0x1fb: {  	s11 =	sand.u32 $0x1FFFFFF0, s11  }
0x1fc: {  	s11 =	sadd.s32 s8, s11  }
0x1fd: {  	[tilespmem:s19], [sflag:$0x1] =	stream.linear.gather [hbm4b:s11+s7], $0x80, $0x38;
	[tilespmem:$0x1F200] =	vst v63  }
0x1fe: {  	(v2sf) =	vpush v17, $0xD;
	s18 =	sshrl.u32 s12, $0x3;
	s19 =	sld [smem:$0x7E7]  }
0x1ff: {  	s11 =	sand.u32 $0x1FFFFFF0, s18  }
0x200: {  	s14 =	sshrl.u32 s14, $0x3;
	s18 =	sld [smem:$0x7E8];
	s11 =	sadd.s32 s9, s11  }
0x201: {  	[tilespmem:s19], [sflag:$0x1] =	stream.linear.gather [hbm4b:s11+s7], $0x80, $0x38;
	[tilespmem:$0x1F200] =	vst v63  }
0x202: {  	s11 =	sand.u32 $0x1FFFFFF0, s14  }
0x203: {  	s11 =	sadd.s32 s5, s11  }
0x204: {  	[tilespmem:s18], [sflag:$0x1] =	stream.linear.gather [hbm4b:s11+s7], $0x80, $0x38;
	[tilespmem:$0x1F200] =	vst v63  }
0x205: {  	s19 =	sld [smem:$0x7E9];
	s11 =	spop (v2sf)  }
0x206: {  	s18 =	sand.u32 $0x1FFFFF80, s11  }
0x207: {  	s14 =	sadd.s32 s0, s18  }
0x208: {  	[tilespmem:s19], [sflag:$0x1] =	stream.strided.gather [hbm4b:s14+s20], $0x800, s25, s20, $0x38;
	[tilespmem:$0x1F200] =	vst v63  }
0x209: {  	s12 =	spop (v2sf);
	s14 =	sld [smem:$0x7EA]  }
0x20a: {  	s19 =	sand.u32 $0x1FFFFF80, s12  }
0x20b: {  	s18 =	sadd.s32 s2, s19  }
0x20c: {  	[tilespmem:s14], [sflag:$0x1] =	stream.strided.gather [hbm4b:s18+s20], $0x800, s25, s20, $0x38;
	[tilespmem:$0x1F200] =	vst v63  }
0x20d: {  	(v2sf) =	vpush v19, $0xE;
	s14 =	spop (v2sf);
	s18 =	sld [smem:$0x7EC]  }
0x20e: {  	s19 =	sand.u32 $0x1FFFFF80, s14  }
0x20f: {  	s19 =	sadd.s32 s4, s19  }
0x210: {  	[tilespmem:s18], [sflag:$0x1] =	stream.strided.gather [hbm4b:s19+s20], $0x800, s29, s20, $0x38;
	[tilespmem:$0x1F200] =	vst v63  }
0x211: {  	s11 =	sshrl.u32 s11, $0x3;
	(v2sf) =	vpush v18, $0xE;
	s19 =	sld [smem:$0x7EE]  }
0x212: {  	s11 =	sand.u32 $0x1FFFFFF0, s11  }
0x213: {  	s11 =	sadd.s32 s8, s11  }
0x214: {  	[tilespmem:s19], [sflag:$0x1] =	stream.linear.gather [hbm4b:s11+s7], $0x80, $0x38;
	[tilespmem:$0x1F200] =	vst v63  }
0x215: {  	(v2sf) =	vpush v17, $0xE;
	s18 =	sshrl.u32 s12, $0x3;
	s19 =	sld [smem:$0x7EF]  }
0x216: {  	s11 =	sand.u32 $0x1FFFFFF0, s18  }
0x217: {  	s14 =	sshrl.u32 s14, $0x3;
	s18 =	sld [smem:$0x7F0];
	s11 =	sadd.s32 s9, s11  }
0x218: {  	[tilespmem:s19], [sflag:$0x1] =	stream.linear.gather [hbm4b:s11+s7], $0x80, $0x38;
	[tilespmem:$0x1F200] =	vst v63  }
0x219: {  	s11 =	sand.u32 $0x1FFFFFF0, s14  }
0x21a: {  	s11 =	sadd.s32 s5, s11  }
0x21b: {  	[tilespmem:s18], [sflag:$0x1] =	stream.linear.gather [hbm4b:s11+s7], $0x80, $0x38;
	[tilespmem:$0x1F200] =	vst v63  }
0x21c: {  	s19 =	sld [smem:$0x7F2];
	s11 =	spop (v2sf)  }
0x21d: {  	s18 =	sand.u32 $0x1FFFFF80, s11  }
0x21e: {  	s14 =	sadd.s32 s0, s18  }
0x21f: {  	[tilespmem:s19], [sflag:$0x1] =	stream.strided.gather [hbm4b:s14+s20], $0x800, s25, s20, $0x38;
	[tilespmem:$0x1F200] =	vst v63  }
0x220: {  	s12 =	spop (v2sf);
	s14 =	sld [smem:$0x7F3]  }
0x221: {  	s19 =	sand.u32 $0x1FFFFF80, s12  }
0x222: {  	s18 =	sadd.s32 s2, s19  }
0x223: {  	[tilespmem:s14], [sflag:$0x1] =	stream.strided.gather [hbm4b:s18+s20], $0x800, s25, s20, $0x38;
	[tilespmem:$0x1F200] =	vst v63  }
0x224: {  	(v2sf) =	vpush v19, $0xF;
	s14 =	spop (v2sf);
	s18 =	sld [smem:$0x7F4]  }
0x225: {  	s19 =	sand.u32 $0x1FFFFF80, s14  }
0x226: {  	s19 =	sadd.s32 s4, s19  }
0x227: {  	[tilespmem:s18], [sflag:$0x1] =	stream.strided.gather [hbm4b:s19+s20], $0x800, s29, s20, $0x38;
	[tilespmem:$0x1F200] =	vst v63  }
0x228: {  	s11 =	sshrl.u32 s11, $0x3;
	(v2sf) =	vpush v18, $0xF;
	s19 =	sld [smem:$0x7F5]  }
0x229: {  	s11 =	sand.u32 $0x1FFFFFF0, s11  }
0x22a: {  	s11 =	sadd.s32 s8, s11  }
0x22b: {  	[tilespmem:s19], [sflag:$0x1] =	stream.linear.gather [hbm4b:s11+s7], $0x80, $0x38;
	[tilespmem:$0x1F200] =	vst v63  }
0x22c: {  	(v2sf) =	vpush v17, $0xF;
	s18 =	sshrl.u32 s12, $0x3;
	s19 =	sld [smem:$0x7F6]  }
0x22d: {  	s11 =	sand.u32 $0x1FFFFFF0, s18  }
0x22e: {  	s14 =	sshrl.u32 s14, $0x3;
	s18 =	sld [smem:$0x7F7];
	s11 =	sadd.s32 s9, s11  }
0x22f: {  	[tilespmem:s19], [sflag:$0x1] =	stream.linear.gather [hbm4b:s11+s7], $0x80, $0x38;
	[tilespmem:$0x1F200] =	vst v63  }
0x230: {  	s11 =	sand.u32 $0x1FFFFFF0, s14  }
0x231: {  	s11 =	sadd.s32 s5, s11  }
0x232: {  	[tilespmem:s18], [sflag:$0x1] =	stream.linear.gather [hbm4b:s11+s7], $0x80, $0x38;
	[tilespmem:$0x1F200] =	vst v63  }
0x233: {  	s19 =	sld [smem:$0x7F8];
	s11 =	spop (v2sf)  }
0x234: {  	s18 =	sand.u32 $0x1FFFFF80, s11  }
0x235: {  	s14 =	sadd.s32 s0, s18  }
0x236: {  	[tilespmem:s19], [sflag:$0x1] =	stream.strided.gather [hbm4b:s14+s20], $0x800, s25, s20, $0x38;
	[tilespmem:$0x1F200] =	vst v63  }
0x237: {  	s12 =	spop (v2sf);
	s14 =	sld [smem:$0x7F9]  }
0x238: {  	s19 =	sand.u32 $0x1FFFFF80, s12  }
0x239: {  	s18 =	sadd.s32 s2, s19  }
0x23a: {  	[tilespmem:s14], [sflag:$0x1] =	stream.strided.gather [hbm4b:s18+s20], $0x800, s25, s20, $0x38;
	[tilespmem:$0x1F200] =	vst v63  }
0x23b: {  	s14 =	spop (v2sf);
	s18 =	sld [smem:$0x7FA]  }
0x23c: {  	s19 =	sand.u32 $0x1FFFFF80, s14  }
0x23d: {  	s19 =	sadd.s32 s4, s19  }
0x23e: {  	[tilespmem:s18], [sflag:$0x1] =	stream.strided.gather [hbm4b:s19+s20], $0x800, s29, s20, $0x38;
	[tilespmem:$0x1F200] =	vst v63  }
0x23f: {  	s11 =	sshrl.u32 s11, $0x3;
	s19 =	sld [smem:$0x7FB]  }
0x240: {  	s11 =	sand.u32 $0x1FFFFFF0, s11  }
0x241: {  	s11 =	sadd.s32 s8, s11  }
0x242: {  	[tilespmem:s19], [sflag:$0x1] =	stream.linear.gather [hbm4b:s11+s7], $0x80, $0x38;
	[tilespmem:$0x1F200] =	vst v63  }
0x243: {  	s18 =	sshrl.u32 s12, $0x3;
	s19 =	sld [smem:$0x7FC]  }
0x244: {  	s11 =	sand.u32 $0x1FFFFFF0, s18  }
0x245: {  	s11 =	sadd.s32 s9, s11  }
0x246: {  	[tilespmem:s19], [sflag:$0x1] =	stream.linear.gather [hbm4b:s11+s7], $0x80, $0x38;
	[tilespmem:$0x1F200] =	vst v63  }
0x247: {  	s18 =	sshrl.u32 s14, $0x3;
	s19 =	sld [smem:$0x7FD]  }
0x248: {  	s11 =	sand.u32 $0x1FFFFFF0, s18  }
0x249: {  	s11 =	sadd.s32 s5, s11  }
0x24a: {  	[tilespmem:s19], [sflag:$0x1] =	stream.linear.gather [hbm4b:s11+s7], $0x80, $0x38;
	[tilespmem:$0x1F200] =	vst v63  }
0x24b: {  	_ =	swait.ge [sflag:s24], $0x800  }
0x24c: {  	[sflag:s24] =	ssyncset.done $0x0  }
0x24d: {  	[sflag:s24] =	ssyncadd.s32 $0xFFFFF800  }
0x24e: {  	_ =	swait.ge [sflag:s24], $0x800  }
0x24f: {  	[sflag:s24] =	ssyncset.done $0x0  }
0x250: {  	[sflag:s24] =	ssyncadd.s32 $0xFFFFF800  }
0x251: {  	_ =	swait.ge [sflag:s24], $0x800  }
0x252: {  	[sflag:s24] =	ssyncset.done $0x0  }
0x253: {  	[sflag:s24] =	ssyncadd.s32 $0xFFFFF800  }
0x254: {  	_ =	swait.ge [sflag:s24], $0x80  }
0x255: {  	[sflag:s24] =	ssyncset.done $0x0  }
0x256: {  	[sflag:s24] =	ssyncadd.s32 $0xFFFFFF80  }
0x257: {  	_ =	swait.ge [sflag:s24], $0x80  }
0x258: {  	[sflag:s24] =	ssyncset.done $0x0  }
0x259: {  	[sflag:s24] =	ssyncadd.s32 $0xFFFFFF80  }
0x25a: {  	_ =	swait.ge [sflag:s24], $0x80  }
0x25b: {  	[sflag:s24] =	ssyncset.done $0x0  }
0x25c: {  	[sflag:s24] =	ssyncadd.s32 $0xFFFFFF80  }
0x25d: {  	_ =	swait.ge [sflag:s24], $0x800  }
0x25e: {  	[sflag:s24] =	ssyncset.done $0x0  }
0x25f: {  	[sflag:s24] =	ssyncadd.s32 $0xFFFFF800  }
0x260: {  	_ =	swait.ge [sflag:s24], $0x800  }
0x261: {  	[sflag:s24] =	ssyncset.done $0x0  }
0x262: {  	[sflag:s24] =	ssyncadd.s32 $0xFFFFF800  }
0x263: {  	_ =	swait.ge [sflag:s24], $0x800  }
0x264: {  	[sflag:s24] =	ssyncset.done $0x0  }
0x265: {  	[sflag:s24] =	ssyncadd.s32 $0xFFFFF800  }
0x266: {  	_ =	swait.ge [sflag:s24], $0x80  }
0x267: {  	[sflag:s24] =	ssyncset.done $0x0  }
0x268: {  	[sflag:s24] =	ssyncadd.s32 $0xFFFFFF80  }
0x269: {  	_ =	swait.ge [sflag:s24], $0x80  }
0x26a: {  	[sflag:s24] =	ssyncset.done $0x0  }
0x26b: {  	[sflag:s24] =	ssyncadd.s32 $0xFFFFFF80  }
0x26c: {  	_ =	swait.ge [sflag:s24], $0x80  }
0x26d: {  	[sflag:s24] =	ssyncset.done $0x0  }
0x26e: {  	[sflag:s24] =	ssyncadd.s32 $0xFFFFFF80  }
0x26f: {  	_ =	swait.ge [sflag:s24], $0x800  }
0x270: {  	[sflag:s24] =	ssyncset.done $0x0  }
0x271: {  	[sflag:s24] =	ssyncadd.s32 $0xFFFFF800  }
0x272: {  	_ =	swait.ge [sflag:s24], $0x800  }
0x273: {  	[sflag:s24] =	ssyncset.done $0x0  }
0x274: {  	[sflag:s24] =	ssyncadd.s32 $0xFFFFF800  }
0x275: {  	_ =	swait.ge [sflag:s24], $0x800  }
0x276: {  	[sflag:s24] =	ssyncset.done $0x0  }
0x277: {  	[sflag:s24] =	ssyncadd.s32 $0xFFFFF800  }
0x278: {  	_ =	swait.ge [sflag:s24], $0x80  }
0x279: {  	[sflag:s24] =	ssyncset.done $0x0  }
0x27a: {  	[sflag:s24] =	ssyncadd.s32 $0xFFFFFF80  }
0x27b: {  	_ =	swait.ge [sflag:s24], $0x80  }
0x27c: {  	[sflag:s24] =	ssyncset.done $0x0  }
0x27d: {  	[sflag:s24] =	ssyncadd.s32 $0xFFFFFF80  }
0x27e: {  	_ =	swait.ge [sflag:s24], $0x80  }
0x27f: {  	[sflag:s24] =	ssyncset.done $0x0  }
0x280: {  	[sflag:s24] =	ssyncadd.s32 $0xFFFFFF80  }
0x281: {  	_ =	swait.ge [sflag:s24], $0x800  }
0x282: {  	[sflag:s24] =	ssyncset.done $0x0  }
0x283: {  	[sflag:s24] =	ssyncadd.s32 $0xFFFFF800  }
0x284: {  	_ =	swait.ge [sflag:s24], $0x800  }
0x285: {  	[sflag:s24] =	ssyncset.done $0x0  }
0x286: {  	[sflag:s24] =	ssyncadd.s32 $0xFFFFF800  }
0x287: {  	_ =	swait.ge [sflag:s24], $0x800  }
0x288: {  	[sflag:s24] =	ssyncset.done $0x0  }
0x289: {  	[sflag:s24] =	ssyncadd.s32 $0xFFFFF800  }
0x28a: {  	_ =	swait.ge [sflag:s24], $0x80  }
0x28b: {  	[sflag:s24] =	ssyncset.done $0x0  }
0x28c: {  	[sflag:s24] =	ssyncadd.s32 $0xFFFFFF80  }
0x28d: {  	_ =	swait.ge [sflag:s24], $0x80  }
0x28e: {  	[sflag:s24] =	ssyncset.done $0x0  }
0x28f: {  	[sflag:s24] =	ssyncadd.s32 $0xFFFFFF80  }
0x290: {  	_ =	swait.ge [sflag:s24], $0x80  }
0x291: {  	[sflag:s24] =	ssyncset.done $0x0  }
0x292: {  	[sflag:s24] =	ssyncadd.s32 $0xFFFFFF80  }
0x293: {  	_ =	swait.ge [sflag:s24], $0x800  }
0x294: {  	[sflag:s24] =	ssyncset.done $0x0  }
0x295: {  	[sflag:s24] =	ssyncadd.s32 $0xFFFFF800  }
0x296: {  	_ =	swait.ge [sflag:s24], $0x800  }
0x297: {  	[sflag:s24] =	ssyncset.done $0x0  }
0x298: {  	[sflag:s24] =	ssyncadd.s32 $0xFFFFF800  }
0x299: {  	_ =	swait.ge [sflag:s24], $0x800  }
0x29a: {  	[sflag:s24] =	ssyncset.done $0x0  }
0x29b: {  	[sflag:s24] =	ssyncadd.s32 $0xFFFFF800  }
0x29c: {  	_ =	swait.ge [sflag:s24], $0x80  }
0x29d: {  	[sflag:s24] =	ssyncset.done $0x0  }
0x29e: {  	[sflag:s24] =	ssyncadd.s32 $0xFFFFFF80  }
0x29f: {  	_ =	swait.ge [sflag:s24], $0x80  }
0x2a0: {  	[sflag:s24] =	ssyncset.done $0x0  }
0x2a1: {  	[sflag:s24] =	ssyncadd.s32 $0xFFFFFF80  }
0x2a2: {  	_ =	swait.ge [sflag:s24], $0x80  }
0x2a3: {  	[sflag:s24] =	ssyncset.done $0x0  }
0x2a4: {  	[sflag:s24] =	ssyncadd.s32 $0xFFFFFF80  }
0x2a5: {  	_ =	swait.ge [sflag:s24], $0x800  }
0x2a6: {  	[sflag:s24] =	ssyncset.done $0x0  }
0x2a7: {  	[sflag:s24] =	ssyncadd.s32 $0xFFFFF800  }
0x2a8: {  	_ =	swait.ge [sflag:s24], $0x800  }
0x2a9: {  	[sflag:s24] =	ssyncset.done $0x0  }
0x2aa: {  	[sflag:s24] =	ssyncadd.s32 $0xFFFFF800  }
0x2ab: {  	_ =	swait.ge [sflag:s24], $0x800  }
0x2ac: {  	[sflag:s24] =	ssyncset.done $0x0  }
0x2ad: {  	[sflag:s24] =	ssyncadd.s32 $0xFFFFF800  }
0x2ae: {  	_ =	swait.ge [sflag:s24], $0x80  }
0x2af: {  	[sflag:s24] =	ssyncset.done $0x0  }
0x2b0: {  	[sflag:s24] =	ssyncadd.s32 $0xFFFFFF80  }
0x2b1: {  	_ =	swait.ge [sflag:s24], $0x80  }
0x2b2: {  	[sflag:s24] =	ssyncset.done $0x0  }
0x2b3: {  	[sflag:s24] =	ssyncadd.s32 $0xFFFFFF80  }
0x2b4: {  	_ =	swait.ge [sflag:s24], $0x80  }
0x2b5: {  	[sflag:s24] =	ssyncset.done $0x0  }
0x2b6: {  	[sflag:s24] =	ssyncadd.s32 $0xFFFFFF80  }
0x2b7: {  	_ =	swait.ge [sflag:s24], $0x800  }
0x2b8: {  	[sflag:s24] =	ssyncset.done $0x0  }
0x2b9: {  	[sflag:s24] =	ssyncadd.s32 $0xFFFFF800  }
0x2ba: {  	_ =	swait.ge [sflag:s24], $0x800  }
0x2bb: {  	[sflag:s24] =	ssyncset.done $0x0  }
0x2bc: {  	[sflag:s24] =	ssyncadd.s32 $0xFFFFF800  }
0x2bd: {  	_ =	swait.ge [sflag:s24], $0x800  }
0x2be: {  	[sflag:s24] =	ssyncset.done $0x0  }
0x2bf: {  	[sflag:s24] =	ssyncadd.s32 $0xFFFFF800  }
0x2c0: {  	_ =	swait.ge [sflag:s24], $0x80  }
0x2c1: {  	[sflag:s24] =	ssyncset.done $0x0  }
0x2c2: {  	[sflag:s24] =	ssyncadd.s32 $0xFFFFFF80  }
0x2c3: {  	_ =	swait.ge [sflag:s24], $0x80  }
0x2c4: {  	[sflag:s24] =	ssyncset.done $0x0  }
0x2c5: {  	[sflag:s24] =	ssyncadd.s32 $0xFFFFFF80  }
0x2c6: {  	_ =	swait.ge [sflag:s24], $0x80  }
0x2c7: {  	[sflag:s24] =	ssyncset.done $0x0  }
0x2c8: {  	[sflag:s24] =	ssyncadd.s32 $0xFFFFFF80  }
0x2c9: {  	_ =	swait.ge [sflag:s24], $0x800  }
0x2ca: {  	[sflag:s24] =	ssyncset.done $0x0  }
0x2cb: {  	[sflag:s24] =	ssyncadd.s32 $0xFFFFF800  }
0x2cc: {  	_ =	swait.ge [sflag:s24], $0x800  }
0x2cd: {  	[sflag:s24] =	ssyncset.done $0x0  }
0x2ce: {  	[sflag:s24] =	ssyncadd.s32 $0xFFFFF800  }
0x2cf: {  	_ =	swait.ge [sflag:s24], $0x800  }
0x2d0: {  	[sflag:s24] =	ssyncset.done $0x0  }
0x2d1: {  	[sflag:s24] =	ssyncadd.s32 $0xFFFFF800  }
0x2d2: {  	_ =	swait.ge [sflag:s24], $0x80  }
0x2d3: {  	[sflag:s24] =	ssyncset.done $0x0  }
0x2d4: {  	[sflag:s24] =	ssyncadd.s32 $0xFFFFFF80  }
0x2d5: {  	_ =	swait.ge [sflag:s24], $0x80  }
0x2d6: {  	[sflag:s24] =	ssyncset.done $0x0  }
0x2d7: {  	[sflag:s24] =	ssyncadd.s32 $0xFFFFFF80  }
0x2d8: {  	_ =	swait.ge [sflag:s24], $0x80  }
0x2d9: {  	[sflag:s24] =	ssyncset.done $0x0  }
0x2da: {  	[sflag:s24] =	ssyncadd.s32 $0xFFFFFF80  }
0x2db: {  	_ =	swait.ge [sflag:s24], $0x800  }
0x2dc: {  	[sflag:s24] =	ssyncset.done $0x0  }
0x2dd: {  	[sflag:s24] =	ssyncadd.s32 $0xFFFFF800  }
0x2de: {  	_ =	swait.ge [sflag:s24], $0x800  }
0x2df: {  	[sflag:s24] =	ssyncset.done $0x0  }
0x2e0: {  	[sflag:s24] =	ssyncadd.s32 $0xFFFFF800  }
0x2e1: {  	_ =	swait.ge [sflag:s24], $0x800  }
0x2e2: {  	[sflag:s24] =	ssyncset.done $0x0  }
0x2e3: {  	[sflag:s24] =	ssyncadd.s32 $0xFFFFF800  }
0x2e4: {  	_ =	swait.ge [sflag:s24], $0x80  }
0x2e5: {  	[sflag:s24] =	ssyncset.done $0x0  }
0x2e6: {  	[sflag:s24] =	ssyncadd.s32 $0xFFFFFF80  }
0x2e7: {  	_ =	swait.ge [sflag:s24], $0x80  }
0x2e8: {  	[sflag:s24] =	ssyncset.done $0x0  }
0x2e9: {  	[sflag:s24] =	ssyncadd.s32 $0xFFFFFF80  }
0x2ea: {  	_ =	swait.ge [sflag:s24], $0x80  }
0x2eb: {  	[sflag:s24] =	ssyncset.done $0x0  }
0x2ec: {  	[sflag:s24] =	ssyncadd.s32 $0xFFFFFF80  }
0x2ed: {  	_ =	swait.ge [sflag:s24], $0x800  }
0x2ee: {  	[sflag:s24] =	ssyncset.done $0x0  }
0x2ef: {  	[sflag:s24] =	ssyncadd.s32 $0xFFFFF800  }
0x2f0: {  	_ =	swait.ge [sflag:s24], $0x800  }
0x2f1: {  	[sflag:s24] =	ssyncset.done $0x0  }
0x2f2: {  	[sflag:s24] =	ssyncadd.s32 $0xFFFFF800  }
0x2f3: {  	_ =	swait.ge [sflag:s24], $0x800  }
0x2f4: {  	[sflag:s24] =	ssyncset.done $0x0  }
0x2f5: {  	[sflag:s24] =	ssyncadd.s32 $0xFFFFF800  }
0x2f6: {  	_ =	swait.ge [sflag:s24], $0x80  }
0x2f7: {  	[sflag:s24] =	ssyncset.done $0x0  }
0x2f8: {  	[sflag:s24] =	ssyncadd.s32 $0xFFFFFF80  }
0x2f9: {  	_ =	swait.ge [sflag:s24], $0x80  }
0x2fa: {  	[sflag:s24] =	ssyncset.done $0x0  }
0x2fb: {  	[sflag:s24] =	ssyncadd.s32 $0xFFFFFF80  }
0x2fc: {  	_ =	swait.ge [sflag:s24], $0x80  }
0x2fd: {  	[sflag:s24] =	ssyncset.done $0x0  }
0x2fe: {  	[sflag:s24] =	ssyncadd.s32 $0xFFFFFF80  }
0x2ff: {  	_ =	swait.ge [sflag:s24], $0x800  }
0x300: {  	[sflag:s24] =	ssyncset.done $0x0  }
0x301: {  	[sflag:s24] =	ssyncadd.s32 $0xFFFFF800  }
0x302: {  	_ =	swait.ge [sflag:s24], $0x800  }
0x303: {  	[sflag:s24] =	ssyncset.done $0x0  }
0x304: {  	[sflag:s24] =	ssyncadd.s32 $0xFFFFF800  }
0x305: {  	_ =	swait.ge [sflag:s24], $0x800  }
0x306: {  	[sflag:s24] =	ssyncset.done $0x0  }
0x307: {  	[sflag:s24] =	ssyncadd.s32 $0xFFFFF800  }
0x308: {  	_ =	swait.ge [sflag:s24], $0x80  }
0x309: {  	[sflag:s24] =	ssyncset.done $0x0  }
0x30a: {  	[sflag:s24] =	ssyncadd.s32 $0xFFFFFF80  }
0x30b: {  	_ =	swait.ge [sflag:s24], $0x80  }
0x30c: {  	[sflag:s24] =	ssyncset.done $0x0  }
0x30d: {  	[sflag:s24] =	ssyncadd.s32 $0xFFFFFF80  }
0x30e: {  	_ =	swait.ge [sflag:s24], $0x80  }
0x30f: {  	[sflag:s24] =	ssyncset.done $0x0  }
0x310: {  	[sflag:s24] =	ssyncadd.s32 $0xFFFFFF80  }
0x311: {  	_ =	swait.ge [sflag:s24], $0x800  }
0x312: {  	[sflag:s24] =	ssyncset.done $0x0  }
0x313: {  	[sflag:s24] =	ssyncadd.s32 $0xFFFFF800  }
0x314: {  	_ =	swait.ge [sflag:s24], $0x800  }
0x315: {  	[sflag:s24] =	ssyncset.done $0x0  }
0x316: {  	[sflag:s24] =	ssyncadd.s32 $0xFFFFF800  }
0x317: {  	_ =	swait.ge [sflag:s24], $0x800  }
0x318: {  	[sflag:s24] =	ssyncset.done $0x0  }
0x319: {  	[sflag:s24] =	ssyncadd.s32 $0xFFFFF800  }
0x31a: {  	_ =	swait.ge [sflag:s24], $0x80  }
0x31b: {  	[sflag:s24] =	ssyncset.done $0x0  }
0x31c: {  	[sflag:s24] =	ssyncadd.s32 $0xFFFFFF80  }
0x31d: {  	_ =	swait.ge [sflag:s24], $0x80  }
0x31e: {  	[sflag:s24] =	ssyncset.done $0x0  }
0x31f: {  	[sflag:s24] =	ssyncadd.s32 $0xFFFFFF80  }
0x320: {  	_ =	swait.ge [sflag:s24], $0x80  }
0x321: {  	[sflag:s24] =	ssyncset.done $0x0  }
0x322: {  	[sflag:s24] =	ssyncadd.s32 $0xFFFFFF80  }
0x323: {  	v20 =	vld [tilespmem:s3+$0xE00]  }
0x324: {  	v19 =	vld [tilespmem:s3+$0x1000];
	_ =	sdelay $0x2  }
0x325: {  	v18 =	vld [tilespmem:s3+$0x1200]  }
0x326: {  	v17 =	vld [tilespmem:s3+$0x400];
	v22 =	vadd.s32 v0, v20  }
0x327: {  	v24 =	vadd.s32 v0, v19  }
0x328: {  	v59 =	vadd.s32 v2, v20  }
0x329: {  	v25 =	vadd.s32 v2, v19  }
0x32a: {  	v26 =	vadd.s32 v0, v18  }
0x32b: {  	v21 =	vshll.u32 v17, $0x3;
	v31 =	vadd.s32 v3, v20;
	v22 =	vld.idx.msk [tilespmem:v22+s26+$0x0], $0xffff  }
0x32c: {  	v23 =	vand.u32 $0x7F, v17;
	v32 =	vadd.s32 v3, v19;
	v21 =	vand.u32 $0xFFFFFC00, v21;
	v24 =	vld.idx.msk [tilespmem:v24+s28+$0x0], $0xffff  }
0x32d: {  	v35 =	vadd.s32 v4, v20;
	v21 =	vor.u32 v23, v21;
	v23 =	vld.idx.msk [tilespmem:v59+s26+$0x0], $0xffff  }
0x32e: {  	v36 =	vadd.s32 v4, v19;
	v25 =	vld.idx.msk [tilespmem:v25+s28+$0x0], $0xffff  }
0x32f: {  	v62 =	vadd.s32 v4, v18;
	v26 =	vld.idx.msk [tilespmem:v26+s30+$0x0], $0xffff  }
0x330: {  	v31 =	vld.idx.msk [tilespmem:v31+s26+$0x0], $0xffff  }
0x331: {  	v27 =	vor.u32 $0x80, v21;
	v32 =	vld.idx.msk [tilespmem:v32+s28+$0x0], $0xffff  }
0x332: {  	v38 =	vor.u32 $0x180, v21;
	v61 =	vld.idx.msk [tilespmem:v35+s26+$0x0], $0xffff  }
0x333: {  	v29 =	vadd.s32 v2, v18;
	v37 =	vadd.s32 v3, v18;
	v63 =	vld.idx.msk [tilespmem:v36+s28+$0x0], $0xffff  }
0x334: {  	v47 =	vadd.s32 v5, v20;
	v49 =	vadd.s32 v5, v19;
	v34 =	vor.u32 $0x100, v21;
	v35 =	vld.idx.msk [tilespmem:v62+s30+$0x0], $0xffff  }
0x335: {  	v52 =	vadd.s32 v6, v20;
	v40 =	vadd.s32 v6, v19;
	v41 =	vadd.s32 v5, v18;
	v28 =	vld.idx.msk [tilespmem:v21+s22+$0x0], $0xffff  }
0x336: {  	v57 =	vadd.s32 v6, v18;
	v39 =	vor.u32 $0x200, v21;
	v54 =	vor.u32 $0x280, v21;
	v27 =	vld.idx.msk [tilespmem:v27+s22+$0x0], $0xffff  }
0x337: {  	v62 =	vadd.s32 v7, v20;
	v46 =	vld.idx.msk [tilespmem:v38+s22+$0x0], $0xffff;
	v30 =	vadd.f32 v24, v22;
	v22 =	vmul.f32 v22, v22  }
0x338: {  	v29 =	vld.idx.msk [tilespmem:v29+s30+$0x0], $0xffff;
	v33 =	vadd.f32 v25, v23;
	v24 =	vmul.f32 v24, v24;
	v23 =	vmul.f32 v23, v23  }
0x339: {  	v60 =	vld.idx.msk [tilespmem:v34+s22+$0x0], $0xffff;
	v25 =	vmul.f32 v25, v25;
	v45 =	vadd.f32 v32, v31;
	v50 =	vadd.f32 v63, v61  }
0x33a: {  	v31 =	vmul.f32 v31, v31;
	v55 =	vmul.f32 v32, v32;
	v30 =	vadd.f32 v28, v30  }
0x33b: {  	v44 =	vld.idx.msk [tilespmem:v37+s30+$0x0], $0xffff;
	v56 =	vmul.f32 v61, v61;
	v28 =	vmul.f32 v28, v28;
	v33 =	vadd.f32 v27, v33  }
0x33c: {  	v27 =	vmul.f32 v27, v27;
	v38 =	vadd.f32 v46, v50;
	v30 =	vadd.f32 v26, v30  }
0x33d: {  	v37 =	vmul.f32 v46, v46;
	v46 =	vadd.s32 v8, v20;
	v33 =	vadd.f32 v29, v33  }
0x33e: {  	v48 =	vadd.f32 v60, v45;
	v58 =	vmul.f32 v60, v60;
	v30 =	vmul.f32 v30, v30  }
0x33f: {  	v36 =	vld.idx.msk [tilespmem:v49+s28+$0x0], $0xffff;
	v45 =	vor.u32 $0x300, v21;
	v26 =	vmul.f32 v26, v26;
	v33 =	vmul.f32 v33, v33  }
0x340: {  	v59 =	vld.idx.msk [tilespmem:v40+s28+$0x0], $0xffff;
	v51 =	vadd.f32 v44, v48;
	v29 =	vmul.f32 v29, v29;
	v22 =	vsub.f32 v30, v22  }
0x341: {  	v32 =	vld.idx.msk [tilespmem:v54+s22+$0x0], $0xffff;
	v53 =	vadd.f32 v35, v38;
	v35 =	vmul.f32 v35, v35;
	v23 =	vsub.f32 v33, v23  }
0x342: {  	v48 =	vadd.s32 v7, v18;
	v54 =	vld.idx.msk [tilespmem:v46+s26+$0x0], $0xffff;
	v46 =	vadd.s32 v10, v19;
	v22 =	vsub.f32 v22, v24  }
0x343: {  	v24 =	vmul.f32 v63, v63;
	v63 =	vadd.s32 v7, v19;
	v23 =	vsub.f32 v23, v25;
	v25 =	vld.idx.msk [tilespmem:v47+s26+$0x0], $0xffff  }
0x344: {  	v34 =	vld.idx.msk [tilespmem:v57+s30+$0x0], $0xffff;
	v33 =	vmul.f32 v44, v44;
	v47 =	vadd.s32 v8, v19;
	v22 =	vsub.f32 v22, v28  }
0x345: {  	v28 =	vld.idx.msk [tilespmem:v52+s26+$0x0], $0xffff;
	v52 =	vmul.f32 v36, v36;
	v23 =	vsub.f32 v23, v27;
	v27 =	vmul.f32 v51, v51  }
0x346: {  	v51 =	vor.u32 $0x380, v21;
	v22 =	vsub.f32 v22, v26;
	v26 =	vmul.f32 v53, v53;
	v53 =	vld.idx.msk [tilespmem:v45+s22+$0x0], $0xffff  }
0x347: {  	v45 =	vadd.s32 v10, v20;
	v23 =	vsub.f32 v23, v29;
	v27 =	vsub.f32 v27, v31;
	v31 =	vld.idx.msk [tilespmem:v39+s22+$0x0], $0xffff  }
0x348: {  	v50 =	vld.idx.msk [tilespmem:v63+s28+$0x0], $0xffff;
	v63 =	vadd.s32 v9, v19;
	v60 =	vsub.f32 v26, v56;
	v61 =	vadd.f32 v36, v25  }
0x349: {  	v25 =	vmul.f32 v25, v25;
	v57 =	vld.idx.msk [tilespmem:v47+s28+$0x0], $0xffff;
	v47 =	vadd.s32 v9, v18;
	v27 =	vsub.f32 v27, v55  }
0x34a: {  	v26 =	vld.idx.msk [tilespmem:v41+s30+$0x0], $0xffff;
	v22 =	vadd.f32 v23, v22;
	v44 =	vadd.f32 v59, v28;
	v28 =	vmul.f32 v28, v28  }
0x34b: {  	v55 =	vadd.s32 v8, v18;
	v59 =	vmul.f32 v59, v59;
	v23 =	vsub.f32 v60, v24  }
0x34c: {  	v24 =	vld.idx.msk [tilespmem:v62+s26+$0x0], $0xffff;
	v62 =	vadd.s32 v9, v20;
	v27 =	vsub.f32 v27, v58;
	v29 =	vadd.f32 v31, v61  }
0x34d: {  	v23 =	vsub.f32 v23, v37;
	v56 =	vmul.f32 v31, v31;
	v61 =	vld.idx.msk [tilespmem:v51+s22+$0x0], $0xffff;
	v51 =	vmul.f32 v54, v54  }
0x34e: {  	v27 =	vsub.f32 v27, v33;
	v33 =	vadd.f32 v32, v44;
	v32 =	vmul.f32 v32, v32  }
0x34f: {  	v43 =	vadd.f32 v57, v54;
	v44 =	vadd.s32 $0x2000, v21;
	v29 =	vadd.f32 v26, v29  }
0x350: {  	v54 =	vld.idx.msk [tilespmem:v46+s28+$0x0], $0xffff;
	v46 =	vadd.s32 v11, v18;
	v23 =	vsub.f32 v23, v35;
	v49 =	vadd.f32 v34, v33  }
0x351: {  	v26 =	vmul.f32 v26, v26;
	v22 =	vadd.f32 v27, v22;
	v29 =	vmul.f32 v29, v29  }
0x352: {  	v60 =	vadd.f32 v50, v24;
	v34 =	vmul.f32 v34, v34;
	v27 =	vmul.f32 v49, v49  }
0x353: {  	v24 =	vmul.f32 v24, v24;
	v49 =	vadd.s32 $0x2080, v21;
	v25 =	vsub.f32 v29, v25  }
0x354: {  	v50 =	vmul.f32 v50, v50;
	v22 =	vadd.f32 v23, v22;
	v58 =	vsub.f32 v27, v28;
	v28 =	vld.idx.msk [tilespmem:v48+s30+$0x0], $0xffff  }
0x355: {  	v37 =	vld.idx.msk [tilespmem:v55+s30+$0x0], $0xffff;
	v30 =	vmul.f32 v61, v61;
	v29 =	vadd.f32 v53, v60;
	v25 =	vsub.f32 v25, v52  }
0x356: {  	v33 =	vld.idx.msk [tilespmem:v44+s22+$0x0], $0xffff;
	v53 =	vmul.f32 v53, v53;
	v60 =	vadd.s32 v11, v20;
	v23 =	vsub.f32 v58, v59  }
0x357: {  	v44 =	vadd.s32 v12, v20;
	v25 =	vsub.f32 v25, v56;
	v56 =	vmul.f32 v57, v57;
	v57 =	vld.idx.msk [tilespmem:v47+s30+$0x0], $0xffff  }
0x358: {  	v52 =	vadd.s32 v10, v18;
	v59 =	vld.idx.msk [tilespmem:v49+s22+$0x0], $0xffff;
	v49 =	vadd.s32 $0x2180, v21;
	v23 =	vsub.f32 v23, v32  }
0x359: {  	v32 =	vld.idx.msk [tilespmem:v45+s26+$0x0], $0xffff;
	v45 =	vadd.s32 v12, v19;
	v25 =	vsub.f32 v25, v26;
	v29 =	vadd.f32 v28, v29  }
0x35a: {  	v26 =	vadd.f32 v61, v43;
	v28 =	vmul.f32 v28, v28;
	v61 =	vadd.s32 v11, v19  }
0x35b: {  	v27 =	vld.idx.msk [tilespmem:v62+s26+$0x0], $0xffff;
	v23 =	vsub.f32 v23, v34;
	v29 =	vmul.f32 v29, v29;
	v22 =	vadd.f32 v25, v22  }
0x35c: {  	v48 =	vadd.f32 v37, v26;
	v26 =	vld.idx.msk [tilespmem:v63+s28+$0x0], $0xffff;
	v63 =	vadd.s32 $0x2100, v21;
	v37 =	vmul.f32 v37, v37  }
0x35d: {  	v35 =	vld.idx.msk [tilespmem:v49+s22+$0x0], $0xffff;
	v31 =	vmul.f32 v57, v57;
	v34 =	vmul.f32 v59, v59;
	v49 =	vadd.s32 v15, v20  }
0x35e: {  	v36 =	vld.idx.msk [tilespmem:v52+s30+$0x0], $0xffff;
	v24 =	vsub.f32 v29, v24;
	v25 =	vmul.f32 v48, v48;
	v22 =	vadd.f32 v23, v22  }
0x35f: {  	v62 =	vadd.f32 v54, v32;
	v32 =	vmul.f32 v32, v32;
	v52 =	vld.idx.msk [tilespmem:v45+s28+$0x0], $0xffff;
	v54 =	vmul.f32 v54, v54  }
0x360: {  	v48 =	vld.idx.msk [tilespmem:v61+s28+$0x0], $0xffff;
	v61 =	vadd.s32 v14, v20;
	v24 =	vsub.f32 v24, v50;
	v55 =	vsub.f32 v25, v51  }
0x361: {  	v50 =	vadd.s32 v12, v18;
	v51 =	vmul.f32 v33, v33;
	v58 =	vadd.f32 v26, v27  }
0x362: {  	v25 =	vld.idx.msk [tilespmem:v60+s26+$0x0], $0xffff;
	v60 =	vadd.s32 $0x2200, v21;
	v27 =	vmul.f32 v27, v27;
	v24 =	vsub.f32 v24, v53  }
0x363: {  	v26 =	vmul.f32 v26, v26;
	v23 =	vsub.f32 v55, v56;
	v29 =	vadd.f32 v33, v58  }
0x364: {  	v55 =	vld.idx.msk [tilespmem:v46+s30+$0x0], $0xffff;
	v46 =	vadd.s32 v14, v18;
	v24 =	vsub.f32 v24, v28;
	v28 =	vadd.f32 v59, v62  }
0x365: {  	v58 =	vadd.s32 v13, v19;
	v33 =	vmul.f32 v52, v52;
	v29 =	vadd.f32 v57, v29  }
0x366: {  	v23 =	vsub.f32 v23, v30;
	v30 =	vld.idx.msk [tilespmem:v44+s26+$0x0], $0xffff;
	v62 =	vadd.s32 v14, v19;
	v47 =	vadd.f32 v36, v28  }
0x367: {  	v44 =	vadd.s32 $0x2280, v21;
	v45 =	vmul.f32 v48, v48;
	v29 =	vmul.f32 v29, v29  }
0x368: {  	v56 =	vadd.f32 v48, v25;
	v22 =	vadd.f32 v24, v22;
	v24 =	vmul.f32 v47, v47  }
0x369: {  	v57 =	vadd.s32 v13, v20;
	v25 =	vmul.f32 v25, v25;
	v27 =	vsub.f32 v29, v27;
	v29 =	vld.idx.msk [tilespmem:v63+s22+$0x0], $0xffff  }
0x36a: {  	v23 =	vsub.f32 v23, v37;
	v37 =	vld.idx.msk [tilespmem:v50+s30+$0x0], $0xffff;
	v36 =	vmul.f32 v36, v36;
	v53 =	vsub.f32 v24, v32  }
0x36b: {  	v28 =	vld.idx.msk [tilespmem:v60+s22+$0x0], $0xffff;
	v59 =	vadd.f32 v52, v30;
	v52 =	vadd.s32 $0x2300, v21;
	v26 =	vsub.f32 v27, v26  }
0x36c: {  	v50 =	vadd.s32 v15, v19;
	v22 =	vadd.f32 v23, v22;
	v48 =	vld.idx.msk [tilespmem:v62+s28+$0x0], $0xffff;
	v23 =	vsub.f32 v53, v54  }
0x36d: {  	v63 =	vadd.s32 v13, v18;
	v30 =	vmul.f32 v30, v30;
	v38 =	vld.idx.msk [tilespmem:v44+s22+$0x0], $0xffff;
	v26 =	vsub.f32 v26, v51  }
0x36e: {  	v21 =	vadd.s32 $0x2380, v21;
	v24 =	vld.idx.msk [tilespmem:v57+s26+$0x0], $0xffff;
	v27 =	vadd.f32 v29, v56;
	v23 =	vsub.f32 v23, v34  }
0x36f: {  	v62 =	vadd.s32 v16, v18;
	v34 =	vld.idx.msk [tilespmem:v61+s26+$0x0], $0xffff;
	v26 =	vsub.f32 v26, v31;
	v31 =	vadd.f32 v35, v59  }
0x370: {  	v53 =	vmul.f32 v55, v55;
	v54 =	vadd.s32 v16, v20;
	v61 =	vld.idx.msk [tilespmem:v52+s22+$0x0], $0xffff;
	v27 =	vadd.f32 v55, v27  }
0x371: {  	v20 =	vadd.s32 v1, v20;
	v56 =	vadd.s32 v16, v19;
	v43 =	vadd.f32 v37, v31;
	v31 =	vld.idx.msk [tilespmem:v58+s28+$0x0], $0xffff  }
0x372: {  	v23 =	vsub.f32 v23, v36;
	v36 =	vld.idx.msk [tilespmem:v46+s30+$0x0], $0xffff;
	v22 =	vadd.f32 v26, v22;
	v27 =	vmul.f32 v27, v27  }
0x373: {  	v29 =	vmul.f32 v29, v29;
	v58 =	vld.idx.msk [tilespmem:v50+s28+$0x0], $0xffff;
	v26 =	vmul.f32 v43, v43;
	v43 =	vadd.s32 v15, v18  }
0x374: {  	v19 =	vadd.s32 v1, v19;
	v22 =	vadd.f32 v23, v22;
	v25 =	vsub.f32 v27, v25;
	v27 =	vld.idx.msk [tilespmem:v49+s26+$0x0], $0xffff  }
0x375: {  	v35 =	vmul.f32 v35, v35;
	v42 =	vadd.f32 v48, v34;
	v26 =	vsub.f32 v26, v30;
	v30 =	vld.idx.msk [tilespmem:v63+s30+$0x0], $0xffff  }
0x376: {  	v59 =	vmul.f32 v37, v37;
	v32 =	vld.idx.msk [tilespmem:v54+s26+$0x0], $0xffff;
	v47 =	vsub.f32 v25, v45;
	v51 =	vadd.f32 v31, v24  }
0x377: {  	v34 =	vmul.f32 v34, v34;
	v60 =	vadd.f32 v38, v42;
	v42 =	vld.idx.msk [tilespmem:v56+s28+$0x0], $0xffff;
	v26 =	vsub.f32 v26, v33  }
0x378: {  	v18 =	vadd.s32 v1, v18;
	v23 =	vsub.f32 v47, v29;
	v55 =	vadd.f32 v28, v51;
	v45 =	vld.idx.msk [tilespmem:v43+s30+$0x0], $0xffff  }
0x379: {  	v56 =	vmul.f32 v36, v36;
	v26 =	vsub.f32 v26, v35;
	v46 =	vadd.f32 v58, v27  }
0x37a: {  	v21 =	vld.idx.msk [tilespmem:v21+s22+$0x0], $0xffff;
	v24 =	vmul.f32 v24, v24;
	v23 =	vsub.f32 v23, v53;
	v57 =	vadd.f32 v30, v55  }
0x37b: {  	v25 =	vmul.f32 v48, v48;
	v63 =	vadd.f32 v36, v60;
	v48 =	vadd.f32 v61, v46  }
0x37c: {  	v49 =	vld.idx.msk [tilespmem:v62+s30+$0x0], $0xffff;
	v26 =	vsub.f32 v26, v59;
	v29 =	vmul.f32 v57, v57;
	v22 =	vadd.f32 v23, v22  }
0x37d: {  	v50 =	vadd.f32 v42, v32;
	v23 =	vmul.f32 v63, v63;
	v51 =	vadd.f32 v45, v48  }
0x37e: {  	v44 =	vmul.f32 v31, v31;
	v24 =	vsub.f32 v29, v24;
	v22 =	vadd.f32 v26, v22  }
0x37f: {  	v54 =	vmul.f32 v58, v58;
	v23 =	vsub.f32 v23, v34;
	v26 =	vadd.f32 v21, v50  }
0x380: {  	v47 =	vmul.f32 v28, v28;
	v27 =	vmul.f32 v27, v27;
	v24 =	vsub.f32 v24, v44  }
0x381: {  	v23 =	vsub.f32 v23, v25;
	v25 =	vmul.f32 v51, v51;
	v26 =	vadd.f32 v49, v26  }
0x382: {  	v52 =	vmul.f32 v30, v30;
	v53 =	vmul.f32 v38, v38;
	v24 =	vsub.f32 v24, v47  }
0x383: {  	v55 =	vmul.f32 v32, v32;
	v25 =	vsub.f32 v25, v27;
	v26 =	vmul.f32 v26, v26  }
0x384: {  	v20 =	vld.idx.msk [tilespmem:v20+s31+$0x0], $0xffff;
	v59 =	vmul.f32 v42, v42;
	v23 =	vsub.f32 v23, v53;
	v24 =	vsub.f32 v24, v52  }
0x385: {  	v19 =	vld.idx.msk [tilespmem:v19+s1+$0x0], $0xffff;
	v57 =	vmul.f32 v61, v61;
	v25 =	vsub.f32 v25, v54;
	v58 =	vsub.f32 v26, v55  }
0x386: {  	v60 =	vmul.f32 v45, v45;
	v23 =	vsub.f32 v23, v56;
	v22 =	vadd.f32 v24, v22  }
0x387: {  	v21 =	vmul.f32 v21, v21;
	v25 =	vsub.f32 v25, v57;
	v24 =	vsub.f32 v58, v59  }
0x388: {  	v18 =	vld.idx.msk [tilespmem:v18+s10+$0x0], $0xffff;
	v22 =	vadd.f32 v23, v22  }
0x389: {  	v62 =	vmul.f32 v49, v49;
	v61 =	vsub.f32 v25, v60;
	v21 =	vsub.f32 v24, v21  }
0x38a: {  	v17 =	vld.idx.msk [tilespmem:v17+s23+$0x0], $0xffff;
	v19 =	vadd.f32 v19, v20  }
0x38b: {  	v63 =	vadd.f32 v61, v22;
	v21 =	vsub.f32 v21, v62;
	_ =	sdelay $0x1  }
0x38c: {  	v18 =	vadd.f32 v18, v19;
	v19 =	vadd.f32 v21, v63;
	_ =	sdelay $0x1  }
0x38d: {  	v17 =	vadd.f32 v17, v18;
	v18 =	vmul.f32 $5.000000000e-01, v19;
	_ =	sdelay $0x1  }
0x38e: {  	v17 =	vadd.f32 v18, v17;
	_ =	sdelay $0x1  }
0x38f: {  	v17 =	vsub.f32 $0.0e+00, v17;
	_ =	sdelay $0x1  }
0x390: {  	v17 =	vmul.f32 $1.442695020e+00, v17;
	_ =	sdelay $0x1  }
0x391: {  	(erf) = vpow2.f32 v17;
	_ =	sdelay $0x8  }
0x392: {  	v17 =	vpop (erf)  }
0x393: {  	v17 =	vadd.f32 $1.000000000e+00, v17;
	_ =	sdelay $0x1  }
0x394: {  	(erf) = vrcp.f32 v17;
	_ =	sdelay $0x4  }
0x395: {  	p0 =	sne.s32 s21, $0x7C0  }
.Ltmp1:
0x396: {  	_ = 	snop;
	(pc) =	sbr.rel @p0 .LBB2_4-.Ltmp1, $3  }
0x397: {  	_ =	sdelay $0x1  }
0x398: {  	v17 =	vpop (erf)  }
0x399: {  	s21 =	sadd.s32 $0x40, s21;
	[tilespmem:s3+$0x1F000] =	vst v17  }
0x39a: {  	s17 =	sadd.s32 $0x1, s17  }
0x39b: {  	p0 =	sne.s32 s17, s16  }
.Ltmp2:
0x39c: {  	s3 =	simm.s32 $0x1F000;
	(pc) =	sbr.rel @p0 .LBB2_1-.Ltmp2, $4  }
0x39d: {  	[hbm4b:s15+s7] =	stream.linear.scatter [tilespmem:s3], [sflag:$0x2], $0x200, $0x38;
	[tilespmem:$0x1F200] =	vst v63  }
0x39e: {  	_ =	swait.ge [sflag:s6], $0x200  }
0x39f: {  	[sflag:s6] =	ssyncset.done $0x0  }
0x3a0: {  	[sflag:s6] =	ssyncadd.s32 $0xFFFFFE00  }
0x3a1: {  	_ =	sfence.sel $0x180000  }
0x3a2: {  	[bflag:$0x0] =	sbarrier.arrive $0xFFFF  }
0x3a3: {  	_ =	strace $0x90000047  }
0x3a4: {  	s0 =	stileid.u32;
	[bflag:$0x2] =	sbarrier.arrive $0xFFFF  }
0x3a5: {  	p0 =	sne.s32 s0, $0x0;
	s0 =	rddreg [dreg:$0xa]  }
0x3a6: {  	s0 =	sadd.s32 @!p0 $0x100000, s0  }
0x3a7: {  	[sflag:s0] =	ssyncadd.tile.s32 @!p0 $0x1;
	_ =	shalt  }
.Lfunc_end2:
_tile_overlayer_lowered:
.L_overlay_start_2:
0x3a8: {  	(tag) =	ssettag $0x2  }
0x3a9: {  	s0 =	rddreg [dreg:$0x0];
	s2 =	stileid.u32  }
0x3aa: {  	s1 =	rddreg [dreg:$0x1];
	p0 =	sne.s32 s2, $0x0  }
0x3ab: {  	s3 =	rddreg [dreg:$0x2];
	[bflag:$0x3] =	sbarrier.arrive $0xFFFF;
	s2 =	simm.s32 @!p0 $0x1C02  }
0x3ac: {  	[timem:s3], [sflag:s2] =	dma.local @!p0 [hbm:s0], s1  }
0x3ad: {  	s0 =	simm.s32 @!p0 $0x2  }
0x3ae: {  	_ =	swait.ge @!p0 [sflag:s0], s1  }
0x3af: {  	s1 =	ssub.s32 @!p0 $0x0, s1;
	[sflag:s0] =	ssyncset.done @!p0 $0x0  }
0x3b0: {  	[sflag:s0] =	ssyncadd.s32 @!p0 s1  }
0x3b1: {  	[bflag:$0x3] =	sbarrier.arrive $0xFFFF  }
0x3b2: {  	_ =	shalt  }

</sc_bundles>
